<compile_context>
chip_gen: v7x
topology: tpu7x:2x2x1
jax: 0.10.2.dev20260603
libtpu: 0.0.44.dev20260713+nightly
codegen_flags: <defaults>
</compile_context>

<pallas_src>
import functools

import numpy as np
import jax
import jax.numpy as jnp
from jax import lax
from jax.experimental import pallas as pl
from jax.experimental.pallas import tpu as pltpu
from jax.experimental.pallas import tpu_sc as plsc

W_CHAMFER = 1.0
W_EDGE = 1.0
W_NORMAL = 0.1
W_LAP = 0.1
NSAMP = 2048

V = 100000
VP = 100352
F = 200000
FP = 200704
P = 300000
PP = 303104
NC = 2
NSUB = 16
NW = NC * NSUB
FW = FP // NW
PW = PP // NW
SW = NSAMP // NW
CH = 128
RPS = VP // NSUB
TINY = float(np.finfo(np.float32).tiny)
NEG = -1e30

ROT0 = (13, 15, 26, 6)
ROT1 = (17, 29, 16, 24)


def _tf2x32(x0, x1, k1, k2):
    ks0 = jnp.uint32(k1)
    ks1 = jnp.uint32(k2)
    ks2 = jnp.uint32(k1 ^ k2 ^ 0x1BD11BDA)

    def rotl(v, d):
        return (v << jnp.uint32(d)) | (v >> jnp.uint32(32 - d))

    def rnds(x0, x1, rots):
        for r in rots:
            x0 = x0 + x1
            x1 = rotl(x1, r) ^ x0
        return x0, x1

    x0 = x0 + ks0
    x1 = x1 + ks1
    x0, x1 = rnds(x0, x1, ROT0)
    x0 = x0 + ks1; x1 = x1 + ks2 + jnp.uint32(1)
    x0, x1 = rnds(x0, x1, ROT1)
    x0 = x0 + ks2; x1 = x1 + ks0 + jnp.uint32(2)
    x0, x1 = rnds(x0, x1, ROT0)
    x0 = x0 + ks0; x1 = x1 + ks1 + jnp.uint32(3)
    x0, x1 = rnds(x0, x1, ROT1)
    x0 = x0 + ks1; x1 = x1 + ks2 + jnp.uint32(4)
    x0, x1 = rnds(x0, x1, ROT0)
    x0 = x0 + ks2; x1 = x1 + ks0 + jnp.uint32(5)
    return x0, x1


def _tf2x32_np(k1, k2, x0, x1):
    ks0 = np.uint32(k1)
    ks1 = np.uint32(k2)
    ks2 = np.uint32(ks0 ^ ks1 ^ np.uint32(0x1BD11BDA))
    x0 = x0.astype(np.uint32)
    x1 = x1.astype(np.uint32)

    def rotl(v, d):
        return ((v << np.uint32(d)) | (v >> np.uint32(32 - d))).astype(np.uint32)

    def rnds(x0, x1, rots):
        for r in rots:
            x0 = (x0 + x1).astype(np.uint32)
            x1 = rotl(x1, r) ^ x0
        return x0, x1

    x0 = (x0 + ks0).astype(np.uint32)
    x1 = (x1 + ks1).astype(np.uint32)
    x0, x1 = rnds(x0, x1, ROT0)
    x0 = (x0 + ks1).astype(np.uint32); x1 = (x1 + ks2 + np.uint32(1)).astype(np.uint32)
    x0, x1 = rnds(x0, x1, ROT1)
    x0 = (x0 + ks2).astype(np.uint32); x1 = (x1 + ks0 + np.uint32(2)).astype(np.uint32)
    x0, x1 = rnds(x0, x1, ROT0)
    x0 = (x0 + ks0).astype(np.uint32); x1 = (x1 + ks1 + np.uint32(3)).astype(np.uint32)
    x0, x1 = rnds(x0, x1, ROT1)
    x0 = (x0 + ks1).astype(np.uint32); x1 = (x1 + ks2 + np.uint32(4)).astype(np.uint32)
    x0, x1 = rnds(x0, x1, ROT0)
    x0 = (x0 + ks2).astype(np.uint32); x1 = (x1 + ks0 + np.uint32(5)).astype(np.uint32)
    return x0, x1


def _split_np(kd):
    w0, w1 = _tf2x32_np(kd[0], kd[1],
                        np.zeros(2, np.uint32), np.arange(2, dtype=np.uint32))
    return (int(w0[0]), int(w1[0])), (int(w0[1]), int(w1[1]))


_KEYS = {}


def _key_consts():
    if not _KEYS:
        k1, k2 = _split_np((0, 42))
        k1c, k1u = _split_np(k1)
        k2c, k2u = _split_np(k2)
        _KEYS.update(p_cat=k1c, p_uv=k1u, t_cat=k2c, t_uv=k2u)
    return _KEYS


def _iota16():
    return lax.broadcasted_iota(jnp.int32, (16,), 0)



def _sc_mesh_kernel(f0, f1, f2, vxp, vyp, vzp, g0, g1, g2,
                    vxt, vyt, vzt, zeros1,
                    nx, ny, nz, nsq, nsqt, lpx, lpy, lpz, lpd, edgep,
                    i0, i1, i2,
                    b0x, b0y, b0z, b1x, b1y, b1z, b2x, b2y, b2z,
                    t0x, t0y, t0z, t1x, t1y, t1z, t2x, t2y, t2z,
                    nxb, nyb, nzb, nqb, eaccb, twob,
                    shx, shy, shz, shd):
    cid = lax.axis_index("c")
    sid = lax.axis_index("s")
    wid = sid * NC + cid
    wbase = wid * FW

    sl = pl.ds(sid * RPS, RPS)
    pltpu.sync_copy(zeros1.at[sl], shx.at[sl])
    pltpu.sync_copy(zeros1.at[sl], shy.at[sl])
    pltpu.sync_copy(zeros1.at[sl], shz.at[sl])
    pltpu.sync_copy(zeros1.at[sl], shd.at[sl])
    plsc.subcore_barrier()

    def fill2(t, carry):
        twob[pl.ds(t * 16, 16)] = jnp.full((16,), 2.0, jnp.float32)
        return carry

    lax.fori_loop(0, CH // 16, fill2, 0)

    def gather_cols(vx, vy, vz):
        pltpu.sync_copy(vx.at[i0], b0x)
        pltpu.sync_copy(vy.at[i0], b0y)
        pltpu.sync_copy(vz.at[i0], b0z)
        pltpu.sync_copy(vx.at[i1], b1x)
        pltpu.sync_copy(vy.at[i1], b1y)
        pltpu.sync_copy(vz.at[i1], b1z)
        pltpu.sync_copy(vx.at[i2], b2x)
        pltpu.sync_copy(vy.at[i2], b2y)
        pltpu.sync_copy(vz.at[i2], b2z)

    def face_chunk(ch, eacc):
        base = wbase + ch * CH
        pltpu.sync_copy(f0.at[pl.ds(base, CH)], i0)
        pltpu.sync_copy(f1.at[pl.ds(base, CH)], i1)
        pltpu.sync_copy(f2.at[pl.ds(base, CH)], i2)
        gather_cols(vxp, vyp, vzp)

        def tstep(t, acc):
            s = pl.ds(t * 16, 16)
            x0 = b0x[s]; y0 = b0y[s]; z0 = b0z[s]
            x1 = b1x[s]; y1 = b1y[s]; z1 = b1z[s]
            x2 = b2x[s]; y2 = b2y[s]; z2 = b2z[s]
            t0x[s] = x1 + x2; t0y[s] = y1 + y2; t0z[s] = z1 + z2
            t1x[s] = x2 + x0; t1y[s] = y2 + y0; t1z[s] = z2 + z0
            t2x[s] = x0 + x1; t2y[s] = y0 + y1; t2z[s] = z0 + z1
            ax = x1 - x0; ay = y1 - y0; az = z1 - z0
            bx = x2 - x0; by = y2 - y0; bz = z2 - z0
            cx = ay * bz - az * by
            cy = az * bx - ax * bz
            cz = ax * by - ay * bx
            nxb[s] = cx
            nyb[s] = cy
            nzb[s] = cz
            nqb[s] = cx * cx + cy * cy + cz * cz
            e01 = ax * ax + ay * ay + az * az
            dx = x2 - x1; dy = y2 - y1; dz = z2 - z1
            e12 = dx * dx + dy * dy + dz * dz
            e20 = bx * bx + by * by + bz * bz
            return acc + e01 + e12 + e20

        eacc = lax.fori_loop(0, CH // 16, tstep, eacc)
        pltpu.sync_copy(t0x, shx.at[i0], add=True)
        pltpu.sync_copy(t0y, shy.at[i0], add=True)
        pltpu.sync_copy(t0z, shz.at[i0], add=True)
        pltpu.sync_copy(twob, shd.at[i0], add=True)
        pltpu.sync_copy(t1x, shx.at[i1], add=True)
        pltpu.sync_copy(t1y, shy.at[i1], add=True)
        pltpu.sync_copy(t1z, shz.at[i1], add=True)
        pltpu.sync_copy(twob, shd.at[i1], add=True)
        pltpu.sync_copy(t2x, shx.at[i2], add=True)
        pltpu.sync_copy(t2y, shy.at[i2], add=True)
        pltpu.sync_copy(t2z, shz.at[i2], add=True)
        pltpu.sync_copy(twob, shd.at[i2], add=True)
        pltpu.sync_copy(nxb, nx.at[pl.ds(base, CH)])
        pltpu.sync_copy(nyb, ny.at[pl.ds(base, CH)])
        pltpu.sync_copy(nzb, nz.at[pl.ds(base, CH)])
        pltpu.sync_copy(nqb, nsq.at[pl.ds(base, CH)])
        return eacc

    eacc = lax.fori_loop(0, FW // CH, face_chunk, jnp.zeros((16,), jnp.float32))
    eaccb[...] = eacc
    pltpu.sync_copy(eaccb, edgep.at[wid])

    def targ_chunk(ch, carry):
        base = wbase + ch * CH
        pltpu.sync_copy(g0.at[pl.ds(base, CH)], i0)
        pltpu.sync_copy(g1.at[pl.ds(base, CH)], i1)
        pltpu.sync_copy(g2.at[pl.ds(base, CH)], i2)
        gather_cols(vxt, vyt, vzt)

        def tstep(t, c2):
            s = pl.ds(t * 16, 16)
            x0 = b0x[s]; y0 = b0y[s]; z0 = b0z[s]
            x1 = b1x[s]; y1 = b1y[s]; z1 = b1z[s]
            x2 = b2x[s]; y2 = b2y[s]; z2 = b2z[s]
            ax = x1 - x0; ay = y1 - y0; az = z1 - z0
            bx = x2 - x0; by = y2 - y0; bz = z2 - z0
            cx = ay * bz - az * by
            cy = az * bx - ax * bz
            cz = ax * by - ay * bx
            nqb[s] = cx * cx + cy * cy + cz * cz
            return c2

        lax.fori_loop(0, CH // 16, tstep, 0)
        pltpu.sync_copy(nqb, nsqt.at[pl.ds(base, CH)])
        return carry

    lax.fori_loop(0, FW // CH, targ_chunk, 0)

    plsc.subcore_barrier()
    pltpu.sync_copy(shx.at[sl], lpx.at[cid, sl])
    pltpu.sync_copy(shy.at[sl], lpy.at[cid, sl])
    pltpu.sync_copy(shz.at[sl], lpz.at[cid, sl])
    pltpu.sync_copy(shd.at[sl], lpd.at[cid, sl])


def _sc_mesh_call(f0, f1, f2, vxp, vyp, vzp, g0, g1, g2,
                  vxt, vyt, vzt, zeros1):
    fo = jax.ShapeDtypeStruct((FP,), jnp.float32)
    lo = jax.ShapeDtypeStruct((NC, VP), jnp.float32)
    chf = pltpu.VMEM((CH,), jnp.float32)
    shf = pltpu.VMEM_SHARED((VP,), jnp.float32)
    mesh = plsc.VectorSubcoreMesh(core_axis_name="c", subcore_axis_name="s")
    fn = pl.kernel(
        _sc_mesh_kernel,
        out_type=(fo, fo, fo, fo, fo, lo, lo, lo, lo,
                  jax.ShapeDtypeStruct((NW, 16), jnp.float32)),
        mesh=mesh,
        scratch_types=[
            pltpu.VMEM((CH,), jnp.int32), pltpu.VMEM((CH,), jnp.int32),
            pltpu.VMEM((CH,), jnp.int32),
            chf, chf, chf, chf, chf, chf, chf, chf, chf,
            chf, chf, chf, chf, chf, chf, chf, chf, chf,
            chf, chf, chf, chf,
            pltpu.VMEM((16,), jnp.float32),
            chf,
            shf, shf, shf, shf,
        ],
    )
    return fn(f0, f1, f2, vxp, vyp, vzp, g0, g1, g2, vxt, vyt, vzt, zeros1)



def _sc_pairs_kernel(ux, uy, uz, p0, p1,
                     normp,
                     i0, i1, n0x, n0y, n0z, n1x, n1y, n1z, eaccb):
    cid = lax.axis_index("c")
    sid = lax.axis_index("s")
    wid = sid * NC + cid

    def pair_chunk(ch, acc):
        base = wid * PW + ch * CH
        pltpu.sync_copy(p0.at[pl.ds(base, CH)], i0)
        pltpu.sync_copy(p1.at[pl.ds(base, CH)], i1)
        pltpu.sync_copy(ux.at[i0], n0x)
        pltpu.sync_copy(uy.at[i0], n0y)
        pltpu.sync_copy(uz.at[i0], n0z)
        pltpu.sync_copy(ux.at[i1], n1x)
        pltpu.sync_copy(uy.at[i1], n1y)
        pltpu.sync_copy(uz.at[i1], n1z)

        def tstep(t, a):
            s = pl.ds(t * 16, 16)
            return a + n0x[s] * n1x[s] + n0y[s] * n1y[s] + n0z[s] * n1z[s]

        return lax.fori_loop(0, CH // 16, tstep, acc)

    acc = lax.fori_loop(0, PW // CH, pair_chunk, jnp.zeros((16,), jnp.float32))
    eaccb[...] = acc
    pltpu.sync_copy(eaccb, normp.at[wid])


def _sc_samples_kernel(fip, fit, f0, f1, f2, g0, g1, g2,
                       vxp, vyp, vzp, vxt, vyt, vzt,
                       wp0, wp1, wp2, wt0, wt1, wt2,
                       spxp, spyp, spzp, spxt, spyt, spzt,
                       fib, f0b, f1b, f2b,
                       s0x, s0y, s0z, s1x, s1y, s1z, s2x, s2y, s2z,
                       w0b, w1b, w2b, sxb, syb, szb):
    cid = lax.axis_index("c")
    sid = lax.axis_index("s")
    wid = sid * NC + cid

    for fi_hbm, fa, fb, fc, vx, vy, vz, w0h, w1h, w2h, ox, oy, oz in (
            (fip, f0, f1, f2, vxp, vyp, vzp, wp0, wp1, wp2, spxp, spyp, spzp),
            (fit, g0, g1, g2, vxt, vyt, vzt, wt0, wt1, wt2, spxt, spyt, spzt)):
        sbase = wid * SW
        pltpu.sync_copy(fi_hbm.at[pl.ds(sbase, SW)], fib)
        pltpu.sync_copy(fa.at[fib], f0b)
        pltpu.sync_copy(fb.at[fib], f1b)
        pltpu.sync_copy(fc.at[fib], f2b)
        pltpu.sync_copy(vx.at[f0b], s0x)
        pltpu.sync_copy(vy.at[f0b], s0y)
        pltpu.sync_copy(vz.at[f0b], s0z)
        pltpu.sync_copy(vx.at[f1b], s1x)
        pltpu.sync_copy(vy.at[f1b], s1y)
        pltpu.sync_copy(vz.at[f1b], s1z)
        pltpu.sync_copy(vx.at[f2b], s2x)
        pltpu.sync_copy(vy.at[f2b], s2y)
        pltpu.sync_copy(vz.at[f2b], s2z)
        pltpu.sync_copy(w0h.at[pl.ds(sbase, SW)], w0b)
        pltpu.sync_copy(w1h.at[pl.ds(sbase, SW)], w1b)
        pltpu.sync_copy(w2h.at[pl.ds(sbase, SW)], w2b)

        def sstep(t, carry):
            s = pl.ds(t * 16, 16)
            w0 = w0b[s]; w1 = w1b[s]; w2 = w2b[s]
            sxb[s] = w0 * s0x[s] + w1 * s1x[s] + w2 * s2x[s]
            syb[s] = w0 * s0y[s] + w1 * s1y[s] + w2 * s2y[s]
            szb[s] = w0 * s0z[s] + w1 * s1z[s] + w2 * s2z[s]
            return carry

        lax.fori_loop(0, SW // 16, sstep, 0)
        pltpu.sync_copy(sxb, ox.at[pl.ds(sbase, SW)])
        pltpu.sync_copy(syb, oy.at[pl.ds(sbase, SW)])
        pltpu.sync_copy(szb, oz.at[pl.ds(sbase, SW)])


def _sc_pairs_call(ux, uy, uz, p0, p1):
    chf = pltpu.VMEM((CH,), jnp.float32)
    mesh = plsc.VectorSubcoreMesh(core_axis_name="c", subcore_axis_name="s")
    fn = pl.kernel(
        _sc_pairs_kernel,
        out_type=jax.ShapeDtypeStruct((NW, 16), jnp.float32),
        mesh=mesh,
        scratch_types=[
            pltpu.VMEM((CH,), jnp.int32), pltpu.VMEM((CH,), jnp.int32),
            chf, chf, chf, chf, chf, chf,
            pltpu.VMEM((16,), jnp.float32),
        ],
    )
    return fn(ux, uy, uz, p0, p1)


def _sc_samples_call(fip, fit, f0, f1, f2, g0, g1, g2,
                     vxp, vyp, vzp, vxt, vyt, vzt,
                     wp0, wp1, wp2, wt0, wt1, wt2):
    so = jax.ShapeDtypeStruct((NSAMP,), jnp.float32)
    swf = pltpu.VMEM((SW,), jnp.float32)
    swi = pltpu.VMEM((SW,), jnp.int32)
    mesh = plsc.VectorSubcoreMesh(core_axis_name="c", subcore_axis_name="s")
    fn = pl.kernel(
        _sc_samples_kernel,
        out_type=(so, so, so, so, so, so),
        mesh=mesh,
        scratch_types=[
            swi, swi, swi, swi,
            swf, swf, swf, swf, swf, swf, swf, swf, swf,
            swf, swf, swf, swf, swf, swf,
        ],
    )
    return fn(fip, fit, f0, f1, f2, g0, g1, g2,
              vxp, vyp, vzp, vxt, vyt, vzt, wp0, wp1, wp2, wt0, wt1, wt2)



def _tc_prep_kernel(nx, ny, nz, nsq, nsqt, lp, lt, ux, uy, uz):
    jmat = (lax.broadcasted_iota(jnp.int32, (1568, 128), 0) * 128
            + lax.broadcasted_iota(jnp.int32, (1568, 128), 1))
    valid = jmat < F
    q = nsq[...]
    nrm = jnp.sqrt(q)
    lp[...] = jnp.where(valid, 1.0 / (0.5 * nrm + 1e-12), 3e38)
    qt = nsqt[...]
    lt[...] = jnp.where(valid, 1.0 / (0.5 * jnp.sqrt(qt) + 1e-12), 3e38)
    inv = 1.0 / (nrm + 1e-8)
    ux[...] = nx[...] * inv
    uy[...] = ny[...] * inv
    uz[...] = nz[...] * inv


def _tc_prep_call(nx, ny, nz, nsq, nsqt):
    o = jax.ShapeDtypeStruct((1568, 128), jnp.float32)
    return pl.pallas_call(
        _tc_prep_kernel,
        out_shape=(o, o, o, o, o),
    )(nx, ny, nz, nsq, nsqt)



CW = 1024
RB = 8


def _tc_sampler_kernel(k1, k2, width, l2, out):
    b = pl.program_id(0)
    irow = b * RB + lax.broadcasted_iota(jnp.int32, (RB, CW), 0)
    lane = lax.broadcasted_iota(jnp.int32, (RB, CW), 1)
    ncw = l2.shape[0]

    def hash_chunk(c):
        f = (irow * width + c * CW + lane).astype(jnp.uint32)
        w0, w1 = _tf2x32(jnp.zeros_like(f), f, k1, k2)
        return w0 ^ w1

    def step(c, carry):
        rmin, rj, bits = carry
        fb = (bits >> jnp.uint32(9)) | jnp.uint32(0x3F800000)
        fl = lax.bitcast_convert_type(fb, jnp.float32) - jnp.float32(1.0)
        u = jnp.maximum(jnp.float32(TINY), fl + jnp.float32(TINY))
        val = -jnp.log(u) * l2[pl.ds(c, 1), :]
        jglob = c * CW + lane
        upd = val < rmin
        rmin = jnp.where(upd, val, rmin)
        rj = jnp.where(upd, jglob, rj)
        return rmin, rj, hash_chunk(c + 1)

    rmin, rj, _ = lax.fori_loop(
        0, ncw,
        step,
        (jnp.full((RB, CW), jnp.float32(np.inf), jnp.float32),
         jnp.zeros((RB, CW), jnp.int32),
         hash_chunk(0)))
    m = jnp.min(rmin, axis=1, keepdims=True)
    jsel = jnp.min(jnp.where(rmin == m, rj, jnp.int32(2147483647)),
                   axis=1, keepdims=True)
    out[...] = jsel


def _tc_sampler_call(l2, keypair, width=F, nrows=NSAMP):
    k1, k2 = keypair
    kern = functools.partial(_tc_sampler_kernel, k1, k2, width)
    return pl.pallas_call(
        kern,
        grid=(nrows // RB,),
        in_specs=[pl.BlockSpec(l2.shape, lambda b: (0, 0))],
        out_specs=pl.BlockSpec((RB, 1), lambda b: (b, 0)),
        out_shape=jax.ShapeDtypeStruct((nrows, 1), jnp.int32),
    )(l2)



def _tc_chamfer_kernel(xp, yp, zp, xt, yt, zt, rmin, cmin):
    ytx = xt[...]
    yty = yt[...]
    ytz = zt[...]

    def step(ib, cm):
        x = xp[pl.ds(ib * 8, 8), :]
        y = yp[pl.ds(ib * 8, 8), :]
        z = zp[pl.ds(ib * 8, 8), :]
        dx = x - ytx
        d = dx * dx
        dy = y - yty
        d = d + dy * dy
        dz = z - ytz
        d = d + dz * dz
        rmin[pl.ds(ib * 8, 8), :] = jnp.min(d, axis=1, keepdims=True)
        return jnp.minimum(cm, jnp.min(d, axis=0, keepdims=True))

    cm = lax.fori_loop(0, NSAMP // 8, step,
                       jnp.full((1, NSAMP), jnp.float32(3e38)))
    cmin[...] = cm


def _tc_chamfer_call(xp, yp, zp, xt, yt, zt):
    return pl.pallas_call(
        _tc_chamfer_kernel,
        out_shape=(jax.ShapeDtypeStruct((NSAMP, 1), jnp.float32),
                   jax.ShapeDtypeStruct((1, NSAMP), jnp.float32)),
    )(xp, yp, zp, xt, yt, zt)



def _tc_final_kernel(lx, ly, lz, ld, vx, vy, vz, edgep, normp, rmin, cmin,
                     lo, lco, leo, lno, llo):
    idx = (lax.broadcasted_iota(jnp.int32, (784, 128), 0) * 128
           + lax.broadcasted_iota(jnp.int32, (784, 128), 1))
    mask = idx < V
    deg = jnp.maximum(ld[0] + ld[1], 1.0)
    ex = (lx[0] + lx[1]) / deg - vx[...] + 1e-12
    ey = (ly[0] + ly[1]) / deg - vy[...] + 1e-12
    ez = (lz[0] + lz[1]) / deg - vz[...] + 1e-12
    nrm = jnp.sqrt(ex * ex + ey * ey + ez * ez)
    lap = jnp.sum(jnp.where(mask, nrm, 0.0)) / V

    edge = jnp.sum(edgep[...]) / (3.0 * F)
    normal = 1.0 - jnp.sum(normp[...]) / P
    cham = jnp.sum(rmin[...]) / NSAMP + jnp.sum(cmin[...]) / NSAMP

    lco[...] = cham[None, None]
    leo[...] = edge[None, None]
    lno[...] = normal[None, None]
    llo[...] = lap[None, None]
    lo[...] = (W_CHAMFER * cham + W_EDGE * edge
               + W_NORMAL * normal + W_LAP * lap)[None, None]


def _tc_final_call(lx, ly, lz, ld, vx, vy, vz, edgep, normp, rmin, cmin):
    s = jax.ShapeDtypeStruct((1, 1), jnp.float32)
    return pl.pallas_call(
        _tc_final_kernel,
        out_shape=(s, s, s, s, s),
    )(lx, ly, lz, ld, vx, vy, vz, edgep, normp, rmin, cmin)



def _pad1(x, n, val=0):
    return jnp.pad(x, (0, n - x.shape[0]), constant_values=val)


def kernel(verts_pred, verts_targ, faces_pred, faces_targ, face_pairs):
    keys = _key_consts()

    vxp = _pad1(verts_pred[:, 0], VP)
    vyp = _pad1(verts_pred[:, 1], VP)
    vzp = _pad1(verts_pred[:, 2], VP)
    vxt = _pad1(verts_targ[:, 0], VP)
    vyt = _pad1(verts_targ[:, 1], VP)
    vzt = _pad1(verts_targ[:, 2], VP)
    f0 = _pad1(faces_pred[:, 0], FP, V)
    f1 = _pad1(faces_pred[:, 1], FP, V)
    f2 = _pad1(faces_pred[:, 2], FP, V)
    g0 = _pad1(faces_targ[:, 0], FP, V)
    g1 = _pad1(faces_targ[:, 1], FP, V)
    g2 = _pad1(faces_targ[:, 2], FP, V)
    zeros1 = jnp.zeros((VP,), jnp.float32)

    (nx, ny, nz, nsq, nsqt, lpx, lpy, lpz, lpd, edgep) = _sc_mesh_call(
        f0, f1, f2, vxp, vyp, vzp, g0, g1, g2, vxt, vyt, vzt, zeros1)

    lp, lt, ux, uy, uz = _tc_prep_call(
        nx.reshape(1568, 128), ny.reshape(1568, 128), nz.reshape(1568, 128),
        nsq.reshape(1568, 128), nsqt.reshape(1568, 128))

    normp = _sc_pairs_call(
        ux.reshape(FP), uy.reshape(FP), uz.reshape(FP),
        _pad1(face_pairs[:, 0], PP, F), _pad1(face_pairs[:, 1], PP, F))

    fip = _tc_sampler_call(lp.reshape(FP // CW, CW), keys["p_cat"])
    fit = _tc_sampler_call(lt.reshape(FP // CW, CW), keys["t_cat"])

    uvp = jax.random.uniform(jax.random.wrap_key_data(
        jnp.array(keys["p_uv"], dtype=jnp.uint32)), (NSAMP, 2))
    uvt = jax.random.uniform(jax.random.wrap_key_data(
        jnp.array(keys["t_uv"], dtype=jnp.uint32)), (NSAMP, 2))

    def bary(uv):
        su = jnp.sqrt(uv[:, 0])
        v = uv[:, 1]
        return 1.0 - su, su * (1.0 - v), su * v

    wp0, wp1, wp2 = bary(uvp)
    wt0, wt1, wt2 = bary(uvt)

    (spxp, spyp, spzp, spxt, spyt, spzt) = _sc_samples_call(
        fip.reshape(NSAMP), fit.reshape(NSAMP),
        f0, f1, f2, g0, g1, g2,
        vxp, vyp, vzp, vxt, vyt, vzt,
        wp0, wp1, wp2, wt0, wt1, wt2)

    rmin, cmin = _tc_chamfer_call(
        spxp.reshape(NSAMP, 1), spyp.reshape(NSAMP, 1), spzp.reshape(NSAMP, 1),
        spxt.reshape(1, NSAMP), spyt.reshape(1, NSAMP), spzt.reshape(1, NSAMP))

    lo, lco, leo, lno, llo = _tc_final_call(
        lpx.reshape(NC, 784, 128), lpy.reshape(NC, 784, 128),
        lpz.reshape(NC, 784, 128), lpd.reshape(NC, 784, 128),
        vxp.reshape(784, 128), vyp.reshape(784, 128), vzp.reshape(784, 128),
        edgep, normp, rmin, cmin)

    return (lo[0, 0], lco[0, 0], leo[0, 0], lno[0, 0], llo[0, 0])

# --- scband reference (transcript-rebuilt; emitter-appended) ---
"""Pipeline reference for scband-regularized-mesh-loss-38680475467969 (READ-ONLY COPY).

The authoritative reference and input builder live on the scoring server;
editing this copy changes nothing except your own understanding.
"""

import jax, jax.numpy as jnp
import numpy as np

W_CHAMFER = 1.0
W_EDGE = 1.0
W_NORMAL = 0.1
W_LAP = 0.1
N_SAMPLES = 2048


def _face_areas_normals(verts, faces):
    v0 = verts[faces[:, 0]]
    v1 = verts[faces[:, 1]]
    v2 = verts[faces[:, 2]]
    n = jnp.cross(v1 - v0, v2 - v0)
    nrm = jnp.linalg.norm(n, axis=1)
    areas = 0.5 * nrm
    normals = n / (nrm[:, None] + 1e-8)
    return areas, normals


def _sample_points(verts, faces, n_samples, key):
    # area-weighted face sampling + uniform barycentric coords (pytorch3d sample_points_from_meshes)
    areas, _ = _face_areas_normals(verts, faces)
    k1, k2 = jax.random.split(key)
    face_idx = jax.random.categorical(k1, jnp.log(areas + 1e-12), shape=(n_samples,))
    uv = jax.random.uniform(k2, (n_samples, 2))
    su = jnp.sqrt(uv[:, 0:1])
    v = uv[:, 1:2]
    w0 = 1.0 - su
    w1 = su * (1.0 - v)
    w2 = su * v
    f = faces[face_idx]
    return w0 * verts[f[:, 0]] + w1 * verts[f[:, 1]] + w2 * verts[f[:, 2]]


def _chamfer(x, y):
    d = jnp.sum((x[:, None, :] - y[None, :, :]) ** 2, axis=-1)
    return jnp.mean(jnp.min(d, axis=1)) + jnp.mean(jnp.min(d, axis=0))


def _face_edges(faces):
    return jnp.concatenate([faces[:, [0, 1]], faces[:, [1, 2]], faces[:, [2, 0]]], axis=0)


def _edge_loss(verts, faces):
    # mesh_edge_loss with target_length=0: mean squared edge length
    e = _face_edges(faces)
    d = verts[e[:, 0]] - verts[e[:, 1]]
    return jnp.mean(jnp.sum(d * d, axis=1))


def _normal_consistency(verts, faces, face_pairs):
    # mesh_normal_consistency over precomputed adjacent-face pairs: mean(1 - cos(n_i, n_j))
    _, normals = _face_areas_normals(verts, faces)
    n1 = normals[face_pairs[:, 0]]
    n2 = normals[face_pairs[:, 1]]
    return jnp.mean(1.0 - jnp.sum(n1 * n2, axis=1))


def _laplacian(verts, faces):
    # mesh_laplacian_smoothing(method='uniform'): || D^-1 A v - v ||, mean over verts
    V = verts.shape[0]
    e = _face_edges(faces)
    src = jnp.concatenate([e[:, 0], e[:, 1]])
    dst = jnp.concatenate([e[:, 1], e[:, 0]])
    nbr = jnp.zeros((V, 3), verts.dtype).at[src].add(verts[dst])
    deg = jnp.zeros((V,), verts.dtype).at[src].add(1.0)
    lap = nbr / jnp.clip(deg, 1.0)[:, None] - verts
    return jnp.mean(jnp.linalg.norm(lap + 1e-12, axis=1))


def setup_inputs(seed: int = 0) -> dict:
    key = jax.random.key(seed)
    k1, k2, k3, k4, k5 = jax.random.split(key, 5)
    V = 100000
    F = 200000
    P = 300000
    verts_pred = jax.random.normal(k1, (V, 3), dtype=jnp.float32)
    verts_targ = jax.random.normal(k2, (V, 3), dtype=jnp.float32)
    faces_pred = jax.random.randint(k3, (F, 3), 0, V, dtype=jnp.int64 if jax.config.jax_enable_x64 else jnp.int32).astype(jnp.int32)
    faces_targ = jax.random.randint(k4, (F, 3), 0, V).astype(jnp.int32)
    face_pairs = jax.random.randint(k5, (P, 2), 0, F).astype(jnp.int32)
    return {
        "verts_pred": verts_pred,
        "verts_targ": verts_targ,
        "faces_pred": faces_pred,
        "faces_targ": faces_targ,
        "face_pairs": face_pairs,
    }


def reference(verts_pred, verts_targ, faces_pred, faces_targ, face_pairs):
    key = jax.random.key(42)
    k1, k2 = jax.random.split(key)
    sample_pred = _sample_points(verts_pred, faces_pred, N_SAMPLES, k1)
    sample_targ = _sample_points(verts_targ, faces_targ, N_SAMPLES, k2)
    loss_chamfer = _chamfer(sample_pred, sample_targ)
    loss_edge = _edge_loss(verts_pred, faces_pred)
    loss_normal = _normal_consistency(verts_pred, faces_pred, face_pairs)
    loss_laplacian = _laplacian(verts_pred, faces_pred)
    loss = (W_CHAMFER * loss_chamfer + W_EDGE * loss_edge
            + W_NORMAL * loss_normal + W_LAP * loss_laplacian)
    return (loss, loss_chamfer, loss_edge, loss_normal, loss_laplacian)

if __name__ == "__main__":
    import jax
    _d = setup_inputs()
    print(jax.jit(kernel)(*tuple(_d.values())))

</pallas_src>

<mosaic_0001>
#map = affine_map<(d0, d1) -> (0)>
#map1 = affine_map<(d0, d1) -> (0, 0)>
module attributes {stable_mosaic.version = 14 : i64} {
  func.func @_sc_pairs_kernel(%arg0: i32, %arg1: i32, %arg2: memref<200704xf32, #tpu.memory_space<hbm>>, %arg3: memref<200704xf32, #tpu.memory_space<hbm>>, %arg4: memref<200704xf32, #tpu.memory_space<hbm>>, %arg5: memref<303104xi32, #tpu.memory_space<hbm>>, %arg6: memref<303104xi32, #tpu.memory_space<hbm>>, %arg7: memref<32x16xf32, #tpu.memory_space<hbm>>, %arg8: memref<128xi32, #tpu.memory_space<vmem>>, %arg9: memref<128xi32, #tpu.memory_space<vmem>>, %arg10: memref<128xf32, #tpu.memory_space<vmem>>, %arg11: memref<128xf32, #tpu.memory_space<vmem>>, %arg12: memref<128xf32, #tpu.memory_space<vmem>>, %arg13: memref<128xf32, #tpu.memory_space<vmem>>, %arg14: memref<128xf32, #tpu.memory_space<vmem>>, %arg15: memref<128xf32, #tpu.memory_space<vmem>>, %arg16: memref<16xf32, #tpu.memory_space<vmem>>) attributes {dimension_semantics = [#tpu.dimension_semantics<core_parallel>, #tpu.dimension_semantics<subcore_parallel>], iteration_bounds = array<i64: 2, 16>, scalar_prefetch = 0 : i64, scratch_operands = 9 : i64, tpu.core_type = #tpu.core_type<sc_vector_subcore>, window_params = [{transform_indices = #map}, {transform_indices = #map}, {transform_indices = #map}, {transform_indices = #map}, {transform_indices = #map}, {transform_indices = #map1}]} {
    %mul3A = arith.constant 2 : i32
    %mul3A_0 = arith.muli %arg1, %mul3A : i32
    %add3A = arith.addi %mul3A_0, %arg0 : i32
    %broadcast_in_dim3A = arith.constant 0.000000e+00 : f32
    %broadcast_in_dim3A_1 = vector.broadcast %broadcast_in_dim3A : f32 to vector<16xf32>
    %scan3A = arith.constant 0 : i32
    %scan3A_2 = arith.constant 74 : i32
    %scan3A_3 = arith.addi %scan3A, %scan3A_2 : i32
    %scan3A_4 = arith.constant 1 : i32
    %scan3A_5 = scf.for %scan3A_10 = %scan3A to %scan3A_3 step %scan3A_4 iter_args(%scan3A_11 = %broadcast_in_dim3A_1) -> (vector<16xf32>)  : i32 {
      %mul3A_12 = arith.constant 9472 : i32
      %mul3A_13 = arith.muli %add3A, %mul3A_12 : i32
      %mul3A_14 = arith.constant 128 : i32
      %mul3A_15 = arith.muli %scan3A_10, %mul3A_14 : i32
      %add3A_16 = arith.addi %mul3A_13, %mul3A_15 : i32
      "tpu.region"() ({
        %run_scoped3A = tpu.sem_alloc : memref<!tpu.dma_semaphore, #tpu.memory_space<semaphore_mem>>
        %dma_start3A = tpu.memref_slice %arg5[%add3A_16] : memref<303104xi32, #tpu.memory_space<hbm>> -> memref<128xi32, #tpu.memory_space<hbm>>
        %dma_start3A_23 = tpu.memref_slice %arg5[%add3A_16] : memref<303104xi32, #tpu.memory_space<hbm>> -> memref<128xi32, #tpu.memory_space<hbm>>
        tpu.enqueue_dma source(%dma_start3A_23 : memref<128xi32, #tpu.memory_space<hbm>>) target(%arg8 : memref<128xi32, #tpu.memory_space<vmem>>) target_semaphore(%run_scoped3A : memref<!tpu.dma_semaphore, #tpu.memory_space<semaphore_mem>>)
        %dma_wait3A = tpu.memref_slice %arg5[%add3A_16] : memref<303104xi32, #tpu.memory_space<hbm>> -> memref<128xi32, #tpu.memory_space<hbm>>
        %dma_wait3A_24 = tpu.memref_slice %arg5[%add3A_16] : memref<303104xi32, #tpu.memory_space<hbm>> -> memref<128xi32, #tpu.memory_space<hbm>>
        tpu.wait_dma2 semaphore(%run_scoped3A : memref<!tpu.dma_semaphore, #tpu.memory_space<semaphore_mem>>) src(%dma_wait3A_24 : memref<128xi32, #tpu.memory_space<hbm>>) dst(%arg8 : memref<128xi32, #tpu.memory_space<vmem>>)
        tpu.yield
      }) : () -> ()
      "tpu.region"() ({
        %run_scoped3A = tpu.sem_alloc : memref<!tpu.dma_semaphore, #tpu.memory_space<semaphore_mem>>
        %dma_start3A = tpu.memref_slice %arg6[%add3A_16] : memref<303104xi32, #tpu.memory_space<hbm>> -> memref<128xi32, #tpu.memory_space<hbm>>
        %dma_start3A_23 = tpu.memref_slice %arg6[%add3A_16] : memref<303104xi32, #tpu.memory_space<hbm>> -> memref<128xi32, #tpu.memory_space<hbm>>
        tpu.enqueue_dma source(%dma_start3A_23 : memref<128xi32, #tpu.memory_space<hbm>>) target(%arg9 : memref<128xi32, #tpu.memory_space<vmem>>) target_semaphore(%run_scoped3A : memref<!tpu.dma_semaphore, #tpu.memory_space<semaphore_mem>>)
        %dma_wait3A = tpu.memref_slice %arg6[%add3A_16] : memref<303104xi32, #tpu.memory_space<hbm>> -> memref<128xi32, #tpu.memory_space<hbm>>
        %dma_wait3A_24 = tpu.memref_slice %arg6[%add3A_16] : memref<303104xi32, #tpu.memory_space<hbm>> -> memref<128xi32, #tpu.memory_space<hbm>>
        tpu.wait_dma2 semaphore(%run_scoped3A : memref<!tpu.dma_semaphore, #tpu.memory_space<semaphore_mem>>) src(%dma_wait3A_24 : memref<128xi32, #tpu.memory_space<hbm>>) dst(%arg9 : memref<128xi32, #tpu.memory_space<vmem>>)
        tpu.yield
      }) : () -> ()
      "tpu.region"() ({
        %run_scoped3A = tpu.sem_alloc : memref<!tpu.dma_semaphore, #tpu.memory_space<semaphore_mem>>
        %dma_start3A = arith.constant 0 : i32
        %dma_start3A_23 = tpu.memref_slice %arg2[%dma_start3A] : memref<200704xf32, #tpu.memory_space<hbm>> -> memref<200704xf32, #tpu.memory_space<hbm>>
        tpu.enqueue_indirect_dma source(%dma_start3A_23 : memref<200704xf32, #tpu.memory_space<hbm>>) target(%arg10 : memref<128xf32, #tpu.memory_space<vmem>>) offsets(%arg8 : memref<128xi32, #tpu.memory_space<vmem>>) semaphore(%run_scoped3A : memref<!tpu.dma_semaphore, #tpu.memory_space<semaphore_mem>>)
        %dma_wait3A = arith.constant 0 : i32
        %dma_wait3A_24 = tpu.memref_slice %arg2[%dma_wait3A] : memref<200704xf32, #tpu.memory_space<hbm>> -> memref<200704xf32, #tpu.memory_space<hbm>>
        tpu.wait_indirect_dma semaphore(%run_scoped3A : memref<!tpu.dma_semaphore, #tpu.memory_space<semaphore_mem>>) src(%dma_wait3A_24 : memref<200704xf32, #tpu.memory_space<hbm>>) dst(%arg10 : memref<128xf32, #tpu.memory_space<vmem>>)
        tpu.yield
      }) : () -> ()
      "tpu.region"() ({
        %run_scoped3A = tpu.sem_alloc : memref<!tpu.dma_semaphore, #tpu.memory_space<semaphore_mem>>
        %dma_start3A = arith.constant 0 : i32
        %dma_start3A_23 = tpu.memref_slice %arg3[%dma_start3A] : memref<200704xf32, #tpu.memory_space<hbm>> -> memref<200704xf32, #tpu.memory_space<hbm>>
        tpu.enqueue_indirect_dma source(%dma_start3A_23 : memref<200704xf32, #tpu.memory_space<hbm>>) target(%arg11 : memref<128xf32, #tpu.memory_space<vmem>>) offsets(%arg8 : memref<128xi32, #tpu.memory_space<vmem>>) semaphore(%run_scoped3A : memref<!tpu.dma_semaphore, #tpu.memory_space<semaphore_mem>>)
        %dma_wait3A = arith.constant 0 : i32
        %dma_wait3A_24 = tpu.memref_slice %arg3[%dma_wait3A] : memref<200704xf32, #tpu.memory_space<hbm>> -> memref<200704xf32, #tpu.memory_space<hbm>>
        tpu.wait_indirect_dma semaphore(%run_scoped3A : memref<!tpu.dma_semaphore, #tpu.memory_space<semaphore_mem>>) src(%dma_wait3A_24 : memref<200704xf32, #tpu.memory_space<hbm>>) dst(%arg11 : memref<128xf32, #tpu.memory_space<vmem>>)
        tpu.yield
      }) : () -> ()
      "tpu.region"() ({
        %run_scoped3A = tpu.sem_alloc : memref<!tpu.dma_semaphore, #tpu.memory_space<semaphore_mem>>
        %dma_start3A = arith.constant 0 : i32
        %dma_start3A_23 = tpu.memref_slice %arg4[%dma_start3A] : memref<200704xf32, #tpu.memory_space<hbm>> -> memref<200704xf32, #tpu.memory_space<hbm>>
        tpu.enqueue_indirect_dma source(%dma_start3A_23 : memref<200704xf32, #tpu.memory_space<hbm>>) target(%arg12 : memref<128xf32, #tpu.memory_space<vmem>>) offsets(%arg8 : memref<128xi32, #tpu.memory_space<vmem>>) semaphore(%run_scoped3A : memref<!tpu.dma_semaphore, #tpu.memory_space<semaphore_mem>>)
        %dma_wait3A = arith.constant 0 : i32
        %dma_wait3A_24 = tpu.memref_slice %arg4[%dma_wait3A] : memref<200704xf32, #tpu.memory_space<hbm>> -> memref<200704xf32, #tpu.memory_space<hbm>>
        tpu.wait_indirect_dma semaphore(%run_scoped3A : memref<!tpu.dma_semaphore, #tpu.memory_space<semaphore_mem>>) src(%dma_wait3A_24 : memref<200704xf32, #tpu.memory_space<hbm>>) dst(%arg12 : memref<128xf32, #tpu.memory_space<vmem>>)
        tpu.yield
      }) : () -> ()
      "tpu.region"() ({
        %run_scoped3A = tpu.sem_alloc : memref<!tpu.dma_semaphore, #tpu.memory_space<semaphore_mem>>
        %dma_start3A = arith.constant 0 : i32
        %dma_start3A_23 = tpu.memref_slice %arg2[%dma_start3A] : memref<200704xf32, #tpu.memory_space<hbm>> -> memref<200704xf32, #tpu.memory_space<hbm>>
        tpu.enqueue_indirect_dma source(%dma_start3A_23 : memref<200704xf32, #tpu.memory_space<hbm>>) target(%arg13 : memref<128xf32, #tpu.memory_space<vmem>>) offsets(%arg9 : memref<128xi32, #tpu.memory_space<vmem>>) semaphore(%run_scoped3A : memref<!tpu.dma_semaphore, #tpu.memory_space<semaphore_mem>>)
        %dma_wait3A = arith.constant 0 : i32
        %dma_wait3A_24 = tpu.memref_slice %arg2[%dma_wait3A] : memref<200704xf32, #tpu.memory_space<hbm>> -> memref<200704xf32, #tpu.memory_space<hbm>>
        tpu.wait_indirect_dma semaphore(%run_scoped3A : memref<!tpu.dma_semaphore, #tpu.memory_space<semaphore_mem>>) src(%dma_wait3A_24 : memref<200704xf32, #tpu.memory_space<hbm>>) dst(%arg13 : memref<128xf32, #tpu.memory_space<vmem>>)
        tpu.yield
      }) : () -> ()
      "tpu.region"() ({
        %run_scoped3A = tpu.sem_alloc : memref<!tpu.dma_semaphore, #tpu.memory_space<semaphore_mem>>
        %dma_start3A = arith.constant 0 : i32
        %dma_start3A_23 = tpu.memref_slice %arg3[%dma_start3A] : memref<200704xf32, #tpu.memory_space<hbm>> -> memref<200704xf32, #tpu.memory_space<hbm>>
        tpu.enqueue_indirect_dma source(%dma_start3A_23 : memref<200704xf32, #tpu.memory_space<hbm>>) target(%arg14 : memref<128xf32, #tpu.memory_space<vmem>>) offsets(%arg9 : memref<128xi32, #tpu.memory_space<vmem>>) semaphore(%run_scoped3A : memref<!tpu.dma_semaphore, #tpu.memory_space<semaphore_mem>>)
        %dma_wait3A = arith.constant 0 : i32
        %dma_wait3A_24 = tpu.memref_slice %arg3[%dma_wait3A] : memref<200704xf32, #tpu.memory_space<hbm>> -> memref<200704xf32, #tpu.memory_space<hbm>>
        tpu.wait_indirect_dma semaphore(%run_scoped3A : memref<!tpu.dma_semaphore, #tpu.memory_space<semaphore_mem>>) src(%dma_wait3A_24 : memref<200704xf32, #tpu.memory_space<hbm>>) dst(%arg14 : memref<128xf32, #tpu.memory_space<vmem>>)
        tpu.yield
      }) : () -> ()
      "tpu.region"() ({
        %run_scoped3A = tpu.sem_alloc : memref<!tpu.dma_semaphore, #tpu.memory_space<semaphore_mem>>
        %dma_start3A = arith.constant 0 : i32
        %dma_start3A_23 = tpu.memref_slice %arg4[%dma_start3A] : memref<200704xf32, #tpu.memory_space<hbm>> -> memref<200704xf32, #tpu.memory_space<hbm>>
        tpu.enqueue_indirect_dma source(%dma_start3A_23 : memref<200704xf32, #tpu.memory_space<hbm>>) target(%arg15 : memref<128xf32, #tpu.memory_space<vmem>>) offsets(%arg9 : memref<128xi32, #tpu.memory_space<vmem>>) semaphore(%run_scoped3A : memref<!tpu.dma_semaphore, #tpu.memory_space<semaphore_mem>>)
        %dma_wait3A = arith.constant 0 : i32
        %dma_wait3A_24 = tpu.memref_slice %arg4[%dma_wait3A] : memref<200704xf32, #tpu.memory_space<hbm>> -> memref<200704xf32, #tpu.memory_space<hbm>>
        tpu.wait_indirect_dma semaphore(%run_scoped3A : memref<!tpu.dma_semaphore, #tpu.memory_space<semaphore_mem>>) src(%dma_wait3A_24 : memref<200704xf32, #tpu.memory_space<hbm>>) dst(%arg15 : memref<128xf32, #tpu.memory_space<vmem>>)
        tpu.yield
      }) : () -> ()
      %scan3A_17 = arith.constant 0 : i32
      %scan3A_18 = arith.constant 8 : i32
      %scan3A_19 = arith.addi %scan3A_17, %scan3A_18 : i32
      %scan3A_20 = arith.constant 1 : i32
      %scan3A_21 = scf.for %scan3A_23 = %scan3A_17 to %scan3A_19 step %scan3A_20 iter_args(%scan3A_24 = %scan3A_11) -> (vector<16xf32>)  : i32 {
        %mul3A_25 = arith.constant 16 : i32
        %mul3A_26 = arith.muli %scan3A_23, %mul3A_25 : i32
        %get3A = arith.index_cast %mul3A_26 : i32 to index
        %get3A_27 = tpu.vector_load %arg10[%get3A] {strides = array<i32>} : memref<128xf32, #tpu.memory_space<vmem>>, vector<16xf32>,
        %get3A_28 = vector.shape_cast %get3A_27 : vector<16xf32> to vector<16xf32>
        %get3A_29 = arith.index_cast %mul3A_26 : i32 to index
        %get3A_30 = tpu.vector_load %arg13[%get3A_29] {strides = array<i32>} : memref<128xf32, #tpu.memory_space<vmem>>, vector<16xf32>,
        %get3A_31 = vector.shape_cast %get3A_30 : vector<16xf32> to vector<16xf32>
        %mul3A_32 = arith.mulf %get3A_28, %get3A_31 : vector<16xf32>
        %add3A_33 = arith.addf %scan3A_24, %mul3A_32 : vector<16xf32>
        %get3A_34 = arith.index_cast %mul3A_26 : i32 to index
        %get3A_35 = tpu.vector_load %arg11[%get3A_34] {strides = array<i32>} : memref<128xf32, #tpu.memory_space<vmem>>, vector<16xf32>,
        %get3A_36 = vector.shape_cast %get3A_35 : vector<16xf32> to vector<16xf32>
        %get3A_37 = arith.index_cast %mul3A_26 : i32 to index
        %get3A_38 = tpu.vector_load %arg14[%get3A_37] {strides = array<i32>} : memref<128xf32, #tpu.memory_space<vmem>>, vector<16xf32>,
        %get3A_39 = vector.shape_cast %get3A_38 : vector<16xf32> to vector<16xf32>
        %mul3A_40 = arith.mulf %get3A_36, %get3A_39 : vector<16xf32>
        %add3A_41 = arith.addf %add3A_33, %mul3A_40 : vector<16xf32>
        %get3A_42 = arith.index_cast %mul3A_26 : i32 to index
        %get3A_43 = tpu.vector_load %arg12[%get3A_42] {strides = array<i32>} : memref<128xf32, #tpu.memory_space<vmem>>, vector<16xf32>,
        %get3A_44 = vector.shape_cast %get3A_43 : vector<16xf32> to vector<16xf32>
        %get3A_45 = arith.index_cast %mul3A_26 : i32 to index
        %get3A_46 = tpu.vector_load %arg15[%get3A_45] {strides = array<i32>} : memref<128xf32, #tpu.memory_space<vmem>>, vector<16xf32>,
        %get3A_47 = vector.shape_cast %get3A_46 : vector<16xf32> to vector<16xf32>
        %mul3A_48 = arith.mulf %get3A_44, %get3A_47 : vector<16xf32>
        %add3A_49 = arith.addf %add3A_41, %mul3A_48 : vector<16xf32>
        scf.yield %add3A_49 : vector<16xf32>
      }
      %scan3A_22 = arith.constant 8 : i32
      scf.yield %scan3A_21 : vector<16xf32>
    }
    %scan3A_6 = arith.constant 74 : i32
    %swap3A = arith.constant 0 : index
    %swap3A_7 = tpu.vector_load %arg16[%swap3A] {strides = array<i32>} : memref<16xf32, #tpu.memory_space<vmem>>, vector<16xf32>,
    %swap3A_8 = vector.shape_cast %swap3A_7 : vector<16xf32> to vector<16xf32>
    %swap3A_9 = vector.shape_cast %scan3A_5 : vector<16xf32> to vector<16xf32>
    tpu.vector_store %arg16[%swap3A], %swap3A_9 {strides = array<i32>} : memref<16xf32, #tpu.memory_space<vmem>>, vector<16xf32>,
    "tpu.region"() ({
      %run_scoped3A = tpu.sem_alloc : memref<!tpu.dma_semaphore, #tpu.memory_space<semaphore_mem>>
      %dma_start3A = arith.constant 0 : i32
      %dma_start3A_10 = tpu.memref_slice %arg7[%add3A, %dma_start3A] : memref<32x16xf32, #tpu.memory_space<hbm>> -> memref<1x16xf32, #tpu.memory_space<hbm>>
      %dma_start3A_11 = tpu.memref_squeeze %dma_start3A_10 : memref<1x16xf32, #tpu.memory_space<hbm>> -> memref<16xf32, #tpu.memory_space<hbm>>
      %dma_start3A_12 = arith.constant 0 : i32
      %dma_start3A_13 = tpu.memref_slice %arg7[%add3A, %dma_start3A_12] : memref<32x16xf32, #tpu.memory_space<hbm>> -> memref<1x16xf32, #tpu.memory_space<hbm>>
      %dma_start3A_14 = tpu.memref_squeeze %dma_start3A_13 : memref<1x16xf32, #tpu.memory_space<hbm>> -> memref<16xf32, #tpu.memory_space<hbm>>
      tpu.enqueue_dma source(%arg16 : memref<16xf32, #tpu.memory_space<vmem>>) target(%dma_start3A_14 : memref<16xf32, #tpu.memory_space<hbm>>) target_semaphore(%run_scoped3A : memref<!tpu.dma_semaphore, #tpu.memory_space<semaphore_mem>>)
      %dma_wait3A = arith.constant 0 : i32
      %dma_wait3A_15 = tpu.memref_slice %arg7[%add3A, %dma_wait3A] : memref<32x16xf32, #tpu.memory_space<hbm>> -> memref<1x16xf32, #tpu.memory_space<hbm>>
      %dma_wait3A_16 = tpu.memref_squeeze %dma_wait3A_15 : memref<1x16xf32, #tpu.memory_space<hbm>> -> memref<16xf32, #tpu.memory_space<hbm>>
      %dma_wait3A_17 = arith.constant 0 : i32
      %dma_wait3A_18 = tpu.memref_slice %arg7[%add3A, %dma_wait3A_17] : memref<32x16xf32, #tpu.memory_space<hbm>> -> memref<1x16xf32, #tpu.memory_space<hbm>>
      %dma_wait3A_19 = tpu.memref_squeeze %dma_wait3A_18 : memref<1x16xf32, #tpu.memory_space<hbm>> -> memref<16xf32, #tpu.memory_space<hbm>>
      tpu.wait_dma2 semaphore(%run_scoped3A : memref<!tpu.dma_semaphore, #tpu.memory_space<semaphore_mem>>) src(%arg16 : memref<16xf32, #tpu.memory_space<vmem>>) dst(%dma_wait3A_19 : memref<16xf32, #tpu.memory_space<hbm>>)
      tpu.yield
    }) : () -> ()
    return
  }
}

#map = affine_map<(d0, d1) -> (0)>
#map1 = affine_map<(d0, d1) -> (0, 0)>
module attributes {stable_mosaic.version = 14 : i64} {
  func.func @_sc_mesh_kernel(%arg0: i32, %arg1: i32, %arg2: memref<200704xi32, #tpu.memory_space<hbm>>, %arg3: memref<200704xi32, #tpu.memory_space<hbm>>, %arg4: memref<200704xi32, #tpu.memory_space<hbm>>, %arg5: memref<100352xf32, #tpu.memory_space<hbm>>, %arg6: memref<100352xf32, #tpu.memory_space<hbm>>, %arg7: memref<100352xf32, #tpu.memory_space<hbm>>, %arg8: memref<200704xi32, #tpu.memory_space<hbm>>, %arg9: memref<200704xi32, #tpu.memory_space<hbm>>, %arg10: memref<200704xi32, #tpu.memory_space<hbm>>, %arg11: memref<100352xf32, #tpu.memory_space<hbm>>, %arg12: memref<100352xf32, #tpu.memory_space<hbm>>, %arg13: memref<100352xf32, #tpu.memory_space<hbm>>, %arg14: memref<100352xf32, #tpu.memory_space<hbm>>, %arg15: memref<200704xf32, #tpu.memory_space<hbm>>, %arg16: memref<200704xf32, #tpu.memory_space<hbm>>, %arg17: memref<200704xf32, #tpu.memory_space<hbm>>, %arg18: memref<200704xf32, #tpu.memory_space<hbm>>, %arg19: memref<200704xf32, #tpu.memory_space<hbm>>, %arg20: memref<2x100352xf32, #tpu.memory_space<hbm>>, %arg21: memref<2x100352xf32, #tpu.memory_space<hbm>>, %arg22: memref<2x100352xf32, #tpu.memory_space<hbm>>, %arg23: memref<2x100352xf32, #tpu.memory_space<hbm>>, %arg24: memref<32x16xf32, #tpu.memory_space<hbm>>, %arg25: memref<128xi32, #tpu.memory_space<vmem>>, %arg26: memref<128xi32, #tpu.memory_space<vmem>>, %arg27: memref<128xi32, #tpu.memory_space<vmem>>, %arg28: memref<128xf32, #tpu.memory_space<vmem>>, %arg29: memref<128xf32, #tpu.memory_space<vmem>>, %arg30: memref<128xf32, #tpu.memory_space<vmem>>, %arg31: memref<128xf32, #tpu.memory_space<vmem>>, %arg32: memref<128xf32, #tpu.memory_space<vmem>>, %arg33: memref<128xf32, #tpu.memory_space<vmem>>, %arg34: memref<128xf32, #tpu.memory_space<vmem>>, %arg35: memref<128xf32, #tpu.memory_space<vmem>>, %arg36: memref<128xf32, #tpu.memory_space<vmem>>, %arg37: memref<128xf32, #tpu.memory_space<vmem>>, %arg38: memref<128xf32, #tpu.memory_space<vmem>>, %arg39: memref<128xf32, #tpu.memory_space<vmem>>, %arg40: memref<128xf32, #tpu.memory_space<vmem>>, %arg41: memref<128xf32, #tpu.memory_space<vmem>>, %arg42: memref<128xf32, #tpu.memory_space<vmem>>, %arg43: memref<128xf32, #tpu.memory_space<vmem>>, %arg44: memref<128xf32, #tpu.memory_space<vmem>>, %arg45: memref<128xf32, #tpu.memory_space<vmem>>, %arg46: memref<128xf32, #tpu.memory_space<vmem>>, %arg47: memref<128xf32, #tpu.memory_space<vmem>>, %arg48: memref<128xf32, #tpu.memory_space<vmem>>, %arg49: memref<128xf32, #tpu.memory_space<vmem>>, %arg50: memref<16xf32, #tpu.memory_space<vmem>>, %arg51: memref<128xf32, #tpu.memory_space<vmem>>, %arg52: memref<100352xf32, #tpu.memory_space<vmem_shared>>, %arg53: memref<100352xf32, #tpu.memory_space<vmem_shared>>, %arg54: memref<100352xf32, #tpu.memory_space<vmem_shared>>, %arg55: memref<100352xf32, #tpu.memory_space<vmem_shared>>) attributes {dimension_semantics = [#tpu.dimension_semantics<core_parallel>, #tpu.dimension_semantics<subcore_parallel>], iteration_bounds = array<i64: 2, 16>, scalar_prefetch = 0 : i64, scratch_operands = 31 : i64, tpu.core_type = #tpu.core_type<sc_vector_subcore>, window_params = [{transform_indices = #map}, {transform_indices = #map}, {transform_indices = #map}, {transform_indices = #map}, {transform_indices = #map}, {transform_indices = #map}, {transform_indices = #map}, {transform_indices = #map}, {transform_indices = #map}, {transform_indices = #map}, {transform_indices = #map}, {transform_indices = #map}, {transform_indices = #map}, {transform_indices = #map}, {transform_indices = #map}, {transform_indices = #map}, {transform_indices = #map}, {transform_indices = #map}, {transform_indices = #map1}, {transform_indices = #map1}, {transform_indices = #map1}, {transform_indices = #map1}, {transform_indices = #map1}]} {
    %mul3A = arith.constant 2 : i32
    %mul3A_0 = arith.muli %arg1, %mul3A : i32
    %add3A = arith.addi %mul3A_0, %arg0 : i32
    %mul3A_1 = arith.constant 6272 : i32
    %mul3A_2 = arith.muli %add3A, %mul3A_1 : i32
    %mul3A_3 = arith.constant 6272 : i32
    %mul3A_4 = arith.muli %arg1, %mul3A_3 : i32
    "tpu.region"() ({
      %run_scoped3A = tpu.sem_alloc : memref<!tpu.dma_semaphore, #tpu.memory_space<semaphore_mem>>
      %dma_start3A = tpu.memref_slice %arg52[%mul3A_4] : memref<100352xf32, #tpu.memory_space<vmem_shared>> -> memref<6272xf32, #tpu.memory_space<vmem_shared>>
      %dma_start3A_27 = tpu.memref_slice %arg14[%mul3A_4] : memref<100352xf32, #tpu.memory_space<hbm>> -> memref<6272xf32, #tpu.memory_space<hbm>>
      tpu.enqueue_dma source(%dma_start3A_27 : memref<6272xf32, #tpu.memory_space<hbm>>) target(%dma_start3A : memref<6272xf32, #tpu.memory_space<vmem_shared>>) target_semaphore(%run_scoped3A : memref<!tpu.dma_semaphore, #tpu.memory_space<semaphore_mem>>)
      %dma_wait3A = tpu.memref_slice %arg52[%mul3A_4] : memref<100352xf32, #tpu.memory_space<vmem_shared>> -> memref<6272xf32, #tpu.memory_space<vmem_shared>>
      %dma_wait3A_28 = tpu.memref_slice %arg14[%mul3A_4] : memref<100352xf32, #tpu.memory_space<hbm>> -> memref<6272xf32, #tpu.memory_space<hbm>>
      tpu.wait_dma2 semaphore(%run_scoped3A : memref<!tpu.dma_semaphore, #tpu.memory_space<semaphore_mem>>) src(%dma_wait3A_28 : memref<6272xf32, #tpu.memory_space<hbm>>) dst(%dma_wait3A : memref<6272xf32, #tpu.memory_space<vmem_shared>>)
      tpu.yield
    }) : () -> ()
    "tpu.region"() ({
      %run_scoped3A = tpu.sem_alloc : memref<!tpu.dma_semaphore, #tpu.memory_space<semaphore_mem>>
      %dma_start3A = tpu.memref_slice %arg53[%mul3A_4] : memref<100352xf32, #tpu.memory_space<vmem_shared>> -> memref<6272xf32, #tpu.memory_space<vmem_shared>>
      %dma_start3A_27 = tpu.memref_slice %arg14[%mul3A_4] : memref<100352xf32, #tpu.memory_space<hbm>> -> memref<6272xf32, #tpu.memory_space<hbm>>
      tpu.enqueue_dma source(%dma_start3A_27 : memref<6272xf32, #tpu.memory_space<hbm>>) target(%dma_start3A : memref<6272xf32, #tpu.memory_space<vmem_shared>>) target_semaphore(%run_scoped3A : memref<!tpu.dma_semaphore, #tpu.memory_space<semaphore_mem>>)
      %dma_wait3A = tpu.memref_slice %arg53[%mul3A_4] : memref<100352xf32, #tpu.memory_space<vmem_shared>> -> memref<6272xf32, #tpu.memory_space<vmem_shared>>
      %dma_wait3A_28 = tpu.memref_slice %arg14[%mul3A_4] : memref<100352xf32, #tpu.memory_space<hbm>> -> memref<6272xf32, #tpu.memory_space<hbm>>
      tpu.wait_dma2 semaphore(%run_scoped3A : memref<!tpu.dma_semaphore, #tpu.memory_space<semaphore_mem>>) src(%dma_wait3A_28 : memref<6272xf32, #tpu.memory_space<hbm>>) dst(%dma_wait3A : memref<6272xf32, #tpu.memory_space<vmem_shared>>)
      tpu.yield
    }) : () -> ()
    "tpu.region"() ({
      %run_scoped3A = tpu.sem_alloc : memref<!tpu.dma_semaphore, #tpu.memory_space<semaphore_mem>>
      %dma_start3A = tpu.memref_slice %arg54[%mul3A_4] : memref<100352xf32, #tpu.memory_space<vmem_shared>> -> memref<6272xf32, #tpu.memory_space<vmem_shared>>
      %dma_start3A_27 = tpu.memref_slice %arg14[%mul3A_4] : memref<100352xf32, #tpu.memory_space<hbm>> -> memref<6272xf32, #tpu.memory_space<hbm>>
      tpu.enqueue_dma source(%dma_start3A_27 : memref<6272xf32, #tpu.memory_space<hbm>>) target(%dma_start3A : memref<6272xf32, #tpu.memory_space<vmem_shared>>) target_semaphore(%run_scoped3A : memref<!tpu.dma_semaphore, #tpu.memory_space<semaphore_mem>>)
      %dma_wait3A = tpu.memref_slice %arg54[%mul3A_4] : memref<100352xf32, #tpu.memory_space<vmem_shared>> -> memref<6272xf32, #tpu.memory_space<vmem_shared>>
      %dma_wait3A_28 = tpu.memref_slice %arg14[%mul3A_4] : memref<100352xf32, #tpu.memory_space<hbm>> -> memref<6272xf32, #tpu.memory_space<hbm>>
      tpu.wait_dma2 semaphore(%run_scoped3A : memref<!tpu.dma_semaphore, #tpu.memory_space<semaphore_mem>>) src(%dma_wait3A_28 : memref<6272xf32, #tpu.memory_space<hbm>>) dst(%dma_wait3A : memref<6272xf32, #tpu.memory_space<vmem_shared>>)
      tpu.yield
    }) : () -> ()
    "tpu.region"() ({
      %run_scoped3A = tpu.sem_alloc : memref<!tpu.dma_semaphore, #tpu.memory_space<semaphore_mem>>
      %dma_start3A = tpu.memref_slice %arg55[%mul3A_4] : memref<100352xf32, #tpu.memory_space<vmem_shared>> -> memref<6272xf32, #tpu.memory_space<vmem_shared>>
      %dma_start3A_27 = tpu.memref_slice %arg14[%mul3A_4] : memref<100352xf32, #tpu.memory_space<hbm>> -> memref<6272xf32, #tpu.memory_space<hbm>>
      tpu.enqueue_dma source(%dma_start3A_27 : memref<6272xf32, #tpu.memory_space<hbm>>) target(%dma_start3A : memref<6272xf32, #tpu.memory_space<vmem_shared>>) target_semaphore(%run_scoped3A : memref<!tpu.dma_semaphore, #tpu.memory_space<semaphore_mem>>)
      %dma_wait3A = tpu.memref_slice %arg55[%mul3A_4] : memref<100352xf32, #tpu.memory_space<vmem_shared>> -> memref<6272xf32, #tpu.memory_space<vmem_shared>>
      %dma_wait3A_28 = tpu.memref_slice %arg14[%mul3A_4] : memref<100352xf32, #tpu.memory_space<hbm>> -> memref<6272xf32, #tpu.memory_space<hbm>>
      tpu.wait_dma2 semaphore(%run_scoped3A : memref<!tpu.dma_semaphore, #tpu.memory_space<semaphore_mem>>) src(%dma_wait3A_28 : memref<6272xf32, #tpu.memory_space<hbm>>) dst(%dma_wait3A : memref<6272xf32, #tpu.memory_space<vmem_shared>>)
      tpu.yield
    }) : () -> ()
    %barrier3A = arith.constant 0 : index
    tpu.barrier barrier_id(%barrier3A)
    %scan3A = arith.constant 0 : i32
    %scan3A_5 = arith.constant 0 : i32
    %scan3A_6 = arith.constant 8 : i32
    %scan3A_7 = arith.addi %scan3A_5, %scan3A_6 : i32
    %scan3A_8 = arith.constant 1 : i32
    scf.for %scan3A_27 = %scan3A_5 to %scan3A_7 step %scan3A_8  : i32 {
      %broadcast_in_dim3A_28 = arith.constant 2.000000e+00 : f32
      %broadcast_in_dim3A_29 = vector.broadcast %broadcast_in_dim3A_28 : f32 to vector<16xf32>
      %mul3A_30 = arith.constant 16 : i32
      %mul3A_31 = arith.muli %scan3A_27, %mul3A_30 : i32
      %swap3A_32 = arith.index_cast %mul3A_31 : i32 to index
      %swap3A_33 = tpu.vector_load %arg51[%swap3A_32] {strides = array<i32>} : memref<128xf32, #tpu.memory_space<vmem>>, vector<16xf32>,
      %swap3A_34 = vector.shape_cast %swap3A_33 : vector<16xf32> to vector<16xf32>
      %swap3A_35 = vector.shape_cast %broadcast_in_dim3A_29 : vector<16xf32> to vector<16xf32>
      tpu.vector_store %arg51[%swap3A_32], %swap3A_35 {strides = array<i32>} : memref<128xf32, #tpu.memory_space<vmem>>, vector<16xf32>,
    }
    %scan3A_9 = arith.constant 8 : i32
    %broadcast_in_dim3A = arith.constant 0.000000e+00 : f32
    %broadcast_in_dim3A_10 = vector.broadcast %broadcast_in_dim3A : f32 to vector<16xf32>
    %scan3A_11 = arith.constant 0 : i32
    %scan3A_12 = arith.constant 49 : i32
    %scan3A_13 = arith.addi %scan3A_11, %scan3A_12 : i32
    %scan3A_14 = arith.constant 1 : i32
    %scan3A_15 = scf.for %scan3A_27 = %scan3A_11 to %scan3A_13 step %scan3A_14 iter_args(%scan3A_28 = %broadcast_in_dim3A_10) -> (vector<16xf32>)  : i32 {
      %mul3A_29 = arith.constant 128 : i32
      %mul3A_30 = arith.muli %scan3A_27, %mul3A_29 : i32
      %add3A_31 = arith.addi %mul3A_2, %mul3A_30 : i32
      "tpu.region"() ({
        %run_scoped3A = tpu.sem_alloc : memref<!tpu.dma_semaphore, #tpu.memory_space<semaphore_mem>>
        %dma_start3A = tpu.memref_slice %arg2[%add3A_31] : memref<200704xi32, #tpu.memory_space<hbm>> -> memref<128xi32, #tpu.memory_space<hbm>>
        %dma_start3A_38 = tpu.memref_slice %arg2[%add3A_31] : memref<200704xi32, #tpu.memory_space<hbm>> -> memref<128xi32, #tpu.memory_space<hbm>>
        tpu.enqueue_dma source(%dma_start3A_38 : memref<128xi32, #tpu.memory_space<hbm>>) target(%arg25 : memref<128xi32, #tpu.memory_space<vmem>>) target_semaphore(%run_scoped3A : memref<!tpu.dma_semaphore, #tpu.memory_space<semaphore_mem>>)
        %dma_wait3A = tpu.memref_slice %arg2[%add3A_31] : memref<200704xi32, #tpu.memory_space<hbm>> -> memref<128xi32, #tpu.memory_space<hbm>>
        %dma_wait3A_39 = tpu.memref_slice %arg2[%add3A_31] : memref<200704xi32, #tpu.memory_space<hbm>> -> memref<128xi32, #tpu.memory_space<hbm>>
        tpu.wait_dma2 semaphore(%run_scoped3A : memref<!tpu.dma_semaphore, #tpu.memory_space<semaphore_mem>>) src(%dma_wait3A_39 : memref<128xi32, #tpu.memory_space<hbm>>) dst(%arg25 : memref<128xi32, #tpu.memory_space<vmem>>)
        tpu.yield
      }) : () -> ()
      "tpu.region"() ({
        %run_scoped3A = tpu.sem_alloc : memref<!tpu.dma_semaphore, #tpu.memory_space<semaphore_mem>>
        %dma_start3A = tpu.memref_slice %arg3[%add3A_31] : memref<200704xi32, #tpu.memory_space<hbm>> -> memref<128xi32, #tpu.memory_space<hbm>>
        %dma_start3A_38 = tpu.memref_slice %arg3[%add3A_31] : memref<200704xi32, #tpu.memory_space<hbm>> -> memref<128xi32, #tpu.memory_space<hbm>>
        tpu.enqueue_dma source(%dma_start3A_38 : memref<128xi32, #tpu.memory_space<hbm>>) target(%arg26 : memref<128xi32, #tpu.memory_space<vmem>>) target_semaphore(%run_scoped3A : memref<!tpu.dma_semaphore, #tpu.memory_space<semaphore_mem>>)
        %dma_wait3A = tpu.memref_slice %arg3[%add3A_31] : memref<200704xi32, #tpu.memory_space<hbm>> -> memref<128xi32, #tpu.memory_space<hbm>>
        %dma_wait3A_39 = tpu.memref_slice %arg3[%add3A_31] : memref<200704xi32, #tpu.memory_space<hbm>> -> memref<128xi32, #tpu.memory_space<hbm>>
        tpu.wait_dma2 semaphore(%run_scoped3A : memref<!tpu.dma_semaphore, #tpu.memory_space<semaphore_mem>>) src(%dma_wait3A_39 : memref<128xi32, #tpu.memory_space<hbm>>) dst(%arg26 : memref<128xi32, #tpu.memory_space<vmem>>)
        tpu.yield
      }) : () -> ()
      "tpu.region"() ({
        %run_scoped3A = tpu.sem_alloc : memref<!tpu.dma_semaphore, #tpu.memory_space<semaphore_mem>>
        %dma_start3A = tpu.memref_slice %arg4[%add3A_31] : memref<200704xi32, #tpu.memory_space<hbm>> -> memref<128xi32, #tpu.memory_space<hbm>>
        %dma_start3A_38 = tpu.memref_slice %arg4[%add3A_31] : memref<200704xi32, #tpu.memory_space<hbm>> -> memref<128xi32, #tpu.memory_space<hbm>>
        tpu.enqueue_dma source(%dma_start3A_38 : memref<128xi32, #tpu.memory_space<hbm>>) target(%arg27 : memref<128xi32, #tpu.memory_space<vmem>>) target_semaphore(%run_scoped3A : memref<!tpu.dma_semaphore, #tpu.memory_space<semaphore_mem>>)
        %dma_wait3A = tpu.memref_slice %arg4[%add3A_31] : memref<200704xi32, #tpu.memory_space<hbm>> -> memref<128xi32, #tpu.memory_space<hbm>>
        %dma_wait3A_39 = tpu.memref_slice %arg4[%add3A_31] : memref<200704xi32, #tpu.memory_space<hbm>> -> memref<128xi32, #tpu.memory_space<hbm>>
        tpu.wait_dma2 semaphore(%run_scoped3A : memref<!tpu.dma_semaphore, #tpu.memory_space<semaphore_mem>>) src(%dma_wait3A_39 : memref<128xi32, #tpu.memory_space<hbm>>) dst(%arg27 : memref<128xi32, #tpu.memory_space<vmem>>)
        tpu.yield
      }) : () -> ()
      "tpu.region"() ({
        %run_scoped3A = tpu.sem_alloc : memref<!tpu.dma_semaphore, #tpu.memory_space<semaphore_mem>>
        %dma_start3A = arith.constant 0 : i32
        %dma_start3A_38 = tpu.memref_slice %arg5[%dma_start3A] : memref<100352xf32, #tpu.memory_space<hbm>> -> memref<100352xf32, #tpu.memory_space<hbm>>
        tpu.enqueue_indirect_dma source(%dma_start3A_38 : memref<100352xf32, #tpu.memory_space<hbm>>) target(%arg28 : memref<128xf32, #tpu.memory_space<vmem>>) offsets(%arg25 : memref<128xi32, #tpu.memory_space<vmem>>) semaphore(%run_scoped3A : memref<!tpu.dma_semaphore, #tpu.memory_space<semaphore_mem>>)
        %dma_wait3A = arith.constant 0 : i32
        %dma_wait3A_39 = tpu.memref_slice %arg5[%dma_wait3A] : memref<100352xf32, #tpu.memory_space<hbm>> -> memref<100352xf32, #tpu.memory_space<hbm>>
        tpu.wait_indirect_dma semaphore(%run_scoped3A : memref<!tpu.dma_semaphore, #tpu.memory_space<semaphore_mem>>) src(%dma_wait3A_39 : memref<100352xf32, #tpu.memory_space<hbm>>) dst(%arg28 : memref<128xf32, #tpu.memory_space<vmem>>)
        tpu.yield
      }) : () -> ()
      "tpu.region"() ({
        %run_scoped3A = tpu.sem_alloc : memref<!tpu.dma_semaphore, #tpu.memory_space<semaphore_mem>>
        %dma_start3A = arith.constant 0 : i32
        %dma_start3A_38 = tpu.memref_slice %arg6[%dma_start3A] : memref<100352xf32, #tpu.memory_space<hbm>> -> memref<100352xf32, #tpu.memory_space<hbm>>
        tpu.enqueue_indirect_dma source(%dma_start3A_38 : memref<100352xf32, #tpu.memory_space<hbm>>) target(%arg29 : memref<128xf32, #tpu.memory_space<vmem>>) offsets(%arg25 : memref<128xi32, #tpu.memory_space<vmem>>) semaphore(%run_scoped3A : memref<!tpu.dma_semaphore, #tpu.memory_space<semaphore_mem>>)
        %dma_wait3A = arith.constant 0 : i32
        %dma_wait3A_39 = tpu.memref_slice %arg6[%dma_wait3A] : memref<100352xf32, #tpu.memory_space<hbm>> -> memref<100352xf32, #tpu.memory_space<hbm>>
        tpu.wait_indirect_dma semaphore(%run_scoped3A : memref<!tpu.dma_semaphore, #tpu.memory_space<semaphore_mem>>) src(%dma_wait3A_39 : memref<100352xf32, #tpu.memory_space<hbm>>) dst(%arg29 : memref<128xf32, #tpu.memory_space<vmem>>)
        tpu.yield
      }) : () -> ()
      "tpu.region"() ({
        %run_scoped3A = tpu.sem_alloc : memref<!tpu.dma_semaphore, #tpu.memory_space<semaphore_mem>>
        %dma_start3A = arith.constant 0 : i32
        %dma_start3A_38 = tpu.memref_slice %arg7[%dma_start3A] : memref<100352xf32, #tpu.memory_space<hbm>> -> memref<100352xf32, #tpu.memory_space<hbm>>
        tpu.enqueue_indirect_dma source(%dma_start3A_38 : memref<100352xf32, #tpu.memory_space<hbm>>) target(%arg30 : memref<128xf32, #tpu.memory_space<vmem>>) offsets(%arg25 : memref<128xi32, #tpu.memory_space<vmem>>) semaphore(%run_scoped3A : memref<!tpu.dma_semaphore, #tpu.memory_space<semaphore_mem>>)
        %dma_wait3A = arith.constant 0 : i32
        %dma_wait3A_39 = tpu.memref_slice %arg7[%dma_wait3A] : memref<100352xf32, #tpu.memory_space<hbm>> -> memref<100352xf32, #tpu.memory_space<hbm>>
        tpu.wait_indirect_dma semaphore(%run_scoped3A : memref<!tpu.dma_semaphore, #tpu.memory_space<semaphore_mem>>) src(%dma_wait3A_39 : memref<100352xf32, #tpu.memory_space<hbm>>) dst(%arg30 : memref<128xf32, #tpu.memory_space<vmem>>)
        tpu.yield
      }) : () -> ()
      "tpu.region"() ({
        %run_scoped3A = tpu.sem_alloc : memref<!tpu.dma_semaphore, #tpu.memory_space<semaphore_mem>>
        %dma_start3A = arith.constant 0 : i32
        %dma_start3A_38 = tpu.memref_slice %arg5[%dma_start3A] : memref<100352xf32, #tpu.memory_space<hbm>> -> memref<100352xf32, #tpu.memory_space<hbm>>
        tpu.enqueue_indirect_dma source(%dma_start3A_38 : memref<100352xf32, #tpu.memory_space<hbm>>) target(%arg31 : memref<128xf32, #tpu.memory_space<vmem>>) offsets(%arg26 : memref<128xi32, #tpu.memory_space<vmem>>) semaphore(%run_scoped3A : memref<!tpu.dma_semaphore, #tpu.memory_space<semaphore_mem>>)
        %dma_wait3A = arith.constant 0 : i32
        %dma_wait3A_39 = tpu.memref_slice %arg5[%dma_wait3A] : memref<100352xf32, #tpu.memory_space<hbm>> -> memref<100352xf32, #tpu.memory_space<hbm>>
        tpu.wait_indirect_dma semaphore(%run_scoped3A : memref<!tpu.dma_semaphore, #tpu.memory_space<semaphore_mem>>) src(%dma_wait3A_39 : memref<100352xf32, #tpu.memory_space<hbm>>) dst(%arg31 : memref<128xf32, #tpu.memory_space<vmem>>)
        tpu.yield
      }) : () -> ()
      "tpu.region"() ({
        %run_scoped3A = tpu.sem_alloc : memref<!tpu.dma_semaphore, #tpu.memory_space<semaphore_mem>>
        %dma_start3A = arith.constant 0 : i32
        %dma_start3A_38 = tpu.memref_slice %arg6[%dma_start3A] : memref<100352xf32, #tpu.memory_space<hbm>> -> memref<100352xf32, #tpu.memory_space<hbm>>
        tpu.enqueue_indirect_dma source(%dma_start3A_38 : memref<100352xf32, #tpu.memory_space<hbm>>) target(%arg32 : memref<128xf32, #tpu.memory_space<vmem>>) offsets(%arg26 : memref<128xi32, #tpu.memory_space<vmem>>) semaphore(%run_scoped3A : memref<!tpu.dma_semaphore, #tpu.memory_space<semaphore_mem>>)
        %dma_wait3A = arith.constant 0 : i32
        %dma_wait3A_39 = tpu.memref_slice %arg6[%dma_wait3A] : memref<100352xf32, #tpu.memory_space<hbm>> -> memref<100352xf32, #tpu.memory_space<hbm>>
        tpu.wait_indirect_dma semaphore(%run_scoped3A : memref<!tpu.dma_semaphore, #tpu.memory_space<semaphore_mem>>) src(%dma_wait3A_39 : memref<100352xf32, #tpu.memory_space<hbm>>) dst(%arg32 : memref<128xf32, #tpu.memory_space<vmem>>)
        tpu.yield
      }) : () -> ()
      "tpu.region"() ({
        %run_scoped3A = tpu.sem_alloc : memref<!tpu.dma_semaphore, #tpu.memory_space<semaphore_mem>>
        %dma_start3A = arith.constant 0 : i32
        %dma_start3A_38 = tpu.memref_slice %arg7[%dma_start3A] : memref<100352xf32, #tpu.memory_space<hbm>> -> memref<100352xf32, #tpu.memory_space<hbm>>
        tpu.enqueue_indirect_dma source(%dma_start3A_38 : memref<100352xf32, #tpu.memory_space<hbm>>) target(%arg33 : memref<128xf32, #tpu.memory_space<vmem>>) offsets(%arg26 : memref<128xi32, #tpu.memory_space<vmem>>) semaphore(%run_scoped3A : memref<!tpu.dma_semaphore, #tpu.memory_space<semaphore_mem>>)
        %dma_wait3A = arith.constant 0 : i32
        %dma_wait3A_39 = tpu.memref_slice %arg7[%dma_wait3A] : memref<100352xf32, #tpu.memory_space<hbm>> -> memref<100352xf32, #tpu.memory_space<hbm>>
        tpu.wait_indirect_dma semaphore(%run_scoped3A : memref<!tpu.dma_semaphore, #tpu.memory_space<semaphore_mem>>) src(%dma_wait3A_39 : memref<100352xf32, #tpu.memory_space<hbm>>) dst(%arg33 : memref<128xf32, #tpu.memory_space<vmem>>)
        tpu.yield
      }) : () -> ()
      "tpu.region"() ({
        %run_scoped3A = tpu.sem_alloc : memref<!tpu.dma_semaphore, #tpu.memory_space<semaphore_mem>>
        %dma_start3A = arith.constant 0 : i32
        %dma_start3A_38 = tpu.memref_slice %arg5[%dma_start3A] : memref<100352xf32, #tpu.memory_space<hbm>> -> memref<100352xf32, #tpu.memory_space<hbm>>
        tpu.enqueue_indirect_dma source(%dma_start3A_38 : memref<100352xf32, #tpu.memory_space<hbm>>) target(%arg34 : memref<128xf32, #tpu.memory_space<vmem>>) offsets(%arg27 : memref<128xi32, #tpu.memory_space<vmem>>) semaphore(%run_scoped3A : memref<!tpu.dma_semaphore, #tpu.memory_space<semaphore_mem>>)
        %dma_wait3A = arith.constant 0 : i32
        %dma_wait3A_39 = tpu.memref_slice %arg5[%dma_wait3A] : memref<100352xf32, #tpu.memory_space<hbm>> -> memref<100352xf32, #tpu.memory_space<hbm>>
        tpu.wait_indirect_dma semaphore(%run_scoped3A : memref<!tpu.dma_semaphore, #tpu.memory_space<semaphore_mem>>) src(%dma_wait3A_39 : memref<100352xf32, #tpu.memory_space<hbm>>) dst(%arg34 : memref<128xf32, #tpu.memory_space<vmem>>)
        tpu.yield
      }) : () -> ()
      "tpu.region"() ({
        %run_scoped3A = tpu.sem_alloc : memref<!tpu.dma_semaphore, #tpu.memory_space<semaphore_mem>>
        %dma_start3A = arith.constant 0 : i32
        %dma_start3A_38 = tpu.memref_slice %arg6[%dma_start3A] : memref<100352xf32, #tpu.memory_space<hbm>> -> memref<100352xf32, #tpu.memory_space<hbm>>
        tpu.enqueue_indirect_dma source(%dma_start3A_38 : memref<100352xf32, #tpu.memory_space<hbm>>) target(%arg35 : memref<128xf32, #tpu.memory_space<vmem>>) offsets(%arg27 : memref<128xi32, #tpu.memory_space<vmem>>) semaphore(%run_scoped3A : memref<!tpu.dma_semaphore, #tpu.memory_space<semaphore_mem>>)
        %dma_wait3A = arith.constant 0 : i32
        %dma_wait3A_39 = tpu.memref_slice %arg6[%dma_wait3A] : memref<100352xf32, #tpu.memory_space<hbm>> -> memref<100352xf32, #tpu.memory_space<hbm>>
        tpu.wait_indirect_dma semaphore(%run_scoped3A : memref<!tpu.dma_semaphore, #tpu.memory_space<semaphore_mem>>) src(%dma_wait3A_39 : memref<100352xf32, #tpu.memory_space<hbm>>) dst(%arg35 : memref<128xf32, #tpu.memory_space<vmem>>)
        tpu.yield
      }) : () -> ()
      "tpu.region"() ({
        %run_scoped3A = tpu.sem_alloc : memref<!tpu.dma_semaphore, #tpu.memory_space<semaphore_mem>>
        %dma_start3A = arith.constant 0 : i32
        %dma_start3A_38 = tpu.memref_slice %arg7[%dma_start3A] : memref<100352xf32, #tpu.memory_space<hbm>> -> memref<100352xf32, #tpu.memory_space<hbm>>
        tpu.enqueue_indirect_dma source(%dma_start3A_38 : memref<100352xf32, #tpu.memory_space<hbm>>) target(%arg36 : memref<128xf32, #tpu.memory_space<vmem>>) offsets(%arg27 : memref<128xi32, #tpu.memory_space<vmem>>) semaphore(%run_scoped3A : memref<!tpu.dma_semaphore, #tpu.memory_space<semaphore_mem>>)
        %dma_wait3A = arith.constant 0 : i32
        %dma_wait3A_39 = tpu.memref_slice %arg7[%dma_wait3A] : memref<100352xf32, #tpu.memory_space<hbm>> -> memref<100352xf32, #tpu.memory_space<hbm>>
        tpu.wait_indirect_dma semaphore(%run_scoped3A : memref<!tpu.dma_semaphore, #tpu.memory_space<semaphore_mem>>) src(%dma_wait3A_39 : memref<100352xf32, #tpu.memory_space<hbm>>) dst(%arg36 : memref<128xf32, #tpu.memory_space<vmem>>)
        tpu.yield
      }) : () -> ()
      %scan3A_32 = arith.constant 0 : i32
      %scan3A_33 = arith.constant 8 : i32
      %scan3A_34 = arith.addi %scan3A_32, %scan3A_33 : i32
      %scan3A_35 = arith.constant 1 : i32
      %scan3A_36 = scf.for %scan3A_38 = %scan3A_32 to %scan3A_34 step %scan3A_35 iter_args(%scan3A_39 = %scan3A_28) -> (vector<16xf32>)  : i32 {
        %mul3A_40 = arith.constant 16 : i32
        %mul3A_41 = arith.muli %scan3A_38, %mul3A_40 : i32
        %get3A = arith.index_cast %mul3A_41 : i32 to index
        %get3A_42 = tpu.vector_load %arg28[%get3A] {strides = array<i32>} : memref<128xf32, #tpu.memory_space<vmem>>, vector<16xf32>,
        %get3A_43 = vector.shape_cast %get3A_42 : vector<16xf32> to vector<16xf32>
        %get3A_44 = arith.index_cast %mul3A_41 : i32 to index
        %get3A_45 = tpu.vector_load %arg29[%get3A_44] {strides = array<i32>} : memref<128xf32, #tpu.memory_space<vmem>>, vector<16xf32>,
        %get3A_46 = vector.shape_cast %get3A_45 : vector<16xf32> to vector<16xf32>
        %get3A_47 = arith.index_cast %mul3A_41 : i32 to index
        %get3A_48 = tpu.vector_load %arg30[%get3A_47] {strides = array<i32>} : memref<128xf32, #tpu.memory_space<vmem>>, vector<16xf32>,
        %get3A_49 = vector.shape_cast %get3A_48 : vector<16xf32> to vector<16xf32>
        %get3A_50 = arith.index_cast %mul3A_41 : i32 to index
        %get3A_51 = tpu.vector_load %arg31[%get3A_50] {strides = array<i32>} : memref<128xf32, #tpu.memory_space<vmem>>, vector<16xf32>,
        %get3A_52 = vector.shape_cast %get3A_51 : vector<16xf32> to vector<16xf32>
        %get3A_53 = arith.index_cast %mul3A_41 : i32 to index
        %get3A_54 = tpu.vector_load %arg32[%get3A_53] {strides = array<i32>} : memref<128xf32, #tpu.memory_space<vmem>>, vector<16xf32>,
        %get3A_55 = vector.shape_cast %get3A_54 : vector<16xf32> to vector<16xf32>
        %get3A_56 = arith.index_cast %mul3A_41 : i32 to index
        %get3A_57 = tpu.vector_load %arg33[%get3A_56] {strides = array<i32>} : memref<128xf32, #tpu.memory_space<vmem>>, vector<16xf32>,
        %get3A_58 = vector.shape_cast %get3A_57 : vector<16xf32> to vector<16xf32>
        %get3A_59 = arith.index_cast %mul3A_41 : i32 to index
        %get3A_60 = tpu.vector_load %arg34[%get3A_59] {strides = array<i32>} : memref<128xf32, #tpu.memory_space<vmem>>, vector<16xf32>,
        %get3A_61 = vector.shape_cast %get3A_60 : vector<16xf32> to vector<16xf32>
        %get3A_62 = arith.index_cast %mul3A_41 : i32 to index
        %get3A_63 = tpu.vector_load %arg35[%get3A_62] {strides = array<i32>} : memref<128xf32, #tpu.memory_space<vmem>>, vector<16xf32>,
        %get3A_64 = vector.shape_cast %get3A_63 : vector<16xf32> to vector<16xf32>
        %get3A_65 = arith.index_cast %mul3A_41 : i32 to index
        %get3A_66 = tpu.vector_load %arg36[%get3A_65] {strides = array<i32>} : memref<128xf32, #tpu.memory_space<vmem>>, vector<16xf32>,
        %get3A_67 = vector.shape_cast %get3A_66 : vector<16xf32> to vector<16xf32>
        %add3A_68 = arith.addf %get3A_52, %get3A_61 : vector<16xf32>
        %swap3A_69 = arith.index_cast %mul3A_41 : i32 to index
        %swap3A_70 = tpu.vector_load %arg37[%swap3A_69] {strides = array<i32>} : memref<128xf32, #tpu.memory_space<vmem>>, vector<16xf32>,
        %swap3A_71 = vector.shape_cast %swap3A_70 : vector<16xf32> to vector<16xf32>
        %swap3A_72 = vector.shape_cast %add3A_68 : vector<16xf32> to vector<16xf32>
        tpu.vector_store %arg37[%swap3A_69], %swap3A_72 {strides = array<i32>} : memref<128xf32, #tpu.memory_space<vmem>>, vector<16xf32>,
        %add3A_73 = arith.addf %get3A_55, %get3A_64 : vector<16xf32>
        %swap3A_74 = arith.index_cast %mul3A_41 : i32 to index
        %swap3A_75 = tpu.vector_load %arg38[%swap3A_74] {strides = array<i32>} : memref<128xf32, #tpu.memory_space<vmem>>, vector<16xf32>,
        %swap3A_76 = vector.shape_cast %swap3A_75 : vector<16xf32> to vector<16xf32>
        %swap3A_77 = vector.shape_cast %add3A_73 : vector<16xf32> to vector<16xf32>
        tpu.vector_store %arg38[%swap3A_74], %swap3A_77 {strides = array<i32>} : memref<128xf32, #tpu.memory_space<vmem>>, vector<16xf32>,
        %add3A_78 = arith.addf %get3A_58, %get3A_67 : vector<16xf32>
        %swap3A_79 = arith.index_cast %mul3A_41 : i32 to index
        %swap3A_80 = tpu.vector_load %arg39[%swap3A_79] {strides = array<i32>} : memref<128xf32, #tpu.memory_space<vmem>>, vector<16xf32>,
        %swap3A_81 = vector.shape_cast %swap3A_80 : vector<16xf32> to vector<16xf32>
        %swap3A_82 = vector.shape_cast %add3A_78 : vector<16xf32> to vector<16xf32>
        tpu.vector_store %arg39[%swap3A_79], %swap3A_82 {strides = array<i32>} : memref<128xf32, #tpu.memory_space<vmem>>, vector<16xf32>,
        %add3A_83 = arith.addf %get3A_61, %get3A_43 : vector<16xf32>
        %swap3A_84 = arith.index_cast %mul3A_41 : i32 to index
        %swap3A_85 = tpu.vector_load %arg40[%swap3A_84] {strides = array<i32>} : memref<128xf32, #tpu.memory_space<vmem>>, vector<16xf32>,
        %swap3A_86 = vector.shape_cast %swap3A_85 : vector<16xf32> to vector<16xf32>
        %swap3A_87 = vector.shape_cast %add3A_83 : vector<16xf32> to vector<16xf32>
        tpu.vector_store %arg40[%swap3A_84], %swap3A_87 {strides = array<i32>} : memref<128xf32, #tpu.memory_space<vmem>>, vector<16xf32>,
        %add3A_88 = arith.addf %get3A_64, %get3A_46 : vector<16xf32>
        %swap3A_89 = arith.index_cast %mul3A_41 : i32 to index
        %swap3A_90 = tpu.vector_load %arg41[%swap3A_89] {strides = array<i32>} : memref<128xf32, #tpu.memory_space<vmem>>, vector<16xf32>,
        %swap3A_91 = vector.shape_cast %swap3A_90 : vector<16xf32> to vector<16xf32>
        %swap3A_92 = vector.shape_cast %add3A_88 : vector<16xf32> to vector<16xf32>
        tpu.vector_store %arg41[%swap3A_89], %swap3A_92 {strides = array<i32>} : memref<128xf32, #tpu.memory_space<vmem>>, vector<16xf32>,
        %add3A_93 = arith.addf %get3A_67, %get3A_49 : vector<16xf32>
        %swap3A_94 = arith.index_cast %mul3A_41 : i32 to index
        %swap3A_95 = tpu.vector_load %arg42[%swap3A_94] {strides = array<i32>} : memref<128xf32, #tpu.memory_space<vmem>>, vector<16xf32>,
        %swap3A_96 = vector.shape_cast %swap3A_95 : vector<16xf32> to vector<16xf32>
        %swap3A_97 = vector.shape_cast %add3A_93 : vector<16xf32> to vector<16xf32>
        tpu.vector_store %arg42[%swap3A_94], %swap3A_97 {strides = array<i32>} : memref<128xf32, #tpu.memory_space<vmem>>, vector<16xf32>,
        %add3A_98 = arith.addf %get3A_43, %get3A_52 : vector<16xf32>
        %swap3A_99 = arith.index_cast %mul3A_41 : i32 to index
        %swap3A_100 = tpu.vector_load %arg43[%swap3A_99] {strides = array<i32>} : memref<128xf32, #tpu.memory_space<vmem>>, vector<16xf32>,
        %swap3A_101 = vector.shape_cast %swap3A_100 : vector<16xf32> to vector<16xf32>
        %swap3A_102 = vector.shape_cast %add3A_98 : vector<16xf32> to vector<16xf32>
        tpu.vector_store %arg43[%swap3A_99], %swap3A_102 {strides = array<i32>} : memref<128xf32, #tpu.memory_space<vmem>>, vector<16xf32>,
        %add3A_103 = arith.addf %get3A_46, %get3A_55 : vector<16xf32>
        %swap3A_104 = arith.index_cast %mul3A_41 : i32 to index
        %swap3A_105 = tpu.vector_load %arg44[%swap3A_104] {strides = array<i32>} : memref<128xf32, #tpu.memory_space<vmem>>, vector<16xf32>,
        %swap3A_106 = vector.shape_cast %swap3A_105 : vector<16xf32> to vector<16xf32>
        %swap3A_107 = vector.shape_cast %add3A_103 : vector<16xf32> to vector<16xf32>
        tpu.vector_store %arg44[%swap3A_104], %swap3A_107 {strides = array<i32>} : memref<128xf32, #tpu.memory_space<vmem>>, vector<16xf32>,
        %add3A_108 = arith.addf %get3A_49, %get3A_58 : vector<16xf32>
        %swap3A_109 = arith.index_cast %mul3A_41 : i32 to index
        %swap3A_110 = tpu.vector_load %arg45[%swap3A_109] {strides = array<i32>} : memref<128xf32, #tpu.memory_space<vmem>>, vector<16xf32>,
        %swap3A_111 = vector.shape_cast %swap3A_110 : vector<16xf32> to vector<16xf32>
        %swap3A_112 = vector.shape_cast %add3A_108 : vector<16xf32> to vector<16xf32>
        tpu.vector_store %arg45[%swap3A_109], %swap3A_112 {strides = array<i32>} : memref<128xf32, #tpu.memory_space<vmem>>, vector<16xf32>,
        %sub3A = arith.subf %get3A_52, %get3A_43 : vector<16xf32>
        %sub3A_113 = arith.subf %get3A_55, %get3A_46 : vector<16xf32>
        %sub3A_114 = arith.subf %get3A_58, %get3A_49 : vector<16xf32>
        %sub3A_115 = arith.subf %get3A_61, %get3A_43 : vector<16xf32>
        %sub3A_116 = arith.subf %get3A_64, %get3A_46 : vector<16xf32>
        %sub3A_117 = arith.subf %get3A_67, %get3A_49 : vector<16xf32>
        %mul3A_118 = arith.mulf %sub3A_113, %sub3A_117 : vector<16xf32>
        %mul3A_119 = arith.mulf %sub3A_114, %sub3A_116 : vector<16xf32>
        %sub3A_120 = arith.subf %mul3A_118, %mul3A_119 : vector<16xf32>
        %mul3A_121 = arith.mulf %sub3A_114, %sub3A_115 : vector<16xf32>
        %mul3A_122 = arith.mulf %sub3A, %sub3A_117 : vector<16xf32>
        %sub3A_123 = arith.subf %mul3A_121, %mul3A_122 : vector<16xf32>
        %mul3A_124 = arith.mulf %sub3A, %sub3A_116 : vector<16xf32>
        %mul3A_125 = arith.mulf %sub3A_113, %sub3A_115 : vector<16xf32>
        %sub3A_126 = arith.subf %mul3A_124, %mul3A_125 : vector<16xf32>
        %swap3A_127 = arith.index_cast %mul3A_41 : i32 to index
        %swap3A_128 = tpu.vector_load %arg46[%swap3A_127] {strides = array<i32>} : memref<128xf32, #tpu.memory_space<vmem>>, vector<16xf32>,
        %swap3A_129 = vector.shape_cast %swap3A_128 : vector<16xf32> to vector<16xf32>
        %swap3A_130 = vector.shape_cast %sub3A_120 : vector<16xf32> to vector<16xf32>
        tpu.vector_store %arg46[%swap3A_127], %swap3A_130 {strides = array<i32>} : memref<128xf32, #tpu.memory_space<vmem>>, vector<16xf32>,
        %swap3A_131 = arith.index_cast %mul3A_41 : i32 to index
        %swap3A_132 = tpu.vector_load %arg47[%swap3A_131] {strides = array<i32>} : memref<128xf32, #tpu.memory_space<vmem>>, vector<16xf32>,
        %swap3A_133 = vector.shape_cast %swap3A_132 : vector<16xf32> to vector<16xf32>
        %swap3A_134 = vector.shape_cast %sub3A_123 : vector<16xf32> to vector<16xf32>
        tpu.vector_store %arg47[%swap3A_131], %swap3A_134 {strides = array<i32>} : memref<128xf32, #tpu.memory_space<vmem>>, vector<16xf32>,
        %swap3A_135 = arith.index_cast %mul3A_41 : i32 to index
        %swap3A_136 = tpu.vector_load %arg48[%swap3A_135] {strides = array<i32>} : memref<128xf32, #tpu.memory_space<vmem>>, vector<16xf32>,
        %swap3A_137 = vector.shape_cast %swap3A_136 : vector<16xf32> to vector<16xf32>
        %swap3A_138 = vector.shape_cast %sub3A_126 : vector<16xf32> to vector<16xf32>
        tpu.vector_store %arg48[%swap3A_135], %swap3A_138 {strides = array<i32>} : memref<128xf32, #tpu.memory_space<vmem>>, vector<16xf32>,
        %mul3A_139 = arith.mulf %sub3A_120, %sub3A_120 : vector<16xf32>
        %mul3A_140 = arith.mulf %sub3A_123, %sub3A_123 : vector<16xf32>
        %add3A_141 = arith.addf %mul3A_139, %mul3A_140 : vector<16xf32>
        %mul3A_142 = arith.mulf %sub3A_126, %sub3A_126 : vector<16xf32>
        %add3A_143 = arith.addf %add3A_141, %mul3A_142 : vector<16xf32>
        %swap3A_144 = arith.index_cast %mul3A_41 : i32 to index
        %swap3A_145 = tpu.vector_load %arg49[%swap3A_144] {strides = array<i32>} : memref<128xf32, #tpu.memory_space<vmem>>, vector<16xf32>,
        %swap3A_146 = vector.shape_cast %swap3A_145 : vector<16xf32> to vector<16xf32>
        %swap3A_147 = vector.shape_cast %add3A_143 : vector<16xf32> to vector<16xf32>
        tpu.vector_store %arg49[%swap3A_144], %swap3A_147 {strides = array<i32>} : memref<128xf32, #tpu.memory_space<vmem>>, vector<16xf32>,
        %mul3A_148 = arith.mulf %sub3A, %sub3A : vector<16xf32>
        %mul3A_149 = arith.mulf %sub3A_113, %sub3A_113 : vector<16xf32>
        %add3A_150 = arith.addf %mul3A_148, %mul3A_149 : vector<16xf32>
        %mul3A_151 = arith.mulf %sub3A_114, %sub3A_114 : vector<16xf32>
        %add3A_152 = arith.addf %add3A_150, %mul3A_151 : vector<16xf32>
        %sub3A_153 = arith.subf %get3A_61, %get3A_52 : vector<16xf32>
        %sub3A_154 = arith.subf %get3A_64, %get3A_55 : vector<16xf32>
        %sub3A_155 = arith.subf %get3A_67, %get3A_58 : vector<16xf32>
        %mul3A_156 = arith.mulf %sub3A_153, %sub3A_153 : vector<16xf32>
        %mul3A_157 = arith.mulf %sub3A_154, %sub3A_154 : vector<16xf32>
        %add3A_158 = arith.addf %mul3A_156, %mul3A_157 : vector<16xf32>
        %mul3A_159 = arith.mulf %sub3A_155, %sub3A_155 : vector<16xf32>
        %add3A_160 = arith.addf %add3A_158, %mul3A_159 : vector<16xf32>
        %mul3A_161 = arith.mulf %sub3A_115, %sub3A_115 : vector<16xf32>
        %mul3A_162 = arith.mulf %sub3A_116, %sub3A_116 : vector<16xf32>
        %add3A_163 = arith.addf %mul3A_161, %mul3A_162 : vector<16xf32>
        %mul3A_164 = arith.mulf %sub3A_117, %sub3A_117 : vector<16xf32>
        %add3A_165 = arith.addf %add3A_163, %mul3A_164 : vector<16xf32>
        %add3A_166 = arith.addf %scan3A_39, %add3A_152 : vector<16xf32>
        %add3A_167 = arith.addf %add3A_166, %add3A_160 : vector<16xf32>
        %add3A_168 = arith.addf %add3A_167, %add3A_165 : vector<16xf32>
        scf.yield %add3A_168 : vector<16xf32>
      }
      %scan3A_37 = arith.constant 8 : i32
      "tpu.region"() ({
        %run_scoped3A = tpu.sem_alloc : memref<!tpu.dma_semaphore, #tpu.memory_space<semaphore_mem>>
        %dma_start3A = arith.constant 0 : i32
        %dma_start3A_38 = tpu.memref_slice %arg52[%dma_start3A] : memref<100352xf32, #tpu.memory_space<vmem_shared>> -> memref<100352xf32, #tpu.memory_space<vmem_shared>>
        tpu.enqueue_indirect_dma source(%arg37 : memref<128xf32, #tpu.memory_space<vmem>>) target(%dma_start3A_38 : memref<100352xf32, #tpu.memory_space<vmem_shared>>) offsets(%arg25 : memref<128xi32, #tpu.memory_space<vmem>>) semaphore(%run_scoped3A : memref<!tpu.dma_semaphore, #tpu.memory_space<semaphore_mem>>) {add = true}
        %dma_wait3A = arith.constant 0 : i32
        %dma_wait3A_39 = tpu.memref_slice %arg52[%dma_wait3A] : memref<100352xf32, #tpu.memory_space<vmem_shared>> -> memref<100352xf32, #tpu.memory_space<vmem_shared>>
        tpu.wait_indirect_dma semaphore(%run_scoped3A : memref<!tpu.dma_semaphore, #tpu.memory_space<semaphore_mem>>) src(%arg37 : memref<128xf32, #tpu.memory_space<vmem>>) dst(%dma_wait3A_39 : memref<100352xf32, #tpu.memory_space<vmem_shared>>)
        tpu.yield
      }) : () -> ()
      "tpu.region"() ({
        %run_scoped3A = tpu.sem_alloc : memref<!tpu.dma_semaphore, #tpu.memory_space<semaphore_mem>>
        %dma_start3A = arith.constant 0 : i32
        %dma_start3A_38 = tpu.memref_slice %arg53[%dma_start3A] : memref<100352xf32, #tpu.memory_space<vmem_shared>> -> memref<100352xf32, #tpu.memory_space<vmem_shared>>
        tpu.enqueue_indirect_dma source(%arg38 : memref<128xf32, #tpu.memory_space<vmem>>) target(%dma_start3A_38 : memref<100352xf32, #tpu.memory_space<vmem_shared>>) offsets(%arg25 : memref<128xi32, #tpu.memory_space<vmem>>) semaphore(%run_scoped3A : memref<!tpu.dma_semaphore, #tpu.memory_space<semaphore_mem>>) {add = true}
        %dma_wait3A = arith.constant 0 : i32
        %dma_wait3A_39 = tpu.memref_slice %arg53[%dma_wait3A] : memref<100352xf32, #tpu.memory_space<vmem_shared>> -> memref<100352xf32, #tpu.memory_space<vmem_shared>>
        tpu.wait_indirect_dma semaphore(%run_scoped3A : memref<!tpu.dma_semaphore, #tpu.memory_space<semaphore_mem>>) src(%arg38 : memref<128xf32, #tpu.memory_space<vmem>>) dst(%dma_wait3A_39 : memref<100352xf32, #tpu.memory_space<vmem_shared>>)
        tpu.yield
      }) : () -> ()
      "tpu.region"() ({
        %run_scoped3A = tpu.sem_alloc : memref<!tpu.dma_semaphore, #tpu.memory_space<semaphore_mem>>
        %dma_start3A = arith.constant 0 : i32
        %dma_start3A_38 = tpu.memref_slice %arg54[%dma_start3A] : memref<100352xf32, #tpu.memory_space<vmem_shared>> -> memref<100352xf32, #tpu.memory_space<vmem_shared>>
        tpu.enqueue_indirect_dma source(%arg39 : memref<128xf32, #tpu.memory_space<vmem>>) target(%dma_start3A_38 : memref<100352xf32, #tpu.memory_space<vmem_shared>>) offsets(%arg25 : memref<128xi32, #tpu.memory_space<vmem>>) semaphore(%run_scoped3A : memref<!tpu.dma_semaphore, #tpu.memory_space<semaphore_mem>>) {add = true}
        %dma_wait3A = arith.constant 0 : i32
        %dma_wait3A_39 = tpu.memref_slice %arg54[%dma_wait3A] : memref<100352xf32, #tpu.memory_space<vmem_shared>> -> memref<100352xf32, #tpu.memory_space<vmem_shared>>
        tpu.wait_indirect_dma semaphore(%run_scoped3A : memref<!tpu.dma_semaphore, #tpu.memory_space<semaphore_mem>>) src(%arg39 : memref<128xf32, #tpu.memory_space<vmem>>) dst(%dma_wait3A_39 : memref<100352xf32, #tpu.memory_space<vmem_shared>>)
        tpu.yield
      }) : () -> ()
      "tpu.region"() ({
        %run_scoped3A = tpu.sem_alloc : memref<!tpu.dma_semaphore, #tpu.memory_space<semaphore_mem>>
        %dma_start3A = arith.constant 0 : i32
        %dma_start3A_38 = tpu.memref_slice %arg55[%dma_start3A] : memref<100352xf32, #tpu.memory_space<vmem_shared>> -> memref<100352xf32, #tpu.memory_space<vmem_shared>>
        tpu.enqueue_indirect_dma source(%arg51 : memref<128xf32, #tpu.memory_space<vmem>>) target(%dma_start3A_38 : memref<100352xf32, #tpu.memory_space<vmem_shared>>) offsets(%arg25 : memref<128xi32, #tpu.memory_space<vmem>>) semaphore(%run_scoped3A : memref<!tpu.dma_semaphore, #tpu.memory_space<semaphore_mem>>) {add = true}
        %dma_wait3A = arith.constant 0 : i32
        %dma_wait3A_39 = tpu.memref_slice %arg55[%dma_wait3A] : memref<100352xf32, #tpu.memory_space<vmem_shared>> -> memref<100352xf32, #tpu.memory_space<vmem_shared>>
        tpu.wait_indirect_dma semaphore(%run_scoped3A : memref<!tpu.dma_semaphore, #tpu.memory_space<semaphore_mem>>) src(%arg51 : memref<128xf32, #tpu.memory_space<vmem>>) dst(%dma_wait3A_39 : memref<100352xf32, #tpu.memory_space<vmem_shared>>)
        tpu.yield
      }) : () -> ()
      "tpu.region"() ({
        %run_scoped3A = tpu.sem_alloc : memref<!tpu.dma_semaphore, #tpu.memory_space<semaphore_mem>>
        %dma_start3A = arith.constant 0 : i32
        %dma_start3A_38 = tpu.memref_slice %arg52[%dma_start3A] : memref<100352xf32, #tpu.memory_space<vmem_shared>> -> memref<100352xf32, #tpu.memory_space<vmem_shared>>
        tpu.enqueue_indirect_dma source(%arg40 : memref<128xf32, #tpu.memory_space<vmem>>) target(%dma_start3A_38 : memref<100352xf32, #tpu.memory_space<vmem_shared>>) offsets(%arg26 : memref<128xi32, #tpu.memory_space<vmem>>) semaphore(%run_scoped3A : memref<!tpu.dma_semaphore, #tpu.memory_space<semaphore_mem>>) {add = true}
        %dma_wait3A = arith.constant 0 : i32
        %dma_wait3A_39 = tpu.memref_slice %arg52[%dma_wait3A] : memref<100352xf32, #tpu.memory_space<vmem_shared>> -> memref<100352xf32, #tpu.memory_space<vmem_shared>>
        tpu.wait_indirect_dma semaphore(%run_scoped3A : memref<!tpu.dma_semaphore, #tpu.memory_space<semaphore_mem>>) src(%arg40 : memref<128xf32, #tpu.memory_space<vmem>>) dst(%dma_wait3A_39 : memref<100352xf32, #tpu.memory_space<vmem_shared>>)
        tpu.yield
      }) : () -> ()
      "tpu.region"() ({
        %run_scoped3A = tpu.sem_alloc : memref<!tpu.dma_semaphore, #tpu.memory_space<semaphore_mem>>
        %dma_start3A = arith.constant 0 : i32
        %dma_start3A_38 = tpu.memref_slice %arg53[%dma_start3A] : memref<100352xf32, #tpu.memory_space<vmem_shared>> -> memref<100352xf32, #tpu.memory_space<vmem_shared>>
        tpu.enqueue_indirect_dma source(%arg41 : memref<128xf32, #tpu.memory_space<vmem>>) target(%dma_start3A_38 : memref<100352xf32, #tpu.memory_space<vmem_shared>>) offsets(%arg26 : memref<128xi32, #tpu.memory_space<vmem>>) semaphore(%run_scoped3A : memref<!tpu.dma_semaphore, #tpu.memory_space<semaphore_mem>>) {add = true}
        %dma_wait3A = arith.constant 0 : i32
        %dma_wait3A_39 = tpu.memref_slice %arg53[%dma_wait3A] : memref<100352xf32, #tpu.memory_space<vmem_shared>> -> memref<100352xf32, #tpu.memory_space<vmem_shared>>
        tpu.wait_indirect_dma semaphore(%run_scoped3A : memref<!tpu.dma_semaphore, #tpu.memory_space<semaphore_mem>>) src(%arg41 : memref<128xf32, #tpu.memory_space<vmem>>) dst(%dma_wait3A_39 : memref<100352xf32, #tpu.memory_space<vmem_shared>>)
        tpu.yield
      }) : () -> ()
      "tpu.region"() ({
        %run_scoped3A = tpu.sem_alloc : memref<!tpu.dma_semaphore, #tpu.memory_space<semaphore_mem>>
        %dma_start3A = arith.constant 0 : i32
        %dma_start3A_38 = tpu.memref_slice %arg54[%dma_start3A] : memref<100352xf32, #tpu.memory_space<vmem_shared>> -> memref<100352xf32, #tpu.memory_space<vmem_shared>>
        tpu.enqueue_indirect_dma source(%arg42 : memref<128xf32, #tpu.memory_space<vmem>>) target(%dma_start3A_38 : memref<100352xf32, #tpu.memory_space<vmem_shared>>) offsets(%arg26 : memref<128xi32, #tpu.memory_space<vmem>>) semaphore(%run_scoped3A : memref<!tpu.dma_semaphore, #tpu.memory_space<semaphore_mem>>) {add = true}
        %dma_wait3A = arith.constant 0 : i32
        %dma_wait3A_39 = tpu.memref_slice %arg54[%dma_wait3A] : memref<100352xf32, #tpu.memory_space<vmem_shared>> -> memref<100352xf32, #tpu.memory_space<vmem_shared>>
        tpu.wait_indirect_dma semaphore(%run_scoped3A : memref<!tpu.dma_semaphore, #tpu.memory_space<semaphore_mem>>) src(%arg42 : memref<128xf32, #tpu.memory_space<vmem>>) dst(%dma_wait3A_39 : memref<100352xf32, #tpu.memory_space<vmem_shared>>)
        tpu.yield
      }) : () -> ()
      "tpu.region"() ({
        %run_scoped3A = tpu.sem_alloc : memref<!tpu.dma_semaphore, #tpu.memory_space<semaphore_mem>>
        %dma_start3A = arith.constant 0 : i32
        %dma_start3A_38 = tpu.memref_slice %arg55[%dma_start3A] : memref<100352xf32, #tpu.memory_space<vmem_shared>> -> memref<100352xf32, #tpu.memory_space<vmem_shared>>
        tpu.enqueue_indirect_dma source(%arg51 : memref<128xf32, #tpu.memory_space<vmem>>) target(%dma_start3A_38 : memref<100352xf32, #tpu.memory_space<vmem_shared>>) offsets(%arg26 : memref<128xi32, #tpu.memory_space<vmem>>) semaphore(%run_scoped3A : memref<!tpu.dma_semaphore, #tpu.memory_space<semaphore_mem>>) {add = true}
        %dma_wait3A = arith.constant 0 : i32
        %dma_wait3A_39 = tpu.memref_slice %arg55[%dma_wait3A] : memref<100352xf32, #tpu.memory_space<vmem_shared>> -> memref<100352xf32, #tpu.memory_space<vmem_shared>>
        tpu.wait_indirect_dma semaphore(%run_scoped3A : memref<!tpu.dma_semaphore, #tpu.memory_space<semaphore_mem>>) src(%arg51 : memref<128xf32, #tpu.memory_space<vmem>>) dst(%dma_wait3A_39 : memref<100352xf32, #tpu.memory_space<vmem_shared>>)
        tpu.yield
      }) : () -> ()
      "tpu.region"() ({
        %run_scoped3A = tpu.sem_alloc : memref<!tpu.dma_semaphore, #tpu.memory_space<semaphore_mem>>
        %dma_start3A = arith.constant 0 : i32
        %dma_start3A_38 = tpu.memref_slice %arg52[%dma_start3A] : memref<100352xf32, #tpu.memory_space<vmem_shared>> -> memref<100352xf32, #tpu.memory_space<vmem_shared>>
        tpu.enqueue_indirect_dma source(%arg43 : memref<128xf32, #tpu.memory_space<vmem>>) target(%dma_start3A_38 : memref<100352xf32, #tpu.memory_space<vmem_shared>>) offsets(%arg27 : memref<128xi32, #tpu.memory_space<vmem>>) semaphore(%run_scoped3A : memref<!tpu.dma_semaphore, #tpu.memory_space<semaphore_mem>>) {add = true}
        %dma_wait3A = arith.constant 0 : i32
        %dma_wait3A_39 = tpu.memref_slice %arg52[%dma_wait3A] : memref<100352xf32, #tpu.memory_space<vmem_shared>> -> memref<100352xf32, #tpu.memory_space<vmem_shared>>
        tpu.wait_indirect_dma semaphore(%run_scoped3A : memref<!tpu.dma_semaphore, #tpu.memory_space<semaphore_mem>>) src(%arg43 : memref<128xf32, #tpu.memory_space<vmem>>) dst(%dma_wait3A_39 : memref<100352xf32, #tpu.memory_space<vmem_shared>>)
        tpu.yield
      }) : () -> ()
      "tpu.region"() ({
        %run_scoped3A = tpu.sem_alloc : memref<!tpu.dma_semaphore, #tpu.memory_space<semaphore_mem>>
        %dma_start3A = arith.constant 0 : i32
        %dma_start3A_38 = tpu.memref_slice %arg53[%dma_start3A] : memref<100352xf32, #tpu.memory_space<vmem_shared>> -> memref<100352xf32, #tpu.memory_space<vmem_shared>>
        tpu.enqueue_indirect_dma source(%arg44 : memref<128xf32, #tpu.memory_space<vmem>>) target(%dma_start3A_38 : memref<100352xf32, #tpu.memory_space<vmem_shared>>) offsets(%arg27 : memref<128xi32, #tpu.memory_space<vmem>>) semaphore(%run_scoped3A : memref<!tpu.dma_semaphore, #tpu.memory_space<semaphore_mem>>) {add = true}
        %dma_wait3A = arith.constant 0 : i32
        %dma_wait3A_39 = tpu.memref_slice %arg53[%dma_wait3A] : memref<100352xf32, #tpu.memory_space<vmem_shared>> -> memref<100352xf32, #tpu.memory_space<vmem_shared>>
        tpu.wait_indirect_dma semaphore(%run_scoped3A : memref<!tpu.dma_semaphore, #tpu.memory_space<semaphore_mem>>) src(%arg44 : memref<128xf32, #tpu.memory_space<vmem>>) dst(%dma_wait3A_39 : memref<100352xf32, #tpu.memory_space<vmem_shared>>)
        tpu.yield
      }) : () -> ()
      "tpu.region"() ({
        %run_scoped3A = tpu.sem_alloc : memref<!tpu.dma_semaphore, #tpu.memory_space<semaphore_mem>>
        %dma_start3A = arith.constant 0 : i32
        %dma_start3A_38 = tpu.memref_slice %arg54[%dma_start3A] : memref<100352xf32, #tpu.memory_space<vmem_shared>> -> memref<100352xf32, #tpu.memory_space<vmem_shared>>
        tpu.enqueue_indirect_dma source(%arg45 : memref<128xf32, #tpu.memory_space<vmem>>) target(%dma_start3A_38 : memref<100352xf32, #tpu.memory_space<vmem_shared>>) offsets(%arg27 : memref<128xi32, #tpu.memory_space<vmem>>) semaphore(%run_scoped3A : memref<!tpu.dma_semaphore, #tpu.memory_space<semaphore_mem>>) {add = true}
        %dma_wait3A = arith.constant 0 : i32
        %dma_wait3A_39 = tpu.memref_slice %arg54[%dma_wait3A] : memref<100352xf32, #tpu.memory_space<vmem_shared>> -> memref<100352xf32, #tpu.memory_space<vmem_shared>>
        tpu.wait_indirect_dma semaphore(%run_scoped3A : memref<!tpu.dma_semaphore, #tpu.memory_space<semaphore_mem>>) src(%arg45 : memref<128xf32, #tpu.memory_space<vmem>>) dst(%dma_wait3A_39 : memref<100352xf32, #tpu.memory_space<vmem_shared>>)
        tpu.yield
      }) : () -> ()
      "tpu.region"() ({
        %run_scoped3A = tpu.sem_alloc : memref<!tpu.dma_semaphore, #tpu.memory_space<semaphore_mem>>
        %dma_start3A = arith.constant 0 : i32
        %dma_start3A_38 = tpu.memref_slice %arg55[%dma_start3A] : memref<100352xf32, #tpu.memory_space<vmem_shared>> -> memref<100352xf32, #tpu.memory_space<vmem_shared>>
        tpu.enqueue_indirect_dma source(%arg51 : memref<128xf32, #tpu.memory_space<vmem>>) target(%dma_start3A_38 : memref<100352xf32, #tpu.memory_space<vmem_shared>>) offsets(%arg27 : memref<128xi32, #tpu.memory_space<vmem>>) semaphore(%run_scoped3A : memref<!tpu.dma_semaphore, #tpu.memory_space<semaphore_mem>>) {add = true}
        %dma_wait3A = arith.constant 0 : i32
        %dma_wait3A_39 = tpu.memref_slice %arg55[%dma_wait3A] : memref<100352xf32, #tpu.memory_space<vmem_shared>> -> memref<100352xf32, #tpu.memory_space<vmem_shared>>
        tpu.wait_indirect_dma semaphore(%run_scoped3A : memref<!tpu.dma_semaphore, #tpu.memory_space<semaphore_mem>>) src(%arg51 : memref<128xf32, #tpu.memory_space<vmem>>) dst(%dma_wait3A_39 : memref<100352xf32, #tpu.memory_space<vmem_shared>>)
        tpu.yield
      }) : () -> ()
      "tpu.region"() ({
        %run_scoped3A = tpu.sem_alloc : memref<!tpu.dma_semaphore, #tpu.memory_space<semaphore_mem>>
        %dma_start3A = tpu.memref_slice %arg15[%add3A_31] : memref<200704xf32, #tpu.memory_space<hbm>> -> memref<128xf32, #tpu.memory_space<hbm>>
        %dma_start3A_38 = tpu.memref_slice %arg15[%add3A_31] : memref<200704xf32, #tpu.memory_space<hbm>> -> memref<128xf32, #tpu.memory_space<hbm>>
        tpu.enqueue_dma source(%arg46 : memref<128xf32, #tpu.memory_space<vmem>>) target(%dma_start3A_38 : memref<128xf32, #tpu.memory_space<hbm>>) target_semaphore(%run_scoped3A : memref<!tpu.dma_semaphore, #tpu.memory_space<semaphore_mem>>)
        %dma_wait3A = tpu.memref_slice %arg15[%add3A_31] : memref<200704xf32, #tpu.memory_space<hbm>> -> memref<128xf32, #tpu.memory_space<hbm>>
        %dma_wait3A_39 = tpu.memref_slice %arg15[%add3A_31] : memref<200704xf32, #tpu.memory_space<hbm>> -> memref<128xf32, #tpu.memory_space<hbm>>
        tpu.wait_dma2 semaphore(%run_scoped3A : memref<!tpu.dma_semaphore, #tpu.memory_space<semaphore_mem>>) src(%arg46 : memref<128xf32, #tpu.memory_space<vmem>>) dst(%dma_wait3A_39 : memref<128xf32, #tpu.memory_space<hbm>>)
        tpu.yield
      }) : () -> ()
      "tpu.region"() ({
        %run_scoped3A = tpu.sem_alloc : memref<!tpu.dma_semaphore, #tpu.memory_space<semaphore_mem>>
        %dma_start3A = tpu.memref_slice %arg16[%add3A_31] : memref<200704xf32, #tpu.memory_space<hbm>> -> memref<128xf32, #tpu.memory_space<hbm>>
        %dma_start3A_38 = tpu.memref_slice %arg16[%add3A_31] : memref<200704xf32, #tpu.memory_space<hbm>> -> memref<128xf32, #tpu.memory_space<hbm>>
        tpu.enqueue_dma source(%arg47 : memref<128xf32, #tpu.memory_space<vmem>>) target(%dma_start3A_38 : memref<128xf32, #tpu.memory_space<hbm>>) target_semaphore(%run_scoped3A : memref<!tpu.dma_semaphore, #tpu.memory_space<semaphore_mem>>)
        %dma_wait3A = tpu.memref_slice %arg16[%add3A_31] : memref<200704xf32, #tpu.memory_space<hbm>> -> memref<128xf32, #tpu.memory_space<hbm>>
        %dma_wait3A_39 = tpu.memref_slice %arg16[%add3A_31] : memref<200704xf32, #tpu.memory_space<hbm>> -> memref<128xf32, #tpu.memory_space<hbm>>
        tpu.wait_dma2 semaphore(%run_scoped3A : memref<!tpu.dma_semaphore, #tpu.memory_space<semaphore_mem>>) src(%arg47 : memref<128xf32, #tpu.memory_space<vmem>>) dst(%dma_wait3A_39 : memref<128xf32, #tpu.memory_space<hbm>>)
        tpu.yield
      }) : () -> ()
      "tpu.region"() ({
        %run_scoped3A = tpu.sem_alloc : memref<!tpu.dma_semaphore, #tpu.memory_space<semaphore_mem>>
        %dma_start3A = tpu.memref_slice %arg17[%add3A_31] : memref<200704xf32, #tpu.memory_space<hbm>> -> memref<128xf32, #tpu.memory_space<hbm>>
        %dma_start3A_38 = tpu.memref_slice %arg17[%add3A_31] : memref<200704xf32, #tpu.memory_space<hbm>> -> memref<128xf32, #tpu.memory_space<hbm>>
        tpu.enqueue_dma source(%arg48 : memref<128xf32, #tpu.memory_space<vmem>>) target(%dma_start3A_38 : memref<128xf32, #tpu.memory_space<hbm>>) target_semaphore(%run_scoped3A : memref<!tpu.dma_semaphore, #tpu.memory_space<semaphore_mem>>)
        %dma_wait3A = tpu.memref_slice %arg17[%add3A_31] : memref<200704xf32, #tpu.memory_space<hbm>> -> memref<128xf32, #tpu.memory_space<hbm>>
        %dma_wait3A_39 = tpu.memref_slice %arg17[%add3A_31] : memref<200704xf32, #tpu.memory_space<hbm>> -> memref<128xf32, #tpu.memory_space<hbm>>
        tpu.wait_dma2 semaphore(%run_scoped3A : memref<!tpu.dma_semaphore, #tpu.memory_space<semaphore_mem>>) src(%arg48 : memref<128xf32, #tpu.memory_space<vmem>>) dst(%dma_wait3A_39 : memref<128xf32, #tpu.memory_space<hbm>>)
        tpu.yield
      }) : () -> ()
      "tpu.region"() ({
        %run_scoped3A = tpu.sem_alloc : memref<!tpu.dma_semaphore, #tpu.memory_space<semaphore_mem>>
        %dma_start3A = tpu.memref_slice %arg18[%add3A_31] : memref<200704xf32, #tpu.memory_space<hbm>> -> memref<128xf32, #tpu.memory_space<hbm>>
        %dma_start3A_38 = tpu.memref_slice %arg18[%add3A_31] : memref<200704xf32, #tpu.memory_space<hbm>> -> memref<128xf32, #tpu.memory_space<hbm>>
        tpu.enqueue_dma source(%arg49 : memref<128xf32, #tpu.memory_space<vmem>>) target(%dma_start3A_38 : memref<128xf32, #tpu.memory_space<hbm>>) target_semaphore(%run_scoped3A : memref<!tpu.dma_semaphore, #tpu.memory_space<semaphore_mem>>)
        %dma_wait3A = tpu.memref_slice %arg18[%add3A_31] : memref<200704xf32, #tpu.memory_space<hbm>> -> memref<128xf32, #tpu.memory_space<hbm>>
        %dma_wait3A_39 = tpu.memref_slice %arg18[%add3A_31] : memref<200704xf32, #tpu.memory_space<hbm>> -> memref<128xf32, #tpu.memory_space<hbm>>
        tpu.wait_dma2 semaphore(%run_scoped3A : memref<!tpu.dma_semaphore, #tpu.memory_space<semaphore_mem>>) src(%arg49 : memref<128xf32, #tpu.memory_space<vmem>>) dst(%dma_wait3A_39 : memref<128xf32, #tpu.memory_space<hbm>>)
        tpu.yield
      }) : () -> ()
      scf.yield %scan3A_36 : vector<16xf32>
    }
    %scan3A_16 = arith.constant 49 : i32
    %swap3A = arith.constant 0 : index
    %swap3A_17 = tpu.vector_load %arg50[%swap3A] {strides = array<i32>} : memref<16xf32, #tpu.memory_space<vmem>>, vector<16xf32>,
    %swap3A_18 = vector.shape_cast %swap3A_17 : vector<16xf32> to vector<16xf32>
    %swap3A_19 = vector.shape_cast %scan3A_15 : vector<16xf32> to vector<16xf32>
    tpu.vector_store %arg50[%swap3A], %swap3A_19 {strides = array<i32>} : memref<16xf32, #tpu.memory_space<vmem>>, vector<16xf32>,
    "tpu.region"() ({
      %run_scoped3A = tpu.sem_alloc : memref<!tpu.dma_semaphore, #tpu.memory_space<semaphore_mem>>
      %dma_start3A = arith.constant 0 : i32
      %dma_start3A_27 = tpu.memref_slice %arg24[%add3A, %dma_start3A] : memref<32x16xf32, #tpu.memory_space<hbm>> -> memref<1x16xf32, #tpu.memory_space<hbm>>
      %dma_start3A_28 = tpu.memref_squeeze %dma_start3A_27 : memref<1x16xf32, #tpu.memory_space<hbm>> -> memref<16xf32, #tpu.memory_space<hbm>>
      %dma_start3A_29 = arith.constant 0 : i32
      %dma_start3A_30 = tpu.memref_slice %arg24[%add3A, %dma_start3A_29] : memref<32x16xf32, #tpu.memory_space<hbm>> -> memref<1x16xf32, #tpu.memory_space<hbm>>
      %dma_start3A_31 = tpu.memref_squeeze %dma_start3A_30 : memref<1x16xf32, #tpu.memory_space<hbm>> -> memref<16xf32, #tpu.memory_space<hbm>>
      tpu.enqueue_dma source(%arg50 : memref<16xf32, #tpu.memory_space<vmem>>) target(%dma_start3A_31 : memref<16xf32, #tpu.memory_space<hbm>>) target_semaphore(%run_scoped3A : memref<!tpu.dma_semaphore, #tpu.memory_space<semaphore_mem>>)
      %dma_wait3A = arith.constant 0 : i32
      %dma_wait3A_32 = tpu.memref_slice %arg24[%add3A, %dma_wait3A] : memref<32x16xf32, #tpu.memory_space<hbm>> -> memref<1x16xf32, #tpu.memory_space<hbm>>
      %dma_wait3A_33 = tpu.memref_squeeze %dma_wait3A_32 : memref<1x16xf32, #tpu.memory_space<hbm>> -> memref<16xf32, #tpu.memory_space<hbm>>
      %dma_wait3A_34 = arith.constant 0 : i32
      %dma_wait3A_35 = tpu.memref_slice %arg24[%add3A, %dma_wait3A_34] : memref<32x16xf32, #tpu.memory_space<hbm>> -> memref<1x16xf32, #tpu.memory_space<hbm>>
      %dma_wait3A_36 = tpu.memref_squeeze %dma_wait3A_35 : memref<1x16xf32, #tpu.memory_space<hbm>> -> memref<16xf32, #tpu.memory_space<hbm>>
      tpu.wait_dma2 semaphore(%run_scoped3A : memref<!tpu.dma_semaphore, #tpu.memory_space<semaphore_mem>>) src(%arg50 : memref<16xf32, #tpu.memory_space<vmem>>) dst(%dma_wait3A_36 : memref<16xf32, #tpu.memory_space<hbm>>)
      tpu.yield
    }) : () -> ()
    %scan3A_20 = arith.constant 0 : i32
    %scan3A_21 = arith.constant 0 : i32
    %scan3A_22 = arith.constant 49 : i32
    %scan3A_23 = arith.addi %scan3A_21, %scan3A_22 : i32
    %scan3A_24 = arith.constant 1 : i32
    scf.for %scan3A_27 = %scan3A_21 to %scan3A_23 step %scan3A_24  : i32 {
      %mul3A_28 = arith.constant 128 : i32
      %mul3A_29 = arith.muli %scan3A_27, %mul3A_28 : i32
      %add3A_30 = arith.addi %mul3A_2, %mul3A_29 : i32
      "tpu.region"() ({
        %run_scoped3A = tpu.sem_alloc : memref<!tpu.dma_semaphore, #tpu.memory_space<semaphore_mem>>
        %dma_start3A = tpu.memref_slice %arg8[%add3A_30] : memref<200704xi32, #tpu.memory_space<hbm>> -> memref<128xi32, #tpu.memory_space<hbm>>
        %dma_start3A_37 = tpu.memref_slice %arg8[%add3A_30] : memref<200704xi32, #tpu.memory_space<hbm>> -> memref<128xi32, #tpu.memory_space<hbm>>
        tpu.enqueue_dma source(%dma_start3A_37 : memref<128xi32, #tpu.memory_space<hbm>>) target(%arg25 : memref<128xi32, #tpu.memory_space<vmem>>) target_semaphore(%run_scoped3A : memref<!tpu.dma_semaphore, #tpu.memory_space<semaphore_mem>>)
        %dma_wait3A = tpu.memref_slice %arg8[%add3A_30] : memref<200704xi32, #tpu.memory_space<hbm>> -> memref<128xi32, #tpu.memory_space<hbm>>
        %dma_wait3A_38 = tpu.memref_slice %arg8[%add3A_30] : memref<200704xi32, #tpu.memory_space<hbm>> -> memref<128xi32, #tpu.memory_space<hbm>>
        tpu.wait_dma2 semaphore(%run_scoped3A : memref<!tpu.dma_semaphore, #tpu.memory_space<semaphore_mem>>) src(%dma_wait3A_38 : memref<128xi32, #tpu.memory_space<hbm>>) dst(%arg25 : memref<128xi32, #tpu.memory_space<vmem>>)
        tpu.yield
      }) : () -> ()
      "tpu.region"() ({
        %run_scoped3A = tpu.sem_alloc : memref<!tpu.dma_semaphore, #tpu.memory_space<semaphore_mem>>
        %dma_start3A = tpu.memref_slice %arg9[%add3A_30] : memref<200704xi32, #tpu.memory_space<hbm>> -> memref<128xi32, #tpu.memory_space<hbm>>
        %dma_start3A_37 = tpu.memref_slice %arg9[%add3A_30] : memref<200704xi32, #tpu.memory_space<hbm>> -> memref<128xi32, #tpu.memory_space<hbm>>
        tpu.enqueue_dma source(%dma_start3A_37 : memref<128xi32, #tpu.memory_space<hbm>>) target(%arg26 : memref<128xi32, #tpu.memory_space<vmem>>) target_semaphore(%run_scoped3A : memref<!tpu.dma_semaphore, #tpu.memory_space<semaphore_mem>>)
        %dma_wait3A = tpu.memref_slice %arg9[%add3A_30] : memref<200704xi32, #tpu.memory_space<hbm>> -> memref<128xi32, #tpu.memory_space<hbm>>
        %dma_wait3A_38 = tpu.memref_slice %arg9[%add3A_30] : memref<200704xi32, #tpu.memory_space<hbm>> -> memref<128xi32, #tpu.memory_space<hbm>>
        tpu.wait_dma2 semaphore(%run_scoped3A : memref<!tpu.dma_semaphore, #tpu.memory_space<semaphore_mem>>) src(%dma_wait3A_38 : memref<128xi32, #tpu.memory_space<hbm>>) dst(%arg26 : memref<128xi32, #tpu.memory_space<vmem>>)
        tpu.yield
      }) : () -> ()
      "tpu.region"() ({
        %run_scoped3A = tpu.sem_alloc : memref<!tpu.dma_semaphore, #tpu.memory_space<semaphore_mem>>
        %dma_start3A = tpu.memref_slice %arg10[%add3A_30] : memref<200704xi32, #tpu.memory_space<hbm>> -> memref<128xi32, #tpu.memory_space<hbm>>
        %dma_start3A_37 = tpu.memref_slice %arg10[%add3A_30] : memref<200704xi32, #tpu.memory_space<hbm>> -> memref<128xi32, #tpu.memory_space<hbm>>
        tpu.enqueue_dma source(%dma_start3A_37 : memref<128xi32, #tpu.memory_space<hbm>>) target(%arg27 : memref<128xi32, #tpu.memory_space<vmem>>) target_semaphore(%run_scoped3A : memref<!tpu.dma_semaphore, #tpu.memory_space<semaphore_mem>>)
        %dma_wait3A = tpu.memref_slice %arg10[%add3A_30] : memref<200704xi32, #tpu.memory_space<hbm>> -> memref<128xi32, #tpu.memory_space<hbm>>
        %dma_wait3A_38 = tpu.memref_slice %arg10[%add3A_30] : memref<200704xi32, #tpu.memory_space<hbm>> -> memref<128xi32, #tpu.memory_space<hbm>>
        tpu.wait_dma2 semaphore(%run_scoped3A : memref<!tpu.dma_semaphore, #tpu.memory_space<semaphore_mem>>) src(%dma_wait3A_38 : memref<128xi32, #tpu.memory_space<hbm>>) dst(%arg27 : memref<128xi32, #tpu.memory_space<vmem>>)
        tpu.yield
      }) : () -> ()
      "tpu.region"() ({
        %run_scoped3A = tpu.sem_alloc : memref<!tpu.dma_semaphore, #tpu.memory_space<semaphore_mem>>
        %dma_start3A = arith.constant 0 : i32
        %dma_start3A_37 = tpu.memref_slice %arg11[%dma_start3A] : memref<100352xf32, #tpu.memory_space<hbm>> -> memref<100352xf32, #tpu.memory_space<hbm>>
        tpu.enqueue_indirect_dma source(%dma_start3A_37 : memref<100352xf32, #tpu.memory_space<hbm>>) target(%arg28 : memref<128xf32, #tpu.memory_space<vmem>>) offsets(%arg25 : memref<128xi32, #tpu.memory_space<vmem>>) semaphore(%run_scoped3A : memref<!tpu.dma_semaphore, #tpu.memory_space<semaphore_mem>>)
        %dma_wait3A = arith.constant 0 : i32
        %dma_wait3A_38 = tpu.memref_slice %arg11[%dma_wait3A] : memref<100352xf32, #tpu.memory_space<hbm>> -> memref<100352xf32, #tpu.memory_space<hbm>>
        tpu.wait_indirect_dma semaphore(%run_scoped3A : memref<!tpu.dma_semaphore, #tpu.memory_space<semaphore_mem>>) src(%dma_wait3A_38 : memref<100352xf32, #tpu.memory_space<hbm>>) dst(%arg28 : memref<128xf32, #tpu.memory_space<vmem>>)
        tpu.yield
      }) : () -> ()
      "tpu.region"() ({
        %run_scoped3A = tpu.sem_alloc : memref<!tpu.dma_semaphore, #tpu.memory_space<semaphore_mem>>
        %dma_start3A = arith.constant 0 : i32
        %dma_start3A_37 = tpu.memref_slice %arg12[%dma_start3A] : memref<100352xf32, #tpu.memory_space<hbm>> -> memref<100352xf32, #tpu.memory_space<hbm>>
        tpu.enqueue_indirect_dma source(%dma_start3A_37 : memref<100352xf32, #tpu.memory_space<hbm>>) target(%arg29 : memref<128xf32, #tpu.memory_space<vmem>>) offsets(%arg25 : memref<128xi32, #tpu.memory_space<vmem>>) semaphore(%run_scoped3A : memref<!tpu.dma_semaphore, #tpu.memory_space<semaphore_mem>>)
        %dma_wait3A = arith.constant 0 : i32
        %dma_wait3A_38 = tpu.memref_slice %arg12[%dma_wait3A] : memref<100352xf32, #tpu.memory_space<hbm>> -> memref<100352xf32, #tpu.memory_space<hbm>>
        tpu.wait_indirect_dma semaphore(%run_scoped3A : memref<!tpu.dma_semaphore, #tpu.memory_space<semaphore_mem>>) src(%dma_wait3A_38 : memref<100352xf32, #tpu.memory_space<hbm>>) dst(%arg29 : memref<128xf32, #tpu.memory_space<vmem>>)
        tpu.yield
      }) : () -> ()
      "tpu.region"() ({
        %run_scoped3A = tpu.sem_alloc : memref<!tpu.dma_semaphore, #tpu.memory_space<semaphore_mem>>
        %dma_start3A = arith.constant 0 : i32
        %dma_start3A_37 = tpu.memref_slice %arg13[%dma_start3A] : memref<100352xf32, #tpu.memory_space<hbm>> -> memref<100352xf32, #tpu.memory_space<hbm>>
        tpu.enqueue_indirect_dma source(%dma_start3A_37 : memref<100352xf32, #tpu.memory_space<hbm>>) target(%arg30 : memref<128xf32, #tpu.memory_space<vmem>>) offsets(%arg25 : memref<128xi32, #tpu.memory_space<vmem>>) semaphore(%run_scoped3A : memref<!tpu.dma_semaphore, #tpu.memory_space<semaphore_mem>>)
        %dma_wait3A = arith.constant 0 : i32
        %dma_wait3A_38 = tpu.memref_slice %arg13[%dma_wait3A] : memref<100352xf32, #tpu.memory_space<hbm>> -> memref<100352xf32, #tpu.memory_space<hbm>>
        tpu.wait_indirect_dma semaphore(%run_scoped3A : memref<!tpu.dma_semaphore, #tpu.memory_space<semaphore_mem>>) src(%dma_wait3A_38 : memref<100352xf32, #tpu.memory_space<hbm>>) dst(%arg30 : memref<128xf32, #tpu.memory_space<vmem>>)
        tpu.yield
      }) : () -> ()
      "tpu.region"() ({
        %run_scoped3A = tpu.sem_alloc : memref<!tpu.dma_semaphore, #tpu.memory_space<semaphore_mem>>
        %dma_start3A = arith.constant 0 : i32
        %dma_start3A_37 = tpu.memref_slice %arg11[%dma_start3A] : memref<100352xf32, #tpu.memory_space<hbm>> -> memref<100352xf32, #tpu.memory_space<hbm>>
        tpu.enqueue_indirect_dma source(%dma_start3A_37 : memref<100352xf32, #tpu.memory_space<hbm>>) target(%arg31 : memref<128xf32, #tpu.memory_space<vmem>>) offsets(%arg26 : memref<128xi32, #tpu.memory_space<vmem>>) semaphore(%run_scoped3A : memref<!tpu.dma_semaphore, #tpu.memory_space<semaphore_mem>>)
        %dma_wait3A = arith.constant 0 : i32
        %dma_wait3A_38 = tpu.memref_slice %arg11[%dma_wait3A] : memref<100352xf32, #tpu.memory_space<hbm>> -> memref<100352xf32, #tpu.memory_space<hbm>>
        tpu.wait_indirect_dma semaphore(%run_scoped3A : memref<!tpu.dma_semaphore, #tpu.memory_space<semaphore_mem>>) src(%dma_wait3A_38 : memref<100352xf32, #tpu.memory_space<hbm>>) dst(%arg31 : memref<128xf32, #tpu.memory_space<vmem>>)
        tpu.yield
      }) : () -> ()
      "tpu.region"() ({
        %run_scoped3A = tpu.sem_alloc : memref<!tpu.dma_semaphore, #tpu.memory_space<semaphore_mem>>
        %dma_start3A = arith.constant 0 : i32
        %dma_start3A_37 = tpu.memref_slice %arg12[%dma_start3A] : memref<100352xf32, #tpu.memory_space<hbm>> -> memref<100352xf32, #tpu.memory_space<hbm>>
        tpu.enqueue_indirect_dma source(%dma_start3A_37 : memref<100352xf32, #tpu.memory_space<hbm>>) target(%arg32 : memref<128xf32, #tpu.memory_space<vmem>>) offsets(%arg26 : memref<128xi32, #tpu.memory_space<vmem>>) semaphore(%run_scoped3A : memref<!tpu.dma_semaphore, #tpu.memory_space<semaphore_mem>>)
        %dma_wait3A = arith.constant 0 : i32
        %dma_wait3A_38 = tpu.memref_slice %arg12[%dma_wait3A] : memref<100352xf32, #tpu.memory_space<hbm>> -> memref<100352xf32, #tpu.memory_space<hbm>>
        tpu.wait_indirect_dma semaphore(%run_scoped3A : memref<!tpu.dma_semaphore, #tpu.memory_space<semaphore_mem>>) src(%dma_wait3A_38 : memref<100352xf32, #tpu.memory_space<hbm>>) dst(%arg32 : memref<128xf32, #tpu.memory_space<vmem>>)
        tpu.yield
      }) : () -> ()
      "tpu.region"() ({
        %run_scoped3A = tpu.sem_alloc : memref<!tpu.dma_semaphore, #tpu.memory_space<semaphore_mem>>
        %dma_start3A = arith.constant 0 : i32
        %dma_start3A_37 = tpu.memref_slice %arg13[%dma_start3A] : memref<100352xf32, #tpu.memory_space<hbm>> -> memref<100352xf32, #tpu.memory_space<hbm>>
        tpu.enqueue_indirect_dma source(%dma_start3A_37 : memref<100352xf32, #tpu.memory_space<hbm>>) target(%arg33 : memref<128xf32, #tpu.memory_space<vmem>>) offsets(%arg26 : memref<128xi32, #tpu.memory_space<vmem>>) semaphore(%run_scoped3A : memref<!tpu.dma_semaphore, #tpu.memory_space<semaphore_mem>>)
        %dma_wait3A = arith.constant 0 : i32
        %dma_wait3A_38 = tpu.memref_slice %arg13[%dma_wait3A] : memref<100352xf32, #tpu.memory_space<hbm>> -> memref<100352xf32, #tpu.memory_space<hbm>>
        tpu.wait_indirect_dma semaphore(%run_scoped3A : memref<!tpu.dma_semaphore, #tpu.memory_space<semaphore_mem>>) src(%dma_wait3A_38 : memref<100352xf32, #tpu.memory_space<hbm>>) dst(%arg33 : memref<128xf32, #tpu.memory_space<vmem>>)
        tpu.yield
      }) : () -> ()
      "tpu.region"() ({
        %run_scoped3A = tpu.sem_alloc : memref<!tpu.dma_semaphore, #tpu.memory_space<semaphore_mem>>
        %dma_start3A = arith.constant 0 : i32
        %dma_start3A_37 = tpu.memref_slice %arg11[%dma_start3A] : memref<100352xf32, #tpu.memory_space<hbm>> -> memref<100352xf32, #tpu.memory_space<hbm>>
        tpu.enqueue_indirect_dma source(%dma_start3A_37 : memref<100352xf32, #tpu.memory_space<hbm>>) target(%arg34 : memref<128xf32, #tpu.memory_space<vmem>>) offsets(%arg27 : memref<128xi32, #tpu.memory_space<vmem>>) semaphore(%run_scoped3A : memref<!tpu.dma_semaphore, #tpu.memory_space<semaphore_mem>>)
        %dma_wait3A = arith.constant 0 : i32
        %dma_wait3A_38 = tpu.memref_slice %arg11[%dma_wait3A] : memref<100352xf32, #tpu.memory_space<hbm>> -> memref<100352xf32, #tpu.memory_space<hbm>>
        tpu.wait_indirect_dma semaphore(%run_scoped3A : memref<!tpu.dma_semaphore, #tpu.memory_space<semaphore_mem>>) src(%dma_wait3A_38 : memref<100352xf32, #tpu.memory_space<hbm>>) dst(%arg34 : memref<128xf32, #tpu.memory_space<vmem>>)
        tpu.yield
      }) : () -> ()
      "tpu.region"() ({
        %run_scoped3A = tpu.sem_alloc : memref<!tpu.dma_semaphore, #tpu.memory_space<semaphore_mem>>
        %dma_start3A = arith.constant 0 : i32
        %dma_start3A_37 = tpu.memref_slice %arg12[%dma_start3A] : memref<100352xf32, #tpu.memory_space<hbm>> -> memref<100352xf32, #tpu.memory_space<hbm>>
        tpu.enqueue_indirect_dma source(%dma_start3A_37 : memref<100352xf32, #tpu.memory_space<hbm>>) target(%arg35 : memref<128xf32, #tpu.memory_space<vmem>>) offsets(%arg27 : memref<128xi32, #tpu.memory_space<vmem>>) semaphore(%run_scoped3A : memref<!tpu.dma_semaphore, #tpu.memory_space<semaphore_mem>>)
        %dma_wait3A = arith.constant 0 : i32
        %dma_wait3A_38 = tpu.memref_slice %arg12[%dma_wait3A] : memref<100352xf32, #tpu.memory_space<hbm>> -> memref<100352xf32, #tpu.memory_space<hbm>>
        tpu.wait_indirect_dma semaphore(%run_scoped3A : memref<!tpu.dma_semaphore, #tpu.memory_space<semaphore_mem>>) src(%dma_wait3A_38 : memref<100352xf32, #tpu.memory_space<hbm>>) dst(%arg35 : memref<128xf32, #tpu.memory_space<vmem>>)
        tpu.yield
      }) : () -> ()
      "tpu.region"() ({
        %run_scoped3A = tpu.sem_alloc : memref<!tpu.dma_semaphore, #tpu.memory_space<semaphore_mem>>
        %dma_start3A = arith.constant 0 : i32
        %dma_start3A_37 = tpu.memref_slice %arg13[%dma_start3A] : memref<100352xf32, #tpu.memory_space<hbm>> -> memref<100352xf32, #tpu.memory_space<hbm>>
        tpu.enqueue_indirect_dma source(%dma_start3A_37 : memref<100352xf32, #tpu.memory_space<hbm>>) target(%arg36 : memref<128xf32, #tpu.memory_space<vmem>>) offsets(%arg27 : memref<128xi32, #tpu.memory_space<vmem>>) semaphore(%run_scoped3A : memref<!tpu.dma_semaphore, #tpu.memory_space<semaphore_mem>>)
        %dma_wait3A = arith.constant 0 : i32
        %dma_wait3A_38 = tpu.memref_slice %arg13[%dma_wait3A] : memref<100352xf32, #tpu.memory_space<hbm>> -> memref<100352xf32, #tpu.memory_space<hbm>>
        tpu.wait_indirect_dma semaphore(%run_scoped3A : memref<!tpu.dma_semaphore, #tpu.memory_space<semaphore_mem>>) src(%dma_wait3A_38 : memref<100352xf32, #tpu.memory_space<hbm>>) dst(%arg36 : memref<128xf32, #tpu.memory_space<vmem>>)
        tpu.yield
      }) : () -> ()
      %scan3A_31 = arith.constant 0 : i32
      %scan3A_32 = arith.constant 0 : i32
      %scan3A_33 = arith.constant 8 : i32
      %scan3A_34 = arith.addi %scan3A_32, %scan3A_33 : i32
      %scan3A_35 = arith.constant 1 : i32
      scf.for %scan3A_37 = %scan3A_32 to %scan3A_34 step %scan3A_35  : i32 {
        %mul3A_38 = arith.constant 16 : i32
        %mul3A_39 = arith.muli %scan3A_37, %mul3A_38 : i32
        %get3A = arith.index_cast %mul3A_39 : i32 to index
        %get3A_40 = tpu.vector_load %arg28[%get3A] {strides = array<i32>} : memref<128xf32, #tpu.memory_space<vmem>>, vector<16xf32>,
        %get3A_41 = vector.shape_cast %get3A_40 : vector<16xf32> to vector<16xf32>
        %get3A_42 = arith.index_cast %mul3A_39 : i32 to index
        %get3A_43 = tpu.vector_load %arg29[%get3A_42] {strides = array<i32>} : memref<128xf32, #tpu.memory_space<vmem>>, vector<16xf32>,
        %get3A_44 = vector.shape_cast %get3A_43 : vector<16xf32> to vector<16xf32>
        %get3A_45 = arith.index_cast %mul3A_39 : i32 to index
        %get3A_46 = tpu.vector_load %arg30[%get3A_45] {strides = array<i32>} : memref<128xf32, #tpu.memory_space<vmem>>, vector<16xf32>,
        %get3A_47 = vector.shape_cast %get3A_46 : vector<16xf32> to vector<16xf32>
        %get3A_48 = arith.index_cast %mul3A_39 : i32 to index
        %get3A_49 = tpu.vector_load %arg31[%get3A_48] {strides = array<i32>} : memref<128xf32, #tpu.memory_space<vmem>>, vector<16xf32>,
        %get3A_50 = vector.shape_cast %get3A_49 : vector<16xf32> to vector<16xf32>
        %get3A_51 = arith.index_cast %mul3A_39 : i32 to index
        %get3A_52 = tpu.vector_load %arg32[%get3A_51] {strides = array<i32>} : memref<128xf32, #tpu.memory_space<vmem>>, vector<16xf32>,
        %get3A_53 = vector.shape_cast %get3A_52 : vector<16xf32> to vector<16xf32>
        %get3A_54 = arith.index_cast %mul3A_39 : i32 to index
        %get3A_55 = tpu.vector_load %arg33[%get3A_54] {strides = array<i32>} : memref<128xf32, #tpu.memory_space<vmem>>, vector<16xf32>,
        %get3A_56 = vector.shape_cast %get3A_55 : vector<16xf32> to vector<16xf32>
        %get3A_57 = arith.index_cast %mul3A_39 : i32 to index
        %get3A_58 = tpu.vector_load %arg34[%get3A_57] {strides = array<i32>} : memref<128xf32, #tpu.memory_space<vmem>>, vector<16xf32>,
        %get3A_59 = vector.shape_cast %get3A_58 : vector<16xf32> to vector<16xf32>
        %get3A_60 = arith.index_cast %mul3A_39 : i32 to index
        %get3A_61 = tpu.vector_load %arg35[%get3A_60] {strides = array<i32>} : memref<128xf32, #tpu.memory_space<vmem>>, vector<16xf32>,
        %get3A_62 = vector.shape_cast %get3A_61 : vector<16xf32> to vector<16xf32>
        %get3A_63 = arith.index_cast %mul3A_39 : i32 to index
        %get3A_64 = tpu.vector_load %arg36[%get3A_63] {strides = array<i32>} : memref<128xf32, #tpu.memory_space<vmem>>, vector<16xf32>,
        %get3A_65 = vector.shape_cast %get3A_64 : vector<16xf32> to vector<16xf32>
        %sub3A = arith.subf %get3A_50, %get3A_41 : vector<16xf32>
        %sub3A_66 = arith.subf %get3A_53, %get3A_44 : vector<16xf32>
        %sub3A_67 = arith.subf %get3A_56, %get3A_47 : vector<16xf32>
        %sub3A_68 = arith.subf %get3A_59, %get3A_41 : vector<16xf32>
        %sub3A_69 = arith.subf %get3A_62, %get3A_44 : vector<16xf32>
        %sub3A_70 = arith.subf %get3A_65, %get3A_47 : vector<16xf32>
        %mul3A_71 = arith.mulf %sub3A_66, %sub3A_70 : vector<16xf32>
        %mul3A_72 = arith.mulf %sub3A_67, %sub3A_69 : vector<16xf32>
        %sub3A_73 = arith.subf %mul3A_71, %mul3A_72 : vector<16xf32>
        %mul3A_74 = arith.mulf %sub3A_67, %sub3A_68 : vector<16xf32>
        %mul3A_75 = arith.mulf %sub3A, %sub3A_70 : vector<16xf32>
        %sub3A_76 = arith.subf %mul3A_74, %mul3A_75 : vector<16xf32>
        %mul3A_77 = arith.mulf %sub3A, %sub3A_69 : vector<16xf32>
        %mul3A_78 = arith.mulf %sub3A_66, %sub3A_68 : vector<16xf32>
        %sub3A_79 = arith.subf %mul3A_77, %mul3A_78 : vector<16xf32>
        %mul3A_80 = arith.mulf %sub3A_73, %sub3A_73 : vector<16xf32>
        %mul3A_81 = arith.mulf %sub3A_76, %sub3A_76 : vector<16xf32>
        %add3A_82 = arith.addf %mul3A_80, %mul3A_81 : vector<16xf32>
        %mul3A_83 = arith.mulf %sub3A_79, %sub3A_79 : vector<16xf32>
        %add3A_84 = arith.addf %add3A_82, %mul3A_83 : vector<16xf32>
        %swap3A_85 = arith.index_cast %mul3A_39 : i32 to index
        %swap3A_86 = tpu.vector_load %arg49[%swap3A_85] {strides = array<i32>} : memref<128xf32, #tpu.memory_space<vmem>>, vector<16xf32>,
        %swap3A_87 = vector.shape_cast %swap3A_86 : vector<16xf32> to vector<16xf32>
        %swap3A_88 = vector.shape_cast %add3A_84 : vector<16xf32> to vector<16xf32>
        tpu.vector_store %arg49[%swap3A_85], %swap3A_88 {strides = array<i32>} : memref<128xf32, #tpu.memory_space<vmem>>, vector<16xf32>,
      }
      %scan3A_36 = arith.constant 8 : i32
      "tpu.region"() ({
        %run_scoped3A = tpu.sem_alloc : memref<!tpu.dma_semaphore, #tpu.memory_space<semaphore_mem>>
        %dma_start3A = tpu.memref_slice %arg19[%add3A_30] : memref<200704xf32, #tpu.memory_space<hbm>> -> memref<128xf32, #tpu.memory_space<hbm>>
        %dma_start3A_37 = tpu.memref_slice %arg19[%add3A_30] : memref<200704xf32, #tpu.memory_space<hbm>> -> memref<128xf32, #tpu.memory_space<hbm>>
        tpu.enqueue_dma source(%arg49 : memref<128xf32, #tpu.memory_space<vmem>>) target(%dma_start3A_37 : memref<128xf32, #tpu.memory_space<hbm>>) target_semaphore(%run_scoped3A : memref<!tpu.dma_semaphore, #tpu.memory_space<semaphore_mem>>)
        %dma_wait3A = tpu.memref_slice %arg19[%add3A_30] : memref<200704xf32, #tpu.memory_space<hbm>> -> memref<128xf32, #tpu.memory_space<hbm>>
        %dma_wait3A_38 = tpu.memref_slice %arg19[%add3A_30] : memref<200704xf32, #tpu.memory_space<hbm>> -> memref<128xf32, #tpu.memory_space<hbm>>
        tpu.wait_dma2 semaphore(%run_scoped3A : memref<!tpu.dma_semaphore, #tpu.memory_space<semaphore_mem>>) src(%arg49 : memref<128xf32, #tpu.memory_space<vmem>>) dst(%dma_wait3A_38 : memref<128xf32, #tpu.memory_space<hbm>>)
        tpu.yield
      }) : () -> ()
    }
    %scan3A_25 = arith.constant 49 : i32
    %barrier3A_26 = arith.constant 0 : index
    tpu.barrier barrier_id(%barrier3A_26)
    "tpu.region"() ({
      %run_scoped3A = tpu.sem_alloc : memref<!tpu.dma_semaphore, #tpu.memory_space<semaphore_mem>>
      %dma_start3A = tpu.memref_slice %arg20[%arg0, %mul3A_4] : memref<2x100352xf32, #tpu.memory_space<hbm>> -> memref<1x6272xf32, #tpu.memory_space<hbm>>
      %dma_start3A_27 = tpu.memref_squeeze %dma_start3A : memref<1x6272xf32, #tpu.memory_space<hbm>> -> memref<6272xf32, #tpu.memory_space<hbm>>
      %dma_start3A_28 = tpu.memref_slice %arg52[%mul3A_4] : memref<100352xf32, #tpu.memory_space<vmem_shared>> -> memref<6272xf32, #tpu.memory_space<vmem_shared>>
      tpu.enqueue_dma source(%dma_start3A_28 : memref<6272xf32, #tpu.memory_space<vmem_shared>>) target(%dma_start3A_27 : memref<6272xf32, #tpu.memory_space<hbm>>) target_semaphore(%run_scoped3A : memref<!tpu.dma_semaphore, #tpu.memory_space<semaphore_mem>>)
      %dma_wait3A = tpu.memref_slice %arg20[%arg0, %mul3A_4] : memref<2x100352xf32, #tpu.memory_space<hbm>> -> memref<1x6272xf32, #tpu.memory_space<hbm>>
      %dma_wait3A_29 = tpu.memref_squeeze %dma_wait3A : memref<1x6272xf32, #tpu.memory_space<hbm>> -> memref<6272xf32, #tpu.memory_space<hbm>>
      %dma_wait3A_30 = tpu.memref_slice %arg52[%mul3A_4] : memref<100352xf32, #tpu.memory_space<vmem_shared>> -> memref<6272xf32, #tpu.memory_space<vmem_shared>>
      tpu.wait_dma2 semaphore(%run_scoped3A : memref<!tpu.dma_semaphore, #tpu.memory_space<semaphore_mem>>) src(%dma_wait3A_30 : memref<6272xf32, #tpu.memory_space<vmem_shared>>) dst(%dma_wait3A_29 : memref<6272xf32, #tpu.memory_space<hbm>>)
      tpu.yield
    }) : () -> ()
    "tpu.region"() ({
      %run_scoped3A = tpu.sem_alloc : memref<!tpu.dma_semaphore, #tpu.memory_space<semaphore_mem>>
      %dma_start3A = tpu.memref_slice %arg21[%arg0, %mul3A_4] : memref<2x100352xf32, #tpu.memory_space<hbm>> -> memref<1x6272xf32, #tpu.memory_space<hbm>>
      %dma_start3A_27 = tpu.memref_squeeze %dma_start3A : memref<1x6272xf32, #tpu.memory_space<hbm>> -> memref<6272xf32, #tpu.memory_space<hbm>>
      %dma_start3A_28 = tpu.memref_slice %arg53[%mul3A_4] : memref<100352xf32, #tpu.memory_space<vmem_shared>> -> memref<6272xf32, #tpu.memory_space<vmem_shared>>
      tpu.enqueue_dma source(%dma_start3A_28 : memref<6272xf32, #tpu.memory_space<vmem_shared>>) target(%dma_start3A_27 : memref<6272xf32, #tpu.memory_space<hbm>>) target_semaphore(%run_scoped3A : memref<!tpu.dma_semaphore, #tpu.memory_space<semaphore_mem>>)
      %dma_wait3A = tpu.memref_slice %arg21[%arg0, %mul3A_4] : memref<2x100352xf32, #tpu.memory_space<hbm>> -> memref<1x6272xf32, #tpu.memory_space<hbm>>
      %dma_wait3A_29 = tpu.memref_squeeze %dma_wait3A : memref<1x6272xf32, #tpu.memory_space<hbm>> -> memref<6272xf32, #tpu.memory_space<hbm>>
      %dma_wait3A_30 = tpu.memref_slice %arg53[%mul3A_4] : memref<100352xf32, #tpu.memory_space<vmem_shared>> -> memref<6272xf32, #tpu.memory_space<vmem_shared>>
      tpu.wait_dma2 semaphore(%run_scoped3A : memref<!tpu.dma_semaphore, #tpu.memory_space<semaphore_mem>>) src(%dma_wait3A_30 : memref<6272xf32, #tpu.memory_space<vmem_shared>>) dst(%dma_wait3A_29 : memref<6272xf32, #tpu.memory_space<hbm>>)
      tpu.yield
    }) : () -> ()
    "tpu.region"() ({
      %run_scoped3A = tpu.sem_alloc : memref<!tpu.dma_semaphore, #tpu.memory_space<semaphore_mem>>
      %dma_start3A = tpu.memref_slice %arg22[%arg0, %mul3A_4] : memref<2x100352xf32, #tpu.memory_space<hbm>> -> memref<1x6272xf32, #tpu.memory_space<hbm>>
      %dma_start3A_27 = tpu.memref_squeeze %dma_start3A : memref<1x6272xf32, #tpu.memory_space<hbm>> -> memref<6272xf32, #tpu.memory_space<hbm>>
      %dma_start3A_28 = tpu.memref_slice %arg54[%mul3A_4] : memref<100352xf32, #tpu.memory_space<vmem_shared>> -> memref<6272xf32, #tpu.memory_space<vmem_shared>>
      tpu.enqueue_dma source(%dma_start3A_28 : memref<6272xf32, #tpu.memory_space<vmem_shared>>) target(%dma_start3A_27 : memref<6272xf32, #tpu.memory_space<hbm>>) target_semaphore(%run_scoped3A : memref<!tpu.dma_semaphore, #tpu.memory_space<semaphore_mem>>)
      %dma_wait3A = tpu.memref_slice %arg22[%arg0, %mul3A_4] : memref<2x100352xf32, #tpu.memory_space<hbm>> -> memref<1x6272xf32, #tpu.memory_space<hbm>>
      %dma_wait3A_29 = tpu.memref_squeeze %dma_wait3A : memref<1x6272xf32, #tpu.memory_space<hbm>> -> memref<6272xf32, #tpu.memory_space<hbm>>
      %dma_wait3A_30 = tpu.memref_slice %arg54[%mul3A_4] : memref<100352xf32, #tpu.memory_space<vmem_shared>> -> memref<6272xf32, #tpu.memory_space<vmem_shared>>
      tpu.wait_dma2 semaphore(%run_scoped3A : memref<!tpu.dma_semaphore, #tpu.memory_space<semaphore_mem>>) src(%dma_wait3A_30 : memref<6272xf32, #tpu.memory_space<vmem_shared>>) dst(%dma_wait3A_29 : memref<6272xf32, #tpu.memory_space<hbm>>)
      tpu.yield
    }) : () -> ()
    "tpu.region"() ({
      %run_scoped3A = tpu.sem_alloc : memref<!tpu.dma_semaphore, #tpu.memory_space<semaphore_mem>>
      %dma_start3A = tpu.memref_slice %arg23[%arg0, %mul3A_4] : memref<2x100352xf32, #tpu.memory_space<hbm>> -> memref<1x6272xf32, #tpu.memory_space<hbm>>
      %dma_start3A_27 = tpu.memref_squeeze %dma_start3A : memref<1x6272xf32, #tpu.memory_space<hbm>> -> memref<6272xf32, #tpu.memory_space<hbm>>
      %dma_start3A_28 = tpu.memref_slice %arg55[%mul3A_4] : memref<100352xf32, #tpu.memory_space<vmem_shared>> -> memref<6272xf32, #tpu.memory_space<vmem_shared>>
      tpu.enqueue_dma source(%dma_start3A_28 : memref<6272xf32, #tpu.memory_space<vmem_shared>>) target(%dma_start3A_27 : memref<6272xf32, #tpu.memory_space<hbm>>) target_semaphore(%run_scoped3A : memref<!tpu.dma_semaphore, #tpu.memory_space<semaphore_mem>>)
      %dma_wait3A = tpu.memref_slice %arg23[%arg0, %mul3A_4] : memref<2x100352xf32, #tpu.memory_space<hbm>> -> memref<1x6272xf32, #tpu.memory_space<hbm>>
      %dma_wait3A_29 = tpu.memref_squeeze %dma_wait3A : memref<1x6272xf32, #tpu.memory_space<hbm>> -> memref<6272xf32, #tpu.memory_space<hbm>>
      %dma_wait3A_30 = tpu.memref_slice %arg55[%mul3A_4] : memref<100352xf32, #tpu.memory_space<vmem_shared>> -> memref<6272xf32, #tpu.memory_space<vmem_shared>>
      tpu.wait_dma2 semaphore(%run_scoped3A : memref<!tpu.dma_semaphore, #tpu.memory_space<semaphore_mem>>) src(%dma_wait3A_30 : memref<6272xf32, #tpu.memory_space<vmem_shared>>) dst(%dma_wait3A_29 : memref<6272xf32, #tpu.memory_space<hbm>>)
      tpu.yield
    }) : () -> ()
    return
  }
}

#map = affine_map<(d0, d1) -> (0)>
module attributes {stable_mosaic.version = 14 : i64} {
  func.func @_sc_samples_kernel(%arg0: i32, %arg1: i32, %arg2: memref<2048xi32, #tpu.memory_space<hbm>>, %arg3: memref<2048xi32, #tpu.memory_space<hbm>>, %arg4: memref<200704xi32, #tpu.memory_space<hbm>>, %arg5: memref<200704xi32, #tpu.memory_space<hbm>>, %arg6: memref<200704xi32, #tpu.memory_space<hbm>>, %arg7: memref<200704xi32, #tpu.memory_space<hbm>>, %arg8: memref<200704xi32, #tpu.memory_space<hbm>>, %arg9: memref<200704xi32, #tpu.memory_space<hbm>>, %arg10: memref<100352xf32, #tpu.memory_space<hbm>>, %arg11: memref<100352xf32, #tpu.memory_space<hbm>>, %arg12: memref<100352xf32, #tpu.memory_space<hbm>>, %arg13: memref<100352xf32, #tpu.memory_space<hbm>>, %arg14: memref<100352xf32, #tpu.memory_space<hbm>>, %arg15: memref<100352xf32, #tpu.memory_space<hbm>>, %arg16: memref<2048xf32, #tpu.memory_space<hbm>>, %arg17: memref<2048xf32, #tpu.memory_space<hbm>>, %arg18: memref<2048xf32, #tpu.memory_space<hbm>>, %arg19: memref<2048xf32, #tpu.memory_space<hbm>>, %arg20: memref<2048xf32, #tpu.memory_space<hbm>>, %arg21: memref<2048xf32, #tpu.memory_space<hbm>>, %arg22: memref<2048xf32, #tpu.memory_space<hbm>>, %arg23: memref<2048xf32, #tpu.memory_space<hbm>>, %arg24: memref<2048xf32, #tpu.memory_space<hbm>>, %arg25: memref<2048xf32, #tpu.memory_space<hbm>>, %arg26: memref<2048xf32, #tpu.memory_space<hbm>>, %arg27: memref<2048xf32, #tpu.memory_space<hbm>>, %arg28: memref<64xi32, #tpu.memory_space<vmem>>, %arg29: memref<64xi32, #tpu.memory_space<vmem>>, %arg30: memref<64xi32, #tpu.memory_space<vmem>>, %arg31: memref<64xi32, #tpu.memory_space<vmem>>, %arg32: memref<64xf32, #tpu.memory_space<vmem>>, %arg33: memref<64xf32, #tpu.memory_space<vmem>>, %arg34: memref<64xf32, #tpu.memory_space<vmem>>, %arg35: memref<64xf32, #tpu.memory_space<vmem>>, %arg36: memref<64xf32, #tpu.memory_space<vmem>>, %arg37: memref<64xf32, #tpu.memory_space<vmem>>, %arg38: memref<64xf32, #tpu.memory_space<vmem>>, %arg39: memref<64xf32, #tpu.memory_space<vmem>>, %arg40: memref<64xf32, #tpu.memory_space<vmem>>, %arg41: memref<64xf32, #tpu.memory_space<vmem>>, %arg42: memref<64xf32, #tpu.memory_space<vmem>>, %arg43: memref<64xf32, #tpu.memory_space<vmem>>, %arg44: memref<64xf32, #tpu.memory_space<vmem>>, %arg45: memref<64xf32, #tpu.memory_space<vmem>>, %arg46: memref<64xf32, #tpu.memory_space<vmem>>) attributes {dimension_semantics = [#tpu.dimension_semantics<core_parallel>, #tpu.dimension_semantics<subcore_parallel>], iteration_bounds = array<i64: 2, 16>, scalar_prefetch = 0 : i64, scratch_operands = 19 : i64, tpu.core_type = #tpu.core_type<sc_vector_subcore>, window_params = [{transform_indices = #map}, {transform_indices = #map}, {transform_indices = #map}, {transform_indices = #map}, {transform_indices = #map}, {transform_indices = #map}, {transform_indices = #map}, {transform_indices = #map}, {transform_indices = #map}, {transform_indices = #map}, {transform_indices = #map}, {transform_indices = #map}, {transform_indices = #map}, {transform_indices = #map}, {transform_indices = #map}, {transform_indices = #map}, {transform_indices = #map}, {transform_indices = #map}, {transform_indices = #map}, {transform_indices = #map}, {transform_indices = #map}, {transform_indices = #map}, {transform_indices = #map}, {transform_indices = #map}, {transform_indices = #map}, {transform_indices = #map}]} {
    %mul3A = arith.constant 2 : i32
    %mul3A_0 = arith.muli %arg1, %mul3A : i32
    %add3A = arith.addi %mul3A_0, %arg0 : i32
    %mul3A_1 = arith.constant 64 : i32
    %mul3A_2 = arith.muli %add3A, %mul3A_1 : i32
    "tpu.region"() ({
      %run_scoped3A = tpu.sem_alloc : memref<!tpu.dma_semaphore, #tpu.memory_space<semaphore_mem>>
      %dma_start3A = tpu.memref_slice %arg2[%mul3A_2] : memref<2048xi32, #tpu.memory_space<hbm>> -> memref<64xi32, #tpu.memory_space<hbm>>
      %dma_start3A_16 = tpu.memref_slice %arg2[%mul3A_2] : memref<2048xi32, #tpu.memory_space<hbm>> -> memref<64xi32, #tpu.memory_space<hbm>>
      tpu.enqueue_dma source(%dma_start3A_16 : memref<64xi32, #tpu.memory_space<hbm>>) target(%arg28 : memref<64xi32, #tpu.memory_space<vmem>>) target_semaphore(%run_scoped3A : memref<!tpu.dma_semaphore, #tpu.memory_space<semaphore_mem>>)
      %dma_wait3A = tpu.memref_slice %arg2[%mul3A_2] : memref<2048xi32, #tpu.memory_space<hbm>> -> memref<64xi32, #tpu.memory_space<hbm>>
      %dma_wait3A_17 = tpu.memref_slice %arg2[%mul3A_2] : memref<2048xi32, #tpu.memory_space<hbm>> -> memref<64xi32, #tpu.memory_space<hbm>>
      tpu.wait_dma2 semaphore(%run_scoped3A : memref<!tpu.dma_semaphore, #tpu.memory_space<semaphore_mem>>) src(%dma_wait3A_17 : memref<64xi32, #tpu.memory_space<hbm>>) dst(%arg28 : memref<64xi32, #tpu.memory_space<vmem>>)
      tpu.yield
    }) : () -> ()
    "tpu.region"() ({
      %run_scoped3A = tpu.sem_alloc : memref<!tpu.dma_semaphore, #tpu.memory_space<semaphore_mem>>
      %dma_start3A = arith.constant 0 : i32
      %dma_start3A_16 = tpu.memref_slice %arg4[%dma_start3A] : memref<200704xi32, #tpu.memory_space<hbm>> -> memref<200704xi32, #tpu.memory_space<hbm>>
      tpu.enqueue_indirect_dma source(%dma_start3A_16 : memref<200704xi32, #tpu.memory_space<hbm>>) target(%arg29 : memref<64xi32, #tpu.memory_space<vmem>>) offsets(%arg28 : memref<64xi32, #tpu.memory_space<vmem>>) semaphore(%run_scoped3A : memref<!tpu.dma_semaphore, #tpu.memory_space<semaphore_mem>>)
      %dma_wait3A = arith.constant 0 : i32
      %dma_wait3A_17 = tpu.memref_slice %arg4[%dma_wait3A] : memref<200704xi32, #tpu.memory_space<hbm>> -> memref<200704xi32, #tpu.memory_space<hbm>>
      tpu.wait_indirect_dma semaphore(%run_scoped3A : memref<!tpu.dma_semaphore, #tpu.memory_space<semaphore_mem>>) src(%dma_wait3A_17 : memref<200704xi32, #tpu.memory_space<hbm>>) dst(%arg29 : memref<64xi32, #tpu.memory_space<vmem>>)
      tpu.yield
    }) : () -> ()
    "tpu.region"() ({
      %run_scoped3A = tpu.sem_alloc : memref<!tpu.dma_semaphore, #tpu.memory_space<semaphore_mem>>
      %dma_start3A = arith.constant 0 : i32
      %dma_start3A_16 = tpu.memref_slice %arg5[%dma_start3A] : memref<200704xi32, #tpu.memory_space<hbm>> -> memref<200704xi32, #tpu.memory_space<hbm>>
      tpu.enqueue_indirect_dma source(%dma_start3A_16 : memref<200704xi32, #tpu.memory_space<hbm>>) target(%arg30 : memref<64xi32, #tpu.memory_space<vmem>>) offsets(%arg28 : memref<64xi32, #tpu.memory_space<vmem>>) semaphore(%run_scoped3A : memref<!tpu.dma_semaphore, #tpu.memory_space<semaphore_mem>>)
      %dma_wait3A = arith.constant 0 : i32
      %dma_wait3A_17 = tpu.memref_slice %arg5[%dma_wait3A] : memref<200704xi32, #tpu.memory_space<hbm>> -> memref<200704xi32, #tpu.memory_space<hbm>>
      tpu.wait_indirect_dma semaphore(%run_scoped3A : memref<!tpu.dma_semaphore, #tpu.memory_space<semaphore_mem>>) src(%dma_wait3A_17 : memref<200704xi32, #tpu.memory_space<hbm>>) dst(%arg30 : memref<64xi32, #tpu.memory_space<vmem>>)
      tpu.yield
    }) : () -> ()
    "tpu.region"() ({
      %run_scoped3A = tpu.sem_alloc : memref<!tpu.dma_semaphore, #tpu.memory_space<semaphore_mem>>
      %dma_start3A = arith.constant 0 : i32
      %dma_start3A_16 = tpu.memref_slice %arg6[%dma_start3A] : memref<200704xi32, #tpu.memory_space<hbm>> -> memref<200704xi32, #tpu.memory_space<hbm>>
      tpu.enqueue_indirect_dma source(%dma_start3A_16 : memref<200704xi32, #tpu.memory_space<hbm>>) target(%arg31 : memref<64xi32, #tpu.memory_space<vmem>>) offsets(%arg28 : memref<64xi32, #tpu.memory_space<vmem>>) semaphore(%run_scoped3A : memref<!tpu.dma_semaphore, #tpu.memory_space<semaphore_mem>>)
      %dma_wait3A = arith.constant 0 : i32
      %dma_wait3A_17 = tpu.memref_slice %arg6[%dma_wait3A] : memref<200704xi32, #tpu.memory_space<hbm>> -> memref<200704xi32, #tpu.memory_space<hbm>>
      tpu.wait_indirect_dma semaphore(%run_scoped3A : memref<!tpu.dma_semaphore, #tpu.memory_space<semaphore_mem>>) src(%dma_wait3A_17 : memref<200704xi32, #tpu.memory_space<hbm>>) dst(%arg31 : memref<64xi32, #tpu.memory_space<vmem>>)
      tpu.yield
    }) : () -> ()
    "tpu.region"() ({
      %run_scoped3A = tpu.sem_alloc : memref<!tpu.dma_semaphore, #tpu.memory_space<semaphore_mem>>
      %dma_start3A = arith.constant 0 : i32
      %dma_start3A_16 = tpu.memref_slice %arg10[%dma_start3A] : memref<100352xf32, #tpu.memory_space<hbm>> -> memref<100352xf32, #tpu.memory_space<hbm>>
      tpu.enqueue_indirect_dma source(%dma_start3A_16 : memref<100352xf32, #tpu.memory_space<hbm>>) target(%arg32 : memref<64xf32, #tpu.memory_space<vmem>>) offsets(%arg29 : memref<64xi32, #tpu.memory_space<vmem>>) semaphore(%run_scoped3A : memref<!tpu.dma_semaphore, #tpu.memory_space<semaphore_mem>>)
      %dma_wait3A = arith.constant 0 : i32
      %dma_wait3A_17 = tpu.memref_slice %arg10[%dma_wait3A] : memref<100352xf32, #tpu.memory_space<hbm>> -> memref<100352xf32, #tpu.memory_space<hbm>>
      tpu.wait_indirect_dma semaphore(%run_scoped3A : memref<!tpu.dma_semaphore, #tpu.memory_space<semaphore_mem>>) src(%dma_wait3A_17 : memref<100352xf32, #tpu.memory_space<hbm>>) dst(%arg32 : memref<64xf32, #tpu.memory_space<vmem>>)
      tpu.yield
    }) : () -> ()
    "tpu.region"() ({
      %run_scoped3A = tpu.sem_alloc : memref<!tpu.dma_semaphore, #tpu.memory_space<semaphore_mem>>
      %dma_start3A = arith.constant 0 : i32
      %dma_start3A_16 = tpu.memref_slice %arg11[%dma_start3A] : memref<100352xf32, #tpu.memory_space<hbm>> -> memref<100352xf32, #tpu.memory_space<hbm>>
      tpu.enqueue_indirect_dma source(%dma_start3A_16 : memref<100352xf32, #tpu.memory_space<hbm>>) target(%arg33 : memref<64xf32, #tpu.memory_space<vmem>>) offsets(%arg29 : memref<64xi32, #tpu.memory_space<vmem>>) semaphore(%run_scoped3A : memref<!tpu.dma_semaphore, #tpu.memory_space<semaphore_mem>>)
      %dma_wait3A = arith.constant 0 : i32
      %dma_wait3A_17 = tpu.memref_slice %arg11[%dma_wait3A] : memref<100352xf32, #tpu.memory_space<hbm>> -> memref<100352xf32, #tpu.memory_space<hbm>>
      tpu.wait_indirect_dma semaphore(%run_scoped3A : memref<!tpu.dma_semaphore, #tpu.memory_space<semaphore_mem>>) src(%dma_wait3A_17 : memref<100352xf32, #tpu.memory_space<hbm>>) dst(%arg33 : memref<64xf32, #tpu.memory_space<vmem>>)
      tpu.yield
    }) : () -> ()
    "tpu.region"() ({
      %run_scoped3A = tpu.sem_alloc : memref<!tpu.dma_semaphore, #tpu.memory_space<semaphore_mem>>
      %dma_start3A = arith.constant 0 : i32
      %dma_start3A_16 = tpu.memref_slice %arg12[%dma_start3A] : memref<100352xf32, #tpu.memory_space<hbm>> -> memref<100352xf32, #tpu.memory_space<hbm>>
      tpu.enqueue_indirect_dma source(%dma_start3A_16 : memref<100352xf32, #tpu.memory_space<hbm>>) target(%arg34 : memref<64xf32, #tpu.memory_space<vmem>>) offsets(%arg29 : memref<64xi32, #tpu.memory_space<vmem>>) semaphore(%run_scoped3A : memref<!tpu.dma_semaphore, #tpu.memory_space<semaphore_mem>>)
      %dma_wait3A = arith.constant 0 : i32
      %dma_wait3A_17 = tpu.memref_slice %arg12[%dma_wait3A] : memref<100352xf32, #tpu.memory_space<hbm>> -> memref<100352xf32, #tpu.memory_space<hbm>>
      tpu.wait_indirect_dma semaphore(%run_scoped3A : memref<!tpu.dma_semaphore, #tpu.memory_space<semaphore_mem>>) src(%dma_wait3A_17 : memref<100352xf32, #tpu.memory_space<hbm>>) dst(%arg34 : memref<64xf32, #tpu.memory_space<vmem>>)
      tpu.yield
    }) : () -> ()
    "tpu.region"() ({
      %run_scoped3A = tpu.sem_alloc : memref<!tpu.dma_semaphore, #tpu.memory_space<semaphore_mem>>
      %dma_start3A = arith.constant 0 : i32
      %dma_start3A_16 = tpu.memref_slice %arg10[%dma_start3A] : memref<100352xf32, #tpu.memory_space<hbm>> -> memref<100352xf32, #tpu.memory_space<hbm>>
      tpu.enqueue_indirect_dma source(%dma_start3A_16 : memref<100352xf32, #tpu.memory_space<hbm>>) target(%arg35 : memref<64xf32, #tpu.memory_space<vmem>>) offsets(%arg30 : memref<64xi32, #tpu.memory_space<vmem>>) semaphore(%run_scoped3A : memref<!tpu.dma_semaphore, #tpu.memory_space<semaphore_mem>>)
      %dma_wait3A = arith.constant 0 : i32
      %dma_wait3A_17 = tpu.memref_slice %arg10[%dma_wait3A] : memref<100352xf32, #tpu.memory_space<hbm>> -> memref<100352xf32, #tpu.memory_space<hbm>>
      tpu.wait_indirect_dma semaphore(%run_scoped3A : memref<!tpu.dma_semaphore, #tpu.memory_space<semaphore_mem>>) src(%dma_wait3A_17 : memref<100352xf32, #tpu.memory_space<hbm>>) dst(%arg35 : memref<64xf32, #tpu.memory_space<vmem>>)
      tpu.yield
    }) : () -> ()
    "tpu.region"() ({
      %run_scoped3A = tpu.sem_alloc : memref<!tpu.dma_semaphore, #tpu.memory_space<semaphore_mem>>
      %dma_start3A = arith.constant 0 : i32
      %dma_start3A_16 = tpu.memref_slice %arg11[%dma_start3A] : memref<100352xf32, #tpu.memory_space<hbm>> -> memref<100352xf32, #tpu.memory_space<hbm>>
      tpu.enqueue_indirect_dma source(%dma_start3A_16 : memref<100352xf32, #tpu.memory_space<hbm>>) target(%arg36 : memref<64xf32, #tpu.memory_space<vmem>>) offsets(%arg30 : memref<64xi32, #tpu.memory_space<vmem>>) semaphore(%run_scoped3A : memref<!tpu.dma_semaphore, #tpu.memory_space<semaphore_mem>>)
      %dma_wait3A = arith.constant 0 : i32
      %dma_wait3A_17 = tpu.memref_slice %arg11[%dma_wait3A] : memref<100352xf32, #tpu.memory_space<hbm>> -> memref<100352xf32, #tpu.memory_space<hbm>>
      tpu.wait_indirect_dma semaphore(%run_scoped3A : memref<!tpu.dma_semaphore, #tpu.memory_space<semaphore_mem>>) src(%dma_wait3A_17 : memref<100352xf32, #tpu.memory_space<hbm>>) dst(%arg36 : memref<64xf32, #tpu.memory_space<vmem>>)
      tpu.yield
    }) : () -> ()
    "tpu.region"() ({
      %run_scoped3A = tpu.sem_alloc : memref<!tpu.dma_semaphore, #tpu.memory_space<semaphore_mem>>
      %dma_start3A = arith.constant 0 : i32
      %dma_start3A_16 = tpu.memref_slice %arg12[%dma_start3A] : memref<100352xf32, #tpu.memory_space<hbm>> -> memref<100352xf32, #tpu.memory_space<hbm>>
      tpu.enqueue_indirect_dma source(%dma_start3A_16 : memref<100352xf32, #tpu.memory_space<hbm>>) target(%arg37 : memref<64xf32, #tpu.memory_space<vmem>>) offsets(%arg30 : memref<64xi32, #tpu.memory_space<vmem>>) semaphore(%run_scoped3A : memref<!tpu.dma_semaphore, #tpu.memory_space<semaphore_mem>>)
      %dma_wait3A = arith.constant 0 : i32
      %dma_wait3A_17 = tpu.memref_slice %arg12[%dma_wait3A] : memref<100352xf32, #tpu.memory_space<hbm>> -> memref<100352xf32, #tpu.memory_space<hbm>>
      tpu.wait_indirect_dma semaphore(%run_scoped3A : memref<!tpu.dma_semaphore, #tpu.memory_space<semaphore_mem>>) src(%dma_wait3A_17 : memref<100352xf32, #tpu.memory_space<hbm>>) dst(%arg37 : memref<64xf32, #tpu.memory_space<vmem>>)
      tpu.yield
    }) : () -> ()
    "tpu.region"() ({
      %run_scoped3A = tpu.sem_alloc : memref<!tpu.dma_semaphore, #tpu.memory_space<semaphore_mem>>
      %dma_start3A = arith.constant 0 : i32
      %dma_start3A_16 = tpu.memref_slice %arg10[%dma_start3A] : memref<100352xf32, #tpu.memory_space<hbm>> -> memref<100352xf32, #tpu.memory_space<hbm>>
      tpu.enqueue_indirect_dma source(%dma_start3A_16 : memref<100352xf32, #tpu.memory_space<hbm>>) target(%arg38 : memref<64xf32, #tpu.memory_space<vmem>>) offsets(%arg31 : memref<64xi32, #tpu.memory_space<vmem>>) semaphore(%run_scoped3A : memref<!tpu.dma_semaphore, #tpu.memory_space<semaphore_mem>>)
      %dma_wait3A = arith.constant 0 : i32
      %dma_wait3A_17 = tpu.memref_slice %arg10[%dma_wait3A] : memref<100352xf32, #tpu.memory_space<hbm>> -> memref<100352xf32, #tpu.memory_space<hbm>>
      tpu.wait_indirect_dma semaphore(%run_scoped3A : memref<!tpu.dma_semaphore, #tpu.memory_space<semaphore_mem>>) src(%dma_wait3A_17 : memref<100352xf32, #tpu.memory_space<hbm>>) dst(%arg38 : memref<64xf32, #tpu.memory_space<vmem>>)
      tpu.yield
    }) : () -> ()
    "tpu.region"() ({
      %run_scoped3A = tpu.sem_alloc : memref<!tpu.dma_semaphore, #tpu.memory_space<semaphore_mem>>
      %dma_start3A = arith.constant 0 : i32
      %dma_start3A_16 = tpu.memref_slice %arg11[%dma_start3A] : memref<100352xf32, #tpu.memory_space<hbm>> -> memref<100352xf32, #tpu.memory_space<hbm>>
      tpu.enqueue_indirect_dma source(%dma_start3A_16 : memref<100352xf32, #tpu.memory_space<hbm>>) target(%arg39 : memref<64xf32, #tpu.memory_space<vmem>>) offsets(%arg31 : memref<64xi32, #tpu.memory_space<vmem>>) semaphore(%run_scoped3A : memref<!tpu.dma_semaphore, #tpu.memory_space<semaphore_mem>>)
      %dma_wait3A = arith.constant 0 : i32
      %dma_wait3A_17 = tpu.memref_slice %arg11[%dma_wait3A] : memref<100352xf32, #tpu.memory_space<hbm>> -> memref<100352xf32, #tpu.memory_space<hbm>>
      tpu.wait_indirect_dma semaphore(%run_scoped3A : memref<!tpu.dma_semaphore, #tpu.memory_space<semaphore_mem>>) src(%dma_wait3A_17 : memref<100352xf32, #tpu.memory_space<hbm>>) dst(%arg39 : memref<64xf32, #tpu.memory_space<vmem>>)
      tpu.yield
    }) : () -> ()
    "tpu.region"() ({
      %run_scoped3A = tpu.sem_alloc : memref<!tpu.dma_semaphore, #tpu.memory_space<semaphore_mem>>
      %dma_start3A = arith.constant 0 : i32
      %dma_start3A_16 = tpu.memref_slice %arg12[%dma_start3A] : memref<100352xf32, #tpu.memory_space<hbm>> -> memref<100352xf32, #tpu.memory_space<hbm>>
      tpu.enqueue_indirect_dma source(%dma_start3A_16 : memref<100352xf32, #tpu.memory_space<hbm>>) target(%arg40 : memref<64xf32, #tpu.memory_space<vmem>>) offsets(%arg31 : memref<64xi32, #tpu.memory_space<vmem>>) semaphore(%run_scoped3A : memref<!tpu.dma_semaphore, #tpu.memory_space<semaphore_mem>>)
      %dma_wait3A = arith.constant 0 : i32
      %dma_wait3A_17 = tpu.memref_slice %arg12[%dma_wait3A] : memref<100352xf32, #tpu.memory_space<hbm>> -> memref<100352xf32, #tpu.memory_space<hbm>>
      tpu.wait_indirect_dma semaphore(%run_scoped3A : memref<!tpu.dma_semaphore, #tpu.memory_space<semaphore_mem>>) src(%dma_wait3A_17 : memref<100352xf32, #tpu.memory_space<hbm>>) dst(%arg40 : memref<64xf32, #tpu.memory_space<vmem>>)
      tpu.yield
    }) : () -> ()
    "tpu.region"() ({
      %run_scoped3A = tpu.sem_alloc : memref<!tpu.dma_semaphore, #tpu.memory_space<semaphore_mem>>
      %dma_start3A = tpu.memref_slice %arg16[%mul3A_2] : memref<2048xf32, #tpu.memory_space<hbm>> -> memref<64xf32, #tpu.memory_space<hbm>>
      %dma_start3A_16 = tpu.memref_slice %arg16[%mul3A_2] : memref<2048xf32, #tpu.memory_space<hbm>> -> memref<64xf32, #tpu.memory_space<hbm>>
      tpu.enqueue_dma source(%dma_start3A_16 : memref<64xf32, #tpu.memory_space<hbm>>) target(%arg41 : memref<64xf32, #tpu.memory_space<vmem>>) target_semaphore(%run_scoped3A : memref<!tpu.dma_semaphore, #tpu.memory_space<semaphore_mem>>)
      %dma_wait3A = tpu.memref_slice %arg16[%mul3A_2] : memref<2048xf32, #tpu.memory_space<hbm>> -> memref<64xf32, #tpu.memory_space<hbm>>
      %dma_wait3A_17 = tpu.memref_slice %arg16[%mul3A_2] : memref<2048xf32, #tpu.memory_space<hbm>> -> memref<64xf32, #tpu.memory_space<hbm>>
      tpu.wait_dma2 semaphore(%run_scoped3A : memref<!tpu.dma_semaphore, #tpu.memory_space<semaphore_mem>>) src(%dma_wait3A_17 : memref<64xf32, #tpu.memory_space<hbm>>) dst(%arg41 : memref<64xf32, #tpu.memory_space<vmem>>)
      tpu.yield
    }) : () -> ()
    "tpu.region"() ({
      %run_scoped3A = tpu.sem_alloc : memref<!tpu.dma_semaphore, #tpu.memory_space<semaphore_mem>>
      %dma_start3A = tpu.memref_slice %arg17[%mul3A_2] : memref<2048xf32, #tpu.memory_space<hbm>> -> memref<64xf32, #tpu.memory_space<hbm>>
      %dma_start3A_16 = tpu.memref_slice %arg17[%mul3A_2] : memref<2048xf32, #tpu.memory_space<hbm>> -> memref<64xf32, #tpu.memory_space<hbm>>
      tpu.enqueue_dma source(%dma_start3A_16 : memref<64xf32, #tpu.memory_space<hbm>>) target(%arg42 : memref<64xf32, #tpu.memory_space<vmem>>) target_semaphore(%run_scoped3A : memref<!tpu.dma_semaphore, #tpu.memory_space<semaphore_mem>>)
      %dma_wait3A = tpu.memref_slice %arg17[%mul3A_2] : memref<2048xf32, #tpu.memory_space<hbm>> -> memref<64xf32, #tpu.memory_space<hbm>>
      %dma_wait3A_17 = tpu.memref_slice %arg17[%mul3A_2] : memref<2048xf32, #tpu.memory_space<hbm>> -> memref<64xf32, #tpu.memory_space<hbm>>
      tpu.wait_dma2 semaphore(%run_scoped3A : memref<!tpu.dma_semaphore, #tpu.memory_space<semaphore_mem>>) src(%dma_wait3A_17 : memref<64xf32, #tpu.memory_space<hbm>>) dst(%arg42 : memref<64xf32, #tpu.memory_space<vmem>>)
      tpu.yield
    }) : () -> ()
    "tpu.region"() ({
      %run_scoped3A = tpu.sem_alloc : memref<!tpu.dma_semaphore, #tpu.memory_space<semaphore_mem>>
      %dma_start3A = tpu.memref_slice %arg18[%mul3A_2] : memref<2048xf32, #tpu.memory_space<hbm>> -> memref<64xf32, #tpu.memory_space<hbm>>
      %dma_start3A_16 = tpu.memref_slice %arg18[%mul3A_2] : memref<2048xf32, #tpu.memory_space<hbm>> -> memref<64xf32, #tpu.memory_space<hbm>>
      tpu.enqueue_dma source(%dma_start3A_16 : memref<64xf32, #tpu.memory_space<hbm>>) target(%arg43 : memref<64xf32, #tpu.memory_space<vmem>>) target_semaphore(%run_scoped3A : memref<!tpu.dma_semaphore, #tpu.memory_space<semaphore_mem>>)
      %dma_wait3A = tpu.memref_slice %arg18[%mul3A_2] : memref<2048xf32, #tpu.memory_space<hbm>> -> memref<64xf32, #tpu.memory_space<hbm>>
      %dma_wait3A_17 = tpu.memref_slice %arg18[%mul3A_2] : memref<2048xf32, #tpu.memory_space<hbm>> -> memref<64xf32, #tpu.memory_space<hbm>>
      tpu.wait_dma2 semaphore(%run_scoped3A : memref<!tpu.dma_semaphore, #tpu.memory_space<semaphore_mem>>) src(%dma_wait3A_17 : memref<64xf32, #tpu.memory_space<hbm>>) dst(%arg43 : memref<64xf32, #tpu.memory_space<vmem>>)
      tpu.yield
    }) : () -> ()
    %scan3A = arith.constant 0 : i32
    %scan3A_3 = arith.constant 0 : i32
    %scan3A_4 = arith.constant 4 : i32
    %scan3A_5 = arith.addi %scan3A_3, %scan3A_4 : i32
    %scan3A_6 = arith.constant 1 : i32
    scf.for %scan3A_16 = %scan3A_3 to %scan3A_5 step %scan3A_6  : i32 {
      %mul3A_17 = arith.constant 16 : i32
      %mul3A_18 = arith.muli %scan3A_16, %mul3A_17 : i32
      %get3A = arith.index_cast %mul3A_18 : i32 to index
      %get3A_19 = tpu.vector_load %arg41[%get3A] {strides = array<i32>} : memref<64xf32, #tpu.memory_space<vmem>>, vector<16xf32>,
      %get3A_20 = vector.shape_cast %get3A_19 : vector<16xf32> to vector<16xf32>
      %get3A_21 = arith.index_cast %mul3A_18 : i32 to index
      %get3A_22 = tpu.vector_load %arg42[%get3A_21] {strides = array<i32>} : memref<64xf32, #tpu.memory_space<vmem>>, vector<16xf32>,
      %get3A_23 = vector.shape_cast %get3A_22 : vector<16xf32> to vector<16xf32>
      %get3A_24 = arith.index_cast %mul3A_18 : i32 to index
      %get3A_25 = tpu.vector_load %arg43[%get3A_24] {strides = array<i32>} : memref<64xf32, #tpu.memory_space<vmem>>, vector<16xf32>,
      %get3A_26 = vector.shape_cast %get3A_25 : vector<16xf32> to vector<16xf32>
      %get3A_27 = arith.index_cast %mul3A_18 : i32 to index
      %get3A_28 = tpu.vector_load %arg32[%get3A_27] {strides = array<i32>} : memref<64xf32, #tpu.memory_space<vmem>>, vector<16xf32>,
      %get3A_29 = vector.shape_cast %get3A_28 : vector<16xf32> to vector<16xf32>
      %mul3A_30 = arith.mulf %get3A_20, %get3A_29 : vector<16xf32>
      %get3A_31 = arith.index_cast %mul3A_18 : i32 to index
      %get3A_32 = tpu.vector_load %arg35[%get3A_31] {strides = array<i32>} : memref<64xf32, #tpu.memory_space<vmem>>, vector<16xf32>,
      %get3A_33 = vector.shape_cast %get3A_32 : vector<16xf32> to vector<16xf32>
      %mul3A_34 = arith.mulf %get3A_23, %get3A_33 : vector<16xf32>
      %add3A_35 = arith.addf %mul3A_30, %mul3A_34 : vector<16xf32>
      %get3A_36 = arith.index_cast %mul3A_18 : i32 to index
      %get3A_37 = tpu.vector_load %arg38[%get3A_36] {strides = array<i32>} : memref<64xf32, #tpu.memory_space<vmem>>, vector<16xf32>,
      %get3A_38 = vector.shape_cast %get3A_37 : vector<16xf32> to vector<16xf32>
      %mul3A_39 = arith.mulf %get3A_26, %get3A_38 : vector<16xf32>
      %add3A_40 = arith.addf %add3A_35, %mul3A_39 : vector<16xf32>
      %swap3A = arith.index_cast %mul3A_18 : i32 to index
      %swap3A_41 = tpu.vector_load %arg44[%swap3A] {strides = array<i32>} : memref<64xf32, #tpu.memory_space<vmem>>, vector<16xf32>,
      %swap3A_42 = vector.shape_cast %swap3A_41 : vector<16xf32> to vector<16xf32>
      %swap3A_43 = vector.shape_cast %add3A_40 : vector<16xf32> to vector<16xf32>
      tpu.vector_store %arg44[%swap3A], %swap3A_43 {strides = array<i32>} : memref<64xf32, #tpu.memory_space<vmem>>, vector<16xf32>,
      %get3A_44 = arith.index_cast %mul3A_18 : i32 to index
      %get3A_45 = tpu.vector_load %arg33[%get3A_44] {strides = array<i32>} : memref<64xf32, #tpu.memory_space<vmem>>, vector<16xf32>,
      %get3A_46 = vector.shape_cast %get3A_45 : vector<16xf32> to vector<16xf32>
      %mul3A_47 = arith.mulf %get3A_20, %get3A_46 : vector<16xf32>
      %get3A_48 = arith.index_cast %mul3A_18 : i32 to index
      %get3A_49 = tpu.vector_load %arg36[%get3A_48] {strides = array<i32>} : memref<64xf32, #tpu.memory_space<vmem>>, vector<16xf32>,
      %get3A_50 = vector.shape_cast %get3A_49 : vector<16xf32> to vector<16xf32>
      %mul3A_51 = arith.mulf %get3A_23, %get3A_50 : vector<16xf32>
      %add3A_52 = arith.addf %mul3A_47, %mul3A_51 : vector<16xf32>
      %get3A_53 = arith.index_cast %mul3A_18 : i32 to index
      %get3A_54 = tpu.vector_load %arg39[%get3A_53] {strides = array<i32>} : memref<64xf32, #tpu.memory_space<vmem>>, vector<16xf32>,
      %get3A_55 = vector.shape_cast %get3A_54 : vector<16xf32> to vector<16xf32>
      %mul3A_56 = arith.mulf %get3A_26, %get3A_55 : vector<16xf32>
      %add3A_57 = arith.addf %add3A_52, %mul3A_56 : vector<16xf32>
      %swap3A_58 = arith.index_cast %mul3A_18 : i32 to index
      %swap3A_59 = tpu.vector_load %arg45[%swap3A_58] {strides = array<i32>} : memref<64xf32, #tpu.memory_space<vmem>>, vector<16xf32>,
      %swap3A_60 = vector.shape_cast %swap3A_59 : vector<16xf32> to vector<16xf32>
      %swap3A_61 = vector.shape_cast %add3A_57 : vector<16xf32> to vector<16xf32>
      tpu.vector_store %arg45[%swap3A_58], %swap3A_61 {strides = array<i32>} : memref<64xf32, #tpu.memory_space<vmem>>, vector<16xf32>,
      %get3A_62 = arith.index_cast %mul3A_18 : i32 to index
      %get3A_63 = tpu.vector_load %arg34[%get3A_62] {strides = array<i32>} : memref<64xf32, #tpu.memory_space<vmem>>, vector<16xf32>,
      %get3A_64 = vector.shape_cast %get3A_63 : vector<16xf32> to vector<16xf32>
      %mul3A_65 = arith.mulf %get3A_20, %get3A_64 : vector<16xf32>
      %get3A_66 = arith.index_cast %mul3A_18 : i32 to index
      %get3A_67 = tpu.vector_load %arg37[%get3A_66] {strides = array<i32>} : memref<64xf32, #tpu.memory_space<vmem>>, vector<16xf32>,
      %get3A_68 = vector.shape_cast %get3A_67 : vector<16xf32> to vector<16xf32>
      %mul3A_69 = arith.mulf %get3A_23, %get3A_68 : vector<16xf32>
      %add3A_70 = arith.addf %mul3A_65, %mul3A_69 : vector<16xf32>
      %get3A_71 = arith.index_cast %mul3A_18 : i32 to index
      %get3A_72 = tpu.vector_load %arg40[%get3A_71] {strides = array<i32>} : memref<64xf32, #tpu.memory_space<vmem>>, vector<16xf32>,
      %get3A_73 = vector.shape_cast %get3A_72 : vector<16xf32> to vector<16xf32>
      %mul3A_74 = arith.mulf %get3A_26, %get3A_73 : vector<16xf32>
      %add3A_75 = arith.addf %add3A_70, %mul3A_74 : vector<16xf32>
      %swap3A_76 = arith.index_cast %mul3A_18 : i32 to index
      %swap3A_77 = tpu.vector_load %arg46[%swap3A_76] {strides = array<i32>} : memref<64xf32, #tpu.memory_space<vmem>>, vector<16xf32>,
      %swap3A_78 = vector.shape_cast %swap3A_77 : vector<16xf32> to vector<16xf32>
      %swap3A_79 = vector.shape_cast %add3A_75 : vector<16xf32> to vector<16xf32>
      tpu.vector_store %arg46[%swap3A_76], %swap3A_79 {strides = array<i32>} : memref<64xf32, #tpu.memory_space<vmem>>, vector<16xf32>,
    }
    %scan3A_7 = arith.constant 4 : i32
    "tpu.region"() ({
      %run_scoped3A = tpu.sem_alloc : memref<!tpu.dma_semaphore, #tpu.memory_space<semaphore_mem>>
      %dma_start3A = tpu.memref_slice %arg22[%mul3A_2] : memref<2048xf32, #tpu.memory_space<hbm>> -> memref<64xf32, #tpu.memory_space<hbm>>
      %dma_start3A_16 = tpu.memref_slice %arg22[%mul3A_2] : memref<2048xf32, #tpu.memory_space<hbm>> -> memref<64xf32, #tpu.memory_space<hbm>>
      tpu.enqueue_dma source(%arg44 : memref<64xf32, #tpu.memory_space<vmem>>) target(%dma_start3A_16 : memref<64xf32, #tpu.memory_space<hbm>>) target_semaphore(%run_scoped3A : memref<!tpu.dma_semaphore, #tpu.memory_space<semaphore_mem>>)
      %dma_wait3A = tpu.memref_slice %arg22[%mul3A_2] : memref<2048xf32, #tpu.memory_space<hbm>> -> memref<64xf32, #tpu.memory_space<hbm>>
      %dma_wait3A_17 = tpu.memref_slice %arg22[%mul3A_2] : memref<2048xf32, #tpu.memory_space<hbm>> -> memref<64xf32, #tpu.memory_space<hbm>>
      tpu.wait_dma2 semaphore(%run_scoped3A : memref<!tpu.dma_semaphore, #tpu.memory_space<semaphore_mem>>) src(%arg44 : memref<64xf32, #tpu.memory_space<vmem>>) dst(%dma_wait3A_17 : memref<64xf32, #tpu.memory_space<hbm>>)
      tpu.yield
    }) : () -> ()
    "tpu.region"() ({
      %run_scoped3A = tpu.sem_alloc : memref<!tpu.dma_semaphore, #tpu.memory_space<semaphore_mem>>
      %dma_start3A = tpu.memref_slice %arg23[%mul3A_2] : memref<2048xf32, #tpu.memory_space<hbm>> -> memref<64xf32, #tpu.memory_space<hbm>>
      %dma_start3A_16 = tpu.memref_slice %arg23[%mul3A_2] : memref<2048xf32, #tpu.memory_space<hbm>> -> memref<64xf32, #tpu.memory_space<hbm>>
      tpu.enqueue_dma source(%arg45 : memref<64xf32, #tpu.memory_space<vmem>>) target(%dma_start3A_16 : memref<64xf32, #tpu.memory_space<hbm>>) target_semaphore(%run_scoped3A : memref<!tpu.dma_semaphore, #tpu.memory_space<semaphore_mem>>)
      %dma_wait3A = tpu.memref_slice %arg23[%mul3A_2] : memref<2048xf32, #tpu.memory_space<hbm>> -> memref<64xf32, #tpu.memory_space<hbm>>
      %dma_wait3A_17 = tpu.memref_slice %arg23[%mul3A_2] : memref<2048xf32, #tpu.memory_space<hbm>> -> memref<64xf32, #tpu.memory_space<hbm>>
      tpu.wait_dma2 semaphore(%run_scoped3A : memref<!tpu.dma_semaphore, #tpu.memory_space<semaphore_mem>>) src(%arg45 : memref<64xf32, #tpu.memory_space<vmem>>) dst(%dma_wait3A_17 : memref<64xf32, #tpu.memory_space<hbm>>)
      tpu.yield
    }) : () -> ()
    "tpu.region"() ({
      %run_scoped3A = tpu.sem_alloc : memref<!tpu.dma_semaphore, #tpu.memory_space<semaphore_mem>>
      %dma_start3A = tpu.memref_slice %arg24[%mul3A_2] : memref<2048xf32, #tpu.memory_space<hbm>> -> memref<64xf32, #tpu.memory_space<hbm>>
      %dma_start3A_16 = tpu.memref_slice %arg24[%mul3A_2] : memref<2048xf32, #tpu.memory_space<hbm>> -> memref<64xf32, #tpu.memory_space<hbm>>
      tpu.enqueue_dma source(%arg46 : memref<64xf32, #tpu.memory_space<vmem>>) target(%dma_start3A_16 : memref<64xf32, #tpu.memory_space<hbm>>) target_semaphore(%run_scoped3A : memref<!tpu.dma_semaphore, #tpu.memory_space<semaphore_mem>>)
      %dma_wait3A = tpu.memref_slice %arg24[%mul3A_2] : memref<2048xf32, #tpu.memory_space<hbm>> -> memref<64xf32, #tpu.memory_space<hbm>>
      %dma_wait3A_17 = tpu.memref_slice %arg24[%mul3A_2] : memref<2048xf32, #tpu.memory_space<hbm>> -> memref<64xf32, #tpu.memory_space<hbm>>
      tpu.wait_dma2 semaphore(%run_scoped3A : memref<!tpu.dma_semaphore, #tpu.memory_space<semaphore_mem>>) src(%arg46 : memref<64xf32, #tpu.memory_space<vmem>>) dst(%dma_wait3A_17 : memref<64xf32, #tpu.memory_space<hbm>>)
      tpu.yield
    }) : () -> ()
    %mul3A_8 = arith.constant 64 : i32
    %mul3A_9 = arith.muli %add3A, %mul3A_8 : i32
    "tpu.region"() ({
      %run_scoped3A = tpu.sem_alloc : memref<!tpu.dma_semaphore, #tpu.memory_space<semaphore_mem>>
      %dma_start3A = tpu.memref_slice %arg3[%mul3A_9] : memref<2048xi32, #tpu.memory_space<hbm>> -> memref<64xi32, #tpu.memory_space<hbm>>
      %dma_start3A_16 = tpu.memref_slice %arg3[%mul3A_9] : memref<2048xi32, #tpu.memory_space<hbm>> -> memref<64xi32, #tpu.memory_space<hbm>>
      tpu.enqueue_dma source(%dma_start3A_16 : memref<64xi32, #tpu.memory_space<hbm>>) target(%arg28 : memref<64xi32, #tpu.memory_space<vmem>>) target_semaphore(%run_scoped3A : memref<!tpu.dma_semaphore, #tpu.memory_space<semaphore_mem>>)
      %dma_wait3A = tpu.memref_slice %arg3[%mul3A_9] : memref<2048xi32, #tpu.memory_space<hbm>> -> memref<64xi32, #tpu.memory_space<hbm>>
      %dma_wait3A_17 = tpu.memref_slice %arg3[%mul3A_9] : memref<2048xi32, #tpu.memory_space<hbm>> -> memref<64xi32, #tpu.memory_space<hbm>>
      tpu.wait_dma2 semaphore(%run_scoped3A : memref<!tpu.dma_semaphore, #tpu.memory_space<semaphore_mem>>) src(%dma_wait3A_17 : memref<64xi32, #tpu.memory_space<hbm>>) dst(%arg28 : memref<64xi32, #tpu.memory_space<vmem>>)
      tpu.yield
    }) : () -> ()
    "tpu.region"() ({
      %run_scoped3A = tpu.sem_alloc : memref<!tpu.dma_semaphore, #tpu.memory_space<semaphore_mem>>
      %dma_start3A = arith.constant 0 : i32
      %dma_start3A_16 = tpu.memref_slice %arg7[%dma_start3A] : memref<200704xi32, #tpu.memory_space<hbm>> -> memref<200704xi32, #tpu.memory_space<hbm>>
      tpu.enqueue_indirect_dma source(%dma_start3A_16 : memref<200704xi32, #tpu.memory_space<hbm>>) target(%arg29 : memref<64xi32, #tpu.memory_space<vmem>>) offsets(%arg28 : memref<64xi32, #tpu.memory_space<vmem>>) semaphore(%run_scoped3A : memref<!tpu.dma_semaphore, #tpu.memory_space<semaphore_mem>>)
      %dma_wait3A = arith.constant 0 : i32
      %dma_wait3A_17 = tpu.memref_slice %arg7[%dma_wait3A] : memref<200704xi32, #tpu.memory_space<hbm>> -> memref<200704xi32, #tpu.memory_space<hbm>>
      tpu.wait_indirect_dma semaphore(%run_scoped3A : memref<!tpu.dma_semaphore, #tpu.memory_space<semaphore_mem>>) src(%dma_wait3A_17 : memref<200704xi32, #tpu.memory_space<hbm>>) dst(%arg29 : memref<64xi32, #tpu.memory_space<vmem>>)
      tpu.yield
    }) : () -> ()
    "tpu.region"() ({
      %run_scoped3A = tpu.sem_alloc : memref<!tpu.dma_semaphore, #tpu.memory_space<semaphore_mem>>
      %dma_start3A = arith.constant 0 : i32
      %dma_start3A_16 = tpu.memref_slice %arg8[%dma_start3A] : memref<200704xi32, #tpu.memory_space<hbm>> -> memref<200704xi32, #tpu.memory_space<hbm>>
      tpu.enqueue_indirect_dma source(%dma_start3A_16 : memref<200704xi32, #tpu.memory_space<hbm>>) target(%arg30 : memref<64xi32, #tpu.memory_space<vmem>>) offsets(%arg28 : memref<64xi32, #tpu.memory_space<vmem>>) semaphore(%run_scoped3A : memref<!tpu.dma_semaphore, #tpu.memory_space<semaphore_mem>>)
      %dma_wait3A = arith.constant 0 : i32
      %dma_wait3A_17 = tpu.memref_slice %arg8[%dma_wait3A] : memref<200704xi32, #tpu.memory_space<hbm>> -> memref<200704xi32, #tpu.memory_space<hbm>>
      tpu.wait_indirect_dma semaphore(%run_scoped3A : memref<!tpu.dma_semaphore, #tpu.memory_space<semaphore_mem>>) src(%dma_wait3A_17 : memref<200704xi32, #tpu.memory_space<hbm>>) dst(%arg30 : memref<64xi32, #tpu.memory_space<vmem>>)
      tpu.yield
    }) : () -> ()
    "tpu.region"() ({
      %run_scoped3A = tpu.sem_alloc : memref<!tpu.dma_semaphore, #tpu.memory_space<semaphore_mem>>
      %dma_start3A = arith.constant 0 : i32
      %dma_start3A_16 = tpu.memref_slice %arg9[%dma_start3A] : memref<200704xi32, #tpu.memory_space<hbm>> -> memref<200704xi32, #tpu.memory_space<hbm>>
      tpu.enqueue_indirect_dma source(%dma_start3A_16 : memref<200704xi32, #tpu.memory_space<hbm>>) target(%arg31 : memref<64xi32, #tpu.memory_space<vmem>>) offsets(%arg28 : memref<64xi32, #tpu.memory_space<vmem>>) semaphore(%run_scoped3A : memref<!tpu.dma_semaphore, #tpu.memory_space<semaphore_mem>>)
      %dma_wait3A = arith.constant 0 : i32
      %dma_wait3A_17 = tpu.memref_slice %arg9[%dma_wait3A] : memref<200704xi32, #tpu.memory_space<hbm>> -> memref<200704xi32, #tpu.memory_space<hbm>>
      tpu.wait_indirect_dma semaphore(%run_scoped3A : memref<!tpu.dma_semaphore, #tpu.memory_space<semaphore_mem>>) src(%dma_wait3A_17 : memref<200704xi32, #tpu.memory_space<hbm>>) dst(%arg31 : memref<64xi32, #tpu.memory_space<vmem>>)
      tpu.yield
    }) : () -> ()
    "tpu.region"() ({
      %run_scoped3A = tpu.sem_alloc : memref<!tpu.dma_semaphore, #tpu.memory_space<semaphore_mem>>
      %dma_start3A = arith.constant 0 : i32
      %dma_start3A_16 = tpu.memref_slice %arg13[%dma_start3A] : memref<100352xf32, #tpu.memory_space<hbm>> -> memref<100352xf32, #tpu.memory_space<hbm>>
      tpu.enqueue_indirect_dma source(%dma_start3A_16 : memref<100352xf32, #tpu.memory_space<hbm>>) target(%arg32 : memref<64xf32, #tpu.memory_space<vmem>>) offsets(%arg29 : memref<64xi32, #tpu.memory_space<vmem>>) semaphore(%run_scoped3A : memref<!tpu.dma_semaphore, #tpu.memory_space<semaphore_mem>>)
      %dma_wait3A = arith.constant 0 : i32
      %dma_wait3A_17 = tpu.memref_slice %arg13[%dma_wait3A] : memref<100352xf32, #tpu.memory_space<hbm>> -> memref<100352xf32, #tpu.memory_space<hbm>>
      tpu.wait_indirect_dma semaphore(%run_scoped3A : memref<!tpu.dma_semaphore, #tpu.memory_space<semaphore_mem>>) src(%dma_wait3A_17 : memref<100352xf32, #tpu.memory_space<hbm>>) dst(%arg32 : memref<64xf32, #tpu.memory_space<vmem>>)
      tpu.yield
    }) : () -> ()
    "tpu.region"() ({
      %run_scoped3A = tpu.sem_alloc : memref<!tpu.dma_semaphore, #tpu.memory_space<semaphore_mem>>
      %dma_start3A = arith.constant 0 : i32
      %dma_start3A_16 = tpu.memref_slice %arg14[%dma_start3A] : memref<100352xf32, #tpu.memory_space<hbm>> -> memref<100352xf32, #tpu.memory_space<hbm>>
      tpu.enqueue_indirect_dma source(%dma_start3A_16 : memref<100352xf32, #tpu.memory_space<hbm>>) target(%arg33 : memref<64xf32, #tpu.memory_space<vmem>>) offsets(%arg29 : memref<64xi32, #tpu.memory_space<vmem>>) semaphore(%run_scoped3A : memref<!tpu.dma_semaphore, #tpu.memory_space<semaphore_mem>>)
      %dma_wait3A = arith.constant 0 : i32
      %dma_wait3A_17 = tpu.memref_slice %arg14[%dma_wait3A] : memref<100352xf32, #tpu.memory_space<hbm>> -> memref<100352xf32, #tpu.memory_space<hbm>>
      tpu.wait_indirect_dma semaphore(%run_scoped3A : memref<!tpu.dma_semaphore, #tpu.memory_space<semaphore_mem>>) src(%dma_wait3A_17 : memref<100352xf32, #tpu.memory_space<hbm>>) dst(%arg33 : memref<64xf32, #tpu.memory_space<vmem>>)
      tpu.yield
    }) : () -> ()
    "tpu.region"() ({
      %run_scoped3A = tpu.sem_alloc : memref<!tpu.dma_semaphore, #tpu.memory_space<semaphore_mem>>
      %dma_start3A = arith.constant 0 : i32
      %dma_start3A_16 = tpu.memref_slice %arg15[%dma_start3A] : memref<100352xf32, #tpu.memory_space<hbm>> -> memref<100352xf32, #tpu.memory_space<hbm>>
      tpu.enqueue_indirect_dma source(%dma_start3A_16 : memref<100352xf32, #tpu.memory_space<hbm>>) target(%arg34 : memref<64xf32, #tpu.memory_space<vmem>>) offsets(%arg29 : memref<64xi32, #tpu.memory_space<vmem>>) semaphore(%run_scoped3A : memref<!tpu.dma_semaphore, #tpu.memory_space<semaphore_mem>>)
      %dma_wait3A = arith.constant 0 : i32
      %dma_wait3A_17 = tpu.memref_slice %arg15[%dma_wait3A] : memref<100352xf32, #tpu.memory_space<hbm>> -> memref<100352xf32, #tpu.memory_space<hbm>>
      tpu.wait_indirect_dma semaphore(%run_scoped3A : memref<!tpu.dma_semaphore, #tpu.memory_space<semaphore_mem>>) src(%dma_wait3A_17 : memref<100352xf32, #tpu.memory_space<hbm>>) dst(%arg34 : memref<64xf32, #tpu.memory_space<vmem>>)
      tpu.yield
    }) : () -> ()
    "tpu.region"() ({
      %run_scoped3A = tpu.sem_alloc : memref<!tpu.dma_semaphore, #tpu.memory_space<semaphore_mem>>
      %dma_start3A = arith.constant 0 : i32
      %dma_start3A_16 = tpu.memref_slice %arg13[%dma_start3A] : memref<100352xf32, #tpu.memory_space<hbm>> -> memref<100352xf32, #tpu.memory_space<hbm>>
      tpu.enqueue_indirect_dma source(%dma_start3A_16 : memref<100352xf32, #tpu.memory_space<hbm>>) target(%arg35 : memref<64xf32, #tpu.memory_space<vmem>>) offsets(%arg30 : memref<64xi32, #tpu.memory_space<vmem>>) semaphore(%run_scoped3A : memref<!tpu.dma_semaphore, #tpu.memory_space<semaphore_mem>>)
      %dma_wait3A = arith.constant 0 : i32
      %dma_wait3A_17 = tpu.memref_slice %arg13[%dma_wait3A] : memref<100352xf32, #tpu.memory_space<hbm>> -> memref<100352xf32, #tpu.memory_space<hbm>>
      tpu.wait_indirect_dma semaphore(%run_scoped3A : memref<!tpu.dma_semaphore, #tpu.memory_space<semaphore_mem>>) src(%dma_wait3A_17 : memref<100352xf32, #tpu.memory_space<hbm>>) dst(%arg35 : memref<64xf32, #tpu.memory_space<vmem>>)
      tpu.yield
    }) : () -> ()
    "tpu.region"() ({
      %run_scoped3A = tpu.sem_alloc : memref<!tpu.dma_semaphore, #tpu.memory_space<semaphore_mem>>
      %dma_start3A = arith.constant 0 : i32
      %dma_start3A_16 = tpu.memref_slice %arg14[%dma_start3A] : memref<100352xf32, #tpu.memory_space<hbm>> -> memref<100352xf32, #tpu.memory_space<hbm>>
      tpu.enqueue_indirect_dma source(%dma_start3A_16 : memref<100352xf32, #tpu.memory_space<hbm>>) target(%arg36 : memref<64xf32, #tpu.memory_space<vmem>>) offsets(%arg30 : memref<64xi32, #tpu.memory_space<vmem>>) semaphore(%run_scoped3A : memref<!tpu.dma_semaphore, #tpu.memory_space<semaphore_mem>>)
      %dma_wait3A = arith.constant 0 : i32
      %dma_wait3A_17 = tpu.memref_slice %arg14[%dma_wait3A] : memref<100352xf32, #tpu.memory_space<hbm>> -> memref<100352xf32, #tpu.memory_space<hbm>>
      tpu.wait_indirect_dma semaphore(%run_scoped3A : memref<!tpu.dma_semaphore, #tpu.memory_space<semaphore_mem>>) src(%dma_wait3A_17 : memref<100352xf32, #tpu.memory_space<hbm>>) dst(%arg36 : memref<64xf32, #tpu.memory_space<vmem>>)
      tpu.yield
    }) : () -> ()
    "tpu.region"() ({
      %run_scoped3A = tpu.sem_alloc : memref<!tpu.dma_semaphore, #tpu.memory_space<semaphore_mem>>
      %dma_start3A = arith.constant 0 : i32
      %dma_start3A_16 = tpu.memref_slice %arg15[%dma_start3A] : memref<100352xf32, #tpu.memory_space<hbm>> -> memref<100352xf32, #tpu.memory_space<hbm>>
      tpu.enqueue_indirect_dma source(%dma_start3A_16 : memref<100352xf32, #tpu.memory_space<hbm>>) target(%arg37 : memref<64xf32, #tpu.memory_space<vmem>>) offsets(%arg30 : memref<64xi32, #tpu.memory_space<vmem>>) semaphore(%run_scoped3A : memref<!tpu.dma_semaphore, #tpu.memory_space<semaphore_mem>>)
      %dma_wait3A = arith.constant 0 : i32
      %dma_wait3A_17 = tpu.memref_slice %arg15[%dma_wait3A] : memref<100352xf32, #tpu.memory_space<hbm>> -> memref<100352xf32, #tpu.memory_space<hbm>>
      tpu.wait_indirect_dma semaphore(%run_scoped3A : memref<!tpu.dma_semaphore, #tpu.memory_space<semaphore_mem>>) src(%dma_wait3A_17 : memref<100352xf32, #tpu.memory_space<hbm>>) dst(%arg37 : memref<64xf32, #tpu.memory_space<vmem>>)
      tpu.yield
    }) : () -> ()
    "tpu.region"() ({
      %run_scoped3A = tpu.sem_alloc : memref<!tpu.dma_semaphore, #tpu.memory_space<semaphore_mem>>
      %dma_start3A = arith.constant 0 : i32
      %dma_start3A_16 = tpu.memref_slice %arg13[%dma_start3A] : memref<100352xf32, #tpu.memory_space<hbm>> -> memref<100352xf32, #tpu.memory_space<hbm>>
      tpu.enqueue_indirect_dma source(%dma_start3A_16 : memref<100352xf32, #tpu.memory_space<hbm>>) target(%arg38 : memref<64xf32, #tpu.memory_space<vmem>>) offsets(%arg31 : memref<64xi32, #tpu.memory_space<vmem>>) semaphore(%run_scoped3A : memref<!tpu.dma_semaphore, #tpu.memory_space<semaphore_mem>>)
      %dma_wait3A = arith.constant 0 : i32
      %dma_wait3A_17 = tpu.memref_slice %arg13[%dma_wait3A] : memref<100352xf32, #tpu.memory_space<hbm>> -> memref<100352xf32, #tpu.memory_space<hbm>>
      tpu.wait_indirect_dma semaphore(%run_scoped3A : memref<!tpu.dma_semaphore, #tpu.memory_space<semaphore_mem>>) src(%dma_wait3A_17 : memref<100352xf32, #tpu.memory_space<hbm>>) dst(%arg38 : memref<64xf32, #tpu.memory_space<vmem>>)
      tpu.yield
    }) : () -> ()
    "tpu.region"() ({
      %run_scoped3A = tpu.sem_alloc : memref<!tpu.dma_semaphore, #tpu.memory_space<semaphore_mem>>
      %dma_start3A = arith.constant 0 : i32
      %dma_start3A_16 = tpu.memref_slice %arg14[%dma_start3A] : memref<100352xf32, #tpu.memory_space<hbm>> -> memref<100352xf32, #tpu.memory_space<hbm>>
      tpu.enqueue_indirect_dma source(%dma_start3A_16 : memref<100352xf32, #tpu.memory_space<hbm>>) target(%arg39 : memref<64xf32, #tpu.memory_space<vmem>>) offsets(%arg31 : memref<64xi32, #tpu.memory_space<vmem>>) semaphore(%run_scoped3A : memref<!tpu.dma_semaphore, #tpu.memory_space<semaphore_mem>>)
      %dma_wait3A = arith.constant 0 : i32
      %dma_wait3A_17 = tpu.memref_slice %arg14[%dma_wait3A] : memref<100352xf32, #tpu.memory_space<hbm>> -> memref<100352xf32, #tpu.memory_space<hbm>>
      tpu.wait_indirect_dma semaphore(%run_scoped3A : memref<!tpu.dma_semaphore, #tpu.memory_space<semaphore_mem>>) src(%dma_wait3A_17 : memref<100352xf32, #tpu.memory_space<hbm>>) dst(%arg39 : memref<64xf32, #tpu.memory_space<vmem>>)
      tpu.yield
    }) : () -> ()
    "tpu.region"() ({
      %run_scoped3A = tpu.sem_alloc : memref<!tpu.dma_semaphore, #tpu.memory_space<semaphore_mem>>
      %dma_start3A = arith.constant 0 : i32
      %dma_start3A_16 = tpu.memref_slice %arg15[%dma_start3A] : memref<100352xf32, #tpu.memory_space<hbm>> -> memref<100352xf32, #tpu.memory_space<hbm>>
      tpu.enqueue_indirect_dma source(%dma_start3A_16 : memref<100352xf32, #tpu.memory_space<hbm>>) target(%arg40 : memref<64xf32, #tpu.memory_space<vmem>>) offsets(%arg31 : memref<64xi32, #tpu.memory_space<vmem>>) semaphore(%run_scoped3A : memref<!tpu.dma_semaphore, #tpu.memory_space<semaphore_mem>>)
      %dma_wait3A = arith.constant 0 : i32
      %dma_wait3A_17 = tpu.memref_slice %arg15[%dma_wait3A] : memref<100352xf32, #tpu.memory_space<hbm>> -> memref<100352xf32, #tpu.memory_space<hbm>>
      tpu.wait_indirect_dma semaphore(%run_scoped3A : memref<!tpu.dma_semaphore, #tpu.memory_space<semaphore_mem>>) src(%dma_wait3A_17 : memref<100352xf32, #tpu.memory_space<hbm>>) dst(%arg40 : memref<64xf32, #tpu.memory_space<vmem>>)
      tpu.yield
    }) : () -> ()
    "tpu.region"() ({
      %run_scoped3A = tpu.sem_alloc : memref<!tpu.dma_semaphore, #tpu.memory_space<semaphore_mem>>
      %dma_start3A = tpu.memref_slice %arg19[%mul3A_9] : memref<2048xf32, #tpu.memory_space<hbm>> -> memref<64xf32, #tpu.memory_space<hbm>>
      %dma_start3A_16 = tpu.memref_slice %arg19[%mul3A_9] : memref<2048xf32, #tpu.memory_space<hbm>> -> memref<64xf32, #tpu.memory_space<hbm>>
      tpu.enqueue_dma source(%dma_start3A_16 : memref<64xf32, #tpu.memory_space<hbm>>) target(%arg41 : memref<64xf32, #tpu.memory_space<vmem>>) target_semaphore(%run_scoped3A : memref<!tpu.dma_semaphore, #tpu.memory_space<semaphore_mem>>)
      %dma_wait3A = tpu.memref_slice %arg19[%mul3A_9] : memref<2048xf32, #tpu.memory_space<hbm>> -> memref<64xf32, #tpu.memory_space<hbm>>
      %dma_wait3A_17 = tpu.memref_slice %arg19[%mul3A_9] : memref<2048xf32, #tpu.memory_space<hbm>> -> memref<64xf32, #tpu.memory_space<hbm>>
      tpu.wait_dma2 semaphore(%run_scoped3A : memref<!tpu.dma_semaphore, #tpu.memory_space<semaphore_mem>>) src(%dma_wait3A_17 : memref<64xf32, #tpu.memory_space<hbm>>) dst(%arg41 : memref<64xf32, #tpu.memory_space<vmem>>)
      tpu.yield
    }) : () -> ()
    "tpu.region"() ({
      %run_scoped3A = tpu.sem_alloc : memref<!tpu.dma_semaphore, #tpu.memory_space<semaphore_mem>>
      %dma_start3A = tpu.memref_slice %arg20[%mul3A_9] : memref<2048xf32, #tpu.memory_space<hbm>> -> memref<64xf32, #tpu.memory_space<hbm>>
      %dma_start3A_16 = tpu.memref_slice %arg20[%mul3A_9] : memref<2048xf32, #tpu.memory_space<hbm>> -> memref<64xf32, #tpu.memory_space<hbm>>
      tpu.enqueue_dma source(%dma_start3A_16 : memref<64xf32, #tpu.memory_space<hbm>>) target(%arg42 : memref<64xf32, #tpu.memory_space<vmem>>) target_semaphore(%run_scoped3A : memref<!tpu.dma_semaphore, #tpu.memory_space<semaphore_mem>>)
      %dma_wait3A = tpu.memref_slice %arg20[%mul3A_9] : memref<2048xf32, #tpu.memory_space<hbm>> -> memref<64xf32, #tpu.memory_space<hbm>>
      %dma_wait3A_17 = tpu.memref_slice %arg20[%mul3A_9] : memref<2048xf32, #tpu.memory_space<hbm>> -> memref<64xf32, #tpu.memory_space<hbm>>
      tpu.wait_dma2 semaphore(%run_scoped3A : memref<!tpu.dma_semaphore, #tpu.memory_space<semaphore_mem>>) src(%dma_wait3A_17 : memref<64xf32, #tpu.memory_space<hbm>>) dst(%arg42 : memref<64xf32, #tpu.memory_space<vmem>>)
      tpu.yield
    }) : () -> ()
    "tpu.region"() ({
      %run_scoped3A = tpu.sem_alloc : memref<!tpu.dma_semaphore, #tpu.memory_space<semaphore_mem>>
      %dma_start3A = tpu.memref_slice %arg21[%mul3A_9] : memref<2048xf32, #tpu.memory_space<hbm>> -> memref<64xf32, #tpu.memory_space<hbm>>
      %dma_start3A_16 = tpu.memref_slice %arg21[%mul3A_9] : memref<2048xf32, #tpu.memory_space<hbm>> -> memref<64xf32, #tpu.memory_space<hbm>>
      tpu.enqueue_dma source(%dma_start3A_16 : memref<64xf32, #tpu.memory_space<hbm>>) target(%arg43 : memref<64xf32, #tpu.memory_space<vmem>>) target_semaphore(%run_scoped3A : memref<!tpu.dma_semaphore, #tpu.memory_space<semaphore_mem>>)
      %dma_wait3A = tpu.memref_slice %arg21[%mul3A_9] : memref<2048xf32, #tpu.memory_space<hbm>> -> memref<64xf32, #tpu.memory_space<hbm>>
      %dma_wait3A_17 = tpu.memref_slice %arg21[%mul3A_9] : memref<2048xf32, #tpu.memory_space<hbm>> -> memref<64xf32, #tpu.memory_space<hbm>>
      tpu.wait_dma2 semaphore(%run_scoped3A : memref<!tpu.dma_semaphore, #tpu.memory_space<semaphore_mem>>) src(%dma_wait3A_17 : memref<64xf32, #tpu.memory_space<hbm>>) dst(%arg43 : memref<64xf32, #tpu.memory_space<vmem>>)
      tpu.yield
    }) : () -> ()
    %scan3A_10 = arith.constant 0 : i32
    %scan3A_11 = arith.constant 0 : i32
    %scan3A_12 = arith.constant 4 : i32
    %scan3A_13 = arith.addi %scan3A_11, %scan3A_12 : i32
    %scan3A_14 = arith.constant 1 : i32
    scf.for %scan3A_16 = %scan3A_11 to %scan3A_13 step %scan3A_14  : i32 {
      %mul3A_17 = arith.constant 16 : i32
      %mul3A_18 = arith.muli %scan3A_16, %mul3A_17 : i32
      %get3A = arith.index_cast %mul3A_18 : i32 to index
      %get3A_19 = tpu.vector_load %arg41[%get3A] {strides = array<i32>} : memref<64xf32, #tpu.memory_space<vmem>>, vector<16xf32>,
      %get3A_20 = vector.shape_cast %get3A_19 : vector<16xf32> to vector<16xf32>
      %get3A_21 = arith.index_cast %mul3A_18 : i32 to index
      %get3A_22 = tpu.vector_load %arg42[%get3A_21] {strides = array<i32>} : memref<64xf32, #tpu.memory_space<vmem>>, vector<16xf32>,
      %get3A_23 = vector.shape_cast %get3A_22 : vector<16xf32> to vector<16xf32>
      %get3A_24 = arith.index_cast %mul3A_18 : i32 to index
      %get3A_25 = tpu.vector_load %arg43[%get3A_24] {strides = array<i32>} : memref<64xf32, #tpu.memory_space<vmem>>, vector<16xf32>,
      %get3A_26 = vector.shape_cast %get3A_25 : vector<16xf32> to vector<16xf32>
      %get3A_27 = arith.index_cast %mul3A_18 : i32 to index
      %get3A_28 = tpu.vector_load %arg32[%get3A_27] {strides = array<i32>} : memref<64xf32, #tpu.memory_space<vmem>>, vector<16xf32>,
      %get3A_29 = vector.shape_cast %get3A_28 : vector<16xf32> to vector<16xf32>
      %mul3A_30 = arith.mulf %get3A_20, %get3A_29 : vector<16xf32>
      %get3A_31 = arith.index_cast %mul3A_18 : i32 to index
      %get3A_32 = tpu.vector_load %arg35[%get3A_31] {strides = array<i32>} : memref<64xf32, #tpu.memory_space<vmem>>, vector<16xf32>,
      %get3A_33 = vector.shape_cast %get3A_32 : vector<16xf32> to vector<16xf32>
      %mul3A_34 = arith.mulf %get3A_23, %get3A_33 : vector<16xf32>
      %add3A_35 = arith.addf %mul3A_30, %mul3A_34 : vector<16xf32>
      %get3A_36 = arith.index_cast %mul3A_18 : i32 to index
      %get3A_37 = tpu.vector_load %arg38[%get3A_36] {strides = array<i32>} : memref<64xf32, #tpu.memory_space<vmem>>, vector<16xf32>,
      %get3A_38 = vector.shape_cast %get3A_37 : vector<16xf32> to vector<16xf32>
      %mul3A_39 = arith.mulf %get3A_26, %get3A_38 : vector<16xf32>
      %add3A_40 = arith.addf %add3A_35, %mul3A_39 : vector<16xf32>
      %swap3A = arith.index_cast %mul3A_18 : i32 to index
      %swap3A_41 = tpu.vector_load %arg44[%swap3A] {strides = array<i32>} : memref<64xf32, #tpu.memory_space<vmem>>, vector<16xf32>,
      %swap3A_42 = vector.shape_cast %swap3A_41 : vector<16xf32> to vector<16xf32>
      %swap3A_43 = vector.shape_cast %add3A_40 : vector<16xf32> to vector<16xf32>
      tpu.vector_store %arg44[%swap3A], %swap3A_43 {strides = array<i32>} : memref<64xf32, #tpu.memory_space<vmem>>, vector<16xf32>,
      %get3A_44 = arith.index_cast %mul3A_18 : i32 to index
      %get3A_45 = tpu.vector_load %arg33[%get3A_44] {strides = array<i32>} : memref<64xf32, #tpu.memory_space<vmem>>, vector<16xf32>,
      %get3A_46 = vector.shape_cast %get3A_45 : vector<16xf32> to vector<16xf32>
      %mul3A_47 = arith.mulf %get3A_20, %get3A_46 : vector<16xf32>
      %get3A_48 = arith.index_cast %mul3A_18 : i32 to index
      %get3A_49 = tpu.vector_load %arg36[%get3A_48] {strides = array<i32>} : memref<64xf32, #tpu.memory_space<vmem>>, vector<16xf32>,
      %get3A_50 = vector.shape_cast %get3A_49 : vector<16xf32> to vector<16xf32>
      %mul3A_51 = arith.mulf %get3A_23, %get3A_50 : vector<16xf32>
      %add3A_52 = arith.addf %mul3A_47, %mul3A_51 : vector<16xf32>
      %get3A_53 = arith.index_cast %mul3A_18 : i32 to index
      %get3A_54 = tpu.vector_load %arg39[%get3A_53] {strides = array<i32>} : memref<64xf32, #tpu.memory_space<vmem>>, vector<16xf32>,
      %get3A_55 = vector.shape_cast %get3A_54 : vector<16xf32> to vector<16xf32>
      %mul3A_56 = arith.mulf %get3A_26, %get3A_55 : vector<16xf32>
      %add3A_57 = arith.addf %add3A_52, %mul3A_56 : vector<16xf32>
      %swap3A_58 = arith.index_cast %mul3A_18 : i32 to index
      %swap3A_59 = tpu.vector_load %arg45[%swap3A_58] {strides = array<i32>} : memref<64xf32, #tpu.memory_space<vmem>>, vector<16xf32>,
      %swap3A_60 = vector.shape_cast %swap3A_59 : vector<16xf32> to vector<16xf32>
      %swap3A_61 = vector.shape_cast %add3A_57 : vector<16xf32> to vector<16xf32>
      tpu.vector_store %arg45[%swap3A_58], %swap3A_61 {strides = array<i32>} : memref<64xf32, #tpu.memory_space<vmem>>, vector<16xf32>,
      %get3A_62 = arith.index_cast %mul3A_18 : i32 to index
      %get3A_63 = tpu.vector_load %arg34[%get3A_62] {strides = array<i32>} : memref<64xf32, #tpu.memory_space<vmem>>, vector<16xf32>,
      %get3A_64 = vector.shape_cast %get3A_63 : vector<16xf32> to vector<16xf32>
      %mul3A_65 = arith.mulf %get3A_20, %get3A_64 : vector<16xf32>
      %get3A_66 = arith.index_cast %mul3A_18 : i32 to index
      %get3A_67 = tpu.vector_load %arg37[%get3A_66] {strides = array<i32>} : memref<64xf32, #tpu.memory_space<vmem>>, vector<16xf32>,
      %get3A_68 = vector.shape_cast %get3A_67 : vector<16xf32> to vector<16xf32>
      %mul3A_69 = arith.mulf %get3A_23, %get3A_68 : vector<16xf32>
      %add3A_70 = arith.addf %mul3A_65, %mul3A_69 : vector<16xf32>
      %get3A_71 = arith.index_cast %mul3A_18 : i32 to index
      %get3A_72 = tpu.vector_load %arg40[%get3A_71] {strides = array<i32>} : memref<64xf32, #tpu.memory_space<vmem>>, vector<16xf32>,
      %get3A_73 = vector.shape_cast %get3A_72 : vector<16xf32> to vector<16xf32>
      %mul3A_74 = arith.mulf %get3A_26, %get3A_73 : vector<16xf32>
      %add3A_75 = arith.addf %add3A_70, %mul3A_74 : vector<16xf32>
      %swap3A_76 = arith.index_cast %mul3A_18 : i32 to index
      %swap3A_77 = tpu.vector_load %arg46[%swap3A_76] {strides = array<i32>} : memref<64xf32, #tpu.memory_space<vmem>>, vector<16xf32>,
      %swap3A_78 = vector.shape_cast %swap3A_77 : vector<16xf32> to vector<16xf32>
      %swap3A_79 = vector.shape_cast %add3A_75 : vector<16xf32> to vector<16xf32>
      tpu.vector_store %arg46[%swap3A_76], %swap3A_79 {strides = array<i32>} : memref<64xf32, #tpu.memory_space<vmem>>, vector<16xf32>,
    }
    %scan3A_15 = arith.constant 4 : i32
    "tpu.region"() ({
      %run_scoped3A = tpu.sem_alloc : memref<!tpu.dma_semaphore, #tpu.memory_space<semaphore_mem>>
      %dma_start3A = tpu.memref_slice %arg25[%mul3A_9] : memref<2048xf32, #tpu.memory_space<hbm>> -> memref<64xf32, #tpu.memory_space<hbm>>
      %dma_start3A_16 = tpu.memref_slice %arg25[%mul3A_9] : memref<2048xf32, #tpu.memory_space<hbm>> -> memref<64xf32, #tpu.memory_space<hbm>>
      tpu.enqueue_dma source(%arg44 : memref<64xf32, #tpu.memory_space<vmem>>) target(%dma_start3A_16 : memref<64xf32, #tpu.memory_space<hbm>>) target_semaphore(%run_scoped3A : memref<!tpu.dma_semaphore, #tpu.memory_space<semaphore_mem>>)
      %dma_wait3A = tpu.memref_slice %arg25[%mul3A_9] : memref<2048xf32, #tpu.memory_space<hbm>> -> memref<64xf32, #tpu.memory_space<hbm>>
      %dma_wait3A_17 = tpu.memref_slice %arg25[%mul3A_9] : memref<2048xf32, #tpu.memory_space<hbm>> -> memref<64xf32, #tpu.memory_space<hbm>>
      tpu.wait_dma2 semaphore(%run_scoped3A : memref<!tpu.dma_semaphore, #tpu.memory_space<semaphore_mem>>) src(%arg44 : memref<64xf32, #tpu.memory_space<vmem>>) dst(%dma_wait3A_17 : memref<64xf32, #tpu.memory_space<hbm>>)
      tpu.yield
    }) : () -> ()
    "tpu.region"() ({
      %run_scoped3A = tpu.sem_alloc : memref<!tpu.dma_semaphore, #tpu.memory_space<semaphore_mem>>
      %dma_start3A = tpu.memref_slice %arg26[%mul3A_9] : memref<2048xf32, #tpu.memory_space<hbm>> -> memref<64xf32, #tpu.memory_space<hbm>>
      %dma_start3A_16 = tpu.memref_slice %arg26[%mul3A_9] : memref<2048xf32, #tpu.memory_space<hbm>> -> memref<64xf32, #tpu.memory_space<hbm>>
      tpu.enqueue_dma source(%arg45 : memref<64xf32, #tpu.memory_space<vmem>>) target(%dma_start3A_16 : memref<64xf32, #tpu.memory_space<hbm>>) target_semaphore(%run_scoped3A : memref<!tpu.dma_semaphore, #tpu.memory_space<semaphore_mem>>)
      %dma_wait3A = tpu.memref_slice %arg26[%mul3A_9] : memref<2048xf32, #tpu.memory_space<hbm>> -> memref<64xf32, #tpu.memory_space<hbm>>
      %dma_wait3A_17 = tpu.memref_slice %arg26[%mul3A_9] : memref<2048xf32, #tpu.memory_space<hbm>> -> memref<64xf32, #tpu.memory_space<hbm>>
      tpu.wait_dma2 semaphore(%run_scoped3A : memref<!tpu.dma_semaphore, #tpu.memory_space<semaphore_mem>>) src(%arg45 : memref<64xf32, #tpu.memory_space<vmem>>) dst(%dma_wait3A_17 : memref<64xf32, #tpu.memory_space<hbm>>)
      tpu.yield
    }) : () -> ()
    "tpu.region"() ({
      %run_scoped3A = tpu.sem_alloc : memref<!tpu.dma_semaphore, #tpu.memory_space<semaphore_mem>>
      %dma_start3A = tpu.memref_slice %arg27[%mul3A_9] : memref<2048xf32, #tpu.memory_space<hbm>> -> memref<64xf32, #tpu.memory_space<hbm>>
      %dma_start3A_16 = tpu.memref_slice %arg27[%mul3A_9] : memref<2048xf32, #tpu.memory_space<hbm>> -> memref<64xf32, #tpu.memory_space<hbm>>
      tpu.enqueue_dma source(%arg46 : memref<64xf32, #tpu.memory_space<vmem>>) target(%dma_start3A_16 : memref<64xf32, #tpu.memory_space<hbm>>) target_semaphore(%run_scoped3A : memref<!tpu.dma_semaphore, #tpu.memory_space<semaphore_mem>>)
      %dma_wait3A = tpu.memref_slice %arg27[%mul3A_9] : memref<2048xf32, #tpu.memory_space<hbm>> -> memref<64xf32, #tpu.memory_space<hbm>>
      %dma_wait3A_17 = tpu.memref_slice %arg27[%mul3A_9] : memref<2048xf32, #tpu.memory_space<hbm>> -> memref<64xf32, #tpu.memory_space<hbm>>
      tpu.wait_dma2 semaphore(%run_scoped3A : memref<!tpu.dma_semaphore, #tpu.memory_space<semaphore_mem>>) src(%arg46 : memref<64xf32, #tpu.memory_space<vmem>>) dst(%dma_wait3A_17 : memref<64xf32, #tpu.memory_space<hbm>>)
      tpu.yield
    }) : () -> ()
    return
  }
}

module attributes {stable_mosaic.version = 14 : i64} {
  func.func @_tc_prep_kernel(%arg0: memref<1568x128xf32, #tpu.memory_space<vmem>>, %arg1: memref<1568x128xf32, #tpu.memory_space<vmem>>, %arg2: memref<1568x128xf32, #tpu.memory_space<vmem>>, %arg3: memref<1568x128xf32, #tpu.memory_space<vmem>>, %arg4: memref<1568x128xf32, #tpu.memory_space<vmem>>, %arg5: memref<1568x128xf32, #tpu.memory_space<vmem>>, %arg6: memref<1568x128xf32, #tpu.memory_space<vmem>>, %arg7: memref<1568x128xf32, #tpu.memory_space<vmem>>, %arg8: memref<1568x128xf32, #tpu.memory_space<vmem>>, %arg9: memref<1568x128xf32, #tpu.memory_space<vmem>>) attributes {dimension_semantics = [], scalar_prefetch = 0 : i64, scratch_operands = 0 : i64, tpu.core_type = #tpu.core_type<tc>} {
    %iota3A = tpu.iota {dimensions = array<i32: 0>} : vector<1568x128xi32>
    %mul3A = arith.constant 128 : i32
    %mul3A_0 = vector.broadcast %mul3A : i32 to vector<1568x128xi32>
    %mul3A_1 = arith.muli %iota3A, %mul3A_0 : vector<1568x128xi32>
    %iota3A_2 = tpu.iota {dimensions = array<i32: 1>} : vector<1568x128xi32>
    %add3A = arith.addi %mul3A_1, %iota3A_2 : vector<1568x128xi32>
    %lt3A = arith.constant 200000 : i32
    %lt3A_3 = vector.broadcast %lt3A : i32 to vector<1568x128xi32>
    %lt3A_4 = arith.cmpi slt, %add3A, %lt3A_3 : vector<1568x128xi32>
    %get3A = arith.constant 0 : index
    %get3A_5 = arith.constant 0 : index
    %get3A_6 = vector.load %arg3[%get3A, %get3A_5] : memref<1568x128xf32, #tpu.memory_space<vmem>>, vector<1568x128xf32>
    %sqrt3A = math.sqrt %get3A_6 : vector<1568x128xf32>
    %mul3A_7 = arith.constant 5.000000e-01 : f32
    %mul3A_8 = vector.broadcast %mul3A_7 : f32 to vector<1568x128xf32>
    %mul3A_9 = arith.mulf %mul3A_8, %sqrt3A : vector<1568x128xf32>
    %add3A_10 = arith.constant 9.99999996E-13 : f32
    %add3A_11 = vector.broadcast %add3A_10 : f32 to vector<1568x128xf32>
    %add3A_12 = arith.addf %mul3A_9, %add3A_11 : vector<1568x128xf32>
    %div3A = arith.constant 1.000000e+00 : f32
    %div3A_13 = vector.broadcast %div3A : f32 to vector<1568x128xf32>
    %div3A_14 = arith.divf %div3A_13, %add3A_12 : vector<1568x128xf32>
    %jit3A = arith.constant 3.000000e+38 : f32
    %broadcast_in_dim3A = vector.broadcast %jit3A : f32 to vector<1568x128xf32>
    %select_n3A = arith.select %lt3A_4, %div3A_14, %broadcast_in_dim3A : vector<1568x128xi1>, vector<1568x128xf32>
    %swap3A = arith.constant 0 : index
    %swap3A_15 = arith.constant 0 : index
    %swap3A_16 = vector.load %arg5[%swap3A, %swap3A_15] : memref<1568x128xf32, #tpu.memory_space<vmem>>, vector<1568x128xf32>
    tpu.vector_store %arg5[%swap3A, %swap3A_15], %select_n3A {strides = array<i32>} : memref<1568x128xf32, #tpu.memory_space<vmem>>, vector<1568x128xf32>,
    %get3A_17 = arith.constant 0 : index
    %get3A_18 = arith.constant 0 : index
    %get3A_19 = vector.load %arg4[%get3A_17, %get3A_18] : memref<1568x128xf32, #tpu.memory_space<vmem>>, vector<1568x128xf32>
    %sqrt3A_20 = math.sqrt %get3A_19 : vector<1568x128xf32>
    %mul3A_21 = arith.constant 5.000000e-01 : f32
    %mul3A_22 = vector.broadcast %mul3A_21 : f32 to vector<1568x128xf32>
    %mul3A_23 = arith.mulf %mul3A_22, %sqrt3A_20 : vector<1568x128xf32>
    %add3A_24 = arith.constant 9.99999996E-13 : f32
    %add3A_25 = vector.broadcast %add3A_24 : f32 to vector<1568x128xf32>
    %add3A_26 = arith.addf %mul3A_23, %add3A_25 : vector<1568x128xf32>
    %div3A_27 = arith.constant 1.000000e+00 : f32
    %div3A_28 = vector.broadcast %div3A_27 : f32 to vector<1568x128xf32>
    %div3A_29 = arith.divf %div3A_28, %add3A_26 : vector<1568x128xf32>
    %jit3A_30 = arith.constant 3.000000e+38 : f32
    %broadcast_in_dim3A_31 = vector.broadcast %jit3A_30 : f32 to vector<1568x128xf32>
    %select_n3A_32 = arith.select %lt3A_4, %div3A_29, %broadcast_in_dim3A_31 : vector<1568x128xi1>, vector<1568x128xf32>
    %swap3A_33 = arith.constant 0 : index
    %swap3A_34 = arith.constant 0 : index
    %swap3A_35 = vector.load %arg6[%swap3A_33, %swap3A_34] : memref<1568x128xf32, #tpu.memory_space<vmem>>, vector<1568x128xf32>
    tpu.vector_store %arg6[%swap3A_33, %swap3A_34], %select_n3A_32 {strides = array<i32>} : memref<1568x128xf32, #tpu.memory_space<vmem>>, vector<1568x128xf32>,
    %add3A_36 = arith.constant 9.99999993E-9 : f32
    %add3A_37 = vector.broadcast %add3A_36 : f32 to vector<1568x128xf32>
    %add3A_38 = arith.addf %sqrt3A, %add3A_37 : vector<1568x128xf32>
    %div3A_39 = arith.constant 1.000000e+00 : f32
    %div3A_40 = vector.broadcast %div3A_39 : f32 to vector<1568x128xf32>
    %div3A_41 = arith.divf %div3A_40, %add3A_38 : vector<1568x128xf32>
    %get3A_42 = arith.constant 0 : index
    %get3A_43 = arith.constant 0 : index
    %get3A_44 = vector.load %arg0[%get3A_42, %get3A_43] : memref<1568x128xf32, #tpu.memory_space<vmem>>, vector<1568x128xf32>
    %mul3A_45 = arith.mulf %get3A_44, %div3A_41 : vector<1568x128xf32>
    %swap3A_46 = arith.constant 0 : index
    %swap3A_47 = arith.constant 0 : index
    %swap3A_48 = vector.load %arg7[%swap3A_46, %swap3A_47] : memref<1568x128xf32, #tpu.memory_space<vmem>>, vector<1568x128xf32>
    tpu.vector_store %arg7[%swap3A_46, %swap3A_47], %mul3A_45 {strides = array<i32>} : memref<1568x128xf32, #tpu.memory_space<vmem>>, vector<1568x128xf32>,
    %get3A_49 = arith.constant 0 : index
    %get3A_50 = arith.constant 0 : index
    %get3A_51 = vector.load %arg1[%get3A_49, %get3A_50] : memref<1568x128xf32, #tpu.memory_space<vmem>>, vector<1568x128xf32>
    %mul3A_52 = arith.mulf %get3A_51, %div3A_41 : vector<1568x128xf32>
    %swap3A_53 = arith.constant 0 : index
    %swap3A_54 = arith.constant 0 : index
    %swap3A_55 = vector.load %arg8[%swap3A_53, %swap3A_54] : memref<1568x128xf32, #tpu.memory_space<vmem>>, vector<1568x128xf32>
    tpu.vector_store %arg8[%swap3A_53, %swap3A_54], %mul3A_52 {strides = array<i32>} : memref<1568x128xf32, #tpu.memory_space<vmem>>, vector<1568x128xf32>,
    %get3A_56 = arith.constant 0 : index
    %get3A_57 = arith.constant 0 : index
    %get3A_58 = vector.load %arg2[%get3A_56, %get3A_57] : memref<1568x128xf32, #tpu.memory_space<vmem>>, vector<1568x128xf32>
    %mul3A_59 = arith.mulf %get3A_58, %div3A_41 : vector<1568x128xf32>
    %swap3A_60 = arith.constant 0 : index
    %swap3A_61 = arith.constant 0 : index
    %swap3A_62 = vector.load %arg9[%swap3A_60, %swap3A_61] : memref<1568x128xf32, #tpu.memory_space<vmem>>, vector<1568x128xf32>
    tpu.vector_store %arg9[%swap3A_60, %swap3A_61], %mul3A_59 {strides = array<i32>} : memref<1568x128xf32, #tpu.memory_space<vmem>>, vector<1568x128xf32>,
    return
  }
}

module attributes {stable_mosaic.version = 14 : i64} {
  func.func @_tc_sampler_kernel(%arg0: i32, %arg1: memref<196x1024xf32, #tpu.memory_space<vmem>>, %arg2: memref<8x1xi32, #tpu.memory_space<vmem>>) attributes {dimension_semantics = [#tpu.dimension_semantics<arbitrary>], iteration_bounds = array<i64: 256>, scalar_prefetch = 0 : i64, scratch_operands = 0 : i64, tpu.core_type = #tpu.core_type<tc>, window_params = [{pipeline_mode = #tpu.pipeline_mode<synchronous>, transform_indices = @transform_0, window_bounds = array<i64: 196, 1024>}, {transform_indices = @transform_1, window_bounds = array<i64: 8, 1>}]} {
    %mul3A = arith.constant 8 : i32
    %mul3A_0 = arith.muli %arg0, %mul3A : i32
    %iota3A = tpu.iota {dimensions = array<i32: 0>} : vector<8x1024xi32>
    %add3A = vector.broadcast %mul3A_0 : i32 to vector<8x1024xi32>
    %add3A_1 = arith.addi %add3A, %iota3A : vector<8x1024xi32>
    %iota3A_2 = tpu.iota {dimensions = array<i32: 1>} : vector<8x1024xi32>
    %broadcast_in_dim3A = arith.constant 0x7F800000 : f32
    %broadcast_in_dim3A_3 = vector.broadcast %broadcast_in_dim3A : f32 to vector<8x1024xf32>
    %broadcast_in_dim3A_4 = arith.constant 0 : i32
    %broadcast_in_dim3A_5 = vector.broadcast %broadcast_in_dim3A_4 : i32 to vector<8x1024xi32>
    %mul3A_6 = arith.constant 200000 : i32
    %mul3A_7 = vector.broadcast %mul3A_6 : i32 to vector<8x1024xi32>
    %mul3A_8 = arith.muli %add3A_1, %mul3A_7 : vector<8x1024xi32>
    %add3A_9 = arith.constant 0 : i32
    %add3A_10 = vector.broadcast %add3A_9 : i32 to vector<8x1024xi32>
    %add3A_11 = arith.addi %mul3A_8, %add3A_10 : vector<8x1024xi32>
    %add3A_12 = arith.addi %add3A_11, %iota3A_2 : vector<8x1024xi32>
    %broadcast_in_dim3A_13 = arith.constant 0 : i32
    %broadcast_in_dim3A_14 = vector.broadcast %broadcast_in_dim3A_13 : i32 to vector<8x1024xi32>
    %add3A_15 = arith.constant 1012194634 : i32
    %add3A_16 = vector.broadcast %add3A_15 : i32 to vector<8x1024xi32>
    %add3A_17 = arith.addi %broadcast_in_dim3A_14, %add3A_16 : vector<8x1024xi32>
    %add3A_18 = arith.constant -1142165497 : i32
    %add3A_19 = vector.broadcast %add3A_18 : i32 to vector<8x1024xi32>
    %add3A_20 = arith.addi %add3A_12, %add3A_19 : vector<8x1024xi32>
    %add3A_21 = arith.addi %add3A_17, %add3A_20 : vector<8x1024xi32>
    %shift_left3A = arith.constant 13 : i32
    %shift_left3A_22 = vector.broadcast %shift_left3A : i32 to vector<8x1024xi32>
    %shift_left3A_23 = arith.shli %add3A_20, %shift_left3A_22 : vector<8x1024xi32>
    %shift_right_logical3A = arith.constant 19 : i32
    %shift_right_logical3A_24 = vector.broadcast %shift_right_logical3A : i32 to vector<8x1024xi32>
    %shift_right_logical3A_25 = arith.shrui %add3A_20, %shift_right_logical3A_24 : vector<8x1024xi32>
    %or3A = arith.ori %shift_left3A_23, %shift_right_logical3A_25 : vector<8x1024xi32>
    %xor3A = arith.xori %or3A, %add3A_21 : vector<8x1024xi32>
    %add3A_26 = arith.addi %add3A_21, %xor3A : vector<8x1024xi32>
    %shift_left3A_27 = arith.constant 15 : i32
    %shift_left3A_28 = vector.broadcast %shift_left3A_27 : i32 to vector<8x1024xi32>
    %shift_left3A_29 = arith.shli %xor3A, %shift_left3A_28 : vector<8x1024xi32>
    %shift_right_logical3A_30 = arith.constant 17 : i32
    %shift_right_logical3A_31 = vector.broadcast %shift_right_logical3A_30 : i32 to vector<8x1024xi32>
    %shift_right_logical3A_32 = arith.shrui %xor3A, %shift_right_logical3A_31 : vector<8x1024xi32>
    %or3A_33 = arith.ori %shift_left3A_29, %shift_right_logical3A_32 : vector<8x1024xi32>
    %xor3A_34 = arith.xori %or3A_33, %add3A_26 : vector<8x1024xi32>
    %add3A_35 = arith.addi %add3A_26, %xor3A_34 : vector<8x1024xi32>
    %shift_left3A_36 = arith.constant 26 : i32
    %shift_left3A_37 = vector.broadcast %shift_left3A_36 : i32 to vector<8x1024xi32>
    %shift_left3A_38 = arith.shli %xor3A_34, %shift_left3A_37 : vector<8x1024xi32>
    %shift_right_logical3A_39 = arith.constant 6 : i32
    %shift_right_logical3A_40 = vector.broadcast %shift_right_logical3A_39 : i32 to vector<8x1024xi32>
    %shift_right_logical3A_41 = arith.shrui %xor3A_34, %shift_right_logical3A_40 : vector<8x1024xi32>
    %or3A_42 = arith.ori %shift_left3A_38, %shift_right_logical3A_41 : vector<8x1024xi32>
    %xor3A_43 = arith.xori %or3A_42, %add3A_35 : vector<8x1024xi32>
    %add3A_44 = arith.addi %add3A_35, %xor3A_43 : vector<8x1024xi32>
    %shift_left3A_45 = arith.constant 6 : i32
    %shift_left3A_46 = vector.broadcast %shift_left3A_45 : i32 to vector<8x1024xi32>
    %shift_left3A_47 = arith.shli %xor3A_43, %shift_left3A_46 : vector<8x1024xi32>
    %shift_right_logical3A_48 = arith.constant 26 : i32
    %shift_right_logical3A_49 = vector.broadcast %shift_right_logical3A_48 : i32 to vector<8x1024xi32>
    %shift_right_logical3A_50 = arith.shrui %xor3A_43, %shift_right_logical3A_49 : vector<8x1024xi32>
    %or3A_51 = arith.ori %shift_left3A_47, %shift_right_logical3A_50 : vector<8x1024xi32>
    %xor3A_52 = arith.xori %or3A_51, %add3A_44 : vector<8x1024xi32>
    %add3A_53 = arith.constant -1142165497 : i32
    %add3A_54 = vector.broadcast %add3A_53 : i32 to vector<8x1024xi32>
    %add3A_55 = arith.addi %add3A_44, %add3A_54 : vector<8x1024xi32>
    %add3A_56 = arith.constant -1670498665 : i32
    %add3A_57 = vector.broadcast %add3A_56 : i32 to vector<8x1024xi32>
    %add3A_58 = arith.addi %xor3A_52, %add3A_57 : vector<8x1024xi32>
    %add3A_59 = arith.constant 1 : i32
    %add3A_60 = vector.broadcast %add3A_59 : i32 to vector<8x1024xi32>
    %add3A_61 = arith.addi %add3A_58, %add3A_60 : vector<8x1024xi32>
    %add3A_62 = arith.addi %add3A_55, %add3A_61 : vector<8x1024xi32>
    %shift_left3A_63 = arith.constant 17 : i32
    %shift_left3A_64 = vector.broadcast %shift_left3A_63 : i32 to vector<8x1024xi32>
    %shift_left3A_65 = arith.shli %add3A_61, %shift_left3A_64 : vector<8x1024xi32>
    %shift_right_logical3A_66 = arith.constant 15 : i32
    %shift_right_logical3A_67 = vector.broadcast %shift_right_logical3A_66 : i32 to vector<8x1024xi32>
    %shift_right_logical3A_68 = arith.shrui %add3A_61, %shift_right_logical3A_67 : vector<8x1024xi32>
    %or3A_69 = arith.ori %shift_left3A_65, %shift_right_logical3A_68 : vector<8x1024xi32>
    %xor3A_70 = arith.xori %or3A_69, %add3A_62 : vector<8x1024xi32>
    %add3A_71 = arith.addi %add3A_62, %xor3A_70 : vector<8x1024xi32>
    %shift_left3A_72 = arith.constant 29 : i32
    %shift_left3A_73 = vector.broadcast %shift_left3A_72 : i32 to vector<8x1024xi32>
    %shift_left3A_74 = arith.shli %xor3A_70, %shift_left3A_73 : vector<8x1024xi32>
    %shift_right_logical3A_75 = arith.constant 3 : i32
    %shift_right_logical3A_76 = vector.broadcast %shift_right_logical3A_75 : i32 to vector<8x1024xi32>
    %shift_right_logical3A_77 = arith.shrui %xor3A_70, %shift_right_logical3A_76 : vector<8x1024xi32>
    %or3A_78 = arith.ori %shift_left3A_74, %shift_right_logical3A_77 : vector<8x1024xi32>
    %xor3A_79 = arith.xori %or3A_78, %add3A_71 : vector<8x1024xi32>
    %add3A_80 = arith.addi %add3A_71, %xor3A_79 : vector<8x1024xi32>
    %shift_left3A_81 = arith.constant 16 : i32
    %shift_left3A_82 = vector.broadcast %shift_left3A_81 : i32 to vector<8x1024xi32>
    %shift_left3A_83 = arith.shli %xor3A_79, %shift_left3A_82 : vector<8x1024xi32>
    %shift_right_logical3A_84 = arith.constant 16 : i32
    %shift_right_logical3A_85 = vector.broadcast %shift_right_logical3A_84 : i32 to vector<8x1024xi32>
    %shift_right_logical3A_86 = arith.shrui %xor3A_79, %shift_right_logical3A_85 : vector<8x1024xi32>
    %or3A_87 = arith.ori %shift_left3A_83, %shift_right_logical3A_86 : vector<8x1024xi32>
    %xor3A_88 = arith.xori %or3A_87, %add3A_80 : vector<8x1024xi32>
    %add3A_89 = arith.addi %add3A_80, %xor3A_88 : vector<8x1024xi32>
    %shift_left3A_90 = arith.constant 24 : i32
    %shift_left3A_91 = vector.broadcast %shift_left3A_90 : i32 to vector<8x1024xi32>
    %shift_left3A_92 = arith.shli %xor3A_88, %shift_left3A_91 : vector<8x1024xi32>
    %shift_right_logical3A_93 = arith.constant 8 : i32
    %shift_right_logical3A_94 = vector.broadcast %shift_right_logical3A_93 : i32 to vector<8x1024xi32>
    %shift_right_logical3A_95 = arith.shrui %xor3A_88, %shift_right_logical3A_94 : vector<8x1024xi32>
    %or3A_96 = arith.ori %shift_left3A_92, %shift_right_logical3A_95 : vector<8x1024xi32>
    %xor3A_97 = arith.xori %or3A_96, %add3A_89 : vector<8x1024xi32>
    %add3A_98 = arith.constant -1670498665 : i32
    %add3A_99 = vector.broadcast %add3A_98 : i32 to vector<8x1024xi32>
    %add3A_100 = arith.addi %add3A_89, %add3A_99 : vector<8x1024xi32>
    %add3A_101 = arith.constant 1012194634 : i32
    %add3A_102 = vector.broadcast %add3A_101 : i32 to vector<8x1024xi32>
    %add3A_103 = arith.addi %xor3A_97, %add3A_102 : vector<8x1024xi32>
    %add3A_104 = arith.constant 2 : i32
    %add3A_105 = vector.broadcast %add3A_104 : i32 to vector<8x1024xi32>
    %add3A_106 = arith.addi %add3A_103, %add3A_105 : vector<8x1024xi32>
    %add3A_107 = arith.addi %add3A_100, %add3A_106 : vector<8x1024xi32>
    %shift_left3A_108 = arith.constant 13 : i32
    %shift_left3A_109 = vector.broadcast %shift_left3A_108 : i32 to vector<8x1024xi32>
    %shift_left3A_110 = arith.shli %add3A_106, %shift_left3A_109 : vector<8x1024xi32>
    %shift_right_logical3A_111 = arith.constant 19 : i32
    %shift_right_logical3A_112 = vector.broadcast %shift_right_logical3A_111 : i32 to vector<8x1024xi32>
    %shift_right_logical3A_113 = arith.shrui %add3A_106, %shift_right_logical3A_112 : vector<8x1024xi32>
    %or3A_114 = arith.ori %shift_left3A_110, %shift_right_logical3A_113 : vector<8x1024xi32>
    %xor3A_115 = arith.xori %or3A_114, %add3A_107 : vector<8x1024xi32>
    %add3A_116 = arith.addi %add3A_107, %xor3A_115 : vector<8x1024xi32>
    %shift_left3A_117 = arith.constant 15 : i32
    %shift_left3A_118 = vector.broadcast %shift_left3A_117 : i32 to vector<8x1024xi32>
    %shift_left3A_119 = arith.shli %xor3A_115, %shift_left3A_118 : vector<8x1024xi32>
    %shift_right_logical3A_120 = arith.constant 17 : i32
    %shift_right_logical3A_121 = vector.broadcast %shift_right_logical3A_120 : i32 to vector<8x1024xi32>
    %shift_right_logical3A_122 = arith.shrui %xor3A_115, %shift_right_logical3A_121 : vector<8x1024xi32>
    %or3A_123 = arith.ori %shift_left3A_119, %shift_right_logical3A_122 : vector<8x1024xi32>
    %xor3A_124 = arith.xori %or3A_123, %add3A_116 : vector<8x1024xi32>
    %add3A_125 = arith.addi %add3A_116, %xor3A_124 : vector<8x1024xi32>
    %shift_left3A_126 = arith.constant 26 : i32
    %shift_left3A_127 = vector.broadcast %shift_left3A_126 : i32 to vector<8x1024xi32>
    %shift_left3A_128 = arith.shli %xor3A_124, %shift_left3A_127 : vector<8x1024xi32>
    %shift_right_logical3A_129 = arith.constant 6 : i32
    %shift_right_logical3A_130 = vector.broadcast %shift_right_logical3A_129 : i32 to vector<8x1024xi32>
    %shift_right_logical3A_131 = arith.shrui %xor3A_124, %shift_right_logical3A_130 : vector<8x1024xi32>
    %or3A_132 = arith.ori %shift_left3A_128, %shift_right_logical3A_131 : vector<8x1024xi32>
    %xor3A_133 = arith.xori %or3A_132, %add3A_125 : vector<8x1024xi32>
    %add3A_134 = arith.addi %add3A_125, %xor3A_133 : vector<8x1024xi32>
    %shift_left3A_135 = arith.constant 6 : i32
    %shift_left3A_136 = vector.broadcast %shift_left3A_135 : i32 to vector<8x1024xi32>
    %shift_left3A_137 = arith.shli %xor3A_133, %shift_left3A_136 : vector<8x1024xi32>
    %shift_right_logical3A_138 = arith.constant 26 : i32
    %shift_right_logical3A_139 = vector.broadcast %shift_right_logical3A_138 : i32 to vector<8x1024xi32>
    %shift_right_logical3A_140 = arith.shrui %xor3A_133, %shift_right_logical3A_139 : vector<8x1024xi32>
    %or3A_141 = arith.ori %shift_left3A_137, %shift_right_logical3A_140 : vector<8x1024xi32>
    %xor3A_142 = arith.xori %or3A_141, %add3A_134 : vector<8x1024xi32>
    %add3A_143 = arith.constant 1012194634 : i32
    %add3A_144 = vector.broadcast %add3A_143 : i32 to vector<8x1024xi32>
    %add3A_145 = arith.addi %add3A_134, %add3A_144 : vector<8x1024xi32>
    %add3A_146 = arith.constant -1142165497 : i32
    %add3A_147 = vector.broadcast %add3A_146 : i32 to vector<8x1024xi32>
    %add3A_148 = arith.addi %xor3A_142, %add3A_147 : vector<8x1024xi32>
    %add3A_149 = arith.constant 3 : i32
    %add3A_150 = vector.broadcast %add3A_149 : i32 to vector<8x1024xi32>
    %add3A_151 = arith.addi %add3A_148, %add3A_150 : vector<8x1024xi32>
    %add3A_152 = arith.addi %add3A_145, %add3A_151 : vector<8x1024xi32>
    %shift_left3A_153 = arith.constant 17 : i32
    %shift_left3A_154 = vector.broadcast %shift_left3A_153 : i32 to vector<8x1024xi32>
    %shift_left3A_155 = arith.shli %add3A_151, %shift_left3A_154 : vector<8x1024xi32>
    %shift_right_logical3A_156 = arith.constant 15 : i32
    %shift_right_logical3A_157 = vector.broadcast %shift_right_logical3A_156 : i32 to vector<8x1024xi32>
    %shift_right_logical3A_158 = arith.shrui %add3A_151, %shift_right_logical3A_157 : vector<8x1024xi32>
    %or3A_159 = arith.ori %shift_left3A_155, %shift_right_logical3A_158 : vector<8x1024xi32>
    %xor3A_160 = arith.xori %or3A_159, %add3A_152 : vector<8x1024xi32>
    %add3A_161 = arith.addi %add3A_152, %xor3A_160 : vector<8x1024xi32>
    %shift_left3A_162 = arith.constant 29 : i32
    %shift_left3A_163 = vector.broadcast %shift_left3A_162 : i32 to vector<8x1024xi32>
    %shift_left3A_164 = arith.shli %xor3A_160, %shift_left3A_163 : vector<8x1024xi32>
    %shift_right_logical3A_165 = arith.constant 3 : i32
    %shift_right_logical3A_166 = vector.broadcast %shift_right_logical3A_165 : i32 to vector<8x1024xi32>
    %shift_right_logical3A_167 = arith.shrui %xor3A_160, %shift_right_logical3A_166 : vector<8x1024xi32>
    %or3A_168 = arith.ori %shift_left3A_164, %shift_right_logical3A_167 : vector<8x1024xi32>
    %xor3A_169 = arith.xori %or3A_168, %add3A_161 : vector<8x1024xi32>
    %add3A_170 = arith.addi %add3A_161, %xor3A_169 : vector<8x1024xi32>
    %shift_left3A_171 = arith.constant 16 : i32
    %shift_left3A_172 = vector.broadcast %shift_left3A_171 : i32 to vector<8x1024xi32>
    %shift_left3A_173 = arith.shli %xor3A_169, %shift_left3A_172 : vector<8x1024xi32>
    %shift_right_logical3A_174 = arith.constant 16 : i32
    %shift_right_logical3A_175 = vector.broadcast %shift_right_logical3A_174 : i32 to vector<8x1024xi32>
    %shift_right_logical3A_176 = arith.shrui %xor3A_169, %shift_right_logical3A_175 : vector<8x1024xi32>
    %or3A_177 = arith.ori %shift_left3A_173, %shift_right_logical3A_176 : vector<8x1024xi32>
    %xor3A_178 = arith.xori %or3A_177, %add3A_170 : vector<8x1024xi32>
    %add3A_179 = arith.addi %add3A_170, %xor3A_178 : vector<8x1024xi32>
    %shift_left3A_180 = arith.constant 24 : i32
    %shift_left3A_181 = vector.broadcast %shift_left3A_180 : i32 to vector<8x1024xi32>
    %shift_left3A_182 = arith.shli %xor3A_178, %shift_left3A_181 : vector<8x1024xi32>
    %shift_right_logical3A_183 = arith.constant 8 : i32
    %shift_right_logical3A_184 = vector.broadcast %shift_right_logical3A_183 : i32 to vector<8x1024xi32>
    %shift_right_logical3A_185 = arith.shrui %xor3A_178, %shift_right_logical3A_184 : vector<8x1024xi32>
    %or3A_186 = arith.ori %shift_left3A_182, %shift_right_logical3A_185 : vector<8x1024xi32>
    %xor3A_187 = arith.xori %or3A_186, %add3A_179 : vector<8x1024xi32>
    %add3A_188 = arith.constant -1142165497 : i32
    %add3A_189 = vector.broadcast %add3A_188 : i32 to vector<8x1024xi32>
    %add3A_190 = arith.addi %add3A_179, %add3A_189 : vector<8x1024xi32>
    %add3A_191 = arith.constant -1670498665 : i32
    %add3A_192 = vector.broadcast %add3A_191 : i32 to vector<8x1024xi32>
    %add3A_193 = arith.addi %xor3A_187, %add3A_192 : vector<8x1024xi32>
    %add3A_194 = arith.constant 4 : i32
    %add3A_195 = vector.broadcast %add3A_194 : i32 to vector<8x1024xi32>
    %add3A_196 = arith.addi %add3A_193, %add3A_195 : vector<8x1024xi32>
    %add3A_197 = arith.addi %add3A_190, %add3A_196 : vector<8x1024xi32>
    %shift_left3A_198 = arith.constant 13 : i32
    %shift_left3A_199 = vector.broadcast %shift_left3A_198 : i32 to vector<8x1024xi32>
    %shift_left3A_200 = arith.shli %add3A_196, %shift_left3A_199 : vector<8x1024xi32>
    %shift_right_logical3A_201 = arith.constant 19 : i32
    %shift_right_logical3A_202 = vector.broadcast %shift_right_logical3A_201 : i32 to vector<8x1024xi32>
    %shift_right_logical3A_203 = arith.shrui %add3A_196, %shift_right_logical3A_202 : vector<8x1024xi32>
    %or3A_204 = arith.ori %shift_left3A_200, %shift_right_logical3A_203 : vector<8x1024xi32>
    %xor3A_205 = arith.xori %or3A_204, %add3A_197 : vector<8x1024xi32>
    %add3A_206 = arith.addi %add3A_197, %xor3A_205 : vector<8x1024xi32>
    %shift_left3A_207 = arith.constant 15 : i32
    %shift_left3A_208 = vector.broadcast %shift_left3A_207 : i32 to vector<8x1024xi32>
    %shift_left3A_209 = arith.shli %xor3A_205, %shift_left3A_208 : vector<8x1024xi32>
    %shift_right_logical3A_210 = arith.constant 17 : i32
    %shift_right_logical3A_211 = vector.broadcast %shift_right_logical3A_210 : i32 to vector<8x1024xi32>
    %shift_right_logical3A_212 = arith.shrui %xor3A_205, %shift_right_logical3A_211 : vector<8x1024xi32>
    %or3A_213 = arith.ori %shift_left3A_209, %shift_right_logical3A_212 : vector<8x1024xi32>
    %xor3A_214 = arith.xori %or3A_213, %add3A_206 : vector<8x1024xi32>
    %add3A_215 = arith.addi %add3A_206, %xor3A_214 : vector<8x1024xi32>
    %shift_left3A_216 = arith.constant 26 : i32
    %shift_left3A_217 = vector.broadcast %shift_left3A_216 : i32 to vector<8x1024xi32>
    %shift_left3A_218 = arith.shli %xor3A_214, %shift_left3A_217 : vector<8x1024xi32>
    %shift_right_logical3A_219 = arith.constant 6 : i32
    %shift_right_logical3A_220 = vector.broadcast %shift_right_logical3A_219 : i32 to vector<8x1024xi32>
    %shift_right_logical3A_221 = arith.shrui %xor3A_214, %shift_right_logical3A_220 : vector<8x1024xi32>
    %or3A_222 = arith.ori %shift_left3A_218, %shift_right_logical3A_221 : vector<8x1024xi32>
    %xor3A_223 = arith.xori %or3A_222, %add3A_215 : vector<8x1024xi32>
    %add3A_224 = arith.addi %add3A_215, %xor3A_223 : vector<8x1024xi32>
    %shift_left3A_225 = arith.constant 6 : i32
    %shift_left3A_226 = vector.broadcast %shift_left3A_225 : i32 to vector<8x1024xi32>
    %shift_left3A_227 = arith.shli %xor3A_223, %shift_left3A_226 : vector<8x1024xi32>
    %shift_right_logical3A_228 = arith.constant 26 : i32
    %shift_right_logical3A_229 = vector.broadcast %shift_right_logical3A_228 : i32 to vector<8x1024xi32>
    %shift_right_logical3A_230 = arith.shrui %xor3A_223, %shift_right_logical3A_229 : vector<8x1024xi32>
    %or3A_231 = arith.ori %shift_left3A_227, %shift_right_logical3A_230 : vector<8x1024xi32>
    %xor3A_232 = arith.xori %or3A_231, %add3A_224 : vector<8x1024xi32>
    %add3A_233 = arith.constant -1670498665 : i32
    %add3A_234 = vector.broadcast %add3A_233 : i32 to vector<8x1024xi32>
    %add3A_235 = arith.addi %add3A_224, %add3A_234 : vector<8x1024xi32>
    %add3A_236 = arith.constant 1012194634 : i32
    %add3A_237 = vector.broadcast %add3A_236 : i32 to vector<8x1024xi32>
    %add3A_238 = arith.addi %xor3A_232, %add3A_237 : vector<8x1024xi32>
    %add3A_239 = arith.constant 5 : i32
    %add3A_240 = vector.broadcast %add3A_239 : i32 to vector<8x1024xi32>
    %add3A_241 = arith.addi %add3A_238, %add3A_240 : vector<8x1024xi32>
    %xor3A_242 = arith.xori %add3A_235, %add3A_241 : vector<8x1024xi32>
    %scan3A = arith.constant 0 : i32
    %scan3A_243 = arith.constant 196 : i32
    %scan3A_244 = arith.addi %scan3A, %scan3A_243 : i32
    %scan3A_245 = arith.constant 1 : i32
    %scan3A_246:3 = scf.for %scan3A_257 = %scan3A to %scan3A_244 step %scan3A_245 iter_args(%scan3A_258 = %broadcast_in_dim3A_3, %scan3A_259 = %broadcast_in_dim3A_5, %scan3A_260 = %xor3A_242) -> (vector<8x1024xf32>, vector<8x1024xi32>, vector<8x1024xi32>)  : i32 {
      %shift_right_logical3A_261 = arith.constant 9 : i32
      %shift_right_logical3A_262 = vector.broadcast %shift_right_logical3A_261 : i32 to vector<8x1024xi32>
      %shift_right_logical3A_263 = arith.shrui %scan3A_260, %shift_right_logical3A_262 : vector<8x1024xi32>
      %or3A_264 = arith.constant 1065353216 : i32
      %or3A_265 = vector.broadcast %or3A_264 : i32 to vector<8x1024xi32>
      %or3A_266 = arith.ori %shift_right_logical3A_263, %or3A_265 : vector<8x1024xi32>
      %bitcast_convert_type3A = tpu.bitcast %or3A_266 : vector<8x1024xi32> -> vector<8x1024xf32>
      %sub3A = arith.constant 1.000000e+00 : f32
      %sub3A_267 = vector.broadcast %sub3A : f32 to vector<8x1024xf32>
      %sub3A_268 = arith.subf %bitcast_convert_type3A, %sub3A_267 : vector<8x1024xf32>
      %add3A_269 = arith.constant 1.17549435E-38 : f32
      %add3A_270 = vector.broadcast %add3A_269 : f32 to vector<8x1024xf32>
      %add3A_271 = arith.addf %sub3A_268, %add3A_270 : vector<8x1024xf32>
      %max3A = arith.constant 1.17549435E-38 : f32
      %max3A_272 = vector.broadcast %max3A : f32 to vector<8x1024xf32>
      %max3A_273 = arith.maximumf %max3A_272, %add3A_271 : vector<8x1024xf32>
      %log3A = math.log %max3A_273 : vector<8x1024xf32>
      %neg3A = arith.constant 0.000000e+00 : f32
      %neg3A_274 = vector.broadcast %neg3A : f32 to vector<8x1024xf32>
      %neg3A_275 = arith.subf %neg3A_274, %log3A : vector<8x1024xf32>
      %get3A = arith.index_cast %scan3A_257 : i32 to index
      %get3A_276 = arith.constant 0 : index
      %get3A_277 = vector.load %arg1[%get3A, %get3A_276] : memref<196x1024xf32, #tpu.memory_space<vmem>>, vector<1x1024xf32>
      %mul3A_278 = vector.broadcast %get3A_277 : vector<1x1024xf32> to vector<8x1024xf32>
      %mul3A_279 = arith.mulf %neg3A_275, %mul3A_278 : vector<8x1024xf32>
      %mul3A_280 = arith.constant 1024 : i32
      %mul3A_281 = arith.muli %scan3A_257, %mul3A_280 : i32
      %add3A_282 = vector.broadcast %mul3A_281 : i32 to vector<8x1024xi32>
      %add3A_283 = arith.addi %add3A_282, %iota3A_2 : vector<8x1024xi32>
      %lt3A = arith.cmpf olt, %mul3A_279, %scan3A_258 : vector<8x1024xf32>
      %select_n3A_284 = arith.select %lt3A, %mul3A_279, %scan3A_258 : vector<8x1024xi1>, vector<8x1024xf32>
      %select_n3A_285 = arith.select %lt3A, %add3A_283, %scan3A_259 : vector<8x1024xi1>, vector<8x1024xi32>
      %add3A_286 = arith.constant 1 : i32
      %add3A_287 = arith.addi %scan3A_257, %add3A_286 : i32
      %mul3A_288 = arith.constant 200000 : i32
      %mul3A_289 = vector.broadcast %mul3A_288 : i32 to vector<8x1024xi32>
      %mul3A_290 = arith.muli %add3A_1, %mul3A_289 : vector<8x1024xi32>
      %mul3A_291 = arith.constant 1024 : i32
      %mul3A_292 = arith.muli %add3A_287, %mul3A_291 : i32
      %add3A_293 = vector.broadcast %mul3A_292 : i32 to vector<8x1024xi32>
      %add3A_294 = arith.addi %mul3A_290, %add3A_293 : vector<8x1024xi32>
      %add3A_295 = arith.addi %add3A_294, %iota3A_2 : vector<8x1024xi32>
      %broadcast_in_dim3A_296 = arith.constant 0 : i32
      %broadcast_in_dim3A_297 = vector.broadcast %broadcast_in_dim3A_296 : i32 to vector<8x1024xi32>
      %add3A_298 = arith.constant 1012194634 : i32
      %add3A_299 = vector.broadcast %add3A_298 : i32 to vector<8x1024xi32>
      %add3A_300 = arith.addi %broadcast_in_dim3A_297, %add3A_299 : vector<8x1024xi32>
      %add3A_301 = arith.constant -1142165497 : i32
      %add3A_302 = vector.broadcast %add3A_301 : i32 to vector<8x1024xi32>
      %add3A_303 = arith.addi %add3A_295, %add3A_302 : vector<8x1024xi32>
      %add3A_304 = arith.addi %add3A_300, %add3A_303 : vector<8x1024xi32>
      %shift_left3A_305 = arith.constant 13 : i32
      %shift_left3A_306 = vector.broadcast %shift_left3A_305 : i32 to vector<8x1024xi32>
      %shift_left3A_307 = arith.shli %add3A_303, %shift_left3A_306 : vector<8x1024xi32>
      %shift_right_logical3A_308 = arith.constant 19 : i32
      %shift_right_logical3A_309 = vector.broadcast %shift_right_logical3A_308 : i32 to vector<8x1024xi32>
      %shift_right_logical3A_310 = arith.shrui %add3A_303, %shift_right_logical3A_309 : vector<8x1024xi32>
      %or3A_311 = arith.ori %shift_left3A_307, %shift_right_logical3A_310 : vector<8x1024xi32>
      %xor3A_312 = arith.xori %or3A_311, %add3A_304 : vector<8x1024xi32>
      %add3A_313 = arith.addi %add3A_304, %xor3A_312 : vector<8x1024xi32>
      %shift_left3A_314 = arith.constant 15 : i32
      %shift_left3A_315 = vector.broadcast %shift_left3A_314 : i32 to vector<8x1024xi32>
      %shift_left3A_316 = arith.shli %xor3A_312, %shift_left3A_315 : vector<8x1024xi32>
      %shift_right_logical3A_317 = arith.constant 17 : i32
      %shift_right_logical3A_318 = vector.broadcast %shift_right_logical3A_317 : i32 to vector<8x1024xi32>
      %shift_right_logical3A_319 = arith.shrui %xor3A_312, %shift_right_logical3A_318 : vector<8x1024xi32>
      %or3A_320 = arith.ori %shift_left3A_316, %shift_right_logical3A_319 : vector<8x1024xi32>
      %xor3A_321 = arith.xori %or3A_320, %add3A_313 : vector<8x1024xi32>
      %add3A_322 = arith.addi %add3A_313, %xor3A_321 : vector<8x1024xi32>
      %shift_left3A_323 = arith.constant 26 : i32
      %shift_left3A_324 = vector.broadcast %shift_left3A_323 : i32 to vector<8x1024xi32>
      %shift_left3A_325 = arith.shli %xor3A_321, %shift_left3A_324 : vector<8x1024xi32>
      %shift_right_logical3A_326 = arith.constant 6 : i32
      %shift_right_logical3A_327 = vector.broadcast %shift_right_logical3A_326 : i32 to vector<8x1024xi32>
      %shift_right_logical3A_328 = arith.shrui %xor3A_321, %shift_right_logical3A_327 : vector<8x1024xi32>
      %or3A_329 = arith.ori %shift_left3A_325, %shift_right_logical3A_328 : vector<8x1024xi32>
      %xor3A_330 = arith.xori %or3A_329, %add3A_322 : vector<8x1024xi32>
      %add3A_331 = arith.addi %add3A_322, %xor3A_330 : vector<8x1024xi32>
      %shift_left3A_332 = arith.constant 6 : i32
      %shift_left3A_333 = vector.broadcast %shift_left3A_332 : i32 to vector<8x1024xi32>
      %shift_left3A_334 = arith.shli %xor3A_330, %shift_left3A_333 : vector<8x1024xi32>
      %shift_right_logical3A_335 = arith.constant 26 : i32
      %shift_right_logical3A_336 = vector.broadcast %shift_right_logical3A_335 : i32 to vector<8x1024xi32>
      %shift_right_logical3A_337 = arith.shrui %xor3A_330, %shift_right_logical3A_336 : vector<8x1024xi32>
      %or3A_338 = arith.ori %shift_left3A_334, %shift_right_logical3A_337 : vector<8x1024xi32>
      %xor3A_339 = arith.xori %or3A_338, %add3A_331 : vector<8x1024xi32>
      %add3A_340 = arith.constant -1142165497 : i32
      %add3A_341 = vector.broadcast %add3A_340 : i32 to vector<8x1024xi32>
      %add3A_342 = arith.addi %add3A_331, %add3A_341 : vector<8x1024xi32>
      %add3A_343 = arith.constant -1670498665 : i32
      %add3A_344 = vector.broadcast %add3A_343 : i32 to vector<8x1024xi32>
      %add3A_345 = arith.addi %xor3A_339, %add3A_344 : vector<8x1024xi32>
      %add3A_346 = arith.constant 1 : i32
      %add3A_347 = vector.broadcast %add3A_346 : i32 to vector<8x1024xi32>
      %add3A_348 = arith.addi %add3A_345, %add3A_347 : vector<8x1024xi32>
      %add3A_349 = arith.addi %add3A_342, %add3A_348 : vector<8x1024xi32>
      %shift_left3A_350 = arith.constant 17 : i32
      %shift_left3A_351 = vector.broadcast %shift_left3A_350 : i32 to vector<8x1024xi32>
      %shift_left3A_352 = arith.shli %add3A_348, %shift_left3A_351 : vector<8x1024xi32>
      %shift_right_logical3A_353 = arith.constant 15 : i32
      %shift_right_logical3A_354 = vector.broadcast %shift_right_logical3A_353 : i32 to vector<8x1024xi32>
      %shift_right_logical3A_355 = arith.shrui %add3A_348, %shift_right_logical3A_354 : vector<8x1024xi32>
      %or3A_356 = arith.ori %shift_left3A_352, %shift_right_logical3A_355 : vector<8x1024xi32>
      %xor3A_357 = arith.xori %or3A_356, %add3A_349 : vector<8x1024xi32>
      %add3A_358 = arith.addi %add3A_349, %xor3A_357 : vector<8x1024xi32>
      %shift_left3A_359 = arith.constant 29 : i32
      %shift_left3A_360 = vector.broadcast %shift_left3A_359 : i32 to vector<8x1024xi32>
      %shift_left3A_361 = arith.shli %xor3A_357, %shift_left3A_360 : vector<8x1024xi32>
      %shift_right_logical3A_362 = arith.constant 3 : i32
      %shift_right_logical3A_363 = vector.broadcast %shift_right_logical3A_362 : i32 to vector<8x1024xi32>
      %shift_right_logical3A_364 = arith.shrui %xor3A_357, %shift_right_logical3A_363 : vector<8x1024xi32>
      %or3A_365 = arith.ori %shift_left3A_361, %shift_right_logical3A_364 : vector<8x1024xi32>
      %xor3A_366 = arith.xori %or3A_365, %add3A_358 : vector<8x1024xi32>
      %add3A_367 = arith.addi %add3A_358, %xor3A_366 : vector<8x1024xi32>
      %shift_left3A_368 = arith.constant 16 : i32
      %shift_left3A_369 = vector.broadcast %shift_left3A_368 : i32 to vector<8x1024xi32>
      %shift_left3A_370 = arith.shli %xor3A_366, %shift_left3A_369 : vector<8x1024xi32>
      %shift_right_logical3A_371 = arith.constant 16 : i32
      %shift_right_logical3A_372 = vector.broadcast %shift_right_logical3A_371 : i32 to vector<8x1024xi32>
      %shift_right_logical3A_373 = arith.shrui %xor3A_366, %shift_right_logical3A_372 : vector<8x1024xi32>
      %or3A_374 = arith.ori %shift_left3A_370, %shift_right_logical3A_373 : vector<8x1024xi32>
      %xor3A_375 = arith.xori %or3A_374, %add3A_367 : vector<8x1024xi32>
      %add3A_376 = arith.addi %add3A_367, %xor3A_375 : vector<8x1024xi32>
      %shift_left3A_377 = arith.constant 24 : i32
      %shift_left3A_378 = vector.broadcast %shift_left3A_377 : i32 to vector<8x1024xi32>
      %shift_left3A_379 = arith.shli %xor3A_375, %shift_left3A_378 : vector<8x1024xi32>
      %shift_right_logical3A_380 = arith.constant 8 : i32
      %shift_right_logical3A_381 = vector.broadcast %shift_right_logical3A_380 : i32 to vector<8x1024xi32>
      %shift_right_logical3A_382 = arith.shrui %xor3A_375, %shift_right_logical3A_381 : vector<8x1024xi32>
      %or3A_383 = arith.ori %shift_left3A_379, %shift_right_logical3A_382 : vector<8x1024xi32>
      %xor3A_384 = arith.xori %or3A_383, %add3A_376 : vector<8x1024xi32>
      %add3A_385 = arith.constant -1670498665 : i32
      %add3A_386 = vector.broadcast %add3A_385 : i32 to vector<8x1024xi32>
      %add3A_387 = arith.addi %add3A_376, %add3A_386 : vector<8x1024xi32>
      %add3A_388 = arith.constant 1012194634 : i32
      %add3A_389 = vector.broadcast %add3A_388 : i32 to vector<8x1024xi32>
      %add3A_390 = arith.addi %xor3A_384, %add3A_389 : vector<8x1024xi32>
      %add3A_391 = arith.constant 2 : i32
      %add3A_392 = vector.broadcast %add3A_391 : i32 to vector<8x1024xi32>
      %add3A_393 = arith.addi %add3A_390, %add3A_392 : vector<8x1024xi32>
      %add3A_394 = arith.addi %add3A_387, %add3A_393 : vector<8x1024xi32>
      %shift_left3A_395 = arith.constant 13 : i32
      %shift_left3A_396 = vector.broadcast %shift_left3A_395 : i32 to vector<8x1024xi32>
      %shift_left3A_397 = arith.shli %add3A_393, %shift_left3A_396 : vector<8x1024xi32>
      %shift_right_logical3A_398 = arith.constant 19 : i32
      %shift_right_logical3A_399 = vector.broadcast %shift_right_logical3A_398 : i32 to vector<8x1024xi32>
      %shift_right_logical3A_400 = arith.shrui %add3A_393, %shift_right_logical3A_399 : vector<8x1024xi32>
      %or3A_401 = arith.ori %shift_left3A_397, %shift_right_logical3A_400 : vector<8x1024xi32>
      %xor3A_402 = arith.xori %or3A_401, %add3A_394 : vector<8x1024xi32>
      %add3A_403 = arith.addi %add3A_394, %xor3A_402 : vector<8x1024xi32>
      %shift_left3A_404 = arith.constant 15 : i32
      %shift_left3A_405 = vector.broadcast %shift_left3A_404 : i32 to vector<8x1024xi32>
      %shift_left3A_406 = arith.shli %xor3A_402, %shift_left3A_405 : vector<8x1024xi32>
      %shift_right_logical3A_407 = arith.constant 17 : i32
      %shift_right_logical3A_408 = vector.broadcast %shift_right_logical3A_407 : i32 to vector<8x1024xi32>
      %shift_right_logical3A_409 = arith.shrui %xor3A_402, %shift_right_logical3A_408 : vector<8x1024xi32>
      %or3A_410 = arith.ori %shift_left3A_406, %shift_right_logical3A_409 : vector<8x1024xi32>
      %xor3A_411 = arith.xori %or3A_410, %add3A_403 : vector<8x1024xi32>
      %add3A_412 = arith.addi %add3A_403, %xor3A_411 : vector<8x1024xi32>
      %shift_left3A_413 = arith.constant 26 : i32
      %shift_left3A_414 = vector.broadcast %shift_left3A_413 : i32 to vector<8x1024xi32>
      %shift_left3A_415 = arith.shli %xor3A_411, %shift_left3A_414 : vector<8x1024xi32>
      %shift_right_logical3A_416 = arith.constant 6 : i32
      %shift_right_logical3A_417 = vector.broadcast %shift_right_logical3A_416 : i32 to vector<8x1024xi32>
      %shift_right_logical3A_418 = arith.shrui %xor3A_411, %shift_right_logical3A_417 : vector<8x1024xi32>
      %or3A_419 = arith.ori %shift_left3A_415, %shift_right_logical3A_418 : vector<8x1024xi32>
      %xor3A_420 = arith.xori %or3A_419, %add3A_412 : vector<8x1024xi32>
      %add3A_421 = arith.addi %add3A_412, %xor3A_420 : vector<8x1024xi32>
      %shift_left3A_422 = arith.constant 6 : i32
      %shift_left3A_423 = vector.broadcast %shift_left3A_422 : i32 to vector<8x1024xi32>
      %shift_left3A_424 = arith.shli %xor3A_420, %shift_left3A_423 : vector<8x1024xi32>
      %shift_right_logical3A_425 = arith.constant 26 : i32
      %shift_right_logical3A_426 = vector.broadcast %shift_right_logical3A_425 : i32 to vector<8x1024xi32>
      %shift_right_logical3A_427 = arith.shrui %xor3A_420, %shift_right_logical3A_426 : vector<8x1024xi32>
      %or3A_428 = arith.ori %shift_left3A_424, %shift_right_logical3A_427 : vector<8x1024xi32>
      %xor3A_429 = arith.xori %or3A_428, %add3A_421 : vector<8x1024xi32>
      %add3A_430 = arith.constant 1012194634 : i32
      %add3A_431 = vector.broadcast %add3A_430 : i32 to vector<8x1024xi32>
      %add3A_432 = arith.addi %add3A_421, %add3A_431 : vector<8x1024xi32>
      %add3A_433 = arith.constant -1142165497 : i32
      %add3A_434 = vector.broadcast %add3A_433 : i32 to vector<8x1024xi32>
      %add3A_435 = arith.addi %xor3A_429, %add3A_434 : vector<8x1024xi32>
      %add3A_436 = arith.constant 3 : i32
      %add3A_437 = vector.broadcast %add3A_436 : i32 to vector<8x1024xi32>
      %add3A_438 = arith.addi %add3A_435, %add3A_437 : vector<8x1024xi32>
      %add3A_439 = arith.addi %add3A_432, %add3A_438 : vector<8x1024xi32>
      %shift_left3A_440 = arith.constant 17 : i32
      %shift_left3A_441 = vector.broadcast %shift_left3A_440 : i32 to vector<8x1024xi32>
      %shift_left3A_442 = arith.shli %add3A_438, %shift_left3A_441 : vector<8x1024xi32>
      %shift_right_logical3A_443 = arith.constant 15 : i32
      %shift_right_logical3A_444 = vector.broadcast %shift_right_logical3A_443 : i32 to vector<8x1024xi32>
      %shift_right_logical3A_445 = arith.shrui %add3A_438, %shift_right_logical3A_444 : vector<8x1024xi32>
      %or3A_446 = arith.ori %shift_left3A_442, %shift_right_logical3A_445 : vector<8x1024xi32>
      %xor3A_447 = arith.xori %or3A_446, %add3A_439 : vector<8x1024xi32>
      %add3A_448 = arith.addi %add3A_439, %xor3A_447 : vector<8x1024xi32>
      %shift_left3A_449 = arith.constant 29 : i32
      %shift_left3A_450 = vector.broadcast %shift_left3A_449 : i32 to vector<8x1024xi32>
      %shift_left3A_451 = arith.shli %xor3A_447, %shift_left3A_450 : vector<8x1024xi32>
      %shift_right_logical3A_452 = arith.constant 3 : i32
      %shift_right_logical3A_453 = vector.broadcast %shift_right_logical3A_452 : i32 to vector<8x1024xi32>
      %shift_right_logical3A_454 = arith.shrui %xor3A_447, %shift_right_logical3A_453 : vector<8x1024xi32>
      %or3A_455 = arith.ori %shift_left3A_451, %shift_right_logical3A_454 : vector<8x1024xi32>
      %xor3A_456 = arith.xori %or3A_455, %add3A_448 : vector<8x1024xi32>
      %add3A_457 = arith.addi %add3A_448, %xor3A_456 : vector<8x1024xi32>
      %shift_left3A_458 = arith.constant 16 : i32
      %shift_left3A_459 = vector.broadcast %shift_left3A_458 : i32 to vector<8x1024xi32>
      %shift_left3A_460 = arith.shli %xor3A_456, %shift_left3A_459 : vector<8x1024xi32>
      %shift_right_logical3A_461 = arith.constant 16 : i32
      %shift_right_logical3A_462 = vector.broadcast %shift_right_logical3A_461 : i32 to vector<8x1024xi32>
      %shift_right_logical3A_463 = arith.shrui %xor3A_456, %shift_right_logical3A_462 : vector<8x1024xi32>
      %or3A_464 = arith.ori %shift_left3A_460, %shift_right_logical3A_463 : vector<8x1024xi32>
      %xor3A_465 = arith.xori %or3A_464, %add3A_457 : vector<8x1024xi32>
      %add3A_466 = arith.addi %add3A_457, %xor3A_465 : vector<8x1024xi32>
      %shift_left3A_467 = arith.constant 24 : i32
      %shift_left3A_468 = vector.broadcast %shift_left3A_467 : i32 to vector<8x1024xi32>
      %shift_left3A_469 = arith.shli %xor3A_465, %shift_left3A_468 : vector<8x1024xi32>
      %shift_right_logical3A_470 = arith.constant 8 : i32
      %shift_right_logical3A_471 = vector.broadcast %shift_right_logical3A_470 : i32 to vector<8x1024xi32>
      %shift_right_logical3A_472 = arith.shrui %xor3A_465, %shift_right_logical3A_471 : vector<8x1024xi32>
      %or3A_473 = arith.ori %shift_left3A_469, %shift_right_logical3A_472 : vector<8x1024xi32>
      %xor3A_474 = arith.xori %or3A_473, %add3A_466 : vector<8x1024xi32>
      %add3A_475 = arith.constant -1142165497 : i32
      %add3A_476 = vector.broadcast %add3A_475 : i32 to vector<8x1024xi32>
      %add3A_477 = arith.addi %add3A_466, %add3A_476 : vector<8x1024xi32>
      %add3A_478 = arith.constant -1670498665 : i32
      %add3A_479 = vector.broadcast %add3A_478 : i32 to vector<8x1024xi32>
      %add3A_480 = arith.addi %xor3A_474, %add3A_479 : vector<8x1024xi32>
      %add3A_481 = arith.constant 4 : i32
      %add3A_482 = vector.broadcast %add3A_481 : i32 to vector<8x1024xi32>
      %add3A_483 = arith.addi %add3A_480, %add3A_482 : vector<8x1024xi32>
      %add3A_484 = arith.addi %add3A_477, %add3A_483 : vector<8x1024xi32>
      %shift_left3A_485 = arith.constant 13 : i32
      %shift_left3A_486 = vector.broadcast %shift_left3A_485 : i32 to vector<8x1024xi32>
      %shift_left3A_487 = arith.shli %add3A_483, %shift_left3A_486 : vector<8x1024xi32>
      %shift_right_logical3A_488 = arith.constant 19 : i32
      %shift_right_logical3A_489 = vector.broadcast %shift_right_logical3A_488 : i32 to vector<8x1024xi32>
      %shift_right_logical3A_490 = arith.shrui %add3A_483, %shift_right_logical3A_489 : vector<8x1024xi32>
      %or3A_491 = arith.ori %shift_left3A_487, %shift_right_logical3A_490 : vector<8x1024xi32>
      %xor3A_492 = arith.xori %or3A_491, %add3A_484 : vector<8x1024xi32>
      %add3A_493 = arith.addi %add3A_484, %xor3A_492 : vector<8x1024xi32>
      %shift_left3A_494 = arith.constant 15 : i32
      %shift_left3A_495 = vector.broadcast %shift_left3A_494 : i32 to vector<8x1024xi32>
      %shift_left3A_496 = arith.shli %xor3A_492, %shift_left3A_495 : vector<8x1024xi32>
      %shift_right_logical3A_497 = arith.constant 17 : i32
      %shift_right_logical3A_498 = vector.broadcast %shift_right_logical3A_497 : i32 to vector<8x1024xi32>
      %shift_right_logical3A_499 = arith.shrui %xor3A_492, %shift_right_logical3A_498 : vector<8x1024xi32>
      %or3A_500 = arith.ori %shift_left3A_496, %shift_right_logical3A_499 : vector<8x1024xi32>
      %xor3A_501 = arith.xori %or3A_500, %add3A_493 : vector<8x1024xi32>
      %add3A_502 = arith.addi %add3A_493, %xor3A_501 : vector<8x1024xi32>
      %shift_left3A_503 = arith.constant 26 : i32
      %shift_left3A_504 = vector.broadcast %shift_left3A_503 : i32 to vector<8x1024xi32>
      %shift_left3A_505 = arith.shli %xor3A_501, %shift_left3A_504 : vector<8x1024xi32>
      %shift_right_logical3A_506 = arith.constant 6 : i32
      %shift_right_logical3A_507 = vector.broadcast %shift_right_logical3A_506 : i32 to vector<8x1024xi32>
      %shift_right_logical3A_508 = arith.shrui %xor3A_501, %shift_right_logical3A_507 : vector<8x1024xi32>
      %or3A_509 = arith.ori %shift_left3A_505, %shift_right_logical3A_508 : vector<8x1024xi32>
      %xor3A_510 = arith.xori %or3A_509, %add3A_502 : vector<8x1024xi32>
      %add3A_511 = arith.addi %add3A_502, %xor3A_510 : vector<8x1024xi32>
      %shift_left3A_512 = arith.constant 6 : i32
      %shift_left3A_513 = vector.broadcast %shift_left3A_512 : i32 to vector<8x1024xi32>
      %shift_left3A_514 = arith.shli %xor3A_510, %shift_left3A_513 : vector<8x1024xi32>
      %shift_right_logical3A_515 = arith.constant 26 : i32
      %shift_right_logical3A_516 = vector.broadcast %shift_right_logical3A_515 : i32 to vector<8x1024xi32>
      %shift_right_logical3A_517 = arith.shrui %xor3A_510, %shift_right_logical3A_516 : vector<8x1024xi32>
      %or3A_518 = arith.ori %shift_left3A_514, %shift_right_logical3A_517 : vector<8x1024xi32>
      %xor3A_519 = arith.xori %or3A_518, %add3A_511 : vector<8x1024xi32>
      %add3A_520 = arith.constant -1670498665 : i32
      %add3A_521 = vector.broadcast %add3A_520 : i32 to vector<8x1024xi32>
      %add3A_522 = arith.addi %add3A_511, %add3A_521 : vector<8x1024xi32>
      %add3A_523 = arith.constant 1012194634 : i32
      %add3A_524 = vector.broadcast %add3A_523 : i32 to vector<8x1024xi32>
      %add3A_525 = arith.addi %xor3A_519, %add3A_524 : vector<8x1024xi32>
      %add3A_526 = arith.constant 5 : i32
      %add3A_527 = vector.broadcast %add3A_526 : i32 to vector<8x1024xi32>
      %add3A_528 = arith.addi %add3A_525, %add3A_527 : vector<8x1024xi32>
      %xor3A_529 = arith.xori %add3A_522, %add3A_528 : vector<8x1024xi32>
      scf.yield %select_n3A_284, %select_n3A_285, %xor3A_529 : vector<8x1024xf32>, vector<8x1024xi32>, vector<8x1024xi32>
    }
    %scan3A_247 = arith.constant 196 : i32
    %reduce_min3A = arith.constant dense<0x7F800000> : vector<8xf32>
    %reduce_min3A_248 = vector.multi_reduction <minimumf>, %scan3A_246#0, %reduce_min3A [1] : vector<8x1024xf32> to vector<8xf32>
    %broadcast_in_dim3A_249 = vector.shape_cast %reduce_min3A_248 : vector<8xf32> to vector<8x1xf32>
    %eq3A = vector.broadcast %broadcast_in_dim3A_249 : vector<8x1xf32> to vector<8x1024xf32>
    %eq3A_250 = arith.cmpf oeq, %scan3A_246#0, %eq3A : vector<8x1024xf32>
    %jit3A = arith.constant 2147483647 : i32
    %broadcast_in_dim3A_251 = vector.broadcast %jit3A : i32 to vector<8x1024xi32>
    %select_n3A = arith.select %eq3A_250, %scan3A_246#1, %broadcast_in_dim3A_251 : vector<8x1024xi1>, vector<8x1024xi32>
    %reduce_min3A_252 = arith.constant dense<2147483647> : vector<8xi32>
    %reduce_min3A_253 = vector.multi_reduction <minsi>, %select_n3A, %reduce_min3A_252 [1] : vector<8x1024xi32> to vector<8xi32>
    %broadcast_in_dim3A_254 = vector.shape_cast %reduce_min3A_253 : vector<8xi32> to vector<8x1xi32>
    %swap3A = arith.constant 0 : index
    %swap3A_255 = arith.constant 0 : index
    %swap3A_256 = vector.load %arg2[%swap3A, %swap3A_255] : memref<8x1xi32, #tpu.memory_space<vmem>>, vector<8x1xi32>
    tpu.vector_store %arg2[%swap3A, %swap3A_255], %broadcast_in_dim3A_254 {strides = array<i32>} : memref<8x1xi32, #tpu.memory_space<vmem>>, vector<8x1xi32>,
    return
  }
  func.func @transform_0(%arg0: i32) -> (i32, i32) {
    %c0_i32 = arith.constant 0 : i32
    %c0_i32_0 = arith.constant 0 : i32
    %c0_i32_1 = arith.constant 0 : i32
    return %c0_i32, %c0_i32_0 : i32, i32
  }
  func.func @transform_1(%arg0: i32) -> (i32, i32) {
    %c0_i32 = arith.constant 0 : i32
    %c0_i32_0 = arith.constant 0 : i32
    return %arg0, %c0_i32 : i32, i32
  }
}

module attributes {stable_mosaic.version = 14 : i64} {
  func.func @_tc_sampler_kernel(%arg0: i32, %arg1: memref<196x1024xf32, #tpu.memory_space<vmem>>, %arg2: memref<8x1xi32, #tpu.memory_space<vmem>>) attributes {dimension_semantics = [#tpu.dimension_semantics<arbitrary>], iteration_bounds = array<i64: 256>, scalar_prefetch = 0 : i64, scratch_operands = 0 : i64, tpu.core_type = #tpu.core_type<tc>, window_params = [{pipeline_mode = #tpu.pipeline_mode<synchronous>, transform_indices = @transform_0, window_bounds = array<i64: 196, 1024>}, {transform_indices = @transform_1, window_bounds = array<i64: 8, 1>}]} {
    %mul3A = arith.constant 8 : i32
    %mul3A_0 = arith.muli %arg0, %mul3A : i32
    %iota3A = tpu.iota {dimensions = array<i32: 0>} : vector<8x1024xi32>
    %add3A = vector.broadcast %mul3A_0 : i32 to vector<8x1024xi32>
    %add3A_1 = arith.addi %add3A, %iota3A : vector<8x1024xi32>
    %iota3A_2 = tpu.iota {dimensions = array<i32: 1>} : vector<8x1024xi32>
    %broadcast_in_dim3A = arith.constant 0x7F800000 : f32
    %broadcast_in_dim3A_3 = vector.broadcast %broadcast_in_dim3A : f32 to vector<8x1024xf32>
    %broadcast_in_dim3A_4 = arith.constant 0 : i32
    %broadcast_in_dim3A_5 = vector.broadcast %broadcast_in_dim3A_4 : i32 to vector<8x1024xi32>
    %mul3A_6 = arith.constant 200000 : i32
    %mul3A_7 = vector.broadcast %mul3A_6 : i32 to vector<8x1024xi32>
    %mul3A_8 = arith.muli %add3A_1, %mul3A_7 : vector<8x1024xi32>
    %add3A_9 = arith.constant 0 : i32
    %add3A_10 = vector.broadcast %add3A_9 : i32 to vector<8x1024xi32>
    %add3A_11 = arith.addi %mul3A_8, %add3A_10 : vector<8x1024xi32>
    %add3A_12 = arith.addi %add3A_11, %iota3A_2 : vector<8x1024xi32>
    %broadcast_in_dim3A_13 = arith.constant 0 : i32
    %broadcast_in_dim3A_14 = vector.broadcast %broadcast_in_dim3A_13 : i32 to vector<8x1024xi32>
    %add3A_15 = arith.constant -1107590415 : i32
    %add3A_16 = vector.broadcast %add3A_15 : i32 to vector<8x1024xi32>
    %add3A_17 = arith.addi %broadcast_in_dim3A_14, %add3A_16 : vector<8x1024xi32>
    %add3A_18 = arith.constant 129218101 : i32
    %add3A_19 = vector.broadcast %add3A_18 : i32 to vector<8x1024xi32>
    %add3A_20 = arith.addi %add3A_12, %add3A_19 : vector<8x1024xi32>
    %add3A_21 = arith.addi %add3A_17, %add3A_20 : vector<8x1024xi32>
    %shift_left3A = arith.constant 13 : i32
    %shift_left3A_22 = vector.broadcast %shift_left3A : i32 to vector<8x1024xi32>
    %shift_left3A_23 = arith.shli %add3A_20, %shift_left3A_22 : vector<8x1024xi32>
    %shift_right_logical3A = arith.constant 19 : i32
    %shift_right_logical3A_24 = vector.broadcast %shift_right_logical3A : i32 to vector<8x1024xi32>
    %shift_right_logical3A_25 = arith.shrui %add3A_20, %shift_right_logical3A_24 : vector<8x1024xi32>
    %or3A = arith.ori %shift_left3A_23, %shift_right_logical3A_25 : vector<8x1024xi32>
    %xor3A = arith.xori %or3A, %add3A_21 : vector<8x1024xi32>
    %add3A_26 = arith.addi %add3A_21, %xor3A : vector<8x1024xi32>
    %shift_left3A_27 = arith.constant 15 : i32
    %shift_left3A_28 = vector.broadcast %shift_left3A_27 : i32 to vector<8x1024xi32>
    %shift_left3A_29 = arith.shli %xor3A, %shift_left3A_28 : vector<8x1024xi32>
    %shift_right_logical3A_30 = arith.constant 17 : i32
    %shift_right_logical3A_31 = vector.broadcast %shift_right_logical3A_30 : i32 to vector<8x1024xi32>
    %shift_right_logical3A_32 = arith.shrui %xor3A, %shift_right_logical3A_31 : vector<8x1024xi32>
    %or3A_33 = arith.ori %shift_left3A_29, %shift_right_logical3A_32 : vector<8x1024xi32>
    %xor3A_34 = arith.xori %or3A_33, %add3A_26 : vector<8x1024xi32>
    %add3A_35 = arith.addi %add3A_26, %xor3A_34 : vector<8x1024xi32>
    %shift_left3A_36 = arith.constant 26 : i32
    %shift_left3A_37 = vector.broadcast %shift_left3A_36 : i32 to vector<8x1024xi32>
    %shift_left3A_38 = arith.shli %xor3A_34, %shift_left3A_37 : vector<8x1024xi32>
    %shift_right_logical3A_39 = arith.constant 6 : i32
    %shift_right_logical3A_40 = vector.broadcast %shift_right_logical3A_39 : i32 to vector<8x1024xi32>
    %shift_right_logical3A_41 = arith.shrui %xor3A_34, %shift_right_logical3A_40 : vector<8x1024xi32>
    %or3A_42 = arith.ori %shift_left3A_38, %shift_right_logical3A_41 : vector<8x1024xi32>
    %xor3A_43 = arith.xori %or3A_42, %add3A_35 : vector<8x1024xi32>
    %add3A_44 = arith.addi %add3A_35, %xor3A_43 : vector<8x1024xi32>
    %shift_left3A_45 = arith.constant 6 : i32
    %shift_left3A_46 = vector.broadcast %shift_left3A_45 : i32 to vector<8x1024xi32>
    %shift_left3A_47 = arith.shli %xor3A_43, %shift_left3A_46 : vector<8x1024xi32>
    %shift_right_logical3A_48 = arith.constant 26 : i32
    %shift_right_logical3A_49 = vector.broadcast %shift_right_logical3A_48 : i32 to vector<8x1024xi32>
    %shift_right_logical3A_50 = arith.shrui %xor3A_43, %shift_right_logical3A_49 : vector<8x1024xi32>
    %or3A_51 = arith.ori %shift_left3A_47, %shift_right_logical3A_50 : vector<8x1024xi32>
    %xor3A_52 = arith.xori %or3A_51, %add3A_44 : vector<8x1024xi32>
    %add3A_53 = arith.constant 129218101 : i32
    %add3A_54 = vector.broadcast %add3A_53 : i32 to vector<8x1024xi32>
    %add3A_55 = arith.addi %add3A_44, %add3A_54 : vector<8x1024xi32>
    %add3A_56 = arith.constant -1583796450 : i32
    %add3A_57 = vector.broadcast %add3A_56 : i32 to vector<8x1024xi32>
    %add3A_58 = arith.addi %xor3A_52, %add3A_57 : vector<8x1024xi32>
    %add3A_59 = arith.constant 1 : i32
    %add3A_60 = vector.broadcast %add3A_59 : i32 to vector<8x1024xi32>
    %add3A_61 = arith.addi %add3A_58, %add3A_60 : vector<8x1024xi32>
    %add3A_62 = arith.addi %add3A_55, %add3A_61 : vector<8x1024xi32>
    %shift_left3A_63 = arith.constant 17 : i32
    %shift_left3A_64 = vector.broadcast %shift_left3A_63 : i32 to vector<8x1024xi32>
    %shift_left3A_65 = arith.shli %add3A_61, %shift_left3A_64 : vector<8x1024xi32>
    %shift_right_logical3A_66 = arith.constant 15 : i32
    %shift_right_logical3A_67 = vector.broadcast %shift_right_logical3A_66 : i32 to vector<8x1024xi32>
    %shift_right_logical3A_68 = arith.shrui %add3A_61, %shift_right_logical3A_67 : vector<8x1024xi32>
    %or3A_69 = arith.ori %shift_left3A_65, %shift_right_logical3A_68 : vector<8x1024xi32>
    %xor3A_70 = arith.xori %or3A_69, %add3A_62 : vector<8x1024xi32>
    %add3A_71 = arith.addi %add3A_62, %xor3A_70 : vector<8x1024xi32>
    %shift_left3A_72 = arith.constant 29 : i32
    %shift_left3A_73 = vector.broadcast %shift_left3A_72 : i32 to vector<8x1024xi32>
    %shift_left3A_74 = arith.shli %xor3A_70, %shift_left3A_73 : vector<8x1024xi32>
    %shift_right_logical3A_75 = arith.constant 3 : i32
    %shift_right_logical3A_76 = vector.broadcast %shift_right_logical3A_75 : i32 to vector<8x1024xi32>
    %shift_right_logical3A_77 = arith.shrui %xor3A_70, %shift_right_logical3A_76 : vector<8x1024xi32>
    %or3A_78 = arith.ori %shift_left3A_74, %shift_right_logical3A_77 : vector<8x1024xi32>
    %xor3A_79 = arith.xori %or3A_78, %add3A_71 : vector<8x1024xi32>
    %add3A_80 = arith.addi %add3A_71, %xor3A_79 : vector<8x1024xi32>
    %shift_left3A_81 = arith.constant 16 : i32
    %shift_left3A_82 = vector.broadcast %shift_left3A_81 : i32 to vector<8x1024xi32>
    %shift_left3A_83 = arith.shli %xor3A_79, %shift_left3A_82 : vector<8x1024xi32>
    %shift_right_logical3A_84 = arith.constant 16 : i32
    %shift_right_logical3A_85 = vector.broadcast %shift_right_logical3A_84 : i32 to vector<8x1024xi32>
    %shift_right_logical3A_86 = arith.shrui %xor3A_79, %shift_right_logical3A_85 : vector<8x1024xi32>
    %or3A_87 = arith.ori %shift_left3A_83, %shift_right_logical3A_86 : vector<8x1024xi32>
    %xor3A_88 = arith.xori %or3A_87, %add3A_80 : vector<8x1024xi32>
    %add3A_89 = arith.addi %add3A_80, %xor3A_88 : vector<8x1024xi32>
    %shift_left3A_90 = arith.constant 24 : i32
    %shift_left3A_91 = vector.broadcast %shift_left3A_90 : i32 to vector<8x1024xi32>
    %shift_left3A_92 = arith.shli %xor3A_88, %shift_left3A_91 : vector<8x1024xi32>
    %shift_right_logical3A_93 = arith.constant 8 : i32
    %shift_right_logical3A_94 = vector.broadcast %shift_right_logical3A_93 : i32 to vector<8x1024xi32>
    %shift_right_logical3A_95 = arith.shrui %xor3A_88, %shift_right_logical3A_94 : vector<8x1024xi32>
    %or3A_96 = arith.ori %shift_left3A_92, %shift_right_logical3A_95 : vector<8x1024xi32>
    %xor3A_97 = arith.xori %or3A_96, %add3A_89 : vector<8x1024xi32>
    %add3A_98 = arith.constant -1583796450 : i32
    %add3A_99 = vector.broadcast %add3A_98 : i32 to vector<8x1024xi32>
    %add3A_100 = arith.addi %add3A_89, %add3A_99 : vector<8x1024xi32>
    %add3A_101 = arith.constant -1107590415 : i32
    %add3A_102 = vector.broadcast %add3A_101 : i32 to vector<8x1024xi32>
    %add3A_103 = arith.addi %xor3A_97, %add3A_102 : vector<8x1024xi32>
    %add3A_104 = arith.constant 2 : i32
    %add3A_105 = vector.broadcast %add3A_104 : i32 to vector<8x1024xi32>
    %add3A_106 = arith.addi %add3A_103, %add3A_105 : vector<8x1024xi32>
    %add3A_107 = arith.addi %add3A_100, %add3A_106 : vector<8x1024xi32>
    %shift_left3A_108 = arith.constant 13 : i32
    %shift_left3A_109 = vector.broadcast %shift_left3A_108 : i32 to vector<8x1024xi32>
    %shift_left3A_110 = arith.shli %add3A_106, %shift_left3A_109 : vector<8x1024xi32>
    %shift_right_logical3A_111 = arith.constant 19 : i32
    %shift_right_logical3A_112 = vector.broadcast %shift_right_logical3A_111 : i32 to vector<8x1024xi32>
    %shift_right_logical3A_113 = arith.shrui %add3A_106, %shift_right_logical3A_112 : vector<8x1024xi32>
    %or3A_114 = arith.ori %shift_left3A_110, %shift_right_logical3A_113 : vector<8x1024xi32>
    %xor3A_115 = arith.xori %or3A_114, %add3A_107 : vector<8x1024xi32>
    %add3A_116 = arith.addi %add3A_107, %xor3A_115 : vector<8x1024xi32>
    %shift_left3A_117 = arith.constant 15 : i32
    %shift_left3A_118 = vector.broadcast %shift_left3A_117 : i32 to vector<8x1024xi32>
    %shift_left3A_119 = arith.shli %xor3A_115, %shift_left3A_118 : vector<8x1024xi32>
    %shift_right_logical3A_120 = arith.constant 17 : i32
    %shift_right_logical3A_121 = vector.broadcast %shift_right_logical3A_120 : i32 to vector<8x1024xi32>
    %shift_right_logical3A_122 = arith.shrui %xor3A_115, %shift_right_logical3A_121 : vector<8x1024xi32>
    %or3A_123 = arith.ori %shift_left3A_119, %shift_right_logical3A_122 : vector<8x1024xi32>
    %xor3A_124 = arith.xori %or3A_123, %add3A_116 : vector<8x1024xi32>
    %add3A_125 = arith.addi %add3A_116, %xor3A_124 : vector<8x1024xi32>
    %shift_left3A_126 = arith.constant 26 : i32
    %shift_left3A_127 = vector.broadcast %shift_left3A_126 : i32 to vector<8x1024xi32>
    %shift_left3A_128 = arith.shli %xor3A_124, %shift_left3A_127 : vector<8x1024xi32>
    %shift_right_logical3A_129 = arith.constant 6 : i32
    %shift_right_logical3A_130 = vector.broadcast %shift_right_logical3A_129 : i32 to vector<8x1024xi32>
    %shift_right_logical3A_131 = arith.shrui %xor3A_124, %shift_right_logical3A_130 : vector<8x1024xi32>
    %or3A_132 = arith.ori %shift_left3A_128, %shift_right_logical3A_131 : vector<8x1024xi32>
    %xor3A_133 = arith.xori %or3A_132, %add3A_125 : vector<8x1024xi32>
    %add3A_134 = arith.addi %add3A_125, %xor3A_133 : vector<8x1024xi32>
    %shift_left3A_135 = arith.constant 6 : i32
    %shift_left3A_136 = vector.broadcast %shift_left3A_135 : i32 to vector<8x1024xi32>
    %shift_left3A_137 = arith.shli %xor3A_133, %shift_left3A_136 : vector<8x1024xi32>
    %shift_right_logical3A_138 = arith.constant 26 : i32
    %shift_right_logical3A_139 = vector.broadcast %shift_right_logical3A_138 : i32 to vector<8x1024xi32>
    %shift_right_logical3A_140 = arith.shrui %xor3A_133, %shift_right_logical3A_139 : vector<8x1024xi32>
    %or3A_141 = arith.ori %shift_left3A_137, %shift_right_logical3A_140 : vector<8x1024xi32>
    %xor3A_142 = arith.xori %or3A_141, %add3A_134 : vector<8x1024xi32>
    %add3A_143 = arith.constant -1107590415 : i32
    %add3A_144 = vector.broadcast %add3A_143 : i32 to vector<8x1024xi32>
    %add3A_145 = arith.addi %add3A_134, %add3A_144 : vector<8x1024xi32>
    %add3A_146 = arith.constant 129218101 : i32
    %add3A_147 = vector.broadcast %add3A_146 : i32 to vector<8x1024xi32>
    %add3A_148 = arith.addi %xor3A_142, %add3A_147 : vector<8x1024xi32>
    %add3A_149 = arith.constant 3 : i32
    %add3A_150 = vector.broadcast %add3A_149 : i32 to vector<8x1024xi32>
    %add3A_151 = arith.addi %add3A_148, %add3A_150 : vector<8x1024xi32>
    %add3A_152 = arith.addi %add3A_145, %add3A_151 : vector<8x1024xi32>
    %shift_left3A_153 = arith.constant 17 : i32
    %shift_left3A_154 = vector.broadcast %shift_left3A_153 : i32 to vector<8x1024xi32>
    %shift_left3A_155 = arith.shli %add3A_151, %shift_left3A_154 : vector<8x1024xi32>
    %shift_right_logical3A_156 = arith.constant 15 : i32
    %shift_right_logical3A_157 = vector.broadcast %shift_right_logical3A_156 : i32 to vector<8x1024xi32>
    %shift_right_logical3A_158 = arith.shrui %add3A_151, %shift_right_logical3A_157 : vector<8x1024xi32>
    %or3A_159 = arith.ori %shift_left3A_155, %shift_right_logical3A_158 : vector<8x1024xi32>
    %xor3A_160 = arith.xori %or3A_159, %add3A_152 : vector<8x1024xi32>
    %add3A_161 = arith.addi %add3A_152, %xor3A_160 : vector<8x1024xi32>
    %shift_left3A_162 = arith.constant 29 : i32
    %shift_left3A_163 = vector.broadcast %shift_left3A_162 : i32 to vector<8x1024xi32>
    %shift_left3A_164 = arith.shli %xor3A_160, %shift_left3A_163 : vector<8x1024xi32>
    %shift_right_logical3A_165 = arith.constant 3 : i32
    %shift_right_logical3A_166 = vector.broadcast %shift_right_logical3A_165 : i32 to vector<8x1024xi32>
    %shift_right_logical3A_167 = arith.shrui %xor3A_160, %shift_right_logical3A_166 : vector<8x1024xi32>
    %or3A_168 = arith.ori %shift_left3A_164, %shift_right_logical3A_167 : vector<8x1024xi32>
    %xor3A_169 = arith.xori %or3A_168, %add3A_161 : vector<8x1024xi32>
    %add3A_170 = arith.addi %add3A_161, %xor3A_169 : vector<8x1024xi32>
    %shift_left3A_171 = arith.constant 16 : i32
    %shift_left3A_172 = vector.broadcast %shift_left3A_171 : i32 to vector<8x1024xi32>
    %shift_left3A_173 = arith.shli %xor3A_169, %shift_left3A_172 : vector<8x1024xi32>
    %shift_right_logical3A_174 = arith.constant 16 : i32
    %shift_right_logical3A_175 = vector.broadcast %shift_right_logical3A_174 : i32 to vector<8x1024xi32>
    %shift_right_logical3A_176 = arith.shrui %xor3A_169, %shift_right_logical3A_175 : vector<8x1024xi32>
    %or3A_177 = arith.ori %shift_left3A_173, %shift_right_logical3A_176 : vector<8x1024xi32>
    %xor3A_178 = arith.xori %or3A_177, %add3A_170 : vector<8x1024xi32>
    %add3A_179 = arith.addi %add3A_170, %xor3A_178 : vector<8x1024xi32>
    %shift_left3A_180 = arith.constant 24 : i32
    %shift_left3A_181 = vector.broadcast %shift_left3A_180 : i32 to vector<8x1024xi32>
    %shift_left3A_182 = arith.shli %xor3A_178, %shift_left3A_181 : vector<8x1024xi32>
    %shift_right_logical3A_183 = arith.constant 8 : i32
    %shift_right_logical3A_184 = vector.broadcast %shift_right_logical3A_183 : i32 to vector<8x1024xi32>
    %shift_right_logical3A_185 = arith.shrui %xor3A_178, %shift_right_logical3A_184 : vector<8x1024xi32>
    %or3A_186 = arith.ori %shift_left3A_182, %shift_right_logical3A_185 : vector<8x1024xi32>
    %xor3A_187 = arith.xori %or3A_186, %add3A_179 : vector<8x1024xi32>
    %add3A_188 = arith.constant 129218101 : i32
    %add3A_189 = vector.broadcast %add3A_188 : i32 to vector<8x1024xi32>
    %add3A_190 = arith.addi %add3A_179, %add3A_189 : vector<8x1024xi32>
    %add3A_191 = arith.constant -1583796450 : i32
    %add3A_192 = vector.broadcast %add3A_191 : i32 to vector<8x1024xi32>
    %add3A_193 = arith.addi %xor3A_187, %add3A_192 : vector<8x1024xi32>
    %add3A_194 = arith.constant 4 : i32
    %add3A_195 = vector.broadcast %add3A_194 : i32 to vector<8x1024xi32>
    %add3A_196 = arith.addi %add3A_193, %add3A_195 : vector<8x1024xi32>
    %add3A_197 = arith.addi %add3A_190, %add3A_196 : vector<8x1024xi32>
    %shift_left3A_198 = arith.constant 13 : i32
    %shift_left3A_199 = vector.broadcast %shift_left3A_198 : i32 to vector<8x1024xi32>
    %shift_left3A_200 = arith.shli %add3A_196, %shift_left3A_199 : vector<8x1024xi32>
    %shift_right_logical3A_201 = arith.constant 19 : i32
    %shift_right_logical3A_202 = vector.broadcast %shift_right_logical3A_201 : i32 to vector<8x1024xi32>
    %shift_right_logical3A_203 = arith.shrui %add3A_196, %shift_right_logical3A_202 : vector<8x1024xi32>
    %or3A_204 = arith.ori %shift_left3A_200, %shift_right_logical3A_203 : vector<8x1024xi32>
    %xor3A_205 = arith.xori %or3A_204, %add3A_197 : vector<8x1024xi32>
    %add3A_206 = arith.addi %add3A_197, %xor3A_205 : vector<8x1024xi32>
    %shift_left3A_207 = arith.constant 15 : i32
    %shift_left3A_208 = vector.broadcast %shift_left3A_207 : i32 to vector<8x1024xi32>
    %shift_left3A_209 = arith.shli %xor3A_205, %shift_left3A_208 : vector<8x1024xi32>
    %shift_right_logical3A_210 = arith.constant 17 : i32
    %shift_right_logical3A_211 = vector.broadcast %shift_right_logical3A_210 : i32 to vector<8x1024xi32>
    %shift_right_logical3A_212 = arith.shrui %xor3A_205, %shift_right_logical3A_211 : vector<8x1024xi32>
    %or3A_213 = arith.ori %shift_left3A_209, %shift_right_logical3A_212 : vector<8x1024xi32>
    %xor3A_214 = arith.xori %or3A_213, %add3A_206 : vector<8x1024xi32>
    %add3A_215 = arith.addi %add3A_206, %xor3A_214 : vector<8x1024xi32>
    %shift_left3A_216 = arith.constant 26 : i32
    %shift_left3A_217 = vector.broadcast %shift_left3A_216 : i32 to vector<8x1024xi32>
    %shift_left3A_218 = arith.shli %xor3A_214, %shift_left3A_217 : vector<8x1024xi32>
    %shift_right_logical3A_219 = arith.constant 6 : i32
    %shift_right_logical3A_220 = vector.broadcast %shift_right_logical3A_219 : i32 to vector<8x1024xi32>
    %shift_right_logical3A_221 = arith.shrui %xor3A_214, %shift_right_logical3A_220 : vector<8x1024xi32>
    %or3A_222 = arith.ori %shift_left3A_218, %shift_right_logical3A_221 : vector<8x1024xi32>
    %xor3A_223 = arith.xori %or3A_222, %add3A_215 : vector<8x1024xi32>
    %add3A_224 = arith.addi %add3A_215, %xor3A_223 : vector<8x1024xi32>
    %shift_left3A_225 = arith.constant 6 : i32
    %shift_left3A_226 = vector.broadcast %shift_left3A_225 : i32 to vector<8x1024xi32>
    %shift_left3A_227 = arith.shli %xor3A_223, %shift_left3A_226 : vector<8x1024xi32>
    %shift_right_logical3A_228 = arith.constant 26 : i32
    %shift_right_logical3A_229 = vector.broadcast %shift_right_logical3A_228 : i32 to vector<8x1024xi32>
    %shift_right_logical3A_230 = arith.shrui %xor3A_223, %shift_right_logical3A_229 : vector<8x1024xi32>
    %or3A_231 = arith.ori %shift_left3A_227, %shift_right_logical3A_230 : vector<8x1024xi32>
    %xor3A_232 = arith.xori %or3A_231, %add3A_224 : vector<8x1024xi32>
    %add3A_233 = arith.constant -1583796450 : i32
    %add3A_234 = vector.broadcast %add3A_233 : i32 to vector<8x1024xi32>
    %add3A_235 = arith.addi %add3A_224, %add3A_234 : vector<8x1024xi32>
    %add3A_236 = arith.constant -1107590415 : i32
    %add3A_237 = vector.broadcast %add3A_236 : i32 to vector<8x1024xi32>
    %add3A_238 = arith.addi %xor3A_232, %add3A_237 : vector<8x1024xi32>
    %add3A_239 = arith.constant 5 : i32
    %add3A_240 = vector.broadcast %add3A_239 : i32 to vector<8x1024xi32>
    %add3A_241 = arith.addi %add3A_238, %add3A_240 : vector<8x1024xi32>
    %xor3A_242 = arith.xori %add3A_235, %add3A_241 : vector<8x1024xi32>
    %scan3A = arith.constant 0 : i32
    %scan3A_243 = arith.constant 196 : i32
    %scan3A_244 = arith.addi %scan3A, %scan3A_243 : i32
    %scan3A_245 = arith.constant 1 : i32
    %scan3A_246:3 = scf.for %scan3A_257 = %scan3A to %scan3A_244 step %scan3A_245 iter_args(%scan3A_258 = %broadcast_in_dim3A_3, %scan3A_259 = %broadcast_in_dim3A_5, %scan3A_260 = %xor3A_242) -> (vector<8x1024xf32>, vector<8x1024xi32>, vector<8x1024xi32>)  : i32 {
      %shift_right_logical3A_261 = arith.constant 9 : i32
      %shift_right_logical3A_262 = vector.broadcast %shift_right_logical3A_261 : i32 to vector<8x1024xi32>
      %shift_right_logical3A_263 = arith.shrui %scan3A_260, %shift_right_logical3A_262 : vector<8x1024xi32>
      %or3A_264 = arith.constant 1065353216 : i32
      %or3A_265 = vector.broadcast %or3A_264 : i32 to vector<8x1024xi32>
      %or3A_266 = arith.ori %shift_right_logical3A_263, %or3A_265 : vector<8x1024xi32>
      %bitcast_convert_type3A = tpu.bitcast %or3A_266 : vector<8x1024xi32> -> vector<8x1024xf32>
      %sub3A = arith.constant 1.000000e+00 : f32
      %sub3A_267 = vector.broadcast %sub3A : f32 to vector<8x1024xf32>
      %sub3A_268 = arith.subf %bitcast_convert_type3A, %sub3A_267 : vector<8x1024xf32>
      %add3A_269 = arith.constant 1.17549435E-38 : f32
      %add3A_270 = vector.broadcast %add3A_269 : f32 to vector<8x1024xf32>
      %add3A_271 = arith.addf %sub3A_268, %add3A_270 : vector<8x1024xf32>
      %max3A = arith.constant 1.17549435E-38 : f32
      %max3A_272 = vector.broadcast %max3A : f32 to vector<8x1024xf32>
      %max3A_273 = arith.maximumf %max3A_272, %add3A_271 : vector<8x1024xf32>
      %log3A = math.log %max3A_273 : vector<8x1024xf32>
      %neg3A = arith.constant 0.000000e+00 : f32
      %neg3A_274 = vector.broadcast %neg3A : f32 to vector<8x1024xf32>
      %neg3A_275 = arith.subf %neg3A_274, %log3A : vector<8x1024xf32>
      %get3A = arith.index_cast %scan3A_257 : i32 to index
      %get3A_276 = arith.constant 0 : index
      %get3A_277 = vector.load %arg1[%get3A, %get3A_276] : memref<196x1024xf32, #tpu.memory_space<vmem>>, vector<1x1024xf32>
      %mul3A_278 = vector.broadcast %get3A_277 : vector<1x1024xf32> to vector<8x1024xf32>
      %mul3A_279 = arith.mulf %neg3A_275, %mul3A_278 : vector<8x1024xf32>
      %mul3A_280 = arith.constant 1024 : i32
      %mul3A_281 = arith.muli %scan3A_257, %mul3A_280 : i32
      %add3A_282 = vector.broadcast %mul3A_281 : i32 to vector<8x1024xi32>
      %add3A_283 = arith.addi %add3A_282, %iota3A_2 : vector<8x1024xi32>
      %lt3A = arith.cmpf olt, %mul3A_279, %scan3A_258 : vector<8x1024xf32>
      %select_n3A_284 = arith.select %lt3A, %mul3A_279, %scan3A_258 : vector<8x1024xi1>, vector<8x1024xf32>
      %select_n3A_285 = arith.select %lt3A, %add3A_283, %scan3A_259 : vector<8x1024xi1>, vector<8x1024xi32>
      %add3A_286 = arith.constant 1 : i32
      %add3A_287 = arith.addi %scan3A_257, %add3A_286 : i32
      %mul3A_288 = arith.constant 200000 : i32
      %mul3A_289 = vector.broadcast %mul3A_288 : i32 to vector<8x1024xi32>
      %mul3A_290 = arith.muli %add3A_1, %mul3A_289 : vector<8x1024xi32>
      %mul3A_291 = arith.constant 1024 : i32
      %mul3A_292 = arith.muli %add3A_287, %mul3A_291 : i32
      %add3A_293 = vector.broadcast %mul3A_292 : i32 to vector<8x1024xi32>
      %add3A_294 = arith.addi %mul3A_290, %add3A_293 : vector<8x1024xi32>
      %add3A_295 = arith.addi %add3A_294, %iota3A_2 : vector<8x1024xi32>
      %broadcast_in_dim3A_296 = arith.constant 0 : i32
      %broadcast_in_dim3A_297 = vector.broadcast %broadcast_in_dim3A_296 : i32 to vector<8x1024xi32>
      %add3A_298 = arith.constant -1107590415 : i32
      %add3A_299 = vector.broadcast %add3A_298 : i32 to vector<8x1024xi32>
      %add3A_300 = arith.addi %broadcast_in_dim3A_297, %add3A_299 : vector<8x1024xi32>
      %add3A_301 = arith.constant 129218101 : i32
      %add3A_302 = vector.broadcast %add3A_301 : i32 to vector<8x1024xi32>
      %add3A_303 = arith.addi %add3A_295, %add3A_302 : vector<8x1024xi32>
      %add3A_304 = arith.addi %add3A_300, %add3A_303 : vector<8x1024xi32>
      %shift_left3A_305 = arith.constant 13 : i32
      %shift_left3A_306 = vector.broadcast %shift_left3A_305 : i32 to vector<8x1024xi32>
      %shift_left3A_307 = arith.shli %add3A_303, %shift_left3A_306 : vector<8x1024xi32>
      %shift_right_logical3A_308 = arith.constant 19 : i32
      %shift_right_logical3A_309 = vector.broadcast %shift_right_logical3A_308 : i32 to vector<8x1024xi32>
      %shift_right_logical3A_310 = arith.shrui %add3A_303, %shift_right_logical3A_309 : vector<8x1024xi32>
      %or3A_311 = arith.ori %shift_left3A_307, %shift_right_logical3A_310 : vector<8x1024xi32>
      %xor3A_312 = arith.xori %or3A_311, %add3A_304 : vector<8x1024xi32>
      %add3A_313 = arith.addi %add3A_304, %xor3A_312 : vector<8x1024xi32>
      %shift_left3A_314 = arith.constant 15 : i32
      %shift_left3A_315 = vector.broadcast %shift_left3A_314 : i32 to vector<8x1024xi32>
      %shift_left3A_316 = arith.shli %xor3A_312, %shift_left3A_315 : vector<8x1024xi32>
      %shift_right_logical3A_317 = arith.constant 17 : i32
      %shift_right_logical3A_318 = vector.broadcast %shift_right_logical3A_317 : i32 to vector<8x1024xi32>
      %shift_right_logical3A_319 = arith.shrui %xor3A_312, %shift_right_logical3A_318 : vector<8x1024xi32>
      %or3A_320 = arith.ori %shift_left3A_316, %shift_right_logical3A_319 : vector<8x1024xi32>
      %xor3A_321 = arith.xori %or3A_320, %add3A_313 : vector<8x1024xi32>
      %add3A_322 = arith.addi %add3A_313, %xor3A_321 : vector<8x1024xi32>
      %shift_left3A_323 = arith.constant 26 : i32
      %shift_left3A_324 = vector.broadcast %shift_left3A_323 : i32 to vector<8x1024xi32>
      %shift_left3A_325 = arith.shli %xor3A_321, %shift_left3A_324 : vector<8x1024xi32>
      %shift_right_logical3A_326 = arith.constant 6 : i32
      %shift_right_logical3A_327 = vector.broadcast %shift_right_logical3A_326 : i32 to vector<8x1024xi32>
      %shift_right_logical3A_328 = arith.shrui %xor3A_321, %shift_right_logical3A_327 : vector<8x1024xi32>
      %or3A_329 = arith.ori %shift_left3A_325, %shift_right_logical3A_328 : vector<8x1024xi32>
      %xor3A_330 = arith.xori %or3A_329, %add3A_322 : vector<8x1024xi32>
      %add3A_331 = arith.addi %add3A_322, %xor3A_330 : vector<8x1024xi32>
      %shift_left3A_332 = arith.constant 6 : i32
      %shift_left3A_333 = vector.broadcast %shift_left3A_332 : i32 to vector<8x1024xi32>
      %shift_left3A_334 = arith.shli %xor3A_330, %shift_left3A_333 : vector<8x1024xi32>
      %shift_right_logical3A_335 = arith.constant 26 : i32
      %shift_right_logical3A_336 = vector.broadcast %shift_right_logical3A_335 : i32 to vector<8x1024xi32>
      %shift_right_logical3A_337 = arith.shrui %xor3A_330, %shift_right_logical3A_336 : vector<8x1024xi32>
      %or3A_338 = arith.ori %shift_left3A_334, %shift_right_logical3A_337 : vector<8x1024xi32>
      %xor3A_339 = arith.xori %or3A_338, %add3A_331 : vector<8x1024xi32>
      %add3A_340 = arith.constant 129218101 : i32
      %add3A_341 = vector.broadcast %add3A_340 : i32 to vector<8x1024xi32>
      %add3A_342 = arith.addi %add3A_331, %add3A_341 : vector<8x1024xi32>
      %add3A_343 = arith.constant -1583796450 : i32
      %add3A_344 = vector.broadcast %add3A_343 : i32 to vector<8x1024xi32>
      %add3A_345 = arith.addi %xor3A_339, %add3A_344 : vector<8x1024xi32>
      %add3A_346 = arith.constant 1 : i32
      %add3A_347 = vector.broadcast %add3A_346 : i32 to vector<8x1024xi32>
      %add3A_348 = arith.addi %add3A_345, %add3A_347 : vector<8x1024xi32>
      %add3A_349 = arith.addi %add3A_342, %add3A_348 : vector<8x1024xi32>
      %shift_left3A_350 = arith.constant 17 : i32
      %shift_left3A_351 = vector.broadcast %shift_left3A_350 : i32 to vector<8x1024xi32>
      %shift_left3A_352 = arith.shli %add3A_348, %shift_left3A_351 : vector<8x1024xi32>
      %shift_right_logical3A_353 = arith.constant 15 : i32
      %shift_right_logical3A_354 = vector.broadcast %shift_right_logical3A_353 : i32 to vector<8x1024xi32>
      %shift_right_logical3A_355 = arith.shrui %add3A_348, %shift_right_logical3A_354 : vector<8x1024xi32>
      %or3A_356 = arith.ori %shift_left3A_352, %shift_right_logical3A_355 : vector<8x1024xi32>
      %xor3A_357 = arith.xori %or3A_356, %add3A_349 : vector<8x1024xi32>
      %add3A_358 = arith.addi %add3A_349, %xor3A_357 : vector<8x1024xi32>
      %shift_left3A_359 = arith.constant 29 : i32
      %shift_left3A_360 = vector.broadcast %shift_left3A_359 : i32 to vector<8x1024xi32>
      %shift_left3A_361 = arith.shli %xor3A_357, %shift_left3A_360 : vector<8x1024xi32>
      %shift_right_logical3A_362 = arith.constant 3 : i32
      %shift_right_logical3A_363 = vector.broadcast %shift_right_logical3A_362 : i32 to vector<8x1024xi32>
      %shift_right_logical3A_364 = arith.shrui %xor3A_357, %shift_right_logical3A_363 : vector<8x1024xi32>
      %or3A_365 = arith.ori %shift_left3A_361, %shift_right_logical3A_364 : vector<8x1024xi32>
      %xor3A_366 = arith.xori %or3A_365, %add3A_358 : vector<8x1024xi32>
      %add3A_367 = arith.addi %add3A_358, %xor3A_366 : vector<8x1024xi32>
      %shift_left3A_368 = arith.constant 16 : i32
      %shift_left3A_369 = vector.broadcast %shift_left3A_368 : i32 to vector<8x1024xi32>
      %shift_left3A_370 = arith.shli %xor3A_366, %shift_left3A_369 : vector<8x1024xi32>
      %shift_right_logical3A_371 = arith.constant 16 : i32
      %shift_right_logical3A_372 = vector.broadcast %shift_right_logical3A_371 : i32 to vector<8x1024xi32>
      %shift_right_logical3A_373 = arith.shrui %xor3A_366, %shift_right_logical3A_372 : vector<8x1024xi32>
      %or3A_374 = arith.ori %shift_left3A_370, %shift_right_logical3A_373 : vector<8x1024xi32>
      %xor3A_375 = arith.xori %or3A_374, %add3A_367 : vector<8x1024xi32>
      %add3A_376 = arith.addi %add3A_367, %xor3A_375 : vector<8x1024xi32>
      %shift_left3A_377 = arith.constant 24 : i32
      %shift_left3A_378 = vector.broadcast %shift_left3A_377 : i32 to vector<8x1024xi32>
      %shift_left3A_379 = arith.shli %xor3A_375, %shift_left3A_378 : vector<8x1024xi32>
      %shift_right_logical3A_380 = arith.constant 8 : i32
      %shift_right_logical3A_381 = vector.broadcast %shift_right_logical3A_380 : i32 to vector<8x1024xi32>
      %shift_right_logical3A_382 = arith.shrui %xor3A_375, %shift_right_logical3A_381 : vector<8x1024xi32>
      %or3A_383 = arith.ori %shift_left3A_379, %shift_right_logical3A_382 : vector<8x1024xi32>
      %xor3A_384 = arith.xori %or3A_383, %add3A_376 : vector<8x1024xi32>
      %add3A_385 = arith.constant -1583796450 : i32
      %add3A_386 = vector.broadcast %add3A_385 : i32 to vector<8x1024xi32>
      %add3A_387 = arith.addi %add3A_376, %add3A_386 : vector<8x1024xi32>
      %add3A_388 = arith.constant -1107590415 : i32
      %add3A_389 = vector.broadcast %add3A_388 : i32 to vector<8x1024xi32>
      %add3A_390 = arith.addi %xor3A_384, %add3A_389 : vector<8x1024xi32>
      %add3A_391 = arith.constant 2 : i32
      %add3A_392 = vector.broadcast %add3A_391 : i32 to vector<8x1024xi32>
      %add3A_393 = arith.addi %add3A_390, %add3A_392 : vector<8x1024xi32>
      %add3A_394 = arith.addi %add3A_387, %add3A_393 : vector<8x1024xi32>
      %shift_left3A_395 = arith.constant 13 : i32
      %shift_left3A_396 = vector.broadcast %shift_left3A_395 : i32 to vector<8x1024xi32>
      %shift_left3A_397 = arith.shli %add3A_393, %shift_left3A_396 : vector<8x1024xi32>
      %shift_right_logical3A_398 = arith.constant 19 : i32
      %shift_right_logical3A_399 = vector.broadcast %shift_right_logical3A_398 : i32 to vector<8x1024xi32>
      %shift_right_logical3A_400 = arith.shrui %add3A_393, %shift_right_logical3A_399 : vector<8x1024xi32>
      %or3A_401 = arith.ori %shift_left3A_397, %shift_right_logical3A_400 : vector<8x1024xi32>
      %xor3A_402 = arith.xori %or3A_401, %add3A_394 : vector<8x1024xi32>
      %add3A_403 = arith.addi %add3A_394, %xor3A_402 : vector<8x1024xi32>
      %shift_left3A_404 = arith.constant 15 : i32
      %shift_left3A_405 = vector.broadcast %shift_left3A_404 : i32 to vector<8x1024xi32>
      %shift_left3A_406 = arith.shli %xor3A_402, %shift_left3A_405 : vector<8x1024xi32>
      %shift_right_logical3A_407 = arith.constant 17 : i32
      %shift_right_logical3A_408 = vector.broadcast %shift_right_logical3A_407 : i32 to vector<8x1024xi32>
      %shift_right_logical3A_409 = arith.shrui %xor3A_402, %shift_right_logical3A_408 : vector<8x1024xi32>
      %or3A_410 = arith.ori %shift_left3A_406, %shift_right_logical3A_409 : vector<8x1024xi32>
      %xor3A_411 = arith.xori %or3A_410, %add3A_403 : vector<8x1024xi32>
      %add3A_412 = arith.addi %add3A_403, %xor3A_411 : vector<8x1024xi32>
      %shift_left3A_413 = arith.constant 26 : i32
      %shift_left3A_414 = vector.broadcast %shift_left3A_413 : i32 to vector<8x1024xi32>
      %shift_left3A_415 = arith.shli %xor3A_411, %shift_left3A_414 : vector<8x1024xi32>
      %shift_right_logical3A_416 = arith.constant 6 : i32
      %shift_right_logical3A_417 = vector.broadcast %shift_right_logical3A_416 : i32 to vector<8x1024xi32>
      %shift_right_logical3A_418 = arith.shrui %xor3A_411, %shift_right_logical3A_417 : vector<8x1024xi32>
      %or3A_419 = arith.ori %shift_left3A_415, %shift_right_logical3A_418 : vector<8x1024xi32>
      %xor3A_420 = arith.xori %or3A_419, %add3A_412 : vector<8x1024xi32>
      %add3A_421 = arith.addi %add3A_412, %xor3A_420 : vector<8x1024xi32>
      %shift_left3A_422 = arith.constant 6 : i32
      %shift_left3A_423 = vector.broadcast %shift_left3A_422 : i32 to vector<8x1024xi32>
      %shift_left3A_424 = arith.shli %xor3A_420, %shift_left3A_423 : vector<8x1024xi32>
      %shift_right_logical3A_425 = arith.constant 26 : i32
      %shift_right_logical3A_426 = vector.broadcast %shift_right_logical3A_425 : i32 to vector<8x1024xi32>
      %shift_right_logical3A_427 = arith.shrui %xor3A_420, %shift_right_logical3A_426 : vector<8x1024xi32>
      %or3A_428 = arith.ori %shift_left3A_424, %shift_right_logical3A_427 : vector<8x1024xi32>
      %xor3A_429 = arith.xori %or3A_428, %add3A_421 : vector<8x1024xi32>
      %add3A_430 = arith.constant -1107590415 : i32
      %add3A_431 = vector.broadcast %add3A_430 : i32 to vector<8x1024xi32>
      %add3A_432 = arith.addi %add3A_421, %add3A_431 : vector<8x1024xi32>
      %add3A_433 = arith.constant 129218101 : i32
      %add3A_434 = vector.broadcast %add3A_433 : i32 to vector<8x1024xi32>
      %add3A_435 = arith.addi %xor3A_429, %add3A_434 : vector<8x1024xi32>
      %add3A_436 = arith.constant 3 : i32
      %add3A_437 = vector.broadcast %add3A_436 : i32 to vector<8x1024xi32>
      %add3A_438 = arith.addi %add3A_435, %add3A_437 : vector<8x1024xi32>
      %add3A_439 = arith.addi %add3A_432, %add3A_438 : vector<8x1024xi32>
      %shift_left3A_440 = arith.constant 17 : i32
      %shift_left3A_441 = vector.broadcast %shift_left3A_440 : i32 to vector<8x1024xi32>
      %shift_left3A_442 = arith.shli %add3A_438, %shift_left3A_441 : vector<8x1024xi32>
      %shift_right_logical3A_443 = arith.constant 15 : i32
      %shift_right_logical3A_444 = vector.broadcast %shift_right_logical3A_443 : i32 to vector<8x1024xi32>
      %shift_right_logical3A_445 = arith.shrui %add3A_438, %shift_right_logical3A_444 : vector<8x1024xi32>
      %or3A_446 = arith.ori %shift_left3A_442, %shift_right_logical3A_445 : vector<8x1024xi32>
      %xor3A_447 = arith.xori %or3A_446, %add3A_439 : vector<8x1024xi32>
      %add3A_448 = arith.addi %add3A_439, %xor3A_447 : vector<8x1024xi32>
      %shift_left3A_449 = arith.constant 29 : i32
      %shift_left3A_450 = vector.broadcast %shift_left3A_449 : i32 to vector<8x1024xi32>
      %shift_left3A_451 = arith.shli %xor3A_447, %shift_left3A_450 : vector<8x1024xi32>
      %shift_right_logical3A_452 = arith.constant 3 : i32
      %shift_right_logical3A_453 = vector.broadcast %shift_right_logical3A_452 : i32 to vector<8x1024xi32>
      %shift_right_logical3A_454 = arith.shrui %xor3A_447, %shift_right_logical3A_453 : vector<8x1024xi32>
      %or3A_455 = arith.ori %shift_left3A_451, %shift_right_logical3A_454 : vector<8x1024xi32>
      %xor3A_456 = arith.xori %or3A_455, %add3A_448 : vector<8x1024xi32>
      %add3A_457 = arith.addi %add3A_448, %xor3A_456 : vector<8x1024xi32>
      %shift_left3A_458 = arith.constant 16 : i32
      %shift_left3A_459 = vector.broadcast %shift_left3A_458 : i32 to vector<8x1024xi32>
      %shift_left3A_460 = arith.shli %xor3A_456, %shift_left3A_459 : vector<8x1024xi32>
      %shift_right_logical3A_461 = arith.constant 16 : i32
      %shift_right_logical3A_462 = vector.broadcast %shift_right_logical3A_461 : i32 to vector<8x1024xi32>
      %shift_right_logical3A_463 = arith.shrui %xor3A_456, %shift_right_logical3A_462 : vector<8x1024xi32>
      %or3A_464 = arith.ori %shift_left3A_460, %shift_right_logical3A_463 : vector<8x1024xi32>
      %xor3A_465 = arith.xori %or3A_464, %add3A_457 : vector<8x1024xi32>
      %add3A_466 = arith.addi %add3A_457, %xor3A_465 : vector<8x1024xi32>
      %shift_left3A_467 = arith.constant 24 : i32
      %shift_left3A_468 = vector.broadcast %shift_left3A_467 : i32 to vector<8x1024xi32>
      %shift_left3A_469 = arith.shli %xor3A_465, %shift_left3A_468 : vector<8x1024xi32>
      %shift_right_logical3A_470 = arith.constant 8 : i32
      %shift_right_logical3A_471 = vector.broadcast %shift_right_logical3A_470 : i32 to vector<8x1024xi32>
      %shift_right_logical3A_472 = arith.shrui %xor3A_465, %shift_right_logical3A_471 : vector<8x1024xi32>
      %or3A_473 = arith.ori %shift_left3A_469, %shift_right_logical3A_472 : vector<8x1024xi32>
      %xor3A_474 = arith.xori %or3A_473, %add3A_466 : vector<8x1024xi32>
      %add3A_475 = arith.constant 129218101 : i32
      %add3A_476 = vector.broadcast %add3A_475 : i32 to vector<8x1024xi32>
      %add3A_477 = arith.addi %add3A_466, %add3A_476 : vector<8x1024xi32>
      %add3A_478 = arith.constant -1583796450 : i32
      %add3A_479 = vector.broadcast %add3A_478 : i32 to vector<8x1024xi32>
      %add3A_480 = arith.addi %xor3A_474, %add3A_479 : vector<8x1024xi32>
      %add3A_481 = arith.constant 4 : i32
      %add3A_482 = vector.broadcast %add3A_481 : i32 to vector<8x1024xi32>
      %add3A_483 = arith.addi %add3A_480, %add3A_482 : vector<8x1024xi32>
      %add3A_484 = arith.addi %add3A_477, %add3A_483 : vector<8x1024xi32>
      %shift_left3A_485 = arith.constant 13 : i32
      %shift_left3A_486 = vector.broadcast %shift_left3A_485 : i32 to vector<8x1024xi32>
      %shift_left3A_487 = arith.shli %add3A_483, %shift_left3A_486 : vector<8x1024xi32>
      %shift_right_logical3A_488 = arith.constant 19 : i32
      %shift_right_logical3A_489 = vector.broadcast %shift_right_logical3A_488 : i32 to vector<8x1024xi32>
      %shift_right_logical3A_490 = arith.shrui %add3A_483, %shift_right_logical3A_489 : vector<8x1024xi32>
      %or3A_491 = arith.ori %shift_left3A_487, %shift_right_logical3A_490 : vector<8x1024xi32>
      %xor3A_492 = arith.xori %or3A_491, %add3A_484 : vector<8x1024xi32>
      %add3A_493 = arith.addi %add3A_484, %xor3A_492 : vector<8x1024xi32>
      %shift_left3A_494 = arith.constant 15 : i32
      %shift_left3A_495 = vector.broadcast %shift_left3A_494 : i32 to vector<8x1024xi32>
      %shift_left3A_496 = arith.shli %xor3A_492, %shift_left3A_495 : vector<8x1024xi32>
      %shift_right_logical3A_497 = arith.constant 17 : i32
      %shift_right_logical3A_498 = vector.broadcast %shift_right_logical3A_497 : i32 to vector<8x1024xi32>
      %shift_right_logical3A_499 = arith.shrui %xor3A_492, %shift_right_logical3A_498 : vector<8x1024xi32>
      %or3A_500 = arith.ori %shift_left3A_496, %shift_right_logical3A_499 : vector<8x1024xi32>
      %xor3A_501 = arith.xori %or3A_500, %add3A_493 : vector<8x1024xi32>
      %add3A_502 = arith.addi %add3A_493, %xor3A_501 : vector<8x1024xi32>
      %shift_left3A_503 = arith.constant 26 : i32
      %shift_left3A_504 = vector.broadcast %shift_left3A_503 : i32 to vector<8x1024xi32>
      %shift_left3A_505 = arith.shli %xor3A_501, %shift_left3A_504 : vector<8x1024xi32>
      %shift_right_logical3A_506 = arith.constant 6 : i32
      %shift_right_logical3A_507 = vector.broadcast %shift_right_logical3A_506 : i32 to vector<8x1024xi32>
      %shift_right_logical3A_508 = arith.shrui %xor3A_501, %shift_right_logical3A_507 : vector<8x1024xi32>
      %or3A_509 = arith.ori %shift_left3A_505, %shift_right_logical3A_508 : vector<8x1024xi32>
      %xor3A_510 = arith.xori %or3A_509, %add3A_502 : vector<8x1024xi32>
      %add3A_511 = arith.addi %add3A_502, %xor3A_510 : vector<8x1024xi32>
      %shift_left3A_512 = arith.constant 6 : i32
      %shift_left3A_513 = vector.broadcast %shift_left3A_512 : i32 to vector<8x1024xi32>
      %shift_left3A_514 = arith.shli %xor3A_510, %shift_left3A_513 : vector<8x1024xi32>
      %shift_right_logical3A_515 = arith.constant 26 : i32
      %shift_right_logical3A_516 = vector.broadcast %shift_right_logical3A_515 : i32 to vector<8x1024xi32>
      %shift_right_logical3A_517 = arith.shrui %xor3A_510, %shift_right_logical3A_516 : vector<8x1024xi32>
      %or3A_518 = arith.ori %shift_left3A_514, %shift_right_logical3A_517 : vector<8x1024xi32>
      %xor3A_519 = arith.xori %or3A_518, %add3A_511 : vector<8x1024xi32>
      %add3A_520 = arith.constant -1583796450 : i32
      %add3A_521 = vector.broadcast %add3A_520 : i32 to vector<8x1024xi32>
      %add3A_522 = arith.addi %add3A_511, %add3A_521 : vector<8x1024xi32>
      %add3A_523 = arith.constant -1107590415 : i32
      %add3A_524 = vector.broadcast %add3A_523 : i32 to vector<8x1024xi32>
      %add3A_525 = arith.addi %xor3A_519, %add3A_524 : vector<8x1024xi32>
      %add3A_526 = arith.constant 5 : i32
      %add3A_527 = vector.broadcast %add3A_526 : i32 to vector<8x1024xi32>
      %add3A_528 = arith.addi %add3A_525, %add3A_527 : vector<8x1024xi32>
      %xor3A_529 = arith.xori %add3A_522, %add3A_528 : vector<8x1024xi32>
      scf.yield %select_n3A_284, %select_n3A_285, %xor3A_529 : vector<8x1024xf32>, vector<8x1024xi32>, vector<8x1024xi32>
    }
    %scan3A_247 = arith.constant 196 : i32
    %reduce_min3A = arith.constant dense<0x7F800000> : vector<8xf32>
    %reduce_min3A_248 = vector.multi_reduction <minimumf>, %scan3A_246#0, %reduce_min3A [1] : vector<8x1024xf32> to vector<8xf32>
    %broadcast_in_dim3A_249 = vector.shape_cast %reduce_min3A_248 : vector<8xf32> to vector<8x1xf32>
    %eq3A = vector.broadcast %broadcast_in_dim3A_249 : vector<8x1xf32> to vector<8x1024xf32>
    %eq3A_250 = arith.cmpf oeq, %scan3A_246#0, %eq3A : vector<8x1024xf32>
    %jit3A = arith.constant 2147483647 : i32
    %broadcast_in_dim3A_251 = vector.broadcast %jit3A : i32 to vector<8x1024xi32>
    %select_n3A = arith.select %eq3A_250, %scan3A_246#1, %broadcast_in_dim3A_251 : vector<8x1024xi1>, vector<8x1024xi32>
    %reduce_min3A_252 = arith.constant dense<2147483647> : vector<8xi32>
    %reduce_min3A_253 = vector.multi_reduction <minsi>, %select_n3A, %reduce_min3A_252 [1] : vector<8x1024xi32> to vector<8xi32>
    %broadcast_in_dim3A_254 = vector.shape_cast %reduce_min3A_253 : vector<8xi32> to vector<8x1xi32>
    %swap3A = arith.constant 0 : index
    %swap3A_255 = arith.constant 0 : index
    %swap3A_256 = vector.load %arg2[%swap3A, %swap3A_255] : memref<8x1xi32, #tpu.memory_space<vmem>>, vector<8x1xi32>
    tpu.vector_store %arg2[%swap3A, %swap3A_255], %broadcast_in_dim3A_254 {strides = array<i32>} : memref<8x1xi32, #tpu.memory_space<vmem>>, vector<8x1xi32>,
    return
  }
  func.func @transform_0(%arg0: i32) -> (i32, i32) {
    %c0_i32 = arith.constant 0 : i32
    %c0_i32_0 = arith.constant 0 : i32
    %c0_i32_1 = arith.constant 0 : i32
    return %c0_i32, %c0_i32_0 : i32, i32
  }
  func.func @transform_1(%arg0: i32) -> (i32, i32) {
    %c0_i32 = arith.constant 0 : i32
    %c0_i32_0 = arith.constant 0 : i32
    return %arg0, %c0_i32 : i32, i32
  }
}

module attributes {stable_mosaic.version = 14 : i64} {
  func.func @_tc_chamfer_kernel(%arg0: memref<2048x1xf32, #tpu.memory_space<vmem>>, %arg1: memref<2048x1xf32, #tpu.memory_space<vmem>>, %arg2: memref<2048x1xf32, #tpu.memory_space<vmem>>, %arg3: memref<1x2048xf32, #tpu.memory_space<vmem>>, %arg4: memref<1x2048xf32, #tpu.memory_space<vmem>>, %arg5: memref<1x2048xf32, #tpu.memory_space<vmem>>, %arg6: memref<2048x1xf32, #tpu.memory_space<vmem>>, %arg7: memref<1x2048xf32, #tpu.memory_space<vmem>>) attributes {dimension_semantics = [], scalar_prefetch = 0 : i64, scratch_operands = 0 : i64, tpu.core_type = #tpu.core_type<tc>} {
    %get3A = arith.constant 0 : index
    %get3A_0 = arith.constant 0 : index
    %get3A_1 = vector.load %arg3[%get3A, %get3A_0] : memref<1x2048xf32, #tpu.memory_space<vmem>>, vector<1x2048xf32>
    %get3A_2 = arith.constant 0 : index
    %get3A_3 = arith.constant 0 : index
    %get3A_4 = vector.load %arg4[%get3A_2, %get3A_3] : memref<1x2048xf32, #tpu.memory_space<vmem>>, vector<1x2048xf32>
    %get3A_5 = arith.constant 0 : index
    %get3A_6 = arith.constant 0 : index
    %get3A_7 = vector.load %arg5[%get3A_5, %get3A_6] : memref<1x2048xf32, #tpu.memory_space<vmem>>, vector<1x2048xf32>
    %broadcast_in_dim3A = arith.constant 3.000000e+38 : f32
    %broadcast_in_dim3A_8 = vector.broadcast %broadcast_in_dim3A : f32 to vector<1x2048xf32>
    %scan3A = arith.constant 0 : i32
    %scan3A_9 = arith.constant 256 : i32
    %scan3A_10 = arith.addi %scan3A, %scan3A_9 : i32
    %scan3A_11 = arith.constant 1 : i32
    %scan3A_12 = scf.for %scan3A_16 = %scan3A to %scan3A_10 step %scan3A_11 iter_args(%scan3A_17 = %broadcast_in_dim3A_8) -> (vector<1x2048xf32>)  : i32 {
      %mul3A = arith.constant 8 : i32
      %mul3A_18 = arith.muli %scan3A_16, %mul3A : i32
      %get3A_19 = arith.index_cast %mul3A_18 : i32 to index
      %get3A_20 = arith.constant 0 : index
      %get3A_21 = vector.load %arg0[%get3A_19, %get3A_20] : memref<2048x1xf32, #tpu.memory_space<vmem>>, vector<8x1xf32>
      %mul3A_22 = arith.constant 8 : i32
      %mul3A_23 = arith.muli %scan3A_16, %mul3A_22 : i32
      %get3A_24 = arith.index_cast %mul3A_23 : i32 to index
      %get3A_25 = arith.constant 0 : index
      %get3A_26 = vector.load %arg1[%get3A_24, %get3A_25] : memref<2048x1xf32, #tpu.memory_space<vmem>>, vector<8x1xf32>
      %mul3A_27 = arith.constant 8 : i32
      %mul3A_28 = arith.muli %scan3A_16, %mul3A_27 : i32
      %get3A_29 = arith.index_cast %mul3A_28 : i32 to index
      %get3A_30 = arith.constant 0 : index
      %get3A_31 = vector.load %arg2[%get3A_29, %get3A_30] : memref<2048x1xf32, #tpu.memory_space<vmem>>, vector<8x1xf32>
      %sub3A = vector.broadcast %get3A_21 : vector<8x1xf32> to vector<8x2048xf32>
      %sub3A_32 = vector.broadcast %get3A_1 : vector<1x2048xf32> to vector<8x2048xf32>
      %sub3A_33 = arith.subf %sub3A, %sub3A_32 : vector<8x2048xf32>
      %mul3A_34 = arith.mulf %sub3A_33, %sub3A_33 : vector<8x2048xf32>
      %sub3A_35 = vector.broadcast %get3A_26 : vector<8x1xf32> to vector<8x2048xf32>
      %sub3A_36 = vector.broadcast %get3A_4 : vector<1x2048xf32> to vector<8x2048xf32>
      %sub3A_37 = arith.subf %sub3A_35, %sub3A_36 : vector<8x2048xf32>
      %mul3A_38 = arith.mulf %sub3A_37, %sub3A_37 : vector<8x2048xf32>
      %add3A = arith.addf %mul3A_34, %mul3A_38 : vector<8x2048xf32>
      %sub3A_39 = vector.broadcast %get3A_31 : vector<8x1xf32> to vector<8x2048xf32>
      %sub3A_40 = vector.broadcast %get3A_7 : vector<1x2048xf32> to vector<8x2048xf32>
      %sub3A_41 = arith.subf %sub3A_39, %sub3A_40 : vector<8x2048xf32>
      %mul3A_42 = arith.mulf %sub3A_41, %sub3A_41 : vector<8x2048xf32>
      %add3A_43 = arith.addf %add3A, %mul3A_42 : vector<8x2048xf32>
      %reduce_min3A = arith.constant dense<0x7F800000> : vector<8xf32>
      %reduce_min3A_44 = vector.multi_reduction <minimumf>, %add3A_43, %reduce_min3A [1] : vector<8x2048xf32> to vector<8xf32>
      %broadcast_in_dim3A_45 = vector.shape_cast %reduce_min3A_44 : vector<8xf32> to vector<8x1xf32>
      %mul3A_46 = arith.constant 8 : i32
      %mul3A_47 = arith.muli %scan3A_16, %mul3A_46 : i32
      %swap3A_48 = arith.index_cast %mul3A_47 : i32 to index
      %swap3A_49 = arith.constant 0 : index
      %swap3A_50 = vector.load %arg6[%swap3A_48, %swap3A_49] : memref<2048x1xf32, #tpu.memory_space<vmem>>, vector<8x1xf32>
      tpu.vector_store %arg6[%swap3A_48, %swap3A_49], %broadcast_in_dim3A_45 {strides = array<i32>} : memref<2048x1xf32, #tpu.memory_space<vmem>>, vector<8x1xf32>,
      %reduce_min3A_51 = arith.constant dense<0x7F800000> : vector<2048xf32>
      %reduce_min3A_52 = vector.multi_reduction <minimumf>, %add3A_43, %reduce_min3A_51 [0] : vector<8x2048xf32> to vector<2048xf32>
      %broadcast_in_dim3A_53 = vector.shape_cast %reduce_min3A_52 : vector<2048xf32> to vector<1x2048xf32>
      %min3A = arith.minimumf %scan3A_17, %broadcast_in_dim3A_53 : vector<1x2048xf32>
      scf.yield %min3A : vector<1x2048xf32>
    }
    %scan3A_13 = arith.constant 256 : i32
    %swap3A = arith.constant 0 : index
    %swap3A_14 = arith.constant 0 : index
    %swap3A_15 = vector.load %arg7[%swap3A, %swap3A_14] : memref<1x2048xf32, #tpu.memory_space<vmem>>, vector<1x2048xf32>
    tpu.vector_store %arg7[%swap3A, %swap3A_14], %scan3A_12 {strides = array<i32>} : memref<1x2048xf32, #tpu.memory_space<vmem>>, vector<1x2048xf32>,
    return
  }
}

module attributes {stable_mosaic.version = 14 : i64} {
  func.func @_tc_final_kernel(%arg0: memref<2x784x128xf32, #tpu.memory_space<vmem>>, %arg1: memref<2x784x128xf32, #tpu.memory_space<vmem>>, %arg2: memref<2x784x128xf32, #tpu.memory_space<vmem>>, %arg3: memref<2x784x128xf32, #tpu.memory_space<vmem>>, %arg4: memref<784x128xf32, #tpu.memory_space<vmem>>, %arg5: memref<784x128xf32, #tpu.memory_space<vmem>>, %arg6: memref<784x128xf32, #tpu.memory_space<vmem>>, %arg7: memref<32x16xf32, #tpu.memory_space<vmem>>, %arg8: memref<32x16xf32, #tpu.memory_space<vmem>>, %arg9: memref<2048x1xf32, #tpu.memory_space<vmem>>, %arg10: memref<1x2048xf32, #tpu.memory_space<vmem>>, %arg11: memref<1x1xf32, #tpu.memory_space<vmem>>, %arg12: memref<1x1xf32, #tpu.memory_space<vmem>>, %arg13: memref<1x1xf32, #tpu.memory_space<vmem>>, %arg14: memref<1x1xf32, #tpu.memory_space<vmem>>, %arg15: memref<1x1xf32, #tpu.memory_space<vmem>>) attributes {dimension_semantics = [], scalar_prefetch = 0 : i64, scratch_operands = 0 : i64, tpu.core_type = #tpu.core_type<tc>} {
    %iota3A = tpu.iota {dimensions = array<i32: 0>} : vector<784x128xi32>
    %mul3A = arith.constant 128 : i32
    %mul3A_0 = vector.broadcast %mul3A : i32 to vector<784x128xi32>
    %mul3A_1 = arith.muli %iota3A, %mul3A_0 : vector<784x128xi32>
    %iota3A_2 = tpu.iota {dimensions = array<i32: 1>} : vector<784x128xi32>
    %add3A = arith.addi %mul3A_1, %iota3A_2 : vector<784x128xi32>
    %lt3A = arith.constant 100000 : i32
    %lt3A_3 = vector.broadcast %lt3A : i32 to vector<784x128xi32>
    %lt3A_4 = arith.cmpi slt, %add3A, %lt3A_3 : vector<784x128xi32>
    %get3A = arith.constant 0 : index
    %get3A_5 = arith.constant 0 : index
    %get3A_6 = arith.constant 0 : index
    %get3A_7 = vector.load %arg3[%get3A, %get3A_5, %get3A_6] : memref<2x784x128xf32, #tpu.memory_space<vmem>>, vector<1x784x128xf32>
    %get3A_8 = vector.shape_cast %get3A_7 : vector<1x784x128xf32> to vector<784x128xf32>
    %get3A_9 = arith.constant 1 : index
    %get3A_10 = arith.constant 0 : index
    %get3A_11 = arith.constant 0 : index
    %get3A_12 = vector.load %arg3[%get3A_9, %get3A_10, %get3A_11] : memref<2x784x128xf32, #tpu.memory_space<vmem>>, vector<1x784x128xf32>
    %get3A_13 = vector.shape_cast %get3A_12 : vector<1x784x128xf32> to vector<784x128xf32>
    %add3A_14 = arith.addf %get3A_8, %get3A_13 : vector<784x128xf32>
    %max3A = arith.constant 1.000000e+00 : f32
    %max3A_15 = vector.broadcast %max3A : f32 to vector<784x128xf32>
    %max3A_16 = arith.maximumf %add3A_14, %max3A_15 : vector<784x128xf32>
    %get3A_17 = arith.constant 0 : index
    %get3A_18 = arith.constant 0 : index
    %get3A_19 = arith.constant 0 : index
    %get3A_20 = vector.load %arg0[%get3A_17, %get3A_18, %get3A_19] : memref<2x784x128xf32, #tpu.memory_space<vmem>>, vector<1x784x128xf32>
    %get3A_21 = vector.shape_cast %get3A_20 : vector<1x784x128xf32> to vector<784x128xf32>
    %get3A_22 = arith.constant 1 : index
    %get3A_23 = arith.constant 0 : index
    %get3A_24 = arith.constant 0 : index
    %get3A_25 = vector.load %arg0[%get3A_22, %get3A_23, %get3A_24] : memref<2x784x128xf32, #tpu.memory_space<vmem>>, vector<1x784x128xf32>
    %get3A_26 = vector.shape_cast %get3A_25 : vector<1x784x128xf32> to vector<784x128xf32>
    %add3A_27 = arith.addf %get3A_21, %get3A_26 : vector<784x128xf32>
    %div3A = arith.divf %add3A_27, %max3A_16 : vector<784x128xf32>
    %get3A_28 = arith.constant 0 : index
    %get3A_29 = arith.constant 0 : index
    %get3A_30 = vector.load %arg4[%get3A_28, %get3A_29] : memref<784x128xf32, #tpu.memory_space<vmem>>, vector<784x128xf32>
    %sub3A = arith.subf %div3A, %get3A_30 : vector<784x128xf32>
    %add3A_31 = arith.constant 9.99999996E-13 : f32
    %add3A_32 = vector.broadcast %add3A_31 : f32 to vector<784x128xf32>
    %add3A_33 = arith.addf %sub3A, %add3A_32 : vector<784x128xf32>
    %get3A_34 = arith.constant 0 : index
    %get3A_35 = arith.constant 0 : index
    %get3A_36 = arith.constant 0 : index
    %get3A_37 = vector.load %arg1[%get3A_34, %get3A_35, %get3A_36] : memref<2x784x128xf32, #tpu.memory_space<vmem>>, vector<1x784x128xf32>
    %get3A_38 = vector.shape_cast %get3A_37 : vector<1x784x128xf32> to vector<784x128xf32>
    %get3A_39 = arith.constant 1 : index
    %get3A_40 = arith.constant 0 : index
    %get3A_41 = arith.constant 0 : index
    %get3A_42 = vector.load %arg1[%get3A_39, %get3A_40, %get3A_41] : memref<2x784x128xf32, #tpu.memory_space<vmem>>, vector<1x784x128xf32>
    %get3A_43 = vector.shape_cast %get3A_42 : vector<1x784x128xf32> to vector<784x128xf32>
    %add3A_44 = arith.addf %get3A_38, %get3A_43 : vector<784x128xf32>
    %div3A_45 = arith.divf %add3A_44, %max3A_16 : vector<784x128xf32>
    %get3A_46 = arith.constant 0 : index
    %get3A_47 = arith.constant 0 : index
    %get3A_48 = vector.load %arg5[%get3A_46, %get3A_47] : memref<784x128xf32, #tpu.memory_space<vmem>>, vector<784x128xf32>
    %sub3A_49 = arith.subf %div3A_45, %get3A_48 : vector<784x128xf32>
    %add3A_50 = arith.constant 9.99999996E-13 : f32
    %add3A_51 = vector.broadcast %add3A_50 : f32 to vector<784x128xf32>
    %add3A_52 = arith.addf %sub3A_49, %add3A_51 : vector<784x128xf32>
    %get3A_53 = arith.constant 0 : index
    %get3A_54 = arith.constant 0 : index
    %get3A_55 = arith.constant 0 : index
    %get3A_56 = vector.load %arg2[%get3A_53, %get3A_54, %get3A_55] : memref<2x784x128xf32, #tpu.memory_space<vmem>>, vector<1x784x128xf32>
    %get3A_57 = vector.shape_cast %get3A_56 : vector<1x784x128xf32> to vector<784x128xf32>
    %get3A_58 = arith.constant 1 : index
    %get3A_59 = arith.constant 0 : index
    %get3A_60 = arith.constant 0 : index
    %get3A_61 = vector.load %arg2[%get3A_58, %get3A_59, %get3A_60] : memref<2x784x128xf32, #tpu.memory_space<vmem>>, vector<1x784x128xf32>
    %get3A_62 = vector.shape_cast %get3A_61 : vector<1x784x128xf32> to vector<784x128xf32>
    %add3A_63 = arith.addf %get3A_57, %get3A_62 : vector<784x128xf32>
    %div3A_64 = arith.divf %add3A_63, %max3A_16 : vector<784x128xf32>
    %get3A_65 = arith.constant 0 : index
    %get3A_66 = arith.constant 0 : index
    %get3A_67 = vector.load %arg6[%get3A_65, %get3A_66] : memref<784x128xf32, #tpu.memory_space<vmem>>, vector<784x128xf32>
    %sub3A_68 = arith.subf %div3A_64, %get3A_67 : vector<784x128xf32>
    %add3A_69 = arith.constant 9.99999996E-13 : f32
    %add3A_70 = vector.broadcast %add3A_69 : f32 to vector<784x128xf32>
    %add3A_71 = arith.addf %sub3A_68, %add3A_70 : vector<784x128xf32>
    %mul3A_72 = arith.mulf %add3A_33, %add3A_33 : vector<784x128xf32>
    %mul3A_73 = arith.mulf %add3A_52, %add3A_52 : vector<784x128xf32>
    %add3A_74 = arith.addf %mul3A_72, %mul3A_73 : vector<784x128xf32>
    %mul3A_75 = arith.mulf %add3A_71, %add3A_71 : vector<784x128xf32>
    %add3A_76 = arith.addf %add3A_74, %mul3A_75 : vector<784x128xf32>
    %sqrt3A = math.sqrt %add3A_76 : vector<784x128xf32>
    %jit3A = arith.constant 0.000000e+00 : f32
    %broadcast_in_dim3A = vector.broadcast %jit3A : f32 to vector<784x128xf32>
    %select_n3A = arith.select %lt3A_4, %sqrt3A, %broadcast_in_dim3A : vector<784x128xi1>, vector<784x128xf32>
    %reduce_sum3A = vector.shape_cast %select_n3A : vector<784x128xf32> to vector<1x784x128xf32>
    %reduce_sum3A_77 = arith.constant dense<0.000000e+00> : vector<1xf32>
    %reduce_sum3A_78 = vector.multi_reduction <add>, %reduce_sum3A, %reduce_sum3A_77 [1, 2] : vector<1x784x128xf32> to vector<1xf32>
    %reduce_sum3A_79 = vector.shape_cast %reduce_sum3A_78 : vector<1xf32> to vector<1x1x1xf32>
    %reduce_sum3A_80 = vector.extract %reduce_sum3A_79[0, 0, 0] : f32 from vector<1x1x1xf32>
    %div3A_81 = arith.constant 1.000000e+05 : f32
    %div3A_82 = arith.divf %reduce_sum3A_80, %div3A_81 : f32
    %get3A_83 = arith.constant 0 : index
    %get3A_84 = arith.constant 0 : index
    %get3A_85 = vector.load %arg7[%get3A_83, %get3A_84] : memref<32x16xf32, #tpu.memory_space<vmem>>, vector<32x16xf32>
    %reduce_sum3A_86 = vector.shape_cast %get3A_85 : vector<32x16xf32> to vector<1x32x16xf32>
    %reduce_sum3A_87 = arith.constant dense<0.000000e+00> : vector<1xf32>
    %reduce_sum3A_88 = vector.multi_reduction <add>, %reduce_sum3A_86, %reduce_sum3A_87 [1, 2] : vector<1x32x16xf32> to vector<1xf32>
    %reduce_sum3A_89 = vector.shape_cast %reduce_sum3A_88 : vector<1xf32> to vector<1x1x1xf32>
    %reduce_sum3A_90 = vector.extract %reduce_sum3A_89[0, 0, 0] : f32 from vector<1x1x1xf32>
    %div3A_91 = arith.constant 6.000000e+05 : f32
    %div3A_92 = arith.divf %reduce_sum3A_90, %div3A_91 : f32
    %get3A_93 = arith.constant 0 : index
    %get3A_94 = arith.constant 0 : index
    %get3A_95 = vector.load %arg8[%get3A_93, %get3A_94] : memref<32x16xf32, #tpu.memory_space<vmem>>, vector<32x16xf32>
    %reduce_sum3A_96 = vector.shape_cast %get3A_95 : vector<32x16xf32> to vector<1x32x16xf32>
    %reduce_sum3A_97 = arith.constant dense<0.000000e+00> : vector<1xf32>
    %reduce_sum3A_98 = vector.multi_reduction <add>, %reduce_sum3A_96, %reduce_sum3A_97 [1, 2] : vector<1x32x16xf32> to vector<1xf32>
    %reduce_sum3A_99 = vector.shape_cast %reduce_sum3A_98 : vector<1xf32> to vector<1x1x1xf32>
    %reduce_sum3A_100 = vector.extract %reduce_sum3A_99[0, 0, 0] : f32 from vector<1x1x1xf32>
    %div3A_101 = arith.constant 3.000000e+05 : f32
    %div3A_102 = arith.divf %reduce_sum3A_100, %div3A_101 : f32
    %sub3A_103 = arith.constant 1.000000e+00 : f32
    %sub3A_104 = arith.subf %sub3A_103, %div3A_102 : f32
    %get3A_105 = arith.constant 0 : index
    %get3A_106 = arith.constant 0 : index
    %get3A_107 = vector.load %arg9[%get3A_105, %get3A_106] : memref<2048x1xf32, #tpu.memory_space<vmem>>, vector<2048x1xf32>
    %reduce_sum3A_108 = vector.shape_cast %get3A_107 : vector<2048x1xf32> to vector<1x2048x1xf32>
    %reduce_sum3A_109 = arith.constant dense<0.000000e+00> : vector<1xf32>
    %reduce_sum3A_110 = vector.multi_reduction <add>, %reduce_sum3A_108, %reduce_sum3A_109 [1, 2] : vector<1x2048x1xf32> to vector<1xf32>
    %reduce_sum3A_111 = vector.shape_cast %reduce_sum3A_110 : vector<1xf32> to vector<1x1x1xf32>
    %reduce_sum3A_112 = vector.extract %reduce_sum3A_111[0, 0, 0] : f32 from vector<1x1x1xf32>
    %div3A_113 = arith.constant 2.048000e+03 : f32
    %div3A_114 = arith.divf %reduce_sum3A_112, %div3A_113 : f32
    %get3A_115 = arith.constant 0 : index
    %get3A_116 = arith.constant 0 : index
    %get3A_117 = vector.load %arg10[%get3A_115, %get3A_116] : memref<1x2048xf32, #tpu.memory_space<vmem>>, vector<1x2048xf32>
    %reduce_sum3A_118 = vector.shape_cast %get3A_117 : vector<1x2048xf32> to vector<1x1x2048xf32>
    %reduce_sum3A_119 = arith.constant dense<0.000000e+00> : vector<1xf32>
    %reduce_sum3A_120 = vector.multi_reduction <add>, %reduce_sum3A_118, %reduce_sum3A_119 [1, 2] : vector<1x1x2048xf32> to vector<1xf32>
    %reduce_sum3A_121 = vector.shape_cast %reduce_sum3A_120 : vector<1xf32> to vector<1x1x1xf32>
    %reduce_sum3A_122 = vector.extract %reduce_sum3A_121[0, 0, 0] : f32 from vector<1x1x1xf32>
    %div3A_123 = arith.constant 2.048000e+03 : f32
    %div3A_124 = arith.divf %reduce_sum3A_122, %div3A_123 : f32
    %add3A_125 = arith.addf %div3A_114, %div3A_124 : f32
    %broadcast_in_dim3A_126 = vector.broadcast %add3A_125 : f32 to vector<1x1xf32>
    %swap3A = arith.constant 0 : index
    %swap3A_127 = arith.constant 0 : index
    %swap3A_128 = vector.load %arg12[%swap3A, %swap3A_127] : memref<1x1xf32, #tpu.memory_space<vmem>>, vector<1x1xf32>
    tpu.vector_store %arg12[%swap3A, %swap3A_127], %broadcast_in_dim3A_126 {strides = array<i32>} : memref<1x1xf32, #tpu.memory_space<vmem>>, vector<1x1xf32>,
    %broadcast_in_dim3A_129 = vector.broadcast %div3A_92 : f32 to vector<1x1xf32>
    %swap3A_130 = arith.constant 0 : index
    %swap3A_131 = arith.constant 0 : index
    %swap3A_132 = vector.load %arg13[%swap3A_130, %swap3A_131] : memref<1x1xf32, #tpu.memory_space<vmem>>, vector<1x1xf32>
    tpu.vector_store %arg13[%swap3A_130, %swap3A_131], %broadcast_in_dim3A_129 {strides = array<i32>} : memref<1x1xf32, #tpu.memory_space<vmem>>, vector<1x1xf32>,
    %broadcast_in_dim3A_133 = vector.broadcast %sub3A_104 : f32 to vector<1x1xf32>
    %swap3A_134 = arith.constant 0 : index
    %swap3A_135 = arith.constant 0 : index
    %swap3A_136 = vector.load %arg14[%swap3A_134, %swap3A_135] : memref<1x1xf32, #tpu.memory_space<vmem>>, vector<1x1xf32>
    tpu.vector_store %arg14[%swap3A_134, %swap3A_135], %broadcast_in_dim3A_133 {strides = array<i32>} : memref<1x1xf32, #tpu.memory_space<vmem>>, vector<1x1xf32>,
    %broadcast_in_dim3A_137 = vector.broadcast %div3A_82 : f32 to vector<1x1xf32>
    %swap3A_138 = arith.constant 0 : index
    %swap3A_139 = arith.constant 0 : index
    %swap3A_140 = vector.load %arg15[%swap3A_138, %swap3A_139] : memref<1x1xf32, #tpu.memory_space<vmem>>, vector<1x1xf32>
    tpu.vector_store %arg15[%swap3A_138, %swap3A_139], %broadcast_in_dim3A_137 {strides = array<i32>} : memref<1x1xf32, #tpu.memory_space<vmem>>, vector<1x1xf32>,
    %mul3A_141 = arith.constant 1.000000e+00 : f32
    %mul3A_142 = arith.mulf %mul3A_141, %add3A_125 : f32
    %mul3A_143 = arith.constant 1.000000e+00 : f32
    %mul3A_144 = arith.mulf %mul3A_143, %div3A_92 : f32
    %add3A_145 = arith.addf %mul3A_142, %mul3A_144 : f32
    %mul3A_146 = arith.constant 1.000000e-01 : f32
    %mul3A_147 = arith.mulf %mul3A_146, %sub3A_104 : f32
    %add3A_148 = arith.addf %add3A_145, %mul3A_147 : f32
    %mul3A_149 = arith.constant 1.000000e-01 : f32
    %mul3A_150 = arith.mulf %mul3A_149, %div3A_82 : f32
    %add3A_151 = arith.addf %add3A_148, %mul3A_150 : f32
    %broadcast_in_dim3A_152 = vector.broadcast %add3A_151 : f32 to vector<1x1xf32>
    %swap3A_153 = arith.constant 0 : index
    %swap3A_154 = arith.constant 0 : index
    %swap3A_155 = vector.load %arg11[%swap3A_153, %swap3A_154] : memref<1x1xf32, #tpu.memory_space<vmem>>, vector<1x1xf32>
    tpu.vector_store %arg11[%swap3A_153, %swap3A_154], %broadcast_in_dim3A_152 {strides = array<i32>} : memref<1x1xf32, #tpu.memory_space<vmem>>, vector<1x1xf32>,
    return
  }
}

</mosaic_0001>

<sc_bundles>
// kernel: kernel.10.cloned.1.call-start
scs
__scs_entry_jumppad:
0x0: {  	(pc) =	sbr.rel $0x88, $3  }
0x1: {  	(tag) =	ssettag $0x0;
	lr =	simm.s32 $0x1  }
0x2: {  	[smem:$0x3F9C] =	sst lr;
	_ =	strace $0xD0000000  }
0x3: {  	_ = 	snop  }
0x4: {  	_ = 	snop  }
0x5: {  	_ = 	snop  }
0x6: {  	_ = 	snop  }
0x7: {  	_ = 	snop  }
__scs_overlays_trampoline_lowered:
0x8: {  	[smem:$0x3FAB] =	sst s0  }
0x9: {  	[smem:$0x3FAC] =	sst s1  }
0xa: {  	[smem:$0x3FAD] =	sst s2  }
0xb: {  	[smem:$0x3FAE] =	sst s3  }
0xc: {  	[smem:$0x3FAF] =	sst s4  }
0xd: {  	[smem:$0x3FB0] =	sst s5  }
0xe: {  	[smem:$0x3FB1] =	sst s6  }
0xf: {  	[smem:$0x3FB2] =	sst s7  }
0x10: {  	[smem:$0x3FB3] =	sst s8  }
0x11: {  	[smem:$0x3FB4] =	sst s9;
	s0 =	simm.s32 @!p0 $0x0  }
0x12: {  	s1 =	sld [smem:$0x3F9A];
	s0 =	simm.s32 @p0 $0x1  }
0x13: {  	[smem:$0x3FB5] =	sst s0;
	s0 =	simm.s32 @!p1 $0x0  }
0x14: {  	s2 =	sld [smem:$0x3F99];
	s0 =	simm.s32 @p1 $0x1  }
0x15: {  	[smem:$0x3FB6] =	sst s0;
	s0 =	simm.s32 @!p2 $0x0  }
0x16: {  	s3 =	sld [smem:$0x3FDB];
	s0 =	simm.s32 @p2 $0x1  }
0x17: {  	s4 =	simm.s32 $0x1BF5;
	[smem:$0x3FB8] =	sst s0  }
0x18: {  	s0 =	sld [smem:$0x3F9B];
	_ =	swait.ge [sflag:s4], $0x0  }
0x19: {  	s7 =	sld [smem:$0x3F9C]  }
0x1a: {  	s8 =	sadd.s32 $0xFFFFE003, lr  }
0x1b: {  	s9 =	sadd.s32 $0xFFFFFEF7, lr;
	s5 =	simm.s32 $0xFFFFFFFF;
	p2 =	slt.u32 s8, $0xFFFFF086  }
0x1c: {  	p1 =	slt.u32 s9, $0xF7A;
	s5 =	simm.s32 @!p2 $0x0  }
0x1d: {  	s5 =	simm.s32 @p1 $0x1;
	p0 =	seq.s32 s7, s2  }
0x1e: {  	s7 =	smul.u32 @!p0 $0xF7A, s2;
	p2 =	seq.s32 @!p0 s5, $0x0  }
0x1f: {  	s9 =	smul.u32 $0xF7A, s1;
	s8 =	simm.s32 @!p0 $0x1BF5;
	p2 =	por !p2, p0  }
0x20: {  	[sflag:s8] =	ssyncset.s32 @!p0 $0xFFFFF086;
	s6 =	sadd.s32 @!p0 s3, s7;
	s7 =	simm.s32 @!p0 $0x108  }
0x21: {  	s3 =	sadd.s32 s3, s9;
	s6 =	sadd.s32 @!p0 $0x88, s6;
	s7 =	simm.s32 @p2 $0x1082  }
0x22: {  	[simem:s7], [sflag:s8] =	dma.local @!p0 [hbm:s6], $0xF7A  }
0x23: {  	s9 =	sor.u32 $0xD0000000, s2;
	s6 =	simm.s32 $0x108;
	_ =	swait.ge @!p0 [sflag:s8], $0x0  }
0x24: {  	s3 =	sadd.s32 $0x88, s3;
	s6 =	simm.s32 @!p1 $0x1082;
	[sflag:s4] =	ssyncset.s32 $0xFFFFF086  }
0x25: {  	[simem:s6], [sflag:s4] =	dma.local [hbm:s3], $0xF7A  }
0x26: {  	[smem:$0x3F9C] =	sst s1;
	(tag) =	ssettag s2;
	_ =	strace s9  }
0x27: {  	s1 =	sld [smem:$0x3FAC]  }
0x28: {  	s2 =	sld [smem:$0x3FAD]  }
0x29: {  	s4 =	sld [smem:$0x3FAF]  }
0x2a: {  	p0 =	seq.s32 s5, $0x0;
	s5 =	sld [smem:$0x3FB0]  }
0x2b: {  	s6 =	sld [smem:$0x3FB1]  }
0x2c: {  	s7 =	sld [smem:$0x3FB2]  }
0x2d: {  	s3 =	simm.s32 $0x108;
	s8 =	sld [smem:$0x3FB3]  }
0x2e: {  	s3 =	simm.s32 @!p0 $0x1082;
	s9 =	sld [smem:$0x3FB4]  }
0x2f: {  	lr =	sadd.s32 s0, s3;
	s0 =	sld [smem:$0x3FAB]  }
0x30: {  	s3 =	sld [smem:$0x3FAE]  }
0x31: {  	[smem:$0x3FB7] =	sst s10  }
0x32: {  	s10 =	sld [smem:$0x3FB5];
	_ =	sdelay $0x3  }
0x33: {  	p0 =	seq.s32 s10, $0x1;
	s10 =	sld [smem:$0x3FB7];
	_ =	sdelay $0x3  }
0x34: {  	[smem:$0x3FB7] =	sst s10  }
0x35: {  	s10 =	sld [smem:$0x3FB6];
	_ =	sdelay $0x3  }
0x36: {  	p1 =	seq.s32 s10, $0x1;
	s10 =	sld [smem:$0x3FB7];
	_ =	sdelay $0x3  }
0x37: {  	[smem:$0x3FB7] =	sst s10  }
0x38: {  	s10 =	sld [smem:$0x3FB8]  }
0x39: {  	_ = 	snop;
	(pc) =	sbr.ind lr, $3  }
0x3a: {  	_ = 	snop  }
0x3b: {  	_ = 	snop  }
0x3c: {  	p2 =	seq.s32 s10, $0x1;
	s10 =	sld [smem:$0x3FB7]  }
0x3d: {  	_ =	shalt  }
0x3e: {  	_ =	shalt  }
0x3f: {  	_ =	shalt  }
0x40: {  	_ =	shalt  }
0x41: {  	_ =	shalt  }
0x42: {  	_ =	shalt  }
0x43: {  	_ =	shalt  }
0x44: {  	_ =	shalt  }
0x45: {  	_ =	shalt  }
0x46: {  	_ =	shalt  }
0x47: {  	_ =	shalt  }
0x48: {  	_ =	shalt  }
0x49: {  	_ =	shalt  }
0x4a: {  	_ =	shalt  }
0x4b: {  	_ =	shalt  }
0x4c: {  	_ =	shalt  }
0x4d: {  	_ =	shalt  }
0x4e: {  	_ =	shalt  }
0x4f: {  	_ =	shalt  }
0x50: {  	_ =	shalt  }
0x51: {  	_ =	shalt  }
0x52: {  	_ =	shalt  }
0x53: {  	_ =	shalt  }
0x54: {  	_ =	shalt  }
0x55: {  	_ =	shalt  }
0x56: {  	_ =	shalt  }
0x57: {  	_ =	shalt  }
0x58: {  	_ =	shalt  }
0x59: {  	_ =	shalt  }
0x5a: {  	_ =	shalt  }
0x5b: {  	_ =	shalt  }
0x5c: {  	_ =	shalt  }
0x5d: {  	_ =	shalt  }
0x5e: {  	_ =	shalt  }
0x5f: {  	_ =	shalt  }
0x60: {  	_ =	shalt  }
0x61: {  	_ =	shalt  }
0x62: {  	_ =	shalt  }
0x63: {  	_ =	shalt  }
0x64: {  	_ =	shalt  }
0x65: {  	_ =	shalt  }
0x66: {  	_ =	shalt  }
0x67: {  	_ =	shalt  }
0x68: {  	_ =	shalt  }
0x69: {  	_ =	shalt  }
0x6a: {  	_ =	shalt  }
0x6b: {  	_ =	shalt  }
0x6c: {  	_ =	shalt  }
0x6d: {  	_ =	shalt  }
0x6e: {  	_ =	shalt  }
0x6f: {  	_ =	shalt  }
0x70: {  	_ =	shalt  }
0x71: {  	_ =	shalt  }
0x72: {  	_ =	shalt  }
0x73: {  	_ =	shalt  }
0x74: {  	_ =	shalt  }
0x75: {  	_ =	shalt  }
0x76: {  	_ =	shalt  }
0x77: {  	_ =	shalt  }
0x78: {  	_ =	shalt  }
0x79: {  	_ =	shalt  }
0x7a: {  	_ =	shalt  }
0x7b: {  	_ =	shalt  }
0x7c: {  	_ =	shalt  }
0x7d: {  	_ =	shalt  }
0x7e: {  	_ =	shalt  }
0x7f: {  	_ =	shalt  }
0x80: {  	_ =	shalt  }
0x81: {  	_ =	shalt  }
0x82: {  	_ =	shalt  }
0x83: {  	_ =	shalt  }
0x84: {  	_ =	shalt  }
0x85: {  	_ =	shalt  }
0x86: {  	_ =	shalt  }
0x87: {  	_ =	shalt  }
.Lfunc_end0:
.L_simem_size_0:
called_computation_lowered:
.L_overlay_start_0:
0x88: {  	s2 =	sld [smem:$0x3FD9]  }
0x89: {  	s3 =	sld [smem:$0x3FFE];
	_ =	sdelay $0x1  }
0x8a: {  	s1 =	srdreg.scid  }
0x8b: {  	s0 =	sand.u32 $0x1, s1  }
0x8c: {  	s16 =	sshll.u32 s0, $0xA;
	s2 =	sadd.s32 s3, s2  }
0x8d: {  	s2 =	sadd.s32 s2, s16  }
0x8e: {  	[smem:$0x3FC3] =	sst s2  }
0x8f: {  	_ = 	snop  }
0x90: {  	(tm) =	ssettm $0x1  }
0x91: {  	s17 =	sld [smem:$0x3FFB];
	_ =	sdelay $0x3  }
0x92: {  	_ =	strace s17  }
0x93: {  	s2 =	sld [smem:$0x3FFC];
	_ =	sdelay $0x3  }
0x94: {  	_ =	strace s2  }
0x95: {  	s2 =	sld [smem:$0x3FFD];
	_ =	sdelay $0x3  }
0x96: {  	_ =	strace s2  }
0x97: {  	_ =	strace $0x8FFFFFFF  }
0x98: {  	s18 =	sld [smem:$0x3FDB];
	_ =	sdelay $0x1  }
0x99: {  	s19 =	simm.s32 $_scs_section_size  }
0x9a: {  	s4 =	simm.s32 $_size__tile_overlayer_lowered;
	s5 =	simm.s32 $_tile_overlayer_lowered  }
0x9b: {  	s22 =	simm.s32 $0x1BFF;
	s21 =	sshll.u32 s5, $0x1;
	s2 =	sadd.s32 s19, s18  }
0x9c: {  	s6 =	simm.s32 $0x0;
	s20 =	sshll.u32 s4, $0x1;
	s4 =	sadd.s32 s21, s2  }
0x9d: {  	[timem:s6], [sflag:s22] =	dma.local [hbm:s4], s20  }
0x9e: {  	_ =	swait.ge [sflag:s22], s20  }
0x9f: {  	s3 =	ssub.s32 $0x0, s20;
	[sflag:s22] =	ssyncset.done $0x0  }
0xa0: {  	[sflag:s22] =	ssyncadd.s32 s3;
	_ =	sdelay $0x1  }
0xa1: {  	s23 =	simm.s32 $0x1B8B  }
0xa2: {  	_ =	swait.ge [sflag:s23], $0x1  }
0xa3: {  	[sflag:s23] =	ssyncset.done $0x0  }
0xa4: {  	s25 =	simm.s32 $0x1B8E;
	s24 =	sld [smem:$0x3FFE];
	[sflag:s23] =	ssyncadd.s32 $0xFFFFFFFF  }
0xa5: {  	s26 =	simm.s32 $execute0_lowered;
	[smem:$0x3FD2] =	sst s25  }
0xa6: {  	s4 =	sshll.u32 s26, $0x1;
	_ =	strace $0x80000046;
	[dreg:$0x1] =	wrdreg $0xFFFFFFFF  }
0xa7: {  	s28 =	simm.s32 $_size_execute0_lowered;
	s2 =	sadd.s32 s2, s4;
	[dreg:$0x0] =	wrdreg $0x0  }
0xa8: {  	s4 =	sshll.u32 s28, $0x1;
	[dreg:$0x2] =	wrdreg s2  }
0xa9: {  	[dreg:$0x3] =	wrdreg s4  }
0xaa: {  	[dreg:$0x4] =	wrdreg $0xC0  }
0xab: {  	_ =	task [dreg:s6], $0x5FFFF  }
0xac: {  	[dreg:$0x1] =	wrdreg $0xFFFFFFFF  }
0xad: {  	[dreg:$0x0] =	wrdreg $0x60  }
0xae: {  	[dreg:$0x2] =	wrdreg s24  }
0xaf: {  	[dreg:$0x3] =	wrdreg $0xD800  }
0xb0: {  	[dreg:$0x4] =	wrdreg $0x26000  }
0xb1: {  	[dreg:$0x5] =	wrdreg $0x3E800  }
0xb2: {  	[dreg:$0x6] =	wrdreg $0x57000  }
0xb3: {  	[dreg:$0x7] =	wrdreg $0x9  }
0xb4: {  	_ =	task.clear_ibuf [dreg:s6], $0x8FFFF;
	_ =	strace $0x90000046  }
0xb5: {  	s29 =	simm.s32 $0x9;
	_ =	strace $0x80000048  }
0xb6: {  	_ =	swait.ge [sflag:s29], $0x1  }
0xb7: {  	[sflag:s29] =	ssyncadd.s32 $0xFFFFFFFF  }
0xb8: {  	_ =	strace $0x90000048  }
0xb9: {  	_ =	sfence  }
0xba: {  	s30 =	sld [smem:$0x0];
	_ =	sdelay $0x2  }
0xbb: {  	s31 =	sshll.u32 s1, $0xD;
	s1 =	sshrl.u32 s1, $0x2  }
0xbc: {  	s3 =	sand.u32 $0x4000, s31;
	s1 =	sadd.s32 s1, s30  }
0xbd: {  	s0 =	sor.u32 s3, s0;
	s1 =	sshll.u32 s1, $0x11  }
0xbe: {  	s0 =	sor.u32 s1, s0  }
0xbf: {  	s0 =	sadd.s32 $0x8F2B, s0  }
0xc0: {  	[sflag:s0] =	ssyncadd.remote.s32 $0x1  }
0xc1: {  	_ =	sfence.sel $0xFFFF  }
0xc2: {  	[dreg:$0x0] =	wrdreg $0xFFFFFFFF;
	(pc) =	sbr.abs _section_cstart, $3  }
0xc3: {  	[dreg:$0x1] =	wrdreg $0xFFFFFFFF  }
0xc4: {  	_ =	task.clear_ibuf [dreg:s6], $0x2FFFF;
	_ =	strace $0x9FFFFFFF  }
0xc5: {  	(tm) =	ssettm $0x7FFFFFFF  }
tec
execute0_lowered:
.L_overlay_start_1:
0x0: {  	(tag) =	ssettag $0x1  }
0x1: {  	s0 =	rddreg [dreg:$0x0]  }
0x2: {  	s1 =	rddreg [dreg:$0x1]  }
0x3: {  	s2 =	rddreg [dreg:$0x2]  }
0x4: {  	s3 =	rddreg [dreg:$0x3]  }
0x5: {  	s4 =	rddreg [dreg:$0x4];
	s5 =	simm.s32 $0x0;
	s15 =	stileid.u32  }
0x6: {  	s7 =	srdreg.scid;
	[smem:$0x7FF] =	sst s5  }
0x7: {  	s30 =	sadd.s32 $0x1200, s0;
	s6 =	sadd.s32 $0x7400, s0;
	s16 =	sadd.s32 $0xD600, s0  }
0x8: {  	s9 =	sadd.s32 $0x13800, s0;
	s10 =	sadd.s32 $0x35800, s0;
	s12 =	sadd.s32 $0x32600, s0  }
0x9: {  	s17 =	sadd.s32 $0x16A00, s0;
	s18 =	sadd.s32 $0x1CC00, s0;
	s19 =	sadd.s32 $0x22E00, s0  }
0xa: {  	s7 =	sand.u32 $0x1, s7;
	_ =	strace $0x80000047;
	[dreg:$0x7] =	wrdreg s6  }
0xb: {  	s8 =	smul.u32 $0x3100, s15;
	s20 =	sshll.u32 s15, $0x1;
	[dreg:$0x8] =	wrdreg s16  }
0xc: {  	s23 =	sadd.s32 $0x41E00, s0;
	s24 =	sadd.s32 $0x48000, s0;
	[dreg:$0x9] =	wrdreg s17  }
0xd: {  	s25 =	sadd.s32 $0x4E200, s0;
	s26 =	sshll.u32 s15, $0x6;
	[dreg:$0xa] =	wrdreg s18  }
0xe: {  	[dreg:$0xb] =	wrdreg s19;
	s16 =	sadd.s32 $0x29000, s0;
	s6 =	smul.u32 $0x1880, s15  }
0xf: {  	s17 =	sadd.s32 $0x2C200, s0;
	s18 =	sadd.s32 $0x2F400, s0;
	[dreg:$0xd] =	wrdreg s23  }
0x10: {  	s13 =	sshll.u32 s7, $0x7;
	s14 =	ssub.s32 $0x2, s7;
	[dreg:$0xe] =	wrdreg s24  }
0x11: {  	s7 =	sor.u32 s7, s20;
	s19 =	sadd.s32 $0x3BC00, s0;
	[dreg:$0xf] =	wrdreg s25  }
0x12: {  	s20 =	sor.u32 $0x1C01, s26;
	[dreg:$0x6] =	wrdreg s30;
	s8 =	sor.u32 s13, s8  }
0x13: {  	s21 =	sshrl.u32 s14, $0x1;
	s22 =	sshll.u32 s7, $0x4;
	[dreg:$0xc] =	wrdreg s19  }
0x14: {  	s24 =	smul.u32 $0x1880, s7;
	[dreg:$0x12] =	wrdreg s20;
	s11 =	sshrl.u32 s6, $0x3  }
0x15: {  	s8 =	sshrl.u32 s8, $0x3;
	s13 =	ssub.s32 s14, s21;
	s7 =	sadd.s32 s6, s1  }
0x16: {  	s14 =	sadd.s32 s22, s0;
	s15 =	sadd.s32 s6, s3;
	[dreg:$0x13] =	wrdreg s7  }
0x17: {  	s19 =	sadd.s32 s6, s4;
	s11 =	sadd.s32 s11, s0;
	[dreg:$0x15] =	wrdreg s15  }
0x18: {  	s8 =	sadd.s32 s8, s0;
	s0 =	sadd.s32 $0x54400, s0;
	[dreg:$0x16] =	wrdreg s19  }
0x19: {  	s28 =	simm.s32 $0x100;
	s21 =	sadd.s32 $0x72E00, s14;
	[dreg:$0x10] =	wrdreg s0  }
0x1a: {  	s31 =	simm.s32 $0x280;
	s29 =	sadd.s32 $0x38A00, s11;
	[dreg:$0x17] =	wrdreg s21  }
0x1b: {  	s7 =	simm.s32 $0x480;
	s11 =	sadd.s32 s6, s2;
	[dreg:$0x11] =	wrdreg s29  }
0x1c: {  	s14 =	simm.s32 $0xD00;
	s22 =	sadd.s32 $0x5A600, s8;
	[dreg:$0x14] =	wrdreg s11  }
0x1d: {  	s15 =	simm.s32 $0xC00;
	s23 =	sadd.s32 $0x60800, s8;
	[dreg:$0x18] =	wrdreg s22  }
0x1e: {  	s25 =	sadd.s32 $0x66A00, s8;
	s26 =	sadd.s32 $0x6CC00, s8;
	[dreg:$0x19] =	wrdreg s23  }
0x1f: {  	s0 =	simm.s32 $0x1;
	s6 =	simm.s32 $0x400;
	[dreg:$0x1a] =	wrdreg s25  }
0x20: {  	s8 =	simm.s32 $0x500;
	s21 =	simm.s32 $0x0;
	[dreg:$0x1b] =	wrdreg s26  }
0x21: {  	s29 =	smax.u32 s13, $0x1;
	s11 =	simm.s32 $0x80;
	s25 =	simm.s32 $0x300  }
0x22: {  	v0 =	vimm.f32 $2.000000000e+00;
	s26 =	simm.s32 $0x380;
	s13 =	simm.s32 $0x580;
	[dreg:$0x1c] =	wrdreg s29  }
.LBB2_1:
0x23: {  	[dreg:$0x1d] =	wrdreg s21  }
0x24: {  	s19 =	rddreg [dreg:$0x13]  }
0x25: {  	s29 =	sshrl.u32 s19, $0x3;
	s19 =	rddreg [dreg:$0x11]  }
0x26: {  	[dreg:$0x1e] =	wrdreg s29  }
0x27: {  	[spmem:s29], [sflag:s20] =	dma.local [hbm:s19], $0x310  }
0x28: {  	_ =	swait.ge [sflag:s0], $0x310  }
0x29: {  	s22 =	rddreg [dreg:$0x14]  }
0x2a: {  	[sflag:s0] =	ssyncset.done $0x0;
	s21 =	sshrl.u32 s22, $0x3  }
0x2b: {  	[sflag:s0] =	ssyncadd.s32 $0xFFFFFCF0;
	[dreg:$0x1f] =	wrdreg s21  }
0x2c: {  	[spmem:s21], [sflag:s20] =	dma.local [hbm:s19], $0x310  }
0x2d: {  	_ =	swait.ge [sflag:s0], $0x310  }
0x2e: {  	s23 =	rddreg [dreg:$0x15]  }
0x2f: {  	[sflag:s0] =	ssyncset.done $0x0;
	s21 =	sshrl.u32 s23, $0x3  }
0x30: {  	[sflag:s0] =	ssyncadd.s32 $0xFFFFFCF0;
	[smem:$0x7FC] =	sst s21  }
0x31: {  	[spmem:s21], [sflag:s20] =	dma.local [hbm:s19], $0x310  }
0x32: {  	_ =	swait.ge [sflag:s0], $0x310  }
0x33: {  	s29 =	rddreg [dreg:$0x16]  }
0x34: {  	[sflag:s0] =	ssyncset.done $0x0;
	s21 =	sshrl.u32 s29, $0x3  }
0x35: {  	[sflag:s0] =	ssyncadd.s32 $0xFFFFFCF0;
	[smem:$0x7FD] =	sst s21  }
0x36: {  	[spmem:s21], [sflag:s20] =	dma.local [hbm:s19], $0x310  }
0x37: {  	_ =	swait.ge [sflag:s0], $0x310  }
0x38: {  	[sflag:s0] =	ssyncset.done $0x0  }
0x39: {  	[sflag:s0] =	ssyncadd.s32 $0xFFFFFCF0  }
0x3a: {  	[bflag:$0x0] =	sbarrier.arrive $0xFFFF  }
0x3b: {  	[tilespmem:$0xD00] =	vst v0  }
0x3c: {  	[tilespmem:$0xD10] =	vst v0  }
0x3d: {  	[tilespmem:$0xD20] =	vst v0  }
0x3e: {  	[tilespmem:$0xD30] =	vst v0  }
0x3f: {  	[tilespmem:$0xD40] =	vst v0  }
0x40: {  	[tilespmem:$0xD50] =	vst v0  }
0x41: {  	[tilespmem:$0xD60] =	vst v0  }
0x42: {  	v6 =	vimm.f32 $0.0e+00;
	s19 =	simm.s32 $0x0;
	[tilespmem:$0xD70] =	vst v0  }
.LBB2_2:
0x43: {  	s20 =	sshll.u32 s19, $0x7  }
0x44: {  	s20 =	sadd.s32 s24, s20  }
0x45: {  	s20 =	sshrl.u32 s20, $0x3  }
0x46: {  	s22 =	simm.s32 $0x0;
	s21 =	sadd.s32 s30, s20  }
0x47: {  	[tilespmem:s22], [sflag:$0x1] =	stream.linear.gather [hbm4b:s21+s22], $0x80, $0x38;
	[tilespmem:$0x6F80] =	vst v63  }
0x48: {  	_ =	swait.ge [sflag:s0], $0x80  }
0x49: {  	[sflag:s0] =	ssyncset.done $0x0;
	s23 =	rddreg [dreg:$0x7]  }
0x4a: {  	[sflag:s0] =	ssyncadd.s32 $0xFFFFFF80;
	s21 =	sadd.s32 s23, s20  }
0x4b: {  	[tilespmem:s11], [sflag:$0x1] =	stream.linear.gather [hbm4b:s21+s22], $0x80, $0x38;
	[tilespmem:$0x6F80] =	vst v63  }
0x4c: {  	_ =	swait.ge [sflag:s0], $0x80  }
0x4d: {  	[sflag:s0] =	ssyncset.done $0x0;
	s29 =	rddreg [dreg:$0x8]  }
0x4e: {  	[sflag:s0] =	ssyncadd.s32 $0xFFFFFF80;
	s21 =	sadd.s32 s29, s20  }
0x4f: {  	[tilespmem:s28], [sflag:$0x1] =	stream.linear.gather [hbm4b:s21+s22], $0x80, $0x38;
	[tilespmem:$0x6F80] =	vst v63  }
0x50: {  	_ =	swait.ge [sflag:s0], $0x80  }
0x51: {  	[sflag:s0] =	ssyncset.done $0x0  }
0x52: {  	s23 =	simm.s32 $0x180;
	[sflag:s0] =	ssyncadd.s32 $0xFFFFFF80  }
0x53: {  	[tilespmem:s23], [sflag:$0x1] =	stream.indirect.gather [hbm4b:s9+s11], $0x1, s22, s11, $0xb8;
	[tilespmem:$0x6F80] =	vst v63  }
0x54: {  	_ =	swait.ge [sflag:s0], $0x80  }
0x55: {  	[sflag:s0] =	ssyncset.done $0x0  }
0x56: {  	s29 =	simm.s32 $0x200;
	[sflag:s0] =	ssyncadd.s32 $0xFFFFFF80  }
0x57: {  	[tilespmem:s29], [sflag:$0x1] =	stream.indirect.gather [hbm4b:s10+s11], $0x1, s22, s11, $0xb8;
	[tilespmem:$0x6F80] =	vst v63  }
0x58: {  	_ =	swait.ge [sflag:s0], $0x80  }
0x59: {  	[sflag:s0] =	ssyncset.done $0x0  }
0x5a: {  	[sflag:s0] =	ssyncadd.s32 $0xFFFFFF80  }
0x5b: {  	[tilespmem:s31], [sflag:$0x1] =	stream.indirect.gather [hbm4b:s12+s11], $0x1, s22, s11, $0xb8;
	[tilespmem:$0x6F80] =	vst v63  }
0x5c: {  	_ =	swait.ge [sflag:s0], $0x80  }
0x5d: {  	[sflag:s0] =	ssyncset.done $0x0  }
0x5e: {  	[sflag:s0] =	ssyncadd.s32 $0xFFFFFF80  }
0x5f: {  	[tilespmem:s25], [sflag:$0x1] =	stream.indirect.gather [hbm4b:s9+s11], $0x1, s11, s11, $0xb8;
	[tilespmem:$0x6F80] =	vst v63  }
0x60: {  	_ =	swait.ge [sflag:s0], $0x80  }
0x61: {  	[sflag:s0] =	ssyncset.done $0x0  }
0x62: {  	[sflag:s0] =	ssyncadd.s32 $0xFFFFFF80  }
0x63: {  	[tilespmem:s26], [sflag:$0x1] =	stream.indirect.gather [hbm4b:s10+s11], $0x1, s11, s11, $0xb8;
	[tilespmem:$0x6F80] =	vst v63  }
0x64: {  	_ =	swait.ge [sflag:s0], $0x80  }
0x65: {  	[sflag:s0] =	ssyncset.done $0x0  }
0x66: {  	[sflag:s0] =	ssyncadd.s32 $0xFFFFFF80  }
0x67: {  	[tilespmem:s6], [sflag:$0x1] =	stream.indirect.gather [hbm4b:s12+s11], $0x1, s11, s11, $0xb8;
	[tilespmem:$0x6F80] =	vst v63  }
0x68: {  	_ =	swait.ge [sflag:s0], $0x80  }
0x69: {  	[sflag:s0] =	ssyncset.done $0x0  }
0x6a: {  	[sflag:s0] =	ssyncadd.s32 $0xFFFFFF80  }
0x6b: {  	[tilespmem:s7], [sflag:$0x1] =	stream.indirect.gather [hbm4b:s9+s11], $0x1, s28, s11, $0xb8;
	[tilespmem:$0x6F80] =	vst v63  }
0x6c: {  	_ =	swait.ge [sflag:s0], $0x80  }
0x6d: {  	[sflag:s0] =	ssyncset.done $0x0  }
0x6e: {  	[sflag:s0] =	ssyncadd.s32 $0xFFFFFF80  }
0x6f: {  	[tilespmem:s8], [sflag:$0x1] =	stream.indirect.gather [hbm4b:s10+s11], $0x1, s28, s11, $0xb8;
	[tilespmem:$0x6F80] =	vst v63  }
0x70: {  	_ =	swait.ge [sflag:s0], $0x80  }
0x71: {  	[sflag:s0] =	ssyncset.done $0x0  }
0x72: {  	[sflag:s0] =	ssyncadd.s32 $0xFFFFFF80  }
0x73: {  	[tilespmem:s13], [sflag:$0x1] =	stream.indirect.gather [hbm4b:s12+s11], $0x1, s28, s11, $0xb8;
	[tilespmem:$0x6F80] =	vst v63  }
0x74: {  	_ =	swait.ge [sflag:s0], $0x80  }
0x75: {  	[sflag:s0] =	ssyncset.done $0x0  }
0x76: {  	s23 =	simm.s32 $0x0;
	[sflag:s0] =	ssyncadd.s32 $0xFFFFFF80  }
0x77: {  	v1 =	vld [tilespmem:s23+$0x300]  }
0x78: {  	v2 =	vld [tilespmem:s23+$0x180]  }
0x79: {  	v3 =	vld [tilespmem:s23+$0x500]  }
0x7a: {  	v4 =	vld [tilespmem:s23+$0x380]  }
0x7b: {  	v5 =	vld [tilespmem:s23+$0x580]  }
0x7c: {  	v9 =	vld [tilespmem:s23+$0x400]  }
0x7d: {  	v10 =	vld [tilespmem:s23+$0x200]  }
0x7e: {  	v7 =	vld [tilespmem:s23+$0x480]  }
0x7f: {  	v8 =	vadd.f32 v1, v2  }
0x80: {  	v12 =	vld [tilespmem:s23+$0x280];
	v11 =	vadd.f32 v3, v4  }
0x81: {  	s21 =	simm.s32 $0x10;
	v13 =	vsub.f32 v3, v4;
	[tilespmem:s23+$0x900] =	vst v8  }
0x82: {  	v14 =	vadd.f32 v3, v10;
	v15 =	vsub.f32 v5, v9;
	v8 =	vld [tilespmem:s21+$0x500];
	[tilespmem:s23+$0x680] =	vst v11  }
0x83: {  	v19 =	vsub.f32 v7, v1;
	v21 =	vsub.f32 v1, v2;
	v16 =	vld [tilespmem:s21+$0x580]  }
0x84: {  	v22 =	vadd.f32 v5, v9;
	v23 =	vsub.f32 v4, v10;
	v11 =	vld [tilespmem:s21+$0x480]  }
0x85: {  	v3 =	vsub.f32 v3, v10;
	v25 =	vadd.f32 v5, v12;
	v17 =	vld [tilespmem:s21+$0x380]  }
0x86: {  	v5 =	vsub.f32 v5, v12;
	v4 =	vadd.f32 v4, v10;
	v13 =	vmul.f32 v13, v13;
	v18 =	vld [tilespmem:s21+$0x400]  }
0x87: {  	v27 =	vmul.f32 v3, v21;
	v10 =	vmul.f32 v19, v19;
	v20 =	vld [tilespmem:s21+$0x300];
	[tilespmem:s23+$0x800] =	vst v14;
	v14 =	vsub.f32 v7, v2  }
0x88: {  	v19 =	vmul.f32 v21, v21;
	v24 =	vld [tilespmem:s21+$0x180];
	[tilespmem:s23+$0x700] =	vst v22;
	v22 =	vsub.f32 v9, v12;
	v9 =	vadd.f32 v9, v12  }
0x89: {  	v1 =	vadd.f32 v7, v1;
	v21 =	vmul.f32 v5, v21;
	v26 =	vld [tilespmem:s21+$0x280];
	v28 =	vmul.f32 v14, v23;
	[tilespmem:s23+$0x880] =	vst v25  }
0x8a: {  	v12 =	vld [tilespmem:s21+$0x200];
	v25 =	vmul.f32 v14, v22;
	[tilespmem:s23+$0xA00] =	vst v9;
	v9 =	vadd.f32 v13, v10;
	v10 =	vmul.f32 v15, v15  }
0x8b: {  	v13 =	vmul.f32 v14, v14;
	[tilespmem:s23+$0x600] =	vst v1;
	v1 =	vadd.f32 v7, v2;
	v7 =	vmul.f32 v22, v22  }
0x8c: {  	[tilespmem:s23+$0x980] =	vst v4;
	v4 =	vsub.f32 v27, v28;
	v27 =	vmul.f32 v5, v23;
	v28 =	vmul.f32 v3, v22  }
0x8d: {  	v22 =	vmul.f32 v23, v23;
	v21 =	vsub.f32 v25, v21;
	v23 =	vadd.f32 v10, v9  }
0x8e: {  	v3 =	vmul.f32 v3, v3;
	v9 =	vsub.f32 v8, v17;
	v10 =	vadd.f32 v8, v17  }
0x8f: {  	v15 =	vsub.f32 v16, v18;
	v14 =	vsub.f32 v27, v28  }
0x90: {  	v2 =	vadd.f32 v20, v24;
	v3 =	vadd.f32 v3, v13  }
0x91: {  	v5 =	vmul.f32 v5, v5;
	[tilespmem:s23+$0xB80] =	vst v4;
	v28 =	vadd.f32 v11, v20;
	v19 =	vadd.f32 v22, v19  }
0x92: {  	v27 =	vmul.f32 v4, v4;
	[tilespmem:s23+$0xB00] =	vst v21;
	v29 =	vsub.f32 v18, v26;
	v33 =	vsub.f32 v16, v26  }
0x93: {  	v21 =	vmul.f32 v21, v21;
	[tilespmem:s23+$0xA80] =	vst v14;
	v32 =	vsub.f32 v8, v12;
	v8 =	vadd.f32 v8, v12  }
0x94: {  	v25 =	vmul.f32 v14, v14;
	v7 =	vadd.f32 v7, v19;
	[tilespmem:s21+$0x900] =	vst v2;
	v2 =	vsub.f32 v11, v20  }
0x95: {  	v14 =	vmul.f32 v9, v9;
	v20 =	vsub.f32 v20, v24;
	[tilespmem:s23+$0x780] =	vst v1;
	v1 =	vadd.f32 v5, v3  }
0x96: {  	s22 =	simm.s32 $0x20;
	v5 =	vsub.f32 v11, v24;
	v3 =	vmul.f32 v29, v29;
	v21 =	vadd.f32 v21, v25  }
0x97: {  	v25 =	vadd.f32 v16, v18;
	v19 =	vmul.f32 v32, v29;
	v62 =	vadd.f32 v7, v6;
	v9 =	vld [tilespmem:s22+$0x500];
	[tilespmem:s21+$0x680] =	vst v10  }
0x98: {  	v7 =	vadd.f32 v18, v26;
	v4 =	vmul.f32 v2, v2;
	v10 =	vmul.f32 v15, v15;
	v13 =	vld [tilespmem:s22+$0x580]  }
0x99: {  	v15 =	vadd.f32 v11, v24;
	v24 =	vsub.f32 v17, v12;
	v22 =	vmul.f32 v32, v20;
	v30 =	vld [tilespmem:s22+$0x480]  }
0x9a: {  	v12 =	vadd.f32 v17, v12;
	v6 =	vmul.f32 v33, v20;
	v31 =	vmul.f32 v5, v29;
	v11 =	vld [tilespmem:s22+$0x380]  }
0x9b: {  	v34 =	vld [tilespmem:s22+$0x300];
	v29 =	vadd.f32 v21, v27;
	v4 =	vadd.f32 v14, v4;
	v35 =	vmul.f32 v5, v24  }
0x9c: {  	v14 =	vld [tilespmem:s22+$0x400];
	[tilespmem:s21+$0x800] =	vst v8;
	v8 =	vadd.f32 v16, v26;
	v5 =	vmul.f32 v5, v5;
	v16 =	vmul.f32 v32, v32  }
0x9d: {  	v23 =	vadd.f32 v23, v62;
	v37 =	vmul.f32 v33, v24;
	v36 =	vld [tilespmem:s22+$0x180];
	[tilespmem:s21+$0x700] =	vst v25;
	v27 =	vsub.f32 v31, v6  }
0x9e: {  	v2 =	vmul.f32 v20, v20;
	v4 =	vadd.f32 v10, v4;
	v25 =	vadd.f32 v16, v5;
	v10 =	vld [tilespmem:s22+$0x280];
	[tilespmem:s21+$0x880] =	vst v8  }
0x9f: {  	v17 =	vmul.f32 v33, v33;
	v20 =	vsub.f32 v37, v19;
	v19 =	vld [tilespmem:s22+$0x200];
	[tilespmem:s21+$0x980] =	vst v12;
	v12 =	vsub.f32 v22, v35  }
0xa0: {  	v5 =	vmul.f32 v24, v24;
	[tilespmem:s21+$0xA00] =	vst v7;
	v8 =	vsub.f32 v9, v11;
	v26 =	vadd.f32 v9, v11  }
0xa1: {  	[tilespmem:s21+$0x600] =	vst v28;
	v24 =	vmul.f32 v20, v20;
	v7 =	vsub.f32 v30, v34;
	v16 =	vadd.f32 v30, v34  }
0xa2: {  	[tilespmem:s21+$0xB00] =	vst v27;
	v17 =	vadd.f32 v17, v25;
	v63 =	vsub.f32 v13, v14;
	v8 =	vmul.f32 v8, v8  }
0xa3: {  	[tilespmem:s21+$0xB80] =	vst v12;
	v22 =	vsub.f32 v34, v36;
	v7 =	vmul.f32 v7, v7;
	v25 =	vadd.f32 v34, v36  }
0xa4: {  	v21 =	vmul.f32 v12, v12;
	v12 =	vsub.f32 v30, v36;
	[tilespmem:s23+$0xC00] =	vst v29;
	v6 =	vsub.f32 v14, v10  }
0xa5: {  	v28 =	vadd.f32 v30, v36;
	[tilespmem:s21+$0xA80] =	vst v20;
	v18 =	vmul.f32 v22, v22;
	v7 =	vadd.f32 v8, v7  }
0xa6: {  	s23 =	simm.s32 $0xC0;
	v8 =	vmul.f32 v63, v63;
	[tilespmem:s22+$0x900] =	vst v25;
	v20 =	vsub.f32 v11, v19;
	v25 =	vmul.f32 v12, v6  }
.LBB2_3:
0xa7: {  	v29 =	vsub.f32 v9, v19;
	v39 =	vmul.f32 v27, v27  }
0xa8: {  	s29 =	sshra.s32 s23, $0x2;
	p0 =	sne.s32 s23, $0x1C0;
	s23 =	sadd.s32 $0x40, s23;
	[tilespmem:s21+$0x780] =	vst v15;
	v23 =	vadd.f32 v23, v1;
	v27 =	vmovc v11;
	v30 =	vmovc v14;
	v31 =	vmov v4;
	v1 =	vmov v17  }
0xa9: {  	v32 =	vmul.f32 v6, v6;
	v33 =	vadd.f32 v5, v2;
	v17 =	vld [tilespmem:s29+$0x500];
	[tilespmem:s22+$0x680] =	vst v26;
	v26 =	vsub.f32 v13, v10  }
0xaa: {  	v2 =	vmovc v18;
	v36 =	vmul.f32 v12, v20;
	v34 =	vld [tilespmem:s29+$0x580];
	v35 =	vmul.f32 v29, v22;
	v24 =	vadd.f32 v39, v24  }
0xab: {  	v18 =	vadd.f32 v13, v10;
	v12 =	vmul.f32 v12, v12;
	v15 =	vmovc v28;
	v38 =	vmul.f32 v29, v29;
	v37 =	vld [tilespmem:s29+$0x480]  }
0xac: {  	v9 =	vadd.f32 v9, v19;
	v13 =	vadd.f32 v13, v30;
	v5 =	vmul.f32 v20, v20;
	v11 =	vld [tilespmem:s29+$0x380]  }
0xad: {  	v4 =	vadd.f32 v8, v7;
	v7 =	vadd.f32 v3, v33;
	v3 =	vmovc v32;
	v20 =	vmul.f32 v26, v20;
	v14 =	vld [tilespmem:s29+$0x400]  }
0xae: {  	v6 =	vmul.f32 v29, v6;
	v12 =	vadd.f32 v38, v12;
	v28 =	vadd.f32 v24, v21;
	v8 =	vld [tilespmem:s29+$0x300];
	[tilespmem:s22+$0x800] =	vst v9  }
0xaf: {  	v22 =	vmul.f32 v26, v22;
	v21 =	vadd.f32 v27, v19;
	v23 =	vadd.f32 v7, v23;
	v29 =	vld [tilespmem:s29+$0x180];
	[tilespmem:s22+$0x700] =	vst v13  }
0xb0: {  	v7 =	vadd.f32 v30, v10;
	v20 =	vsub.f32 v20, v6;
	v9 =	vmovc v17;
	v13 =	vmov v34;
	[tilespmem:s22+$0x880] =	vst v18;
	v10 =	vld [tilespmem:s29+$0x280]  }
0xb1: {  	v17 =	vsub.f32 v35, v36;
	v18 =	vmul.f32 v26, v26;
	v19 =	vld [tilespmem:s29+$0x200];
	v6 =	vsub.f32 v9, v11;
	[tilespmem:s22+$0x980] =	vst v21  }
0xb2: {  	v24 =	vmul.f32 v20, v20;
	v26 =	vadd.f32 v9, v11;
	v30 =	vsub.f32 v13, v14;
	[tilespmem:s22+$0xA00] =	vst v7  }
0xb3: {  	v27 =	vsub.f32 v25, v22;
	v7 =	vsub.f32 v37, v8;
	v32 =	vmul.f32 v6, v6;
	[tilespmem:s22+$0xB80] =	vst v17  }
.Ltmp0:
0xb4: {  	v21 =	vmul.f32 v17, v17;
	v22 =	vsub.f32 v8, v29;
	[tilespmem:s22+$0x600] =	vst v16;
	v16 =	vadd.f32 v37, v8;
	(pc) =	sbr.rel @p0 .LBB2_3-.Ltmp0, $4  }
0xb5: {  	v17 =	vadd.f32 v18, v12;
	v6 =	vsub.f32 v14, v10;
	v7 =	vmul.f32 v7, v7;
	[tilespmem:s22+$0xB00] =	vst v27  }
0xb6: {  	v25 =	vadd.f32 v8, v29;
	v12 =	vsub.f32 v37, v29;
	v18 =	vmul.f32 v22, v22;
	[tilespmem:s21+$0xC00] =	vst v28;
	s21 =	smov.u32 s22;
	s22 =	smov.u32 s29  }
0xb7: {  	v23 =	vadd.f32 v31, v23;
	v8 =	vmul.f32 v30, v30;
	v7 =	vadd.f32 v32, v7;
	[tilespmem:s21+$0xA80] =	vst v20  }
0xb8: {  	v28 =	vadd.f32 v37, v29;
	v20 =	vsub.f32 v11, v19;
	[tilespmem:s22+$0x900] =	vst v25;
	v25 =	vmul.f32 v12, v6  }
0xb9: {  	v29 =	vsub.f32 v9, v19;
	[tilespmem:s21+$0x780] =	vst v15;
	v50 =	vsub.f32 v13, v10  }
0xba: {  	v51 =	vadd.f32 v9, v19;
	v30 =	vadd.f32 v13, v14;
	[tilespmem:s22+$0x680] =	vst v26  }
0xbb: {  	v53 =	vadd.f32 v13, v10;
	v57 =	vmul.f32 v27, v27;
	[tilespmem:s22+$0x600] =	vst v16;
	v31 =	vmul.f32 v50, v20  }
0xbc: {  	v11 =	vadd.f32 v11, v19;
	[tilespmem:s22+$0x800] =	vst v51;
	v54 =	vmul.f32 v29, v6;
	v56 =	vmul.f32 v50, v22  }
0xbd: {  	v58 =	vadd.f32 v14, v10;
	v55 =	vmul.f32 v12, v20;
	v52 =	vmul.f32 v29, v22;
	[tilespmem:s22+$0x700] =	vst v30  }
0xbe: {  	[tilespmem:s22+$0x880] =	vst v53;
	v9 =	vsub.f32 v31, v54;
	v60 =	vsub.f32 v25, v56  }
0xbf: {  	[tilespmem:s22+$0x980] =	vst v11;
	v61 =	vadd.f32 v57, v24;
	v59 =	vsub.f32 v52, v55  }
0xc0: {  	[tilespmem:s22+$0xA00] =	vst v58;
	v62 =	vmul.f32 v9, v9;
	v19 =	vmul.f32 v60, v60  }
0xc1: {  	v14 =	vadd.f32 v61, v21;
	[tilespmem:s22+$0xB80] =	vst v59  }
0xc2: {  	v11 =	vmul.f32 v59, v59;
	[tilespmem:s22+$0xB00] =	vst v60;
	v10 =	vadd.f32 v19, v62  }
0xc3: {  	[tilespmem:s21+$0xC00] =	vst v14  }
0xc4: {  	[tilespmem:s22+$0xA80] =	vst v9;
	v63 =	vadd.f32 v10, v11  }
0xc5: {  	[tilespmem:s22+$0x780] =	vst v28  }
0xc6: {  	s23 =	simm.s32 $0x600;
	[tilespmem:s22+$0xC00] =	vst v63  }
0xc7: {  	[spmem:s1] =	stream.indirect.scatter.add.f32 [tilespmem:s23], [sflag:$0x1], $0x1, s5, s11, $0xb8;
	[tilespmem:$0x6F80] =	vst v63  }
0xc8: {  	_ =	swait.ge [sflag:s0], $0x80  }
0xc9: {  	[sflag:s0] =	ssyncset.done $0x0  }
0xca: {  	s29 =	simm.s32 $0x680;
	[sflag:s0] =	ssyncadd.s32 $0xFFFFFF80  }
0xcb: {  	[spmem:s2] =	stream.indirect.scatter.add.f32 [tilespmem:s29], [sflag:$0x1], $0x1, s5, s11, $0xb8;
	[tilespmem:$0x6F80] =	vst v63  }
0xcc: {  	_ =	swait.ge [sflag:s0], $0x80  }
0xcd: {  	[sflag:s0] =	ssyncset.done $0x0  }
0xce: {  	s22 =	simm.s32 $0x700;
	[sflag:s0] =	ssyncadd.s32 $0xFFFFFF80  }
0xcf: {  	[spmem:s3] =	stream.indirect.scatter.add.f32 [tilespmem:s22], [sflag:$0x1], $0x1, s5, s11, $0xb8;
	[tilespmem:$0x6F80] =	vst v63  }
0xd0: {  	_ =	swait.ge [sflag:s0], $0x80  }
0xd1: {  	[sflag:s0] =	ssyncset.done $0x0  }
0xd2: {  	[sflag:s0] =	ssyncadd.s32 $0xFFFFFF80  }
0xd3: {  	[spmem:s4] =	stream.indirect.scatter.add.f32 [tilespmem:s14], [sflag:$0x1], $0x1, s5, s11, $0xb8;
	[tilespmem:$0x6F80] =	vst v63  }
0xd4: {  	_ =	swait.ge [sflag:s0], $0x80  }
0xd5: {  	[sflag:s0] =	ssyncset.done $0x0  }
0xd6: {  	s23 =	simm.s32 $0x780;
	[sflag:s0] =	ssyncadd.s32 $0xFFFFFF80  }
0xd7: {  	[spmem:s1] =	stream.indirect.scatter.add.f32 [tilespmem:s23], [sflag:$0x1], $0x1, s11, s11, $0xb8;
	[tilespmem:$0x6F80] =	vst v63  }
0xd8: {  	_ =	swait.ge [sflag:s0], $0x80  }
0xd9: {  	[sflag:s0] =	ssyncset.done $0x0  }
0xda: {  	s29 =	simm.s32 $0x800;
	[sflag:s0] =	ssyncadd.s32 $0xFFFFFF80  }
0xdb: {  	[spmem:s2] =	stream.indirect.scatter.add.f32 [tilespmem:s29], [sflag:$0x1], $0x1, s11, s11, $0xb8;
	[tilespmem:$0x6F80] =	vst v63  }
0xdc: {  	_ =	swait.ge [sflag:s0], $0x80  }
0xdd: {  	[sflag:s0] =	ssyncset.done $0x0  }
0xde: {  	s22 =	simm.s32 $0x880;
	[sflag:s0] =	ssyncadd.s32 $0xFFFFFF80  }
0xdf: {  	[spmem:s3] =	stream.indirect.scatter.add.f32 [tilespmem:s22], [sflag:$0x1], $0x1, s11, s11, $0xb8;
	[tilespmem:$0x6F80] =	vst v63  }
0xe0: {  	_ =	swait.ge [sflag:s0], $0x80  }
0xe1: {  	[sflag:s0] =	ssyncset.done $0x0  }
0xe2: {  	[sflag:s0] =	ssyncadd.s32 $0xFFFFFF80  }
0xe3: {  	[spmem:s4] =	stream.indirect.scatter.add.f32 [tilespmem:s14], [sflag:$0x1], $0x1, s11, s11, $0xb8;
	[tilespmem:$0x6F80] =	vst v63  }
0xe4: {  	_ =	swait.ge [sflag:s0], $0x80  }
0xe5: {  	[sflag:s0] =	ssyncset.done $0x0  }
0xe6: {  	s23 =	simm.s32 $0x900;
	[sflag:s0] =	ssyncadd.s32 $0xFFFFFF80  }
0xe7: {  	[spmem:s1] =	stream.indirect.scatter.add.f32 [tilespmem:s23], [sflag:$0x1], $0x1, s28, s11, $0xb8;
	[tilespmem:$0x6F80] =	vst v63  }
0xe8: {  	_ =	swait.ge [sflag:s0], $0x80  }
0xe9: {  	[sflag:s0] =	ssyncset.done $0x0  }
0xea: {  	s29 =	simm.s32 $0x980;
	[sflag:s0] =	ssyncadd.s32 $0xFFFFFF80  }
0xeb: {  	[spmem:s2] =	stream.indirect.scatter.add.f32 [tilespmem:s29], [sflag:$0x1], $0x1, s28, s11, $0xb8;
	[tilespmem:$0x6F80] =	vst v63  }
0xec: {  	_ =	swait.ge [sflag:s0], $0x80  }
0xed: {  	[sflag:s0] =	ssyncset.done $0x0  }
0xee: {  	s22 =	simm.s32 $0xA00;
	[sflag:s0] =	ssyncadd.s32 $0xFFFFFF80  }
0xef: {  	[spmem:s3] =	stream.indirect.scatter.add.f32 [tilespmem:s22], [sflag:$0x1], $0x1, s28, s11, $0xb8;
	[tilespmem:$0x6F80] =	vst v63  }
0xf0: {  	_ =	swait.ge [sflag:s0], $0x80  }
0xf1: {  	[sflag:s0] =	ssyncset.done $0x0  }
0xf2: {  	[sflag:s0] =	ssyncadd.s32 $0xFFFFFF80  }
0xf3: {  	[spmem:s4] =	stream.indirect.scatter.add.f32 [tilespmem:s14], [sflag:$0x1], $0x1, s28, s11, $0xb8;
	[tilespmem:$0x6F80] =	vst v63  }
0xf4: {  	_ =	swait.ge [sflag:s0], $0x80  }
0xf5: {  	[sflag:s0] =	ssyncset.done $0x0;
	s23 =	rddreg [dreg:$0xc]  }
0xf6: {  	s29 =	simm.s32 $0xA80;
	[sflag:s0] =	ssyncadd.s32 $0xFFFFFF80;
	s21 =	sadd.s32 s23, s20  }
0xf7: {  	[hbm4b:s21+s5] =	stream.linear.scatter [tilespmem:s29], [sflag:$0x1], $0x80, $0x38;
	[tilespmem:$0x6F80] =	vst v63  }
0xf8: {  	v2 =	vadd.f32 v5, v2;
	_ =	swait.ge [sflag:s0], $0x80  }
0xf9: {  	[sflag:s0] =	ssyncset.done $0x0;
	s23 =	rddreg [dreg:$0xd]  }
0xfa: {  	v1 =	vadd.f32 v23, v1;
	v2 =	vadd.f32 v3, v2;
	s29 =	simm.s32 $0xB00;
	[sflag:s0] =	ssyncadd.s32 $0xFFFFFF80;
	s21 =	sadd.s32 s23, s20  }
0xfb: {  	[hbm4b:s21+s5] =	stream.linear.scatter [tilespmem:s29], [sflag:$0x1], $0x80, $0x38;
	[tilespmem:$0x6F80] =	vst v63  }
0xfc: {  	v3 =	vmul.f32 v20, v20;
	v1 =	vadd.f32 v2, v1;
	_ =	swait.ge [sflag:s0], $0x80  }
0xfd: {  	[sflag:s0] =	ssyncset.done $0x0;
	s23 =	rddreg [dreg:$0xe]  }
0xfe: {  	v2 =	vmul.f32 v6, v6;
	v3 =	vadd.f32 v3, v18;
	v1 =	vadd.f32 v4, v1;
	s29 =	simm.s32 $0xB80;
	[sflag:s0] =	ssyncadd.s32 $0xFFFFFF80;
	s21 =	sadd.s32 s23, s20  }
0xff: {  	v5 =	vmul.f32 v29, v29;
	[hbm4b:s21+s5] =	stream.linear.scatter [tilespmem:s29], [sflag:$0x1], $0x80, $0x38;
	[tilespmem:$0x6F80] =	vst v63  }
0x100: {  	s19 =	sadd.s32 $0x1, s19;
	v4 =	vmul.f32 v12, v12;
	v2 =	vadd.f32 v2, v3;
	v1 =	vadd.f32 v1, v17;
	_ =	swait.ge [sflag:s0], $0x80  }
0x101: {  	p0 =	sne.s32 s19, $0x31;
	v3 =	vadd.f32 v8, v7;
	[sflag:s0] =	ssyncset.done $0x0;
	s23 =	rddreg [dreg:$0xf]  }
.Ltmp1:
0x102: {  	v4 =	vadd.f32 v5, v4;
	v5 =	vmul.f32 v50, v50;
	v1 =	vadd.f32 v2, v1;
	[sflag:s0] =	ssyncadd.s32 $0xFFFFFF80;
	s29 =	sadd.s32 s23, s20;
	(pc) =	sbr.rel @p0 .LBB2_2-.Ltmp1, $4  }
0x103: {  	[hbm4b:s29+s5] =	stream.linear.scatter [tilespmem:s15], [sflag:$0x1], $0x80, $0x38;
	[tilespmem:$0x6F80] =	vst v63  }
0x104: {  	v2 =	vadd.f32 v5, v4;
	v1 =	vadd.f32 v3, v1;
	_ =	swait.ge [sflag:s0], $0x80  }
0x105: {  	[sflag:s0] =	ssyncset.done $0x0  }
0x106: {  	v6 =	vadd.f32 v1, v2;
	[sflag:s0] =	ssyncadd.s32 $0xFFFFFF80  }
0x107: {  	_ = 	snop  }
0x108: {  	s19 =	simm.s32 $0x0;
	s20 =	rddreg [dreg:$0x17];
	s21 =	simm.s32 $0xC80;
	[tilespmem:$0xC80] =	vst v6  }
0x109: {  	[hbm4b:s20+s19] =	stream.linear.scatter [tilespmem:s21], [sflag:$0x1], $0x80, $0x38;
	[tilespmem:$0x6F80] =	vst v63  }
0x10a: {  	_ =	swait.ge [sflag:s0], $0x80  }
0x10b: {  	[sflag:s0] =	ssyncset.done $0x0  }
0x10c: {  	s20 =	simm.s32 $0x0;
	[sflag:s0] =	ssyncadd.s32 $0xFFFFFF80  }
.LBB2_6:
0x10d: {  	s21 =	sshll.u32 s20, $0x7  }
0x10e: {  	s21 =	sadd.s32 s24, s21  }
0x10f: {  	s22 =	rddreg [dreg:$0x9];
	s21 =	sshrl.u32 s21, $0x3  }
0x110: {  	s22 =	sadd.s32 s22, s21  }
0x111: {  	[tilespmem:s19], [sflag:$0x1] =	stream.linear.gather [hbm4b:s22+s19], $0x80, $0x38;
	[tilespmem:$0x6F80] =	vst v63  }
0x112: {  	_ =	swait.ge [sflag:s0], $0x80  }
0x113: {  	[sflag:s0] =	ssyncset.done $0x0;
	s23 =	rddreg [dreg:$0xa]  }
0x114: {  	[sflag:s0] =	ssyncadd.s32 $0xFFFFFF80;
	s22 =	sadd.s32 s23, s21  }
0x115: {  	[tilespmem:s11], [sflag:$0x1] =	stream.linear.gather [hbm4b:s22+s19], $0x80, $0x38;
	[tilespmem:$0x6F80] =	vst v63  }
0x116: {  	_ =	swait.ge [sflag:s0], $0x80  }
0x117: {  	[sflag:s0] =	ssyncset.done $0x0;
	s30 =	rddreg [dreg:$0xb]  }
0x118: {  	[sflag:s0] =	ssyncadd.s32 $0xFFFFFF80;
	s22 =	sadd.s32 s30, s21  }
0x119: {  	[tilespmem:s28], [sflag:$0x1] =	stream.linear.gather [hbm4b:s22+s19], $0x80, $0x38;
	[tilespmem:$0x6F80] =	vst v63  }
0x11a: {  	_ =	swait.ge [sflag:s0], $0x80  }
0x11b: {  	[sflag:s0] =	ssyncset.done $0x0  }
0x11c: {  	s23 =	simm.s32 $0x180;
	[sflag:s0] =	ssyncadd.s32 $0xFFFFFF80  }
0x11d: {  	[tilespmem:s23], [sflag:$0x1] =	stream.indirect.gather [hbm4b:s16+s11], $0x1, s19, s11, $0xb8;
	[tilespmem:$0x6F80] =	vst v63  }
0x11e: {  	_ =	swait.ge [sflag:s0], $0x80  }
0x11f: {  	[sflag:s0] =	ssyncset.done $0x0  }
0x120: {  	s30 =	simm.s32 $0x200;
	[sflag:s0] =	ssyncadd.s32 $0xFFFFFF80  }
0x121: {  	[tilespmem:s30], [sflag:$0x1] =	stream.indirect.gather [hbm4b:s17+s11], $0x1, s19, s11, $0xb8;
	[tilespmem:$0x6F80] =	vst v63  }
0x122: {  	_ =	swait.ge [sflag:s0], $0x80  }
0x123: {  	[sflag:s0] =	ssyncset.done $0x0  }
0x124: {  	[sflag:s0] =	ssyncadd.s32 $0xFFFFFF80  }
0x125: {  	[tilespmem:s31], [sflag:$0x1] =	stream.indirect.gather [hbm4b:s18+s11], $0x1, s19, s11, $0xb8;
	[tilespmem:$0x6F80] =	vst v63  }
0x126: {  	_ =	swait.ge [sflag:s0], $0x80  }
0x127: {  	[sflag:s0] =	ssyncset.done $0x0  }
0x128: {  	[sflag:s0] =	ssyncadd.s32 $0xFFFFFF80  }
0x129: {  	[tilespmem:s25], [sflag:$0x1] =	stream.indirect.gather [hbm4b:s16+s11], $0x1, s11, s11, $0xb8;
	[tilespmem:$0x6F80] =	vst v63  }
0x12a: {  	_ =	swait.ge [sflag:s0], $0x80  }
0x12b: {  	[sflag:s0] =	ssyncset.done $0x0  }
0x12c: {  	[sflag:s0] =	ssyncadd.s32 $0xFFFFFF80  }
0x12d: {  	[tilespmem:s26], [sflag:$0x1] =	stream.indirect.gather [hbm4b:s17+s11], $0x1, s11, s11, $0xb8;
	[tilespmem:$0x6F80] =	vst v63  }
0x12e: {  	_ =	swait.ge [sflag:s0], $0x80  }
0x12f: {  	[sflag:s0] =	ssyncset.done $0x0  }
0x130: {  	[sflag:s0] =	ssyncadd.s32 $0xFFFFFF80  }
0x131: {  	[tilespmem:s6], [sflag:$0x1] =	stream.indirect.gather [hbm4b:s18+s11], $0x1, s11, s11, $0xb8;
	[tilespmem:$0x6F80] =	vst v63  }
0x132: {  	_ =	swait.ge [sflag:s0], $0x80  }
0x133: {  	[sflag:s0] =	ssyncset.done $0x0  }
0x134: {  	[sflag:s0] =	ssyncadd.s32 $0xFFFFFF80  }
0x135: {  	[tilespmem:s7], [sflag:$0x1] =	stream.indirect.gather [hbm4b:s16+s11], $0x1, s28, s11, $0xb8;
	[tilespmem:$0x6F80] =	vst v63  }
0x136: {  	_ =	swait.ge [sflag:s0], $0x80  }
0x137: {  	[sflag:s0] =	ssyncset.done $0x0  }
0x138: {  	[sflag:s0] =	ssyncadd.s32 $0xFFFFFF80  }
0x139: {  	[tilespmem:s8], [sflag:$0x1] =	stream.indirect.gather [hbm4b:s17+s11], $0x1, s28, s11, $0xb8;
	[tilespmem:$0x6F80] =	vst v63  }
0x13a: {  	_ =	swait.ge [sflag:s0], $0x80  }
0x13b: {  	[sflag:s0] =	ssyncset.done $0x0  }
0x13c: {  	[sflag:s0] =	ssyncadd.s32 $0xFFFFFF80  }
0x13d: {  	[tilespmem:s13], [sflag:$0x1] =	stream.indirect.gather [hbm4b:s18+s11], $0x1, s28, s11, $0xb8;
	[tilespmem:$0x6F80] =	vst v63  }
0x13e: {  	_ =	swait.ge [sflag:s0], $0x80  }
0x13f: {  	[sflag:s0] =	ssyncset.done $0x0  }
0x140: {  	s22 =	simm.s32 $0x0;
	[sflag:s0] =	ssyncadd.s32 $0xFFFFFF80  }
0x141: {  	v6 =	vld [tilespmem:s22+$0x180]  }
0x142: {  	v5 =	vld [tilespmem:s22+$0x200]  }
0x143: {  	v8 =	vld [tilespmem:s22+$0x280]  }
0x144: {  	v9 =	vld [tilespmem:s22+$0x300]  }
0x145: {  	v1 =	vld [tilespmem:s22+$0x380]  }
0x146: {  	v3 =	vld [tilespmem:s22+$0x400]  }
0x147: {  	v10 =	vld [tilespmem:s22+$0x500]  }
0x148: {  	v11 =	vld [tilespmem:s22+$0x580]  }
0x149: {  	s23 =	simm.s32 $0x10;
	v12 =	vld [tilespmem:s22+$0x480]  }
0x14a: {  	v2 =	vld [tilespmem:s23+$0x180]  }
0x14b: {  	v4 =	vld [tilespmem:s23+$0x200]  }
0x14c: {  	v7 =	vld [tilespmem:s23+$0x280];
	v1 =	vsub.f32 v1, v5;
	v13 =	vsub.f32 v3, v8  }
0x14d: {  	v3 =	vld [tilespmem:s23+$0x300];
	v11 =	vsub.f32 v11, v8;
	v16 =	vsub.f32 v10, v5  }
0x14e: {  	v8 =	vld [tilespmem:s23+$0x380];
	v5 =	vsub.f32 v12, v6;
	v17 =	vsub.f32 v9, v6  }
0x14f: {  	v6 =	vld [tilespmem:s23+$0x400];
	v10 =	vmul.f32 v11, v1;
	v12 =	vmul.f32 v16, v13  }
0x150: {  	v9 =	vld [tilespmem:s23+$0x500];
	v14 =	vmul.f32 v5, v13;
	v15 =	vmul.f32 v11, v17  }
0x151: {  	s29 =	simm.s32 $0x80;
	v13 =	vld [tilespmem:s23+$0x580];
	v11 =	vmul.f32 v16, v17  }
.LBB2_7:
0x152: {  	s30 =	sshra.s32 s29, $0x2;
	p0 =	sne.s32 s29, $0x1C0;
	v16 =	vld [tilespmem:s23+$0x480];
	v10 =	vsub.f32 v10, v12;
	v12 =	vsub.f32 v14, v15;
	v5 =	vmul.f32 v5, v1;
	v14 =	vmovc v3  }
0x153: {  	v15 =	vld [tilespmem:s30+$0x180];
	v1 =	vsub.f32 v8, v4  }
0x154: {  	v17 =	vld [tilespmem:s30+$0x200];
	v5 =	vsub.f32 v11, v5;
	v8 =	vmul.f32 v10, v10;
	v10 =	vmul.f32 v12, v12  }
0x155: {  	v11 =	vsub.f32 v6, v7;
	v18 =	vld [tilespmem:s30+$0x280];
	v19 =	vsub.f32 v9, v4  }
.Ltmp2:
0x156: {  	v3 =	vld [tilespmem:s30+$0x300];
	v13 =	vsub.f32 v13, v7;
	v7 =	vadd.f32 v10, v8;
	v9 =	vmul.f32 v5, v5;
	(pc) =	sbr.rel @p0 .LBB2_7-.Ltmp2, $4  }
0x157: {  	v20 =	vsub.f32 v14, v2;
	v8 =	vld [tilespmem:s30+$0x380];
	v5 =	vsub.f32 v16, v2  }
0x158: {  	v12 =	vmul.f32 v19, v11;
	v6 =	vld [tilespmem:s30+$0x400];
	v10 =	vmul.f32 v13, v1;
	v16 =	vadd.f32 v7, v9;
	v2 =	vmovc v15  }
0x159: {  	v15 =	vmul.f32 v13, v20;
	v9 =	vld [tilespmem:s30+$0x500];
	v14 =	vmul.f32 v5, v11;
	v4 =	vmov v17  }
0x15a: {  	s29 =	sadd.s32 $0x40, s29;
	v11 =	vmul.f32 v19, v20;
	v13 =	vld [tilespmem:s30+$0x580];
	[tilespmem:s22+$0xC00] =	vst v16;
	v7 =	vmov v18;
	s22 =	smov.u32 s23;
	s23 =	smov.u32 s30  }
0x15b: {  	v16 =	vld [tilespmem:s23+$0x480];
	_ =	sdelay $0x2  }
0x15c: {  	v8 =	vsub.f32 v8, v4;
	v6 =	vsub.f32 v6, v7  }
0x15d: {  	v53 =	vsub.f32 v9, v4;
	v54 =	vsub.f32 v13, v7  }
0x15e: {  	v3 =	vsub.f32 v3, v2;
	v2 =	vsub.f32 v16, v2  }
0x15f: {  	v56 =	vmul.f32 v53, v6;
	v55 =	vmul.f32 v54, v8  }
0x160: {  	v10 =	vsub.f32 v10, v12;
	v7 =	vmul.f32 v54, v3;
	v6 =	vmul.f32 v2, v6  }
0x161: {  	v57 =	vsub.f32 v14, v15;
	v1 =	vmul.f32 v5, v1;
	v3 =	vmul.f32 v53, v3  }
0x162: {  	v2 =	vmul.f32 v2, v8;
	v58 =	vsub.f32 v55, v56;
	v59 =	vsub.f32 v6, v7  }
0x163: {  	v1 =	vsub.f32 v11, v1;
	v60 =	vmul.f32 v10, v10;
	v61 =	vmul.f32 v57, v57  }
0x164: {  	v2 =	vsub.f32 v3, v2;
	v3 =	vmul.f32 v58, v58;
	v62 =	vmul.f32 v59, v59  }
0x165: {  	v63 =	vadd.f32 v61, v60;
	v1 =	vmul.f32 v1, v1  }
0x166: {  	v2 =	vmul.f32 v2, v2;
	v3 =	vadd.f32 v62, v3  }
0x167: {  	v1 =	vadd.f32 v63, v1  }
0x168: {  	s20 =	sadd.s32 $0x1, s20;
	v2 =	vadd.f32 v3, v2  }
0x169: {  	s30 =	rddreg [dreg:$0x10];
	p0 =	sne.s32 s20, $0x31;
	[tilespmem:s22+$0xC00] =	vst v1  }
.Ltmp3:
0x16a: {  	s21 =	sadd.s32 s30, s21;
	[tilespmem:s23+$0xC00] =	vst v2;
	(pc) =	sbr.rel @p0 .LBB2_6-.Ltmp3, $4  }
0x16b: {  	[hbm4b:s21+s5] =	stream.linear.scatter [tilespmem:s15], [sflag:$0x1], $0x80, $0x38;
	[tilespmem:$0x6F80] =	vst v63  }
0x16c: {  	_ =	swait.ge [sflag:s0], $0x80  }
0x16d: {  	[sflag:s0] =	ssyncset.done $0x0  }
0x16e: {  	[sflag:s0] =	ssyncadd.s32 $0xFFFFFF80  }
0x16f: {  	[bflag:$0x0] =	sbarrier.arrive $0xFFFF  }
0x170: {  	s20 =	rddreg [dreg:$0x12]  }
0x171: {  	s19 =	rddreg [dreg:$0x18]  }
0x172: {  	s21 =	simm.s32 $0x20;
	s22 =	simm.s32 $0x10;
	s23 =	rddreg [dreg:$0x1e]  }
0x173: {  	[hbm:s19@s21], [sflag:s20] =	dma.strided [spmem:s23@s22], $0x310, s0, $0x10   }
0x174: {  	_ =	swait.ge [sflag:s0], $0x310  }
0x175: {  	[sflag:s0] =	ssyncset.done $0x0;
	s23 =	rddreg [dreg:$0x19]  }
0x176: {  	s29 =	rddreg [dreg:$0x1f];
	[sflag:s0] =	ssyncadd.s32 $0xFFFFFCF0  }
0x177: {  	[hbm:s23@s21], [sflag:s20] =	dma.strided [spmem:s29@s22], $0x310, s0, $0x10   }
0x178: {  	_ =	swait.ge [sflag:s0], $0x310  }
0x179: {  	s29 =	sld [smem:$0x7FC]  }
0x17a: {  	[sflag:s0] =	ssyncset.done $0x0  }
0x17b: {  	s23 =	rddreg [dreg:$0x1a];
	[sflag:s0] =	ssyncadd.s32 $0xFFFFFCF0  }
0x17c: {  	[hbm:s23@s21], [sflag:s20] =	dma.strided [spmem:s29@s22], $0x310, s0, $0x10   }
0x17d: {  	_ =	swait.ge [sflag:s0], $0x310  }
0x17e: {  	s29 =	sld [smem:$0x7FD]  }
0x17f: {  	[sflag:s0] =	ssyncset.done $0x0  }
0x180: {  	s23 =	rddreg [dreg:$0x1b];
	[sflag:s0] =	ssyncadd.s32 $0xFFFFFCF0  }
0x181: {  	[hbm:s23@s21], [sflag:s20] =	dma.strided [spmem:s29@s22], $0x310, s0, $0x10   }
0x182: {  	_ =	swait.ge [sflag:s0], $0x310  }
0x183: {  	s23 =	rddreg [dreg:$0x1d]  }
0x184: {  	s29 =	rddreg [dreg:$0x1c];
	s21 =	sadd.s32 $0x1, s23  }
0x185: {  	p0 =	sne.s32 s21, s29  }
.Ltmp4:
0x186: {  	_ = 	snop;
	(pc) =	sbr.rel @p0 .LBB2_1-.Ltmp4, $3  }
0x187: {  	_ =	sdelay $0x1  }
0x188: {  	[sflag:s0] =	ssyncset.done $0x0  }
0x189: {  	s30 =	rddreg [dreg:$0x6];
	[sflag:s0] =	ssyncadd.s32 $0xFFFFFCF0  }
0x18a: {  	_ =	sfence.sel $0x180000  }
0x18b: {  	[bflag:$0x0] =	sbarrier.arrive $0xFFFF  }
0x18c: {  	_ =	strace $0x90000047  }
0x18d: {  	s0 =	stileid.u32;
	[bflag:$0x2] =	sbarrier.arrive $0xFFFF  }
0x18e: {  	p0 =	sne.s32 s0, $0x0;
	s0 =	rddreg [dreg:$0x5]  }
0x18f: {  	s0 =	sadd.s32 @!p0 $0x100000, s0  }
0x190: {  	[sflag:s0] =	ssyncadd.tile.s32 @!p0 $0x1;
	_ =	shalt  }
.Lfunc_end2:
_tile_overlayer_lowered:
.L_overlay_start_2:
0x191: {  	(tag) =	ssettag $0x2  }
0x192: {  	s0 =	rddreg [dreg:$0x0];
	s2 =	stileid.u32  }
0x193: {  	s1 =	rddreg [dreg:$0x1];
	p0 =	sne.s32 s2, $0x0  }
0x194: {  	s3 =	rddreg [dreg:$0x2];
	[bflag:$0x3] =	sbarrier.arrive $0xFFFF;
	s2 =	simm.s32 @!p0 $0x1C01  }
0x195: {  	[timem:s3], [sflag:s2] =	dma.local @!p0 [hbm:s0], s1  }
0x196: {  	s0 =	simm.s32 @!p0 $0x1  }
0x197: {  	_ =	swait.ge @!p0 [sflag:s0], s1  }
0x198: {  	s1 =	ssub.s32 @!p0 $0x0, s1;
	[sflag:s0] =	ssyncset.done @!p0 $0x0  }
0x199: {  	[sflag:s0] =	ssyncadd.s32 @!p0 s1  }
0x19a: {  	[bflag:$0x3] =	sbarrier.arrive $0xFFFF  }
0x19b: {  	_ =	shalt  }

// kernel: kernel.13.cloned.1.call-start
scs
__scs_entry_jumppad:
0x0: {  	(pc) =	sbr.rel $0x88, $3  }
0x1: {  	(tag) =	ssettag $0x0;
	lr =	simm.s32 $0x1  }
0x2: {  	[smem:$0x3F9C] =	sst lr;
	_ =	strace $0xD0000000  }
0x3: {  	_ = 	snop  }
0x4: {  	_ = 	snop  }
0x5: {  	_ = 	snop  }
0x6: {  	_ = 	snop  }
0x7: {  	_ = 	snop  }
__scs_overlays_trampoline_lowered:
0x8: {  	[smem:$0x3FAB] =	sst s0  }
0x9: {  	[smem:$0x3FAC] =	sst s1  }
0xa: {  	[smem:$0x3FAD] =	sst s2  }
0xb: {  	[smem:$0x3FAE] =	sst s3  }
0xc: {  	[smem:$0x3FAF] =	sst s4  }
0xd: {  	[smem:$0x3FB0] =	sst s5  }
0xe: {  	[smem:$0x3FB1] =	sst s6  }
0xf: {  	[smem:$0x3FB2] =	sst s7  }
0x10: {  	[smem:$0x3FB3] =	sst s8  }
0x11: {  	[smem:$0x3FB4] =	sst s9;
	s0 =	simm.s32 @!p0 $0x0  }
0x12: {  	s1 =	sld [smem:$0x3F9A];
	s0 =	simm.s32 @p0 $0x1  }
0x13: {  	[smem:$0x3FB5] =	sst s0;
	s0 =	simm.s32 @!p1 $0x0  }
0x14: {  	s2 =	sld [smem:$0x3F99];
	s0 =	simm.s32 @p1 $0x1  }
0x15: {  	[smem:$0x3FB6] =	sst s0;
	s0 =	simm.s32 @!p2 $0x0  }
0x16: {  	s3 =	sld [smem:$0x3FDB];
	s0 =	simm.s32 @p2 $0x1  }
0x17: {  	s4 =	simm.s32 $0x1BF5;
	[smem:$0x3FB8] =	sst s0  }
0x18: {  	s0 =	sld [smem:$0x3F9B];
	_ =	swait.ge [sflag:s4], $0x0  }
0x19: {  	s7 =	sld [smem:$0x3F9C]  }
0x1a: {  	s8 =	sadd.s32 $0xFFFFE003, lr  }
0x1b: {  	s9 =	sadd.s32 $0xFFFFFEF7, lr;
	s5 =	simm.s32 $0xFFFFFFFF;
	p2 =	slt.u32 s8, $0xFFFFF086  }
0x1c: {  	p1 =	slt.u32 s9, $0xF7A;
	s5 =	simm.s32 @!p2 $0x0  }
0x1d: {  	s5 =	simm.s32 @p1 $0x1;
	p0 =	seq.s32 s7, s2  }
0x1e: {  	s7 =	smul.u32 @!p0 $0xF7A, s2;
	p2 =	seq.s32 @!p0 s5, $0x0  }
0x1f: {  	s9 =	smul.u32 $0xF7A, s1;
	s8 =	simm.s32 @!p0 $0x1BF5;
	p2 =	por !p2, p0  }
0x20: {  	[sflag:s8] =	ssyncset.s32 @!p0 $0xFFFFF086;
	s6 =	sadd.s32 @!p0 s3, s7;
	s7 =	simm.s32 @!p0 $0x108  }
0x21: {  	s3 =	sadd.s32 s3, s9;
	s6 =	sadd.s32 @!p0 $0x88, s6;
	s7 =	simm.s32 @p2 $0x1082  }
0x22: {  	[simem:s7], [sflag:s8] =	dma.local @!p0 [hbm:s6], $0xF7A  }
0x23: {  	s9 =	sor.u32 $0xD0000000, s2;
	s6 =	simm.s32 $0x108;
	_ =	swait.ge @!p0 [sflag:s8], $0x0  }
0x24: {  	s3 =	sadd.s32 $0x88, s3;
	s6 =	simm.s32 @!p1 $0x1082;
	[sflag:s4] =	ssyncset.s32 $0xFFFFF086  }
0x25: {  	[simem:s6], [sflag:s4] =	dma.local [hbm:s3], $0xF7A  }
0x26: {  	[smem:$0x3F9C] =	sst s1;
	(tag) =	ssettag s2;
	_ =	strace s9  }
0x27: {  	s1 =	sld [smem:$0x3FAC]  }
0x28: {  	s2 =	sld [smem:$0x3FAD]  }
0x29: {  	s4 =	sld [smem:$0x3FAF]  }
0x2a: {  	p0 =	seq.s32 s5, $0x0;
	s5 =	sld [smem:$0x3FB0]  }
0x2b: {  	s6 =	sld [smem:$0x3FB1]  }
0x2c: {  	s7 =	sld [smem:$0x3FB2]  }
0x2d: {  	s3 =	simm.s32 $0x108;
	s8 =	sld [smem:$0x3FB3]  }
0x2e: {  	s3 =	simm.s32 @!p0 $0x1082;
	s9 =	sld [smem:$0x3FB4]  }
0x2f: {  	lr =	sadd.s32 s0, s3;
	s0 =	sld [smem:$0x3FAB]  }
0x30: {  	s3 =	sld [smem:$0x3FAE]  }
0x31: {  	[smem:$0x3FB7] =	sst s10  }
0x32: {  	s10 =	sld [smem:$0x3FB5];
	_ =	sdelay $0x3  }
0x33: {  	p0 =	seq.s32 s10, $0x1;
	s10 =	sld [smem:$0x3FB7];
	_ =	sdelay $0x3  }
0x34: {  	[smem:$0x3FB7] =	sst s10  }
0x35: {  	s10 =	sld [smem:$0x3FB6];
	_ =	sdelay $0x3  }
0x36: {  	p1 =	seq.s32 s10, $0x1;
	s10 =	sld [smem:$0x3FB7];
	_ =	sdelay $0x3  }
0x37: {  	[smem:$0x3FB7] =	sst s10  }
0x38: {  	s10 =	sld [smem:$0x3FB8]  }
0x39: {  	_ = 	snop;
	(pc) =	sbr.ind lr, $3  }
0x3a: {  	_ = 	snop  }
0x3b: {  	_ = 	snop  }
0x3c: {  	p2 =	seq.s32 s10, $0x1;
	s10 =	sld [smem:$0x3FB7]  }
0x3d: {  	_ =	shalt  }
0x3e: {  	_ =	shalt  }
0x3f: {  	_ =	shalt  }
0x40: {  	_ =	shalt  }
0x41: {  	_ =	shalt  }
0x42: {  	_ =	shalt  }
0x43: {  	_ =	shalt  }
0x44: {  	_ =	shalt  }
0x45: {  	_ =	shalt  }
0x46: {  	_ =	shalt  }
0x47: {  	_ =	shalt  }
0x48: {  	_ =	shalt  }
0x49: {  	_ =	shalt  }
0x4a: {  	_ =	shalt  }
0x4b: {  	_ =	shalt  }
0x4c: {  	_ =	shalt  }
0x4d: {  	_ =	shalt  }
0x4e: {  	_ =	shalt  }
0x4f: {  	_ =	shalt  }
0x50: {  	_ =	shalt  }
0x51: {  	_ =	shalt  }
0x52: {  	_ =	shalt  }
0x53: {  	_ =	shalt  }
0x54: {  	_ =	shalt  }
0x55: {  	_ =	shalt  }
0x56: {  	_ =	shalt  }
0x57: {  	_ =	shalt  }
0x58: {  	_ =	shalt  }
0x59: {  	_ =	shalt  }
0x5a: {  	_ =	shalt  }
0x5b: {  	_ =	shalt  }
0x5c: {  	_ =	shalt  }
0x5d: {  	_ =	shalt  }
0x5e: {  	_ =	shalt  }
0x5f: {  	_ =	shalt  }
0x60: {  	_ =	shalt  }
0x61: {  	_ =	shalt  }
0x62: {  	_ =	shalt  }
0x63: {  	_ =	shalt  }
0x64: {  	_ =	shalt  }
0x65: {  	_ =	shalt  }
0x66: {  	_ =	shalt  }
0x67: {  	_ =	shalt  }
0x68: {  	_ =	shalt  }
0x69: {  	_ =	shalt  }
0x6a: {  	_ =	shalt  }
0x6b: {  	_ =	shalt  }
0x6c: {  	_ =	shalt  }
0x6d: {  	_ =	shalt  }
0x6e: {  	_ =	shalt  }
0x6f: {  	_ =	shalt  }
0x70: {  	_ =	shalt  }
0x71: {  	_ =	shalt  }
0x72: {  	_ =	shalt  }
0x73: {  	_ =	shalt  }
0x74: {  	_ =	shalt  }
0x75: {  	_ =	shalt  }
0x76: {  	_ =	shalt  }
0x77: {  	_ =	shalt  }
0x78: {  	_ =	shalt  }
0x79: {  	_ =	shalt  }
0x7a: {  	_ =	shalt  }
0x7b: {  	_ =	shalt  }
0x7c: {  	_ =	shalt  }
0x7d: {  	_ =	shalt  }
0x7e: {  	_ =	shalt  }
0x7f: {  	_ =	shalt  }
0x80: {  	_ =	shalt  }
0x81: {  	_ =	shalt  }
0x82: {  	_ =	shalt  }
0x83: {  	_ =	shalt  }
0x84: {  	_ =	shalt  }
0x85: {  	_ =	shalt  }
0x86: {  	_ =	shalt  }
0x87: {  	_ =	shalt  }
.Lfunc_end0:
.L_simem_size_0:
called_computation.1_lowered:
.L_overlay_start_0:
0x88: {  	s2 =	sld [smem:$0x3FD9]  }
0x89: {  	s3 =	sld [smem:$0x3FFE];
	_ =	sdelay $0x1  }
0x8a: {  	s1 =	srdreg.scid  }
0x8b: {  	s0 =	sand.u32 $0x1, s1  }
0x8c: {  	s17 =	sshll.u32 s0, $0xA;
	s2 =	sadd.s32 s3, s2  }
0x8d: {  	s2 =	sadd.s32 s2, s17  }
0x8e: {  	[smem:$0x3FC3] =	sst s2  }
0x8f: {  	_ = 	snop  }
0x90: {  	(tm) =	ssettm $0x1  }
0x91: {  	s18 =	sld [smem:$0x3FFB];
	_ =	sdelay $0x3  }
0x92: {  	_ =	strace s18  }
0x93: {  	s2 =	sld [smem:$0x3FFC];
	_ =	sdelay $0x3  }
0x94: {  	_ =	strace s2  }
0x95: {  	s2 =	sld [smem:$0x3FFD];
	_ =	sdelay $0x3  }
0x96: {  	_ =	strace s2  }
0x97: {  	_ =	strace $0x8FFFFFFF  }
0x98: {  	s19 =	sld [smem:$0x3FDB];
	_ =	sdelay $0x1  }
0x99: {  	s20 =	simm.s32 $_scs_section_size  }
0x9a: {  	s4 =	simm.s32 $_size__tile_overlayer_lowered;
	s5 =	simm.s32 $_tile_overlayer_lowered  }
0x9b: {  	s6 =	simm.s32 $0x1BFF;
	s21 =	sshll.u32 s5, $0x1;
	s3 =	sadd.s32 s20, s19  }
0x9c: {  	s22 =	simm.s32 $0x0;
	s4 =	sshll.u32 s4, $0x1;
	s5 =	sadd.s32 s21, s3  }
0x9d: {  	[timem:s22], [sflag:s6] =	dma.local [hbm:s5], s4  }
0x9e: {  	_ =	swait.ge [sflag:s6], s4  }
0x9f: {  	s4 =	ssub.s32 $0x0, s4;
	[sflag:s6] =	ssyncset.done $0x0  }
0xa0: {  	[sflag:s6] =	ssyncadd.s32 s4;
	_ =	sdelay $0x1  }
0xa1: {  	s23 =	simm.s32 $0x1B8B  }
0xa2: {  	_ =	swait.ge [sflag:s23], $0x1  }
0xa3: {  	[sflag:s23] =	ssyncset.done $0x0  }
0xa4: {  	[sflag:s23] =	ssyncadd.s32 $0xFFFFFFFF  }
0xa5: {  	s4 =	sld [smem:$0x0]  }
0xa6: {  	s5 =	sand.u32 $0xFFFFFFFE, s1  }
0xa7: {  	p0 =	sne.s32 s1, s5  }
0xa8: {  	s5 =	sshll.u32 @p0 s5, $0xE  }
0xa9: {  	s5 =	sadd.s32 @p0 $0x11B8D, s5;
	s6 =	sshll.u32 @p0 s4, $0x11  }
0xaa: {  	s5 =	sor.u32 @p0 s6, s5  }
0xab: {  	[sflag:s5] =	ssyncadd.remote.s32 @p0 $0x1;
	_ =	sdelay $0x1  }
0xac: {  	s5 =	simm.s32 @p0 $0x1B8D  }
0xad: {  	_ =	swait.eq @p0 [sflag:s5], $0x1  }
0xae: {  	[sflag:s5] =	ssyncadd.s32 @p0 $0xFFFFFFFF  }
0xaf: {  	s6 =	sshll.u32 @!p0 s1, $0xE  }
0xb0: {  	s6 =	sor.u32 @!p0 $0x4000, s6;
	s5 =	simm.s32 @!p0 $0x1B8D  }
0xb1: {  	s4 =	sshll.u32 @!p0 s4, $0x11;
	s6 =	sadd.s32 @!p0 $0x11B8D, s6;
	_ =	swait.eq @!p0 [sflag:s5], $0x1  }
0xb2: {  	s4 =	sor.u32 @!p0 s4, s6;
	[sflag:s5] =	ssyncadd.s32 @!p0 $0xFFFFFFFF  }
0xb3: {  	s25 =	simm.s32 $0x1B8E;
	s24 =	sld [smem:$0x3FFE];
	[sflag:s4] =	ssyncadd.remote.s32 @!p0 $0x1  }
0xb4: {  	s26 =	simm.s32 $execute0_lowered;
	[smem:$0x3FD2] =	sst s25  }
0xb5: {  	s5 =	sshll.u32 s26, $0x1;
	_ =	strace $0x8000004C;
	[dreg:$0x1] =	wrdreg $0xFFFFFFFF  }
0xb6: {  	s28 =	simm.s32 $_size_execute0_lowered;
	s3 =	sadd.s32 s3, s5;
	[dreg:$0x0] =	wrdreg $0x0  }
0xb7: {  	s5 =	sshll.u32 s28, $0x1;
	[dreg:$0x2] =	wrdreg s3  }
0xb8: {  	[dreg:$0x3] =	wrdreg s5  }
0xb9: {  	[dreg:$0x4] =	wrdreg $0xC0  }
0xba: {  	_ =	task [dreg:s22], $0x5FFFF  }
0xbb: {  	[dreg:$0x1] =	wrdreg $0xFFFFFFFF  }
0xbc: {  	[dreg:$0x0] =	wrdreg $0x60  }
0xbd: {  	[dreg:$0x2] =	wrdreg s24  }
0xbe: {  	[dreg:$0x3] =	wrdreg $0x9  }
0xbf: {  	_ =	task.clear_ibuf [dreg:s22], $0x4FFFF;
	_ =	strace $0x9000004C  }
0xc0: {  	s29 =	simm.s32 $0x9;
	_ =	strace $0x8000004E  }
0xc1: {  	_ =	swait.ge [sflag:s29], $0x1  }
0xc2: {  	[sflag:s29] =	ssyncadd.s32 $0xFFFFFFFF  }
0xc3: {  	_ =	strace $0x9000004E  }
0xc4: {  	_ =	sfence  }
0xc5: {  	s30 =	sld [smem:$0x0];
	_ =	sdelay $0x2  }
0xc6: {  	s31 =	sshll.u32 s1, $0xD;
	s1 =	sshrl.u32 s1, $0x2  }
0xc7: {  	s4 =	sand.u32 $0x4000, s31;
	s1 =	sadd.s32 s1, s30  }
0xc8: {  	s0 =	sor.u32 s4, s0;
	s1 =	sshll.u32 s1, $0x11  }
0xc9: {  	s0 =	sor.u32 s1, s0  }
0xca: {  	s0 =	sadd.s32 $0x8F2B, s0  }
0xcb: {  	[sflag:s0] =	ssyncadd.remote.s32 $0x1  }
0xcc: {  	_ =	sfence.sel $0xFFFF  }
0xcd: {  	[dreg:$0x0] =	wrdreg $0xFFFFFFFF;
	(pc) =	sbr.abs _section_cstart, $3  }
0xce: {  	[dreg:$0x1] =	wrdreg $0xFFFFFFFF  }
0xcf: {  	_ =	task.clear_ibuf [dreg:s22], $0x2FFFF;
	_ =	strace $0x9FFFFFFF  }
0xd0: {  	(tm) =	ssettm $0x7FFFFFFF  }
0xd1: {  	_ =	shalt  }
tec
execute0_lowered:
.L_overlay_start_1:
0x0: {  	(tag) =	ssettag $0x1  }
0x1: {  	s6 =	rddreg [dreg:$0x0]  }
0x2: {  	s0 =	rddreg [dreg:$0x1];
	s1 =	simm.s32 $0x0  }
0x3: {  	s2 =	stileid.u32;
	s7 =	srdreg.scid;
	s13 =	simm.s32 $0x180  }
0x4: {  	s14 =	simm.s32 $0x200;
	s15 =	simm.s32 $0x280;
	s16 =	simm.s32 $0x300  }
0x5: {  	s17 =	simm.s32 $0x380;
	s18 =	simm.s32 $0x400;
	s19 =	simm.s32 $0x0  }
0x6: {  	[smem:$0x7FF] =	sst s1;
	s3 =	sadd.s32 $0x38A00, s6;
	s4 =	sadd.s32 $0x3EC00, s6  }
0x7: {  	s5 =	sadd.s32 $0x44E00, s6;
	s8 =	smul.u32 $0x940, s2;
	s7 =	sand.u32 $0x1, s7  }
0x8: {  	s9 =	sshll.u32 s2, $0x5;
	_ =	strace $0x8000004D;
	s10 =	sshll.u32 s7, $0x4  }
0x9: {  	s11 =	ssub.s32 $0x2, s7;
	s12 =	smul.u32 $0x4A0, s7;
	s9 =	sor.u32 s10, s9  }
0xa: {  	s29 =	sshrl.u32 s11, $0x1;
	s8 =	sadd.s32 s8, s6;
	s10 =	simm.s32 $0x1  }
0xb: {  	s6 =	sadd.s32 s9, s6;
	s30 =	ssub.s32 s11, s29;
	s31 =	sadd.s32 s12, s8  }
0xc: {  	s11 =	simm.s32 $0x80;
	s12 =	simm.s32 $0x100;
	s6 =	sadd.s32 $0x55400, s6  }
0xd: {  	s7 =	smax.u32 s30, $0x1;
	s8 =	sadd.s32 $0x73C00, s31;
	s9 =	sadd.s32 $0x4C000, s31  }
.LBB2_1:
0xe: {  	s20 =	sadd.s32 $0x0, s9  }
0xf: {  	[tilespmem:s1], [sflag:$0x1] =	stream.linear.gather [hbm4b:s20+s1], $0x80, $0x38;
	[tilespmem:$0x480] =	vst v63  }
0x10: {  	_ =	swait.ge [sflag:s10], $0x80  }
0x11: {  	[sflag:s10] =	ssyncset.done $0x0  }
0x12: {  	s29 =	sadd.s32 $0x0, s8;
	[sflag:s10] =	ssyncadd.s32 $0xFFFFFF80  }
0x13: {  	[tilespmem:s11], [sflag:$0x1] =	stream.linear.gather [hbm4b:s29+s1], $0x80, $0x38;
	[tilespmem:$0x480] =	vst v63  }
0x14: {  	_ =	swait.ge [sflag:s10], $0x80  }
0x15: {  	[sflag:s10] =	ssyncset.done $0x0  }
0x16: {  	[sflag:s10] =	ssyncadd.s32 $0xFFFFFF80  }
0x17: {  	[tilespmem:s12], [sflag:$0x1] =	stream.indirect.gather [hbm4b:s3+s11], $0x1, s1, s11, $0xb8;
	[tilespmem:$0x480] =	vst v63  }
0x18: {  	_ =	swait.ge [sflag:s10], $0x80  }
0x19: {  	[sflag:s10] =	ssyncset.done $0x0  }
0x1a: {  	[sflag:s10] =	ssyncadd.s32 $0xFFFFFF80  }
0x1b: {  	[tilespmem:s13], [sflag:$0x1] =	stream.indirect.gather [hbm4b:s4+s11], $0x1, s1, s11, $0xb8;
	[tilespmem:$0x480] =	vst v63  }
0x1c: {  	_ =	swait.ge [sflag:s10], $0x80  }
0x1d: {  	[sflag:s10] =	ssyncset.done $0x0  }
0x1e: {  	[sflag:s10] =	ssyncadd.s32 $0xFFFFFF80  }
0x1f: {  	[tilespmem:s14], [sflag:$0x1] =	stream.indirect.gather [hbm4b:s5+s11], $0x1, s1, s11, $0xb8;
	[tilespmem:$0x480] =	vst v63  }
0x20: {  	_ =	swait.ge [sflag:s10], $0x80  }
0x21: {  	[sflag:s10] =	ssyncset.done $0x0  }
0x22: {  	[sflag:s10] =	ssyncadd.s32 $0xFFFFFF80  }
0x23: {  	[tilespmem:s15], [sflag:$0x1] =	stream.indirect.gather [hbm4b:s3+s11], $0x1, s11, s11, $0xb8;
	[tilespmem:$0x480] =	vst v63  }
0x24: {  	_ =	swait.ge [sflag:s10], $0x80  }
0x25: {  	[sflag:s10] =	ssyncset.done $0x0  }
0x26: {  	[sflag:s10] =	ssyncadd.s32 $0xFFFFFF80  }
0x27: {  	[tilespmem:s16], [sflag:$0x1] =	stream.indirect.gather [hbm4b:s4+s11], $0x1, s11, s11, $0xb8;
	[tilespmem:$0x480] =	vst v63  }
0x28: {  	_ =	swait.ge [sflag:s10], $0x80  }
0x29: {  	[sflag:s10] =	ssyncset.done $0x0  }
0x2a: {  	[sflag:s10] =	ssyncadd.s32 $0xFFFFFF80  }
0x2b: {  	[tilespmem:s17], [sflag:$0x1] =	stream.indirect.gather [hbm4b:s5+s11], $0x1, s11, s11, $0xb8;
	[tilespmem:$0x480] =	vst v63  }
0x2c: {  	_ =	swait.ge [sflag:s10], $0x80  }
0x2d: {  	[sflag:s10] =	ssyncset.done $0x0  }
0x2e: {  	[sflag:s10] =	ssyncadd.s32 $0xFFFFFF80  }
0x2f: {  	v0 =	vld [tilespmem:$0x180]  }
0x30: {  	v1 =	vld [tilespmem:$0x300]  }
0x31: {  	v2 =	vld [tilespmem:$0x100]  }
0x32: {  	v3 =	vld [tilespmem:$0x280]  }
0x33: {  	v4 =	vld [tilespmem:$0x200]  }
0x34: {  	v5 =	vld [tilespmem:$0x380]  }
0x35: {  	v6 =	vld [tilespmem:$0x110]  }
0x36: {  	v7 =	vld [tilespmem:$0x290]  }
0x37: {  	v8 =	vld [tilespmem:$0x190];
	v2 =	vmul.f32 v3, v2  }
0x38: {  	v10 =	vimm.f32 $0.0e+00;
	v9 =	vld [tilespmem:$0x310]  }
0x39: {  	v11 =	vld [tilespmem:$0x390];
	v0 =	vmul.f32 v1, v0;
	v1 =	vadd.f32 v2, v10  }
0x3a: {  	v37 =	vld [tilespmem:$0x2A0]  }
0x3b: {  	v38 =	vld [tilespmem:$0x320];
	v4 =	vmul.f32 v5, v4;
	v0 =	vadd.f32 v0, v1  }
0x3c: {  	v3 =	vld [tilespmem:$0x210]  }
0x3d: {  	v39 =	vld [tilespmem:$0x220];
	v6 =	vmul.f32 v7, v6;
	v0 =	vadd.f32 v4, v0  }
0x3e: {  	v2 =	vld [tilespmem:$0x120]  }
0x3f: {  	v40 =	vld [tilespmem:$0x3A0];
	v8 =	vmul.f32 v9, v8;
	v0 =	vadd.f32 v6, v0  }
0x40: {  	v1 =	vld [tilespmem:$0x1A0]  }
0x41: {  	v41 =	vld [tilespmem:$0x130];
	v3 =	vmul.f32 v11, v3;
	v0 =	vadd.f32 v8, v0  }
0x42: {  	v42 =	vld [tilespmem:$0x2B0]  }
0x43: {  	v43 =	vld [tilespmem:$0x1B0];
	v2 =	vmul.f32 v37, v2;
	v0 =	vadd.f32 v3, v0  }
0x44: {  	v44 =	vld [tilespmem:$0x330]  }
0x45: {  	v45 =	vld [tilespmem:$0x3B0];
	v1 =	vmul.f32 v38, v1;
	v0 =	vadd.f32 v2, v0  }
0x46: {  	v46 =	vld [tilespmem:$0x2C0]  }
0x47: {  	v47 =	vld [tilespmem:$0x340];
	v4 =	vmul.f32 v40, v39;
	v0 =	vadd.f32 v1, v0  }
0x48: {  	v3 =	vld [tilespmem:$0x230]  }
0x49: {  	v48 =	vld [tilespmem:$0x240];
	v6 =	vmul.f32 v42, v41;
	v0 =	vadd.f32 v4, v0  }
0x4a: {  	v2 =	vld [tilespmem:$0x140]  }
0x4b: {  	v49 =	vld [tilespmem:$0x3C0];
	v8 =	vmul.f32 v44, v43;
	v0 =	vadd.f32 v6, v0  }
0x4c: {  	v1 =	vld [tilespmem:$0x1C0]  }
0x4d: {  	v50 =	vld [tilespmem:$0x150];
	v3 =	vmul.f32 v45, v3;
	v0 =	vadd.f32 v8, v0  }
0x4e: {  	v51 =	vld [tilespmem:$0x2D0]  }
0x4f: {  	v52 =	vld [tilespmem:$0x1D0];
	v2 =	vmul.f32 v46, v2;
	v0 =	vadd.f32 v3, v0  }
0x50: {  	v53 =	vld [tilespmem:$0x350]  }
0x51: {  	v54 =	vld [tilespmem:$0x3D0];
	v1 =	vmul.f32 v47, v1;
	v0 =	vadd.f32 v2, v0  }
0x52: {  	v55 =	vld [tilespmem:$0x2E0]  }
0x53: {  	v56 =	vld [tilespmem:$0x360];
	v4 =	vmul.f32 v49, v48;
	v0 =	vadd.f32 v1, v0  }
0x54: {  	v3 =	vld [tilespmem:$0x250]  }
0x55: {  	v57 =	vld [tilespmem:$0x260];
	v6 =	vmul.f32 v51, v50;
	v0 =	vadd.f32 v4, v0  }
0x56: {  	v2 =	vld [tilespmem:$0x160]  }
0x57: {  	v58 =	vld [tilespmem:$0x3E0];
	v8 =	vmul.f32 v53, v52;
	v0 =	vadd.f32 v6, v0  }
0x58: {  	v1 =	vld [tilespmem:$0x1E0]  }
0x59: {  	v59 =	vld [tilespmem:$0x170];
	v3 =	vmul.f32 v54, v3;
	v0 =	vadd.f32 v8, v0  }
0x5a: {  	v60 =	vld [tilespmem:$0x2F0]  }
0x5b: {  	v61 =	vld [tilespmem:$0x1F0];
	v2 =	vmul.f32 v55, v2;
	v0 =	vadd.f32 v3, v0  }
0x5c: {  	v62 =	vld [tilespmem:$0x370]  }
0x5d: {  	v63 =	vld [tilespmem:$0x3F0];
	v1 =	vmul.f32 v56, v1;
	v0 =	vadd.f32 v2, v0  }
0x5e: {  	s30 =	sadd.s32 $0x10, s9;
	v3 =	vld [tilespmem:$0x270]  }
0x5f: {  	[tilespmem:s1], [sflag:$0x1] =	stream.linear.gather [hbm4b:s30+s1], $0x80, $0x38;
	v2 =	vmul.f32 v58, v57;
	v0 =	vadd.f32 v1, v0;
	[tilespmem:$0x480] =	vst v63  }
0x60: {  	_ =	swait.ge [sflag:s10], $0x80  }
0x61: {  	[sflag:s10] =	ssyncset.done $0x0;
	v1 =	vmul.f32 v60, v59;
	v2 =	vadd.f32 v2, v0  }
0x62: {  	s31 =	sadd.s32 $0x10, s8;
	s20 =	simm.s32 $0x20;
	[sflag:s10] =	ssyncadd.s32 $0xFFFFFF80  }
0x63: {  	[tilespmem:s11], [sflag:$0x1] =	stream.linear.gather [hbm4b:s31+s1], $0x80, $0x38;
	v0 =	vmul.f32 v62, v61;
	v2 =	vadd.f32 v1, v2;
	v1 =	vmul.f32 v63, v3;
	[tilespmem:$0x480] =	vst v63  }
.LBB2_2:
0x64: {  	p0 =	sne.s32 s20, $0x490  }
0x65: {  	_ =	swait.ge [sflag:s10], $0x80;
	s21 =	smov.u32 s20;
	s20 =	sadd.s32 $0x10, s20  }
0x66: {  	[sflag:s10] =	ssyncset.done $0x0;
	v0 =	vadd.f32 v0, v2  }
0x67: {  	[sflag:s10] =	ssyncadd.s32 $0xFFFFFF80  }
0x68: {  	[tilespmem:s12], [sflag:$0x1] =	stream.indirect.gather [hbm4b:s3+s11], $0x1, s1, s11, $0xb8;
	v0 =	vadd.f32 v1, v0;
	[tilespmem:$0x480] =	vst v63  }
0x69: {  	_ =	swait.ge [sflag:s10], $0x80  }
0x6a: {  	[sflag:s10] =	ssyncset.done $0x0  }
0x6b: {  	[sflag:s10] =	ssyncadd.s32 $0xFFFFFF80  }
0x6c: {  	[tilespmem:s13], [sflag:$0x1] =	stream.indirect.gather [hbm4b:s4+s11], $0x1, s1, s11, $0xb8;
	[tilespmem:$0x480] =	vst v63  }
0x6d: {  	_ =	swait.ge [sflag:s10], $0x80  }
0x6e: {  	[sflag:s10] =	ssyncset.done $0x0  }
0x6f: {  	[sflag:s10] =	ssyncadd.s32 $0xFFFFFF80  }
0x70: {  	[tilespmem:s14], [sflag:$0x1] =	stream.indirect.gather [hbm4b:s5+s11], $0x1, s1, s11, $0xb8;
	[tilespmem:$0x480] =	vst v63  }
0x71: {  	_ =	swait.ge [sflag:s10], $0x80  }
0x72: {  	[sflag:s10] =	ssyncset.done $0x0  }
0x73: {  	[sflag:s10] =	ssyncadd.s32 $0xFFFFFF80  }
0x74: {  	[tilespmem:s15], [sflag:$0x1] =	stream.indirect.gather [hbm4b:s3+s11], $0x1, s11, s11, $0xb8;
	[tilespmem:$0x480] =	vst v63  }
0x75: {  	_ =	swait.ge [sflag:s10], $0x80  }
0x76: {  	[sflag:s10] =	ssyncset.done $0x0  }
0x77: {  	[sflag:s10] =	ssyncadd.s32 $0xFFFFFF80  }
0x78: {  	[tilespmem:s16], [sflag:$0x1] =	stream.indirect.gather [hbm4b:s4+s11], $0x1, s11, s11, $0xb8;
	[tilespmem:$0x480] =	vst v63  }
0x79: {  	_ =	swait.ge [sflag:s10], $0x80  }
0x7a: {  	[sflag:s10] =	ssyncset.done $0x0  }
0x7b: {  	[sflag:s10] =	ssyncadd.s32 $0xFFFFFF80  }
0x7c: {  	[tilespmem:s17], [sflag:$0x1] =	stream.indirect.gather [hbm4b:s5+s11], $0x1, s11, s11, $0xb8;
	[tilespmem:$0x480] =	vst v63  }
0x7d: {  	_ =	swait.ge [sflag:s10], $0x80  }
0x7e: {  	[sflag:s10] =	ssyncset.done $0x0  }
0x7f: {  	[sflag:s10] =	ssyncadd.s32 $0xFFFFFF80  }
0x80: {  	v1 =	vld [tilespmem:$0x180]  }
0x81: {  	v2 =	vld [tilespmem:$0x300]  }
0x82: {  	v3 =	vld [tilespmem:$0x100]  }
0x83: {  	v4 =	vld [tilespmem:$0x280]  }
0x84: {  	v5 =	vld [tilespmem:$0x200]  }
0x85: {  	v6 =	vld [tilespmem:$0x380]  }
0x86: {  	v7 =	vld [tilespmem:$0x110]  }
0x87: {  	v1 =	vmul.f32 v2, v1;
	v2 =	vld [tilespmem:$0x290]  }
0x88: {  	v3 =	vmul.f32 v4, v3;
	v4 =	vld [tilespmem:$0x190]  }
0x89: {  	v8 =	vld [tilespmem:$0x310]  }
0x8a: {  	v0 =	vadd.f32 v3, v0;
	v3 =	vmul.f32 v6, v5;
	v5 =	vld [tilespmem:$0x210]  }
0x8b: {  	v6 =	vld [tilespmem:$0x390]  }
0x8c: {  	v0 =	vadd.f32 v1, v0;
	v1 =	vmul.f32 v2, v7;
	v2 =	vld [tilespmem:$0x120]  }
0x8d: {  	v7 =	vld [tilespmem:$0x2A0]  }
0x8e: {  	v0 =	vadd.f32 v3, v0;
	v3 =	vmul.f32 v8, v4;
	v4 =	vld [tilespmem:$0x1A0]  }
0x8f: {  	v8 =	vld [tilespmem:$0x320]  }
0x90: {  	v0 =	vadd.f32 v1, v0;
	v1 =	vmul.f32 v6, v5;
	v5 =	vld [tilespmem:$0x220]  }
0x91: {  	v6 =	vld [tilespmem:$0x3A0]  }
0x92: {  	v0 =	vadd.f32 v3, v0;
	v3 =	vld [tilespmem:$0x130]  }
0x93: {  	v2 =	vmul.f32 v7, v2;
	v7 =	vld [tilespmem:$0x2B0]  }
0x94: {  	v0 =	vadd.f32 v1, v0;
	v1 =	vmul.f32 v8, v4;
	v4 =	vld [tilespmem:$0x1B0]  }
0x95: {  	v8 =	vld [tilespmem:$0x330]  }
0x96: {  	v0 =	vadd.f32 v2, v0;
	v2 =	vmul.f32 v6, v5;
	v5 =	vld [tilespmem:$0x230]  }
0x97: {  	v6 =	vld [tilespmem:$0x3B0]  }
0x98: {  	v0 =	vadd.f32 v1, v0;
	v1 =	vmul.f32 v7, v3;
	v3 =	vld [tilespmem:$0x140]  }
0x99: {  	v7 =	vld [tilespmem:$0x2C0]  }
0x9a: {  	v0 =	vadd.f32 v2, v0;
	v2 =	vmul.f32 v8, v4;
	v4 =	vld [tilespmem:$0x1C0]  }
0x9b: {  	v8 =	vld [tilespmem:$0x340]  }
0x9c: {  	v0 =	vadd.f32 v1, v0;
	v1 =	vmul.f32 v6, v5;
	v5 =	vld [tilespmem:$0x240]  }
0x9d: {  	v6 =	vld [tilespmem:$0x3C0]  }
0x9e: {  	v0 =	vadd.f32 v2, v0;
	v2 =	vmul.f32 v7, v3;
	v3 =	vld [tilespmem:$0x150]  }
0x9f: {  	v7 =	vld [tilespmem:$0x2D0]  }
0xa0: {  	v0 =	vadd.f32 v1, v0;
	v1 =	vmul.f32 v8, v4;
	v4 =	vld [tilespmem:$0x1D0]  }
0xa1: {  	v8 =	vld [tilespmem:$0x350]  }
0xa2: {  	v0 =	vadd.f32 v2, v0;
	v2 =	vmul.f32 v6, v5;
	v5 =	vld [tilespmem:$0x250]  }
0xa3: {  	v6 =	vld [tilespmem:$0x3D0]  }
0xa4: {  	v0 =	vadd.f32 v1, v0;
	v1 =	vld [tilespmem:$0x160]  }
0xa5: {  	v3 =	vmul.f32 v7, v3;
	v7 =	vld [tilespmem:$0x2E0]  }
0xa6: {  	v0 =	vadd.f32 v2, v0;
	v2 =	vld [tilespmem:$0x1E0]  }
0xa7: {  	v4 =	vmul.f32 v8, v4;
	v8 =	vld [tilespmem:$0x360]  }
0xa8: {  	v0 =	vadd.f32 v3, v0;
	v3 =	vmul.f32 v6, v5;
	v5 =	vld [tilespmem:$0x260]  }
0xa9: {  	v6 =	vld [tilespmem:$0x3E0]  }
0xaa: {  	v0 =	vadd.f32 v4, v0;
	v1 =	vmul.f32 v7, v1;
	v4 =	vld [tilespmem:$0x170]  }
0xab: {  	v7 =	vld [tilespmem:$0x2F0]  }
0xac: {  	v0 =	vadd.f32 v3, v0;
	v3 =	vld [tilespmem:$0x1F0]  }
0xad: {  	v2 =	vmul.f32 v8, v2;
	v8 =	vld [tilespmem:$0x370]  }
0xae: {  	v0 =	vadd.f32 v1, v0;
	v1 =	vld [tilespmem:$0x270]  }
0xaf: {  	s22 =	sadd.s32 s21, s9;
	v5 =	vmul.f32 v6, v5;
	v6 =	vld [tilespmem:$0x3F0]  }
0xb0: {  	[tilespmem:s1], [sflag:$0x1] =	stream.linear.gather [hbm4b:s22+s1], $0x80, $0x38;
	[tilespmem:$0x480] =	vst v63  }
.Ltmp0:
0xb1: {  	v0 =	vadd.f32 v2, v0;
	(pc) =	sbr.rel @p0 .LBB2_2-.Ltmp0, $4  }
0xb2: {  	v2 =	vmul.f32 v7, v4;
	_ =	swait.ge [sflag:s10], $0x80  }
0xb3: {  	[sflag:s10] =	ssyncset.done $0x0;
	v4 =	vadd.f32 v5, v0;
	v0 =	vmul.f32 v8, v3  }
0xb4: {  	s21 =	sadd.s32 s21, s8;
	[sflag:s10] =	ssyncadd.s32 $0xFFFFFF80  }
0xb5: {  	[tilespmem:s11], [sflag:$0x1] =	stream.linear.gather [hbm4b:s21+s1], $0x80, $0x38;
	v2 =	vadd.f32 v2, v4;
	v1 =	vmul.f32 v6, v1;
	[tilespmem:$0x480] =	vst v63  }
0xb6: {  	_ =	swait.ge [sflag:s10], $0x80  }
0xb7: {  	[sflag:s10] =	ssyncset.done $0x0  }
0xb8: {  	[sflag:s10] =	ssyncadd.s32 $0xFFFFFF80  }
0xb9: {  	[tilespmem:s12], [sflag:$0x1] =	stream.indirect.gather [hbm4b:s3+s11], $0x1, s1, s11, $0xb8;
	[tilespmem:$0x480] =	vst v63  }
0xba: {  	_ =	swait.ge [sflag:s10], $0x80  }
0xbb: {  	[sflag:s10] =	ssyncset.done $0x0  }
0xbc: {  	[sflag:s10] =	ssyncadd.s32 $0xFFFFFF80  }
0xbd: {  	[tilespmem:s13], [sflag:$0x1] =	stream.indirect.gather [hbm4b:s4+s11], $0x1, s1, s11, $0xb8;
	[tilespmem:$0x480] =	vst v63  }
0xbe: {  	_ =	swait.ge [sflag:s10], $0x80  }
0xbf: {  	[sflag:s10] =	ssyncset.done $0x0  }
0xc0: {  	[sflag:s10] =	ssyncadd.s32 $0xFFFFFF80  }
0xc1: {  	[tilespmem:s14], [sflag:$0x1] =	stream.indirect.gather [hbm4b:s5+s11], $0x1, s1, s11, $0xb8;
	[tilespmem:$0x480] =	vst v63  }
0xc2: {  	_ =	swait.ge [sflag:s10], $0x80  }
0xc3: {  	[sflag:s10] =	ssyncset.done $0x0  }
0xc4: {  	[sflag:s10] =	ssyncadd.s32 $0xFFFFFF80  }
0xc5: {  	[tilespmem:s15], [sflag:$0x1] =	stream.indirect.gather [hbm4b:s3+s11], $0x1, s11, s11, $0xb8;
	[tilespmem:$0x480] =	vst v63  }
0xc6: {  	_ =	swait.ge [sflag:s10], $0x80  }
0xc7: {  	[sflag:s10] =	ssyncset.done $0x0  }
0xc8: {  	[sflag:s10] =	ssyncadd.s32 $0xFFFFFF80  }
0xc9: {  	[tilespmem:s16], [sflag:$0x1] =	stream.indirect.gather [hbm4b:s4+s11], $0x1, s11, s11, $0xb8;
	[tilespmem:$0x480] =	vst v63  }
0xca: {  	_ =	swait.ge [sflag:s10], $0x80  }
0xcb: {  	[sflag:s10] =	ssyncset.done $0x0  }
0xcc: {  	[sflag:s10] =	ssyncadd.s32 $0xFFFFFF80  }
0xcd: {  	[tilespmem:s17], [sflag:$0x1] =	stream.indirect.gather [hbm4b:s5+s11], $0x1, s11, s11, $0xb8;
	[tilespmem:$0x480] =	vst v63  }
0xce: {  	_ =	swait.ge [sflag:s10], $0x80  }
0xcf: {  	[sflag:s10] =	ssyncset.done $0x0  }
0xd0: {  	[sflag:s10] =	ssyncadd.s32 $0xFFFFFF80  }
0xd1: {  	v3 =	vld [tilespmem:$0x100]  }
0xd2: {  	v4 =	vld [tilespmem:$0x280]  }
0xd3: {  	v5 =	vld [tilespmem:$0x180]  }
0xd4: {  	v6 =	vld [tilespmem:$0x300]  }
0xd5: {  	v0 =	vadd.f32 v0, v2;
	v22 =	vld [tilespmem:$0x200]  }
0xd6: {  	v7 =	vld [tilespmem:$0x380]  }
0xd7: {  	v0 =	vadd.f32 v1, v0;
	v23 =	vld [tilespmem:$0x110];
	v3 =	vmul.f32 v4, v3  }
0xd8: {  	v24 =	vld [tilespmem:$0x290]  }
0xd9: {  	v25 =	vld [tilespmem:$0x190];
	v5 =	vmul.f32 v6, v5;
	v0 =	vadd.f32 v3, v0  }
0xda: {  	v26 =	vld [tilespmem:$0x310]  }
0xdb: {  	v27 =	vld [tilespmem:$0x210];
	v2 =	vmul.f32 v7, v22;
	v0 =	vadd.f32 v5, v0  }
0xdc: {  	v28 =	vld [tilespmem:$0x390]  }
0xdd: {  	v29 =	vld [tilespmem:$0x120];
	v1 =	vmul.f32 v24, v23;
	v0 =	vadd.f32 v2, v0  }
0xde: {  	v30 =	vld [tilespmem:$0x2A0]  }
0xdf: {  	v31 =	vld [tilespmem:$0x1A0];
	v3 =	vmul.f32 v26, v25;
	v0 =	vadd.f32 v1, v0  }
0xe0: {  	v32 =	vld [tilespmem:$0x320]  }
0xe1: {  	v33 =	vld [tilespmem:$0x220];
	v5 =	vmul.f32 v28, v27;
	v0 =	vadd.f32 v3, v0  }
0xe2: {  	v34 =	vld [tilespmem:$0x3A0]  }
0xe3: {  	v8 =	vld [tilespmem:$0x130];
	v2 =	vmul.f32 v30, v29;
	v0 =	vadd.f32 v5, v0  }
0xe4: {  	v35 =	vld [tilespmem:$0x2B0]  }
0xe5: {  	v36 =	vld [tilespmem:$0x1B0];
	v1 =	vmul.f32 v32, v31;
	v0 =	vadd.f32 v2, v0  }
0xe6: {  	v37 =	vld [tilespmem:$0x330]  }
0xe7: {  	v38 =	vld [tilespmem:$0x230];
	v3 =	vmul.f32 v34, v33;
	v0 =	vadd.f32 v1, v0  }
0xe8: {  	v39 =	vld [tilespmem:$0x3B0]  }
0xe9: {  	v40 =	vld [tilespmem:$0x140];
	v4 =	vmul.f32 v35, v8;
	v0 =	vadd.f32 v3, v0  }
0xea: {  	v41 =	vld [tilespmem:$0x2C0]  }
0xeb: {  	v42 =	vld [tilespmem:$0x1C0];
	v2 =	vmul.f32 v37, v36;
	v0 =	vadd.f32 v4, v0  }
0xec: {  	v43 =	vld [tilespmem:$0x340]  }
0xed: {  	v44 =	vld [tilespmem:$0x240];
	v1 =	vmul.f32 v39, v38;
	v0 =	vadd.f32 v2, v0  }
0xee: {  	v45 =	vld [tilespmem:$0x3C0]  }
0xef: {  	v46 =	vld [tilespmem:$0x150];
	v3 =	vmul.f32 v41, v40;
	v0 =	vadd.f32 v1, v0  }
0xf0: {  	v47 =	vld [tilespmem:$0x2D0]  }
0xf1: {  	v48 =	vld [tilespmem:$0x1D0];
	v4 =	vmul.f32 v43, v42;
	v0 =	vadd.f32 v3, v0  }
0xf2: {  	v49 =	vld [tilespmem:$0x350]  }
0xf3: {  	v50 =	vld [tilespmem:$0x250];
	v2 =	vmul.f32 v45, v44;
	v0 =	vadd.f32 v4, v0  }
0xf4: {  	v51 =	vld [tilespmem:$0x3D0]  }
0xf5: {  	v52 =	vld [tilespmem:$0x160];
	v1 =	vmul.f32 v47, v46;
	v0 =	vadd.f32 v2, v0  }
0xf6: {  	v53 =	vld [tilespmem:$0x2E0]  }
0xf7: {  	v54 =	vld [tilespmem:$0x1E0];
	v3 =	vmul.f32 v49, v48;
	v0 =	vadd.f32 v1, v0  }
0xf8: {  	v55 =	vld [tilespmem:$0x360]  }
0xf9: {  	v56 =	vld [tilespmem:$0x260];
	v4 =	vmul.f32 v51, v50;
	v0 =	vadd.f32 v3, v0  }
0xfa: {  	v57 =	vld [tilespmem:$0x3E0]  }
0xfb: {  	v58 =	vld [tilespmem:$0x170];
	v2 =	vmul.f32 v53, v52;
	v0 =	vadd.f32 v4, v0  }
0xfc: {  	v59 =	vld [tilespmem:$0x2F0]  }
0xfd: {  	v60 =	vld [tilespmem:$0x1F0];
	v1 =	vmul.f32 v55, v54;
	v0 =	vadd.f32 v2, v0  }
0xfe: {  	v61 =	vld [tilespmem:$0x370]  }
0xff: {  	v62 =	vld [tilespmem:$0x270];
	v3 =	vmul.f32 v57, v56;
	v0 =	vadd.f32 v1, v0  }
0x100: {  	v63 =	vld [tilespmem:$0x3F0]  }
0x101: {  	v4 =	vmul.f32 v59, v58;
	v0 =	vadd.f32 v3, v0;
	_ =	sdelay $0x1  }
0x102: {  	v2 =	vmul.f32 v61, v60;
	v0 =	vadd.f32 v4, v0;
	_ =	sdelay $0x1  }
0x103: {  	v1 =	vmul.f32 v63, v62;
	v0 =	vadd.f32 v2, v0;
	_ =	sdelay $0x1  }
0x104: {  	s19 =	sadd.s32 $0x1, s19;
	v0 =	vadd.f32 v1, v0  }
0x105: {  	p0 =	sne.s32 s19, s7  }
.Ltmp1:
0x106: {  	[tilespmem:$0x400] =	vst v0;
	(pc) =	sbr.rel @p0 .LBB2_1-.Ltmp1, $4  }
0x107: {  	[hbm4b:s6+s1] =	stream.linear.scatter [tilespmem:s18], [sflag:$0x1], $0x80, $0x38;
	[tilespmem:$0x480] =	vst v63  }
0x108: {  	_ =	swait.ge [sflag:s10], $0x80  }
0x109: {  	[sflag:s10] =	ssyncset.done $0x0  }
0x10a: {  	[sflag:s10] =	ssyncadd.s32 $0xFFFFFF80  }
0x10b: {  	_ =	sfence.sel $0x180000  }
0x10c: {  	[bflag:$0x0] =	sbarrier.arrive $0xFFFF  }
0x10d: {  	p0 =	sne.s32 s2, $0x0;
	_ =	strace $0x9000004D  }
0x10e: {  	s0 =	sadd.s32 @!p0 $0x100000, s0;
	[bflag:$0x2] =	sbarrier.arrive $0xFFFF  }
0x10f: {  	[sflag:s0] =	ssyncadd.tile.s32 @!p0 $0x1;
	_ =	shalt  }
.Lfunc_end2:
_tile_overlayer_lowered:
.L_overlay_start_2:
0x110: {  	(tag) =	ssettag $0x2  }
0x111: {  	s0 =	rddreg [dreg:$0x0];
	s2 =	stileid.u32  }
0x112: {  	s1 =	rddreg [dreg:$0x1];
	p0 =	sne.s32 s2, $0x0  }
0x113: {  	s3 =	rddreg [dreg:$0x2];
	[bflag:$0x3] =	sbarrier.arrive $0xFFFF;
	s2 =	simm.s32 @!p0 $0x1C01  }
0x114: {  	[timem:s3], [sflag:s2] =	dma.local @!p0 [hbm:s0], s1  }
0x115: {  	s0 =	simm.s32 @!p0 $0x1  }
0x116: {  	_ =	swait.ge @!p0 [sflag:s0], s1  }
0x117: {  	s1 =	ssub.s32 @!p0 $0x0, s1;
	[sflag:s0] =	ssyncset.done @!p0 $0x0  }
0x118: {  	[sflag:s0] =	ssyncadd.s32 @!p0 s1  }
0x119: {  	[bflag:$0x3] =	sbarrier.arrive $0xFFFF  }
0x11a: {  	_ =	shalt  }

// kernel: kernel.16.cloned.1.call-start
scs
__scs_entry_jumppad:
0x0: {  	(pc) =	sbr.rel $0x88, $3  }
0x1: {  	(tag) =	ssettag $0x0;
	lr =	simm.s32 $0x1  }
0x2: {  	[smem:$0x3F9C] =	sst lr;
	_ =	strace $0xD0000000  }
0x3: {  	_ = 	snop  }
0x4: {  	_ = 	snop  }
0x5: {  	_ = 	snop  }
0x6: {  	_ = 	snop  }
0x7: {  	_ = 	snop  }
__scs_overlays_trampoline_lowered:
0x8: {  	[smem:$0x3FAB] =	sst s0  }
0x9: {  	[smem:$0x3FAC] =	sst s1  }
0xa: {  	[smem:$0x3FAD] =	sst s2  }
0xb: {  	[smem:$0x3FAE] =	sst s3  }
0xc: {  	[smem:$0x3FAF] =	sst s4  }
0xd: {  	[smem:$0x3FB0] =	sst s5  }
0xe: {  	[smem:$0x3FB1] =	sst s6  }
0xf: {  	[smem:$0x3FB2] =	sst s7  }
0x10: {  	[smem:$0x3FB3] =	sst s8  }
0x11: {  	[smem:$0x3FB4] =	sst s9;
	s0 =	simm.s32 @!p0 $0x0  }
0x12: {  	s1 =	sld [smem:$0x3F9A];
	s0 =	simm.s32 @p0 $0x1  }
0x13: {  	[smem:$0x3FB5] =	sst s0;
	s0 =	simm.s32 @!p1 $0x0  }
0x14: {  	s2 =	sld [smem:$0x3F99];
	s0 =	simm.s32 @p1 $0x1  }
0x15: {  	[smem:$0x3FB6] =	sst s0;
	s0 =	simm.s32 @!p2 $0x0  }
0x16: {  	s3 =	sld [smem:$0x3FDB];
	s0 =	simm.s32 @p2 $0x1  }
0x17: {  	s4 =	simm.s32 $0x1BF5;
	[smem:$0x3FB8] =	sst s0  }
0x18: {  	s0 =	sld [smem:$0x3F9B];
	_ =	swait.ge [sflag:s4], $0x0  }
0x19: {  	s7 =	sld [smem:$0x3F9C]  }
0x1a: {  	s8 =	sadd.s32 $0xFFFFE003, lr  }
0x1b: {  	s9 =	sadd.s32 $0xFFFFFEF7, lr;
	s5 =	simm.s32 $0xFFFFFFFF;
	p2 =	slt.u32 s8, $0xFFFFF086  }
0x1c: {  	p1 =	slt.u32 s9, $0xF7A;
	s5 =	simm.s32 @!p2 $0x0  }
0x1d: {  	s5 =	simm.s32 @p1 $0x1;
	p0 =	seq.s32 s7, s2  }
0x1e: {  	s7 =	smul.u32 @!p0 $0xF7A, s2;
	p2 =	seq.s32 @!p0 s5, $0x0  }
0x1f: {  	s9 =	smul.u32 $0xF7A, s1;
	s8 =	simm.s32 @!p0 $0x1BF5;
	p2 =	por !p2, p0  }
0x20: {  	[sflag:s8] =	ssyncset.s32 @!p0 $0xFFFFF086;
	s6 =	sadd.s32 @!p0 s3, s7;
	s7 =	simm.s32 @!p0 $0x108  }
0x21: {  	s3 =	sadd.s32 s3, s9;
	s6 =	sadd.s32 @!p0 $0x88, s6;
	s7 =	simm.s32 @p2 $0x1082  }
0x22: {  	[simem:s7], [sflag:s8] =	dma.local @!p0 [hbm:s6], $0xF7A  }
0x23: {  	s9 =	sor.u32 $0xD0000000, s2;
	s6 =	simm.s32 $0x108;
	_ =	swait.ge @!p0 [sflag:s8], $0x0  }
0x24: {  	s3 =	sadd.s32 $0x88, s3;
	s6 =	simm.s32 @!p1 $0x1082;
	[sflag:s4] =	ssyncset.s32 $0xFFFFF086  }
0x25: {  	[simem:s6], [sflag:s4] =	dma.local [hbm:s3], $0xF7A  }
0x26: {  	[smem:$0x3F9C] =	sst s1;
	(tag) =	ssettag s2;
	_ =	strace s9  }
0x27: {  	s1 =	sld [smem:$0x3FAC]  }
0x28: {  	s2 =	sld [smem:$0x3FAD]  }
0x29: {  	s4 =	sld [smem:$0x3FAF]  }
0x2a: {  	p0 =	seq.s32 s5, $0x0;
	s5 =	sld [smem:$0x3FB0]  }
0x2b: {  	s6 =	sld [smem:$0x3FB1]  }
0x2c: {  	s7 =	sld [smem:$0x3FB2]  }
0x2d: {  	s3 =	simm.s32 $0x108;
	s8 =	sld [smem:$0x3FB3]  }
0x2e: {  	s3 =	simm.s32 @!p0 $0x1082;
	s9 =	sld [smem:$0x3FB4]  }
0x2f: {  	lr =	sadd.s32 s0, s3;
	s0 =	sld [smem:$0x3FAB]  }
0x30: {  	s3 =	sld [smem:$0x3FAE]  }
0x31: {  	[smem:$0x3FB7] =	sst s10  }
0x32: {  	s10 =	sld [smem:$0x3FB5];
	_ =	sdelay $0x3  }
0x33: {  	p0 =	seq.s32 s10, $0x1;
	s10 =	sld [smem:$0x3FB7];
	_ =	sdelay $0x3  }
0x34: {  	[smem:$0x3FB7] =	sst s10  }
0x35: {  	s10 =	sld [smem:$0x3FB6];
	_ =	sdelay $0x3  }
0x36: {  	p1 =	seq.s32 s10, $0x1;
	s10 =	sld [smem:$0x3FB7];
	_ =	sdelay $0x3  }
0x37: {  	[smem:$0x3FB7] =	sst s10  }
0x38: {  	s10 =	sld [smem:$0x3FB8]  }
0x39: {  	_ = 	snop;
	(pc) =	sbr.ind lr, $3  }
0x3a: {  	_ = 	snop  }
0x3b: {  	_ = 	snop  }
0x3c: {  	p2 =	seq.s32 s10, $0x1;
	s10 =	sld [smem:$0x3FB7]  }
0x3d: {  	_ =	shalt  }
0x3e: {  	_ =	shalt  }
0x3f: {  	_ =	shalt  }
0x40: {  	_ =	shalt  }
0x41: {  	_ =	shalt  }
0x42: {  	_ =	shalt  }
0x43: {  	_ =	shalt  }
0x44: {  	_ =	shalt  }
0x45: {  	_ =	shalt  }
0x46: {  	_ =	shalt  }
0x47: {  	_ =	shalt  }
0x48: {  	_ =	shalt  }
0x49: {  	_ =	shalt  }
0x4a: {  	_ =	shalt  }
0x4b: {  	_ =	shalt  }
0x4c: {  	_ =	shalt  }
0x4d: {  	_ =	shalt  }
0x4e: {  	_ =	shalt  }
0x4f: {  	_ =	shalt  }
0x50: {  	_ =	shalt  }
0x51: {  	_ =	shalt  }
0x52: {  	_ =	shalt  }
0x53: {  	_ =	shalt  }
0x54: {  	_ =	shalt  }
0x55: {  	_ =	shalt  }
0x56: {  	_ =	shalt  }
0x57: {  	_ =	shalt  }
0x58: {  	_ =	shalt  }
0x59: {  	_ =	shalt  }
0x5a: {  	_ =	shalt  }
0x5b: {  	_ =	shalt  }
0x5c: {  	_ =	shalt  }
0x5d: {  	_ =	shalt  }
0x5e: {  	_ =	shalt  }
0x5f: {  	_ =	shalt  }
0x60: {  	_ =	shalt  }
0x61: {  	_ =	shalt  }
0x62: {  	_ =	shalt  }
0x63: {  	_ =	shalt  }
0x64: {  	_ =	shalt  }
0x65: {  	_ =	shalt  }
0x66: {  	_ =	shalt  }
0x67: {  	_ =	shalt  }
0x68: {  	_ =	shalt  }
0x69: {  	_ =	shalt  }
0x6a: {  	_ =	shalt  }
0x6b: {  	_ =	shalt  }
0x6c: {  	_ =	shalt  }
0x6d: {  	_ =	shalt  }
0x6e: {  	_ =	shalt  }
0x6f: {  	_ =	shalt  }
0x70: {  	_ =	shalt  }
0x71: {  	_ =	shalt  }
0x72: {  	_ =	shalt  }
0x73: {  	_ =	shalt  }
0x74: {  	_ =	shalt  }
0x75: {  	_ =	shalt  }
0x76: {  	_ =	shalt  }
0x77: {  	_ =	shalt  }
0x78: {  	_ =	shalt  }
0x79: {  	_ =	shalt  }
0x7a: {  	_ =	shalt  }
0x7b: {  	_ =	shalt  }
0x7c: {  	_ =	shalt  }
0x7d: {  	_ =	shalt  }
0x7e: {  	_ =	shalt  }
0x7f: {  	_ =	shalt  }
0x80: {  	_ =	shalt  }
0x81: {  	_ =	shalt  }
0x82: {  	_ =	shalt  }
0x83: {  	_ =	shalt  }
0x84: {  	_ =	shalt  }
0x85: {  	_ =	shalt  }
0x86: {  	_ =	shalt  }
0x87: {  	_ =	shalt  }
.Lfunc_end0:
.L_simem_size_0:
called_computation.2_lowered:
.L_overlay_start_0:
0x88: {  	s2 =	sld [smem:$0x3FD9]  }
0x89: {  	s3 =	sld [smem:$0x3FFE];
	_ =	sdelay $0x1  }
0x8a: {  	s1 =	srdreg.scid  }
0x8b: {  	s0 =	sand.u32 $0x1, s1  }
0x8c: {  	s16 =	sshll.u32 s0, $0xA;
	s2 =	sadd.s32 s3, s2  }
0x8d: {  	s2 =	sadd.s32 s2, s16  }
0x8e: {  	[smem:$0x3FC3] =	sst s2  }
0x8f: {  	_ = 	snop  }
0x90: {  	(tm) =	ssettm $0x1  }
0x91: {  	s17 =	sld [smem:$0x3FFB];
	_ =	sdelay $0x3  }
0x92: {  	_ =	strace s17  }
0x93: {  	s2 =	sld [smem:$0x3FFC];
	_ =	sdelay $0x3  }
0x94: {  	_ =	strace s2  }
0x95: {  	s2 =	sld [smem:$0x3FFD];
	_ =	sdelay $0x3  }
0x96: {  	_ =	strace s2  }
0x97: {  	_ =	strace $0x8FFFFFFF  }
0x98: {  	s18 =	sld [smem:$0x3FDB];
	_ =	sdelay $0x1  }
0x99: {  	s19 =	simm.s32 $_scs_section_size  }
0x9a: {  	s4 =	simm.s32 $_size__tile_overlayer_lowered;
	s5 =	simm.s32 $_tile_overlayer_lowered  }
0x9b: {  	s22 =	simm.s32 $0x1BFF;
	s21 =	sshll.u32 s5, $0x1;
	s2 =	sadd.s32 s19, s18  }
0x9c: {  	s6 =	simm.s32 $0x0;
	s20 =	sshll.u32 s4, $0x1;
	s4 =	sadd.s32 s21, s2  }
0x9d: {  	[timem:s6], [sflag:s22] =	dma.local [hbm:s4], s20  }
0x9e: {  	_ =	swait.ge [sflag:s22], s20  }
0x9f: {  	s3 =	ssub.s32 $0x0, s20;
	[sflag:s22] =	ssyncset.done $0x0  }
0xa0: {  	[sflag:s22] =	ssyncadd.s32 s3;
	_ =	sdelay $0x1  }
0xa1: {  	s23 =	simm.s32 $0x1B8B  }
0xa2: {  	_ =	swait.ge [sflag:s23], $0x1  }
0xa3: {  	[sflag:s23] =	ssyncset.done $0x0  }
0xa4: {  	s25 =	simm.s32 $0x1B8E;
	s24 =	sld [smem:$0x3FFE];
	[sflag:s23] =	ssyncadd.s32 $0xFFFFFFFF  }
0xa5: {  	s26 =	simm.s32 $execute0_lowered;
	[smem:$0x3FD2] =	sst s25  }
0xa6: {  	s4 =	sshll.u32 s26, $0x1;
	_ =	strace $0x80000049;
	[dreg:$0x1] =	wrdreg $0xFFFFFFFF  }
0xa7: {  	s28 =	simm.s32 $_size_execute0_lowered;
	s2 =	sadd.s32 s2, s4;
	[dreg:$0x0] =	wrdreg $0x0  }
0xa8: {  	s4 =	sshll.u32 s28, $0x1;
	[dreg:$0x2] =	wrdreg s2  }
0xa9: {  	[dreg:$0x3] =	wrdreg s4  }
0xaa: {  	[dreg:$0x4] =	wrdreg $0xC0  }
0xab: {  	_ =	task [dreg:s6], $0x5FFFF  }
0xac: {  	[dreg:$0x1] =	wrdreg $0xFFFFFFFF  }
0xad: {  	[dreg:$0x0] =	wrdreg $0x60  }
0xae: {  	[dreg:$0x2] =	wrdreg s24  }
0xaf: {  	[dreg:$0x3] =	wrdreg $0xA  }
0xb0: {  	_ =	task.clear_ibuf [dreg:s6], $0x4FFFF;
	_ =	strace $0x90000049  }
0xb1: {  	s29 =	simm.s32 $0xA;
	_ =	strace $0x8000004B  }
0xb2: {  	_ =	swait.ge [sflag:s29], $0x1  }
0xb3: {  	[sflag:s29] =	ssyncadd.s32 $0xFFFFFFFF  }
0xb4: {  	_ =	strace $0x9000004B  }
0xb5: {  	_ =	sfence  }
0xb6: {  	s30 =	sld [smem:$0x0];
	_ =	sdelay $0x2  }
0xb7: {  	s31 =	sshll.u32 s1, $0xD;
	s1 =	sshrl.u32 s1, $0x2  }
0xb8: {  	s3 =	sand.u32 $0x4000, s31;
	s1 =	sadd.s32 s1, s30  }
0xb9: {  	s0 =	sor.u32 s3, s0;
	s1 =	sshll.u32 s1, $0x11  }
0xba: {  	s0 =	sor.u32 s1, s0  }
0xbb: {  	s0 =	sadd.s32 $0x8F2B, s0  }
0xbc: {  	[sflag:s0] =	ssyncadd.remote.s32 $0x1  }
0xbd: {  	_ =	sfence.sel $0xFFFF  }
0xbe: {  	[dreg:$0x0] =	wrdreg $0xFFFFFFFF;
	(pc) =	sbr.abs _section_cstart, $3  }
0xbf: {  	[dreg:$0x1] =	wrdreg $0xFFFFFFFF  }
0xc0: {  	_ =	task.clear_ibuf [dreg:s6], $0x2FFFF;
	_ =	strace $0x9FFFFFFF  }
0xc1: {  	(tm) =	ssettm $0x7FFFFFFF  }
tec
execute0_lowered:
.L_overlay_start_1:
0x0: {  	(tag) =	ssettag $0x1  }
0x1: {  	s0 =	rddreg [dreg:$0x0]  }
0x2: {  	s1 =	simm.s32 $0x0;
	s3 =	srdreg.scid;
	s15 =	stileid.u32  }
0x3: {  	s12 =	simm.s32 $0x1;
	s28 =	simm.s32 $0x700;
	s29 =	simm.s32 $0x780  }
0x4: {  	s30 =	simm.s32 $0x800;
	s31 =	simm.s32 $0x880;
	[smem:$0x7FF] =	sst s1  }
0x5: {  	s2 =	sadd.s32 $0x1200, s0;
	s13 =	sadd.s32 $0x7400, s0;
	s14 =	sadd.s32 $0xD600, s0  }
0x6: {  	s9 =	sand.u32 $0x1, s3;
	_ =	strace $0x8000004A;
	[dreg:$0x2] =	wrdreg s2  }
0x7: {  	s16 =	sadd.s32 $0x16A00, s0;
	s4 =	sshll.u32 s15, $0x4;
	[dreg:$0x3] =	wrdreg s13  }
0x8: {  	s17 =	sadd.s32 $0x1CC00, s0;
	[dreg:$0x4] =	wrdreg s14;
	s5 =	sshll.u32 s9, $0x3  }
0x9: {  	s18 =	sadd.s32 $0x22E00, s0;
	[dreg:$0x5] =	wrdreg s16;
	s4 =	sor.u32 s5, s4  }
0xa: {  	s3 =	sadd.s32 $0x13800, s0;
	[dreg:$0x6] =	wrdreg s17;
	s10 =	sadd.s32 s4, s0  }
0xb: {  	s15 =	simm.s32 $0x100;
	[dreg:$0x7] =	wrdreg s18;
	s19 =	sadd.s32 $0x4B000, s10  }
0xc: {  	s9 =	ssub.s32 $0x2, s9;
	s20 =	sadd.s32 $0x73400, s10;
	[dreg:$0x8] =	wrdreg s19  }
0xd: {  	s13 =	simm.s32 $0x40;
	s4 =	sadd.s32 $0x73200, s10;
	[dreg:$0x9] =	wrdreg s20  }
0xe: {  	s14 =	simm.s32 $0x80;
	s21 =	sadd.s32 $0x73000, s10;
	[dreg:$0xa] =	wrdreg s4  }
0xf: {  	s16 =	simm.s32 $0x180;
	s6 =	sadd.s32 $0x4B400, s10;
	[dreg:$0xb] =	wrdreg s21  }
0x10: {  	s17 =	simm.s32 $0x200;
	s7 =	sadd.s32 $0x4B600, s10;
	[dreg:$0xc] =	wrdreg s6  }
0x11: {  	s18 =	simm.s32 $0x280;
	s8 =	sadd.s32 $0x4B800, s10;
	[dreg:$0xd] =	wrdreg s7  }
0x12: {  	s5 =	sadd.s32 $0x32600, s0;
	s11 =	sadd.s32 $0x4B200, s10;
	[dreg:$0xe] =	wrdreg s8  }
0x13: {  	s24 =	sshrl.u32 s9, $0x1;
	s22 =	sadd.s32 $0x73A00, s10;
	[dreg:$0xf] =	wrdreg s11  }
0x14: {  	s23 =	sadd.s32 $0x73800, s10;
	s25 =	sadd.s32 $0x73600, s10;
	[dreg:$0x10] =	wrdreg s22  }
0x15: {  	s26 =	sadd.s32 $0x4BA00, s10;
	s4 =	sadd.s32 $0x35800, s0;
	[dreg:$0x11] =	wrdreg s23  }
0x16: {  	s6 =	sadd.s32 $0x29000, s0;
	s7 =	sadd.s32 $0x2C200, s0;
	[dreg:$0x12] =	wrdreg s25  }
0x17: {  	s8 =	sadd.s32 $0x2F400, s0;
	s11 =	ssub.s32 s9, s24;
	[dreg:$0x13] =	wrdreg s26  }
0x18: {  	s9 =	sadd.s32 $0x4BC00, s10;
	s10 =	sadd.s32 $0x4BE00, s10;
	s19 =	simm.s32 $0x300  }
0x19: {  	s20 =	simm.s32 $0x380;
	s21 =	simm.s32 $0x400;
	s22 =	simm.s32 $0x480  }
0x1a: {  	s23 =	simm.s32 $0x500;
	s24 =	simm.s32 $0x580;
	s25 =	simm.s32 $0x600  }
0x1b: {  	s26 =	simm.s32 $0x680;
	s0 =	simm.s32 $0x900;
	s11 =	smax.u32 s11, $0x1  }
.LBB2_1:
0x1c: {  	s2 =	rddreg [dreg:$0x8]  }
0x1d: {  	[tilespmem:s1], [sflag:$0x1] =	stream.linear.gather [hbm4b:s2+s1], $0x40, $0x38;
	[tilespmem:$0x980] =	vst v63  }
0x1e: {  	_ =	swait.ge [sflag:s12], $0x40  }
0x1f: {  	[sflag:s12] =	ssyncset.done $0x0  }
0x20: {  	s2 =	rddreg [dreg:$0x2];
	[sflag:s12] =	ssyncadd.s32 $0xFFFFFFC0  }
0x21: {  	[tilespmem:s14], [sflag:$0x1] =	stream.indirect.gather [hbm4b:s2+s13], $0x1, s1, s13, $0xb8;
	[tilespmem:$0x980] =	vst v63  }
0x22: {  	_ =	swait.ge [sflag:s12], $0x40  }
0x23: {  	[sflag:s12] =	ssyncset.done $0x0  }
0x24: {  	s2 =	rddreg [dreg:$0x3];
	[sflag:s12] =	ssyncadd.s32 $0xFFFFFFC0  }
0x25: {  	[tilespmem:s15], [sflag:$0x1] =	stream.indirect.gather [hbm4b:s2+s13], $0x1, s1, s13, $0xb8;
	[tilespmem:$0x980] =	vst v63  }
0x26: {  	_ =	swait.ge [sflag:s12], $0x40  }
0x27: {  	[sflag:s12] =	ssyncset.done $0x0  }
0x28: {  	s2 =	rddreg [dreg:$0x4];
	[sflag:s12] =	ssyncadd.s32 $0xFFFFFFC0  }
0x29: {  	[tilespmem:s16], [sflag:$0x1] =	stream.indirect.gather [hbm4b:s2+s13], $0x1, s1, s13, $0xb8;
	[tilespmem:$0x980] =	vst v63  }
0x2a: {  	_ =	swait.ge [sflag:s12], $0x40  }
0x2b: {  	[sflag:s12] =	ssyncset.done $0x0  }
0x2c: {  	[sflag:s12] =	ssyncadd.s32 $0xFFFFFFC0  }
0x2d: {  	[tilespmem:s17], [sflag:$0x1] =	stream.indirect.gather [hbm4b:s3+s13], $0x1, s14, s13, $0xb8;
	[tilespmem:$0x980] =	vst v63  }
0x2e: {  	_ =	swait.ge [sflag:s12], $0x40  }
0x2f: {  	[sflag:s12] =	ssyncset.done $0x0  }
0x30: {  	[sflag:s12] =	ssyncadd.s32 $0xFFFFFFC0  }
0x31: {  	[tilespmem:s18], [sflag:$0x1] =	stream.indirect.gather [hbm4b:s4+s13], $0x1, s14, s13, $0xb8;
	[tilespmem:$0x980] =	vst v63  }
0x32: {  	_ =	swait.ge [sflag:s12], $0x40  }
0x33: {  	[sflag:s12] =	ssyncset.done $0x0  }
0x34: {  	[sflag:s12] =	ssyncadd.s32 $0xFFFFFFC0  }
0x35: {  	[tilespmem:s19], [sflag:$0x1] =	stream.indirect.gather [hbm4b:s5+s13], $0x1, s14, s13, $0xb8;
	[tilespmem:$0x980] =	vst v63  }
0x36: {  	_ =	swait.ge [sflag:s12], $0x40  }
0x37: {  	[sflag:s12] =	ssyncset.done $0x0  }
0x38: {  	[sflag:s12] =	ssyncadd.s32 $0xFFFFFFC0  }
0x39: {  	[tilespmem:s20], [sflag:$0x1] =	stream.indirect.gather [hbm4b:s3+s13], $0x1, s15, s13, $0xb8;
	[tilespmem:$0x980] =	vst v63  }
0x3a: {  	_ =	swait.ge [sflag:s12], $0x40  }
0x3b: {  	[sflag:s12] =	ssyncset.done $0x0  }
0x3c: {  	[sflag:s12] =	ssyncadd.s32 $0xFFFFFFC0  }
0x3d: {  	[tilespmem:s21], [sflag:$0x1] =	stream.indirect.gather [hbm4b:s4+s13], $0x1, s15, s13, $0xb8;
	[tilespmem:$0x980] =	vst v63  }
0x3e: {  	_ =	swait.ge [sflag:s12], $0x40  }
0x3f: {  	[sflag:s12] =	ssyncset.done $0x0  }
0x40: {  	[sflag:s12] =	ssyncadd.s32 $0xFFFFFFC0  }
0x41: {  	[tilespmem:s22], [sflag:$0x1] =	stream.indirect.gather [hbm4b:s5+s13], $0x1, s15, s13, $0xb8;
	[tilespmem:$0x980] =	vst v63  }
0x42: {  	_ =	swait.ge [sflag:s12], $0x40  }
0x43: {  	[sflag:s12] =	ssyncset.done $0x0  }
0x44: {  	[sflag:s12] =	ssyncadd.s32 $0xFFFFFFC0  }
0x45: {  	[tilespmem:s23], [sflag:$0x1] =	stream.indirect.gather [hbm4b:s3+s13], $0x1, s16, s13, $0xb8;
	[tilespmem:$0x980] =	vst v63  }
0x46: {  	_ =	swait.ge [sflag:s12], $0x40  }
0x47: {  	[sflag:s12] =	ssyncset.done $0x0  }
0x48: {  	[sflag:s12] =	ssyncadd.s32 $0xFFFFFFC0  }
0x49: {  	[tilespmem:s24], [sflag:$0x1] =	stream.indirect.gather [hbm4b:s4+s13], $0x1, s16, s13, $0xb8;
	[tilespmem:$0x980] =	vst v63  }
0x4a: {  	_ =	swait.ge [sflag:s12], $0x40  }
0x4b: {  	[sflag:s12] =	ssyncset.done $0x0  }
0x4c: {  	[sflag:s12] =	ssyncadd.s32 $0xFFFFFFC0  }
0x4d: {  	[tilespmem:s25], [sflag:$0x1] =	stream.indirect.gather [hbm4b:s5+s13], $0x1, s16, s13, $0xb8;
	[tilespmem:$0x980] =	vst v63  }
0x4e: {  	_ =	swait.ge [sflag:s12], $0x40  }
0x4f: {  	[sflag:s12] =	ssyncset.done $0x0  }
0x50: {  	s2 =	rddreg [dreg:$0x9];
	[sflag:s12] =	ssyncadd.s32 $0xFFFFFFC0  }
0x51: {  	[tilespmem:s26], [sflag:$0x1] =	stream.linear.gather [hbm4b:s2+s1], $0x40, $0x38;
	[tilespmem:$0x980] =	vst v63  }
0x52: {  	_ =	swait.ge [sflag:s12], $0x40  }
0x53: {  	[sflag:s12] =	ssyncset.done $0x0  }
0x54: {  	s2 =	rddreg [dreg:$0xa];
	[sflag:s12] =	ssyncadd.s32 $0xFFFFFFC0  }
0x55: {  	[tilespmem:s28], [sflag:$0x1] =	stream.linear.gather [hbm4b:s2+s1], $0x40, $0x38;
	[tilespmem:$0x980] =	vst v63  }
0x56: {  	_ =	swait.ge [sflag:s12], $0x40  }
0x57: {  	[sflag:s12] =	ssyncset.done $0x0  }
0x58: {  	s2 =	rddreg [dreg:$0xb];
	[sflag:s12] =	ssyncadd.s32 $0xFFFFFFC0  }
0x59: {  	[tilespmem:s29], [sflag:$0x1] =	stream.linear.gather [hbm4b:s2+s1], $0x40, $0x38;
	[tilespmem:$0x980] =	vst v63  }
0x5a: {  	_ =	swait.ge [sflag:s12], $0x40  }
0x5b: {  	[sflag:s12] =	ssyncset.done $0x0  }
0x5c: {  	[sflag:s12] =	ssyncadd.s32 $0xFFFFFFC0  }
0x5d: {  	v0 =	vld [tilespmem:$0x680]  }
0x5e: {  	v1 =	vld [tilespmem:$0x700]  }
0x5f: {  	v2 =	vld [tilespmem:$0x780]  }
0x60: {  	v3 =	vld [tilespmem:$0x200]  }
0x61: {  	v4 =	vld [tilespmem:$0x380]  }
0x62: {  	v5 =	vld [tilespmem:$0x500]  }
0x63: {  	v6 =	vld [tilespmem:$0x280]  }
0x64: {  	v7 =	vld [tilespmem:$0x400]  }
0x65: {  	v8 =	vld [tilespmem:$0x580]  }
0x66: {  	v9 =	vld [tilespmem:$0x300]  }
0x67: {  	v10 =	vld [tilespmem:$0x480]  }
0x68: {  	v11 =	vld [tilespmem:$0x600]  }
0x69: {  	v12 =	vld [tilespmem:$0x690]  }
0x6a: {  	v13 =	vld [tilespmem:$0x710]  }
0x6b: {  	v14 =	vld [tilespmem:$0x790]  }
0x6c: {  	v15 =	vld [tilespmem:$0x210]  }
0x6d: {  	v16 =	vld [tilespmem:$0x390]  }
0x6e: {  	v17 =	vld [tilespmem:$0x510]  }
0x6f: {  	v18 =	vld [tilespmem:$0x290]  }
0x70: {  	v19 =	vld [tilespmem:$0x410]  }
0x71: {  	v20 =	vld [tilespmem:$0x590]  }
0x72: {  	v21 =	vld [tilespmem:$0x310]  }
0x73: {  	v22 =	vld [tilespmem:$0x490]  }
0x74: {  	v23 =	vld [tilespmem:$0x610]  }
0x75: {  	v24 =	vld [tilespmem:$0x6A0]  }
0x76: {  	v25 =	vld [tilespmem:$0x720]  }
0x77: {  	v26 =	vld [tilespmem:$0x7A0]  }
0x78: {  	v27 =	vld [tilespmem:$0x220]  }
0x79: {  	v28 =	vld [tilespmem:$0x3A0]  }
0x7a: {  	v29 =	vld [tilespmem:$0x520]  }
0x7b: {  	v30 =	vld [tilespmem:$0x2A0];
	v3 =	vmul.f32 v3, v0;
	v4 =	vmul.f32 v4, v1  }
0x7c: {  	v31 =	vld [tilespmem:$0x420];
	v6 =	vmul.f32 v6, v0;
	v7 =	vmul.f32 v7, v1  }
0x7d: {  	v32 =	vld [tilespmem:$0x5A0];
	v37 =	vmul.f32 v5, v2;
	v38 =	vmul.f32 v8, v2  }
0x7e: {  	v33 =	vld [tilespmem:$0x320];
	v0 =	vmul.f32 v9, v0;
	v1 =	vmul.f32 v10, v1  }
0x7f: {  	v34 =	vld [tilespmem:$0x4A0];
	v2 =	vmul.f32 v11, v2;
	v40 =	vmul.f32 v15, v12  }
0x80: {  	v39 =	vld [tilespmem:$0x620];
	v42 =	vmul.f32 v16, v13;
	v43 =	vmul.f32 v17, v14  }
0x81: {  	v41 =	vld [tilespmem:$0x730];
	v44 =	vmul.f32 v18, v12;
	v45 =	vmul.f32 v19, v13  }
0x82: {  	v46 =	vld [tilespmem:$0x230];
	v47 =	vmul.f32 v21, v12;
	v48 =	vmul.f32 v22, v13  }
0x83: {  	v49 =	vld [tilespmem:$0x3B0];
	v50 =	vmul.f32 v20, v14;
	v52 =	vmul.f32 v23, v14  }
0x84: {  	v51 =	vld [tilespmem:$0x530];
	v54 =	vmul.f32 v27, v24;
	v55 =	vmul.f32 v28, v25  }
0x85: {  	v53 =	vld [tilespmem:$0x2B0];
	v57 =	vmul.f32 v30, v24;
	v58 =	vmul.f32 v31, v25  }
0x86: {  	v56 =	vld [tilespmem:$0x430];
	v60 =	vmul.f32 v29, v26;
	v61 =	vmul.f32 v32, v26;
	v3 =	vadd.f32 v4, v3  }
0x87: {  	v62 =	vld [tilespmem:$0x4B0];
	v27 =	vmul.f32 v33, v24;
	v6 =	vadd.f32 v7, v6;
	v0 =	vadd.f32 v1, v0  }
0x88: {  	v28 =	vmul.f32 v34, v25;
	v7 =	vld [tilespmem:$0x6B0];
	v4 =	vadd.f32 v42, v40;
	v3 =	vadd.f32 v37, v3  }
0x89: {  	v11 =	vld [tilespmem:$0x7B0];
	v31 =	vmul.f32 v39, v26;
	v1 =	vadd.f32 v45, v44;
	v5 =	vadd.f32 v38, v6  }
0x8a: {  	v59 =	vld [tilespmem:$0x330];
	v35 =	vmul.f32 v49, v41;
	v63 =	vadd.f32 v58, v57;
	v0 =	vadd.f32 v2, v0;
	[tilespmem:$0x800] =	vst v3  }
0x8b: {  	v29 =	vld [tilespmem:$0x5B0];
	v39 =	vmul.f32 v56, v41;
	v4 =	vadd.f32 v43, v4;
	v6 =	vadd.f32 v48, v47;
	[tilespmem:$0x880] =	vst v5  }
0x8c: {  	v33 =	vld [tilespmem:$0x630];
	v41 =	vmul.f32 v62, v41;
	v1 =	vadd.f32 v50, v1;
	v2 =	vadd.f32 v55, v54;
	[tilespmem:$0x900] =	vst v0  }
0x8d: {  	v34 =	vadd.f32 v61, v63;
	v37 =	vadd.f32 v28, v27;
	[tilespmem:$0x810] =	vst v4;
	v32 =	vmul.f32 v46, v7  }
0x8e: {  	v36 =	vmul.f32 v51, v11;
	v6 =	vadd.f32 v52, v6;
	[tilespmem:$0x890] =	vst v1;
	v38 =	vmul.f32 v53, v7  }
0x8f: {  	v30 =	vadd.f32 v60, v2;
	[tilespmem:$0x8A0] =	vst v34;
	v40 =	vmul.f32 v59, v7;
	v3 =	vadd.f32 v35, v32  }
0x90: {  	v44 =	vmul.f32 v29, v11;
	v42 =	vadd.f32 v31, v37;
	[tilespmem:$0x910] =	vst v6;
	v43 =	vadd.f32 v39, v38  }
0x91: {  	v46 =	vmul.f32 v33, v11;
	[tilespmem:$0x820] =	vst v30;
	v45 =	vadd.f32 v41, v40;
	v3 =	vadd.f32 v36, v3  }
0x92: {  	[tilespmem:$0x920] =	vst v42;
	v47 =	vadd.f32 v44, v43  }
0x93: {  	v48 =	vadd.f32 v46, v45;
	[tilespmem:$0x830] =	vst v3  }
0x94: {  	[tilespmem:$0x8B0] =	vst v47  }
0x95: {  	s2 =	rddreg [dreg:$0xc];
	[tilespmem:$0x930] =	vst v48  }
0x96: {  	[hbm4b:s2+s1] =	stream.linear.scatter [tilespmem:s30], [sflag:$0x1], $0x40, $0x38;
	[tilespmem:$0x980] =	vst v63  }
0x97: {  	_ =	swait.ge [sflag:s12], $0x40  }
0x98: {  	[sflag:s12] =	ssyncset.done $0x0  }
0x99: {  	s2 =	rddreg [dreg:$0xd];
	[sflag:s12] =	ssyncadd.s32 $0xFFFFFFC0  }
0x9a: {  	[hbm4b:s2+s1] =	stream.linear.scatter [tilespmem:s31], [sflag:$0x1], $0x40, $0x38;
	[tilespmem:$0x980] =	vst v63  }
0x9b: {  	_ =	swait.ge [sflag:s12], $0x40  }
0x9c: {  	[sflag:s12] =	ssyncset.done $0x0  }
0x9d: {  	s2 =	rddreg [dreg:$0xe];
	[sflag:s12] =	ssyncadd.s32 $0xFFFFFFC0  }
0x9e: {  	[hbm4b:s2+s1] =	stream.linear.scatter [tilespmem:s0], [sflag:$0x1], $0x40, $0x38;
	[tilespmem:$0x980] =	vst v63  }
0x9f: {  	_ =	swait.ge [sflag:s12], $0x40  }
0xa0: {  	[sflag:s12] =	ssyncset.done $0x0  }
0xa1: {  	s2 =	rddreg [dreg:$0xf];
	[sflag:s12] =	ssyncadd.s32 $0xFFFFFFC0  }
0xa2: {  	[tilespmem:s1], [sflag:$0x1] =	stream.linear.gather [hbm4b:s2+s1], $0x40, $0x38;
	[tilespmem:$0x980] =	vst v63  }
0xa3: {  	_ =	swait.ge [sflag:s12], $0x40  }
0xa4: {  	[sflag:s12] =	ssyncset.done $0x0  }
0xa5: {  	s2 =	rddreg [dreg:$0x5];
	[sflag:s12] =	ssyncadd.s32 $0xFFFFFFC0  }
0xa6: {  	[tilespmem:s14], [sflag:$0x1] =	stream.indirect.gather [hbm4b:s2+s13], $0x1, s1, s13, $0xb8;
	[tilespmem:$0x980] =	vst v63  }
0xa7: {  	_ =	swait.ge [sflag:s12], $0x40  }
0xa8: {  	[sflag:s12] =	ssyncset.done $0x0  }
0xa9: {  	s2 =	rddreg [dreg:$0x6];
	[sflag:s12] =	ssyncadd.s32 $0xFFFFFFC0  }
0xaa: {  	[tilespmem:s15], [sflag:$0x1] =	stream.indirect.gather [hbm4b:s2+s13], $0x1, s1, s13, $0xb8;
	[tilespmem:$0x980] =	vst v63  }
0xab: {  	_ =	swait.ge [sflag:s12], $0x40  }
0xac: {  	[sflag:s12] =	ssyncset.done $0x0  }
0xad: {  	s2 =	rddreg [dreg:$0x7];
	[sflag:s12] =	ssyncadd.s32 $0xFFFFFFC0  }
0xae: {  	[tilespmem:s16], [sflag:$0x1] =	stream.indirect.gather [hbm4b:s2+s13], $0x1, s1, s13, $0xb8;
	[tilespmem:$0x980] =	vst v63  }
0xaf: {  	_ =	swait.ge [sflag:s12], $0x40  }
0xb0: {  	[sflag:s12] =	ssyncset.done $0x0  }
0xb1: {  	[sflag:s12] =	ssyncadd.s32 $0xFFFFFFC0  }
0xb2: {  	[tilespmem:s17], [sflag:$0x1] =	stream.indirect.gather [hbm4b:s6+s13], $0x1, s14, s13, $0xb8;
	[tilespmem:$0x980] =	vst v63  }
0xb3: {  	_ =	swait.ge [sflag:s12], $0x40  }
0xb4: {  	[sflag:s12] =	ssyncset.done $0x0  }
0xb5: {  	[sflag:s12] =	ssyncadd.s32 $0xFFFFFFC0  }
0xb6: {  	[tilespmem:s18], [sflag:$0x1] =	stream.indirect.gather [hbm4b:s7+s13], $0x1, s14, s13, $0xb8;
	[tilespmem:$0x980] =	vst v63  }
0xb7: {  	_ =	swait.ge [sflag:s12], $0x40  }
0xb8: {  	[sflag:s12] =	ssyncset.done $0x0  }
0xb9: {  	[sflag:s12] =	ssyncadd.s32 $0xFFFFFFC0  }
0xba: {  	[tilespmem:s19], [sflag:$0x1] =	stream.indirect.gather [hbm4b:s8+s13], $0x1, s14, s13, $0xb8;
	[tilespmem:$0x980] =	vst v63  }
0xbb: {  	_ =	swait.ge [sflag:s12], $0x40  }
0xbc: {  	[sflag:s12] =	ssyncset.done $0x0  }
0xbd: {  	[sflag:s12] =	ssyncadd.s32 $0xFFFFFFC0  }
0xbe: {  	[tilespmem:s20], [sflag:$0x1] =	stream.indirect.gather [hbm4b:s6+s13], $0x1, s15, s13, $0xb8;
	[tilespmem:$0x980] =	vst v63  }
0xbf: {  	_ =	swait.ge [sflag:s12], $0x40  }
0xc0: {  	[sflag:s12] =	ssyncset.done $0x0  }
0xc1: {  	[sflag:s12] =	ssyncadd.s32 $0xFFFFFFC0  }
0xc2: {  	[tilespmem:s21], [sflag:$0x1] =	stream.indirect.gather [hbm4b:s7+s13], $0x1, s15, s13, $0xb8;
	[tilespmem:$0x980] =	vst v63  }
0xc3: {  	_ =	swait.ge [sflag:s12], $0x40  }
0xc4: {  	[sflag:s12] =	ssyncset.done $0x0  }
0xc5: {  	[sflag:s12] =	ssyncadd.s32 $0xFFFFFFC0  }
0xc6: {  	[tilespmem:s22], [sflag:$0x1] =	stream.indirect.gather [hbm4b:s8+s13], $0x1, s15, s13, $0xb8;
	[tilespmem:$0x980] =	vst v63  }
0xc7: {  	_ =	swait.ge [sflag:s12], $0x40  }
0xc8: {  	[sflag:s12] =	ssyncset.done $0x0  }
0xc9: {  	[sflag:s12] =	ssyncadd.s32 $0xFFFFFFC0  }
0xca: {  	[tilespmem:s23], [sflag:$0x1] =	stream.indirect.gather [hbm4b:s6+s13], $0x1, s16, s13, $0xb8;
	[tilespmem:$0x980] =	vst v63  }
0xcb: {  	_ =	swait.ge [sflag:s12], $0x40  }
0xcc: {  	[sflag:s12] =	ssyncset.done $0x0  }
0xcd: {  	[sflag:s12] =	ssyncadd.s32 $0xFFFFFFC0  }
0xce: {  	[tilespmem:s24], [sflag:$0x1] =	stream.indirect.gather [hbm4b:s7+s13], $0x1, s16, s13, $0xb8;
	[tilespmem:$0x980] =	vst v63  }
0xcf: {  	_ =	swait.ge [sflag:s12], $0x40  }
0xd0: {  	[sflag:s12] =	ssyncset.done $0x0  }
0xd1: {  	[sflag:s12] =	ssyncadd.s32 $0xFFFFFFC0  }
0xd2: {  	[tilespmem:s25], [sflag:$0x1] =	stream.indirect.gather [hbm4b:s8+s13], $0x1, s16, s13, $0xb8;
	[tilespmem:$0x980] =	vst v63  }
0xd3: {  	_ =	swait.ge [sflag:s12], $0x40  }
0xd4: {  	[sflag:s12] =	ssyncset.done $0x0  }
0xd5: {  	s2 =	rddreg [dreg:$0x10];
	[sflag:s12] =	ssyncadd.s32 $0xFFFFFFC0  }
0xd6: {  	[tilespmem:s26], [sflag:$0x1] =	stream.linear.gather [hbm4b:s2+s1], $0x40, $0x38;
	[tilespmem:$0x980] =	vst v63  }
0xd7: {  	_ =	swait.ge [sflag:s12], $0x40  }
0xd8: {  	[sflag:s12] =	ssyncset.done $0x0  }
0xd9: {  	s2 =	rddreg [dreg:$0x11];
	[sflag:s12] =	ssyncadd.s32 $0xFFFFFFC0  }
0xda: {  	[tilespmem:s28], [sflag:$0x1] =	stream.linear.gather [hbm4b:s2+s1], $0x40, $0x38;
	[tilespmem:$0x980] =	vst v63  }
0xdb: {  	_ =	swait.ge [sflag:s12], $0x40  }
0xdc: {  	[sflag:s12] =	ssyncset.done $0x0  }
0xdd: {  	s2 =	rddreg [dreg:$0x12];
	[sflag:s12] =	ssyncadd.s32 $0xFFFFFFC0  }
0xde: {  	[tilespmem:s29], [sflag:$0x1] =	stream.linear.gather [hbm4b:s2+s1], $0x40, $0x38;
	[tilespmem:$0x980] =	vst v63  }
0xdf: {  	_ =	swait.ge [sflag:s12], $0x40  }
0xe0: {  	[sflag:s12] =	ssyncset.done $0x0  }
0xe1: {  	[sflag:s12] =	ssyncadd.s32 $0xFFFFFFC0  }
0xe2: {  	v0 =	vld [tilespmem:$0x680]  }
0xe3: {  	v1 =	vld [tilespmem:$0x700]  }
0xe4: {  	v2 =	vld [tilespmem:$0x780]  }
0xe5: {  	v49 =	vld [tilespmem:$0x200]  }
0xe6: {  	v50 =	vld [tilespmem:$0x380]  }
0xe7: {  	v51 =	vld [tilespmem:$0x500]  }
0xe8: {  	v52 =	vld [tilespmem:$0x280]  }
0xe9: {  	v53 =	vld [tilespmem:$0x400]  }
0xea: {  	v54 =	vld [tilespmem:$0x580]  }
0xeb: {  	v55 =	vld [tilespmem:$0x300]  }
0xec: {  	v56 =	vld [tilespmem:$0x480]  }
0xed: {  	v57 =	vld [tilespmem:$0x600]  }
0xee: {  	v58 =	vld [tilespmem:$0x690]  }
0xef: {  	v59 =	vld [tilespmem:$0x710]  }
0xf0: {  	v14 =	vld [tilespmem:$0x790]  }
0xf1: {  	v60 =	vld [tilespmem:$0x210]  }
0xf2: {  	v61 =	vld [tilespmem:$0x390]  }
0xf3: {  	v62 =	vld [tilespmem:$0x510]  }
0xf4: {  	v63 =	vld [tilespmem:$0x290]  }
0xf5: {  	v36 =	vld [tilespmem:$0x410]  }
0xf6: {  	v37 =	vld [tilespmem:$0x590]  }
0xf7: {  	v38 =	vld [tilespmem:$0x310]  }
0xf8: {  	v39 =	vld [tilespmem:$0x490]  }
0xf9: {  	v40 =	vld [tilespmem:$0x610]  }
0xfa: {  	v24 =	vld [tilespmem:$0x6A0]  }
0xfb: {  	v25 =	vld [tilespmem:$0x720]  }
0xfc: {  	v26 =	vld [tilespmem:$0x7A0]  }
0xfd: {  	v41 =	vld [tilespmem:$0x220]  }
0xfe: {  	v42 =	vld [tilespmem:$0x3A0]  }
0xff: {  	v43 =	vld [tilespmem:$0x520]  }
0x100: {  	v44 =	vld [tilespmem:$0x2A0];
	v3 =	vmul.f32 v49, v0  }
0x101: {  	v45 =	vld [tilespmem:$0x420];
	v4 =	vmul.f32 v50, v1;
	v6 =	vmul.f32 v52, v0  }
0x102: {  	v46 =	vld [tilespmem:$0x5A0];
	v7 =	vmul.f32 v53, v1;
	v49 =	vmul.f32 v51, v2  }
0x103: {  	v47 =	vld [tilespmem:$0x320];
	v0 =	vmul.f32 v55, v0;
	v51 =	vmul.f32 v54, v2  }
0x104: {  	v48 =	vld [tilespmem:$0x4A0];
	v1 =	vmul.f32 v56, v1;
	v2 =	vmul.f32 v57, v2  }
0x105: {  	v8 =	vld [tilespmem:$0x6B0];
	v52 =	vmul.f32 v60, v58;
	v53 =	vmul.f32 v61, v59  }
0x106: {  	v9 =	vld [tilespmem:$0x730];
	v54 =	vmul.f32 v63, v58;
	v55 =	vmul.f32 v36, v59  }
0x107: {  	v11 =	vld [tilespmem:$0x7B0];
	v12 =	vmul.f32 v38, v58;
	v57 =	vmul.f32 v62, v14  }
0x108: {  	v50 =	vld [tilespmem:$0x620];
	v13 =	vmul.f32 v39, v59;
	v59 =	vmul.f32 v37, v14  }
0x109: {  	v56 =	vld [tilespmem:$0x230];
	v62 =	vmul.f32 v40, v14;
	v27 =	vmul.f32 v41, v24  }
0x10a: {  	v58 =	vld [tilespmem:$0x3B0];
	v35 =	vmul.f32 v42, v25;
	v37 =	vmul.f32 v44, v24;
	v3 =	vadd.f32 v4, v3  }
0x10b: {  	v63 =	vld [tilespmem:$0x2B0];
	v38 =	vmul.f32 v45, v25;
	v6 =	vadd.f32 v7, v6;
	v0 =	vadd.f32 v1, v0  }
0x10c: {  	v36 =	vld [tilespmem:$0x430];
	v41 =	vmul.f32 v47, v24;
	v4 =	vadd.f32 v53, v52;
	v1 =	vadd.f32 v55, v54  }
0x10d: {  	v39 =	vld [tilespmem:$0x330];
	v45 =	vmul.f32 v48, v25;
	v61 =	vadd.f32 v13, v12;
	v3 =	vadd.f32 v49, v3  }
0x10e: {  	v40 =	vmul.f32 v43, v26;
	v42 =	vld [tilespmem:$0x4B0];
	v43 =	vadd.f32 v38, v37;
	v6 =	vadd.f32 v51, v6  }
0x10f: {  	v60 =	vld [tilespmem:$0x530];
	v44 =	vmul.f32 v46, v26;
	v54 =	vadd.f32 v45, v41;
	v0 =	vadd.f32 v2, v0;
	[tilespmem:$0x800] =	vst v3  }
0x110: {  	v46 =	vld [tilespmem:$0x5B0];
	v4 =	vadd.f32 v57, v4;
	v1 =	vadd.f32 v59, v1;
	v48 =	vmul.f32 v50, v26;
	[tilespmem:$0x880] =	vst v6  }
0x111: {  	v7 =	vadd.f32 v62, v61;
	v49 =	vmul.f32 v56, v8;
	v50 =	vld [tilespmem:$0x630];
	v52 =	vmul.f32 v58, v9;
	[tilespmem:$0x900] =	vst v0  }
0x112: {  	v2 =	vadd.f32 v35, v27;
	v53 =	vmul.f32 v63, v8;
	v8 =	vmul.f32 v39, v8;
	[tilespmem:$0x810] =	vst v4  }
0x113: {  	v51 =	vadd.f32 v44, v43;
	v55 =	vmul.f32 v36, v9;
	v56 =	vmul.f32 v42, v9;
	[tilespmem:$0x890] =	vst v1  }
0x114: {  	v57 =	vmul.f32 v60, v11;
	v47 =	vadd.f32 v40, v2;
	[tilespmem:$0x910] =	vst v7;
	v3 =	vadd.f32 v52, v49  }
0x115: {  	v60 =	vmul.f32 v46, v11;
	[tilespmem:$0x8A0] =	vst v51;
	v58 =	vadd.f32 v48, v54;
	v59 =	vadd.f32 v55, v53  }
0x116: {  	v61 =	vadd.f32 v56, v8;
	[tilespmem:$0x820] =	vst v47;
	v3 =	vadd.f32 v57, v3;
	v5 =	vmul.f32 v50, v11  }
0x117: {  	[tilespmem:$0x920] =	vst v58;
	v62 =	vadd.f32 v60, v59  }
0x118: {  	[tilespmem:$0x830] =	vst v3;
	v63 =	vadd.f32 v5, v61  }
0x119: {  	[tilespmem:$0x8B0] =	vst v62  }
0x11a: {  	s2 =	rddreg [dreg:$0x13];
	[tilespmem:$0x930] =	vst v63  }
0x11b: {  	[hbm4b:s2+s1] =	stream.linear.scatter [tilespmem:s30], [sflag:$0x1], $0x40, $0x38;
	[tilespmem:$0x980] =	vst v63  }
0x11c: {  	_ =	swait.ge [sflag:s12], $0x40  }
0x11d: {  	[sflag:s12] =	ssyncset.done $0x0  }
0x11e: {  	[sflag:s12] =	ssyncadd.s32 $0xFFFFFFC0  }
0x11f: {  	[hbm4b:s9+s1] =	stream.linear.scatter [tilespmem:s31], [sflag:$0x1], $0x40, $0x38;
	[tilespmem:$0x980] =	vst v63  }
0x120: {  	_ =	swait.ge [sflag:s12], $0x40  }
0x121: {  	p0 =	sne.s32 s11, $0x1;
	[sflag:s12] =	ssyncset.done $0x0  }
.Ltmp0:
0x122: {  	[sflag:s12] =	ssyncadd.s32 $0xFFFFFFC0;
	(pc) =	sbr.rel @p0 .LBB2_1-.Ltmp0, $4  }
0x123: {  	[hbm4b:s10+s1] =	stream.linear.scatter [tilespmem:s0], [sflag:$0x1], $0x40, $0x38;
	[tilespmem:$0x980] =	vst v63  }
0x124: {  	_ =	swait.ge [sflag:s12], $0x40  }
0x125: {  	[sflag:s12] =	ssyncset.done $0x0  }
0x126: {  	s11 =	sadd.s32 $0xFFFFFFFF, s11;
	[sflag:s12] =	ssyncadd.s32 $0xFFFFFFC0  }
0x127: {  	_ =	sfence.sel $0x180000  }
0x128: {  	[bflag:$0x0] =	sbarrier.arrive $0xFFFF  }
0x129: {  	_ =	strace $0x9000004A  }
0x12a: {  	s0 =	stileid.u32;
	[bflag:$0x2] =	sbarrier.arrive $0xFFFF  }
0x12b: {  	p0 =	sne.s32 s0, $0x0;
	s0 =	rddreg [dreg:$0x1]  }
0x12c: {  	s0 =	sadd.s32 @!p0 $0x100000, s0  }
0x12d: {  	[sflag:s0] =	ssyncadd.tile.s32 @!p0 $0x1;
	_ =	shalt  }
.Lfunc_end2:
_tile_overlayer_lowered:
.L_overlay_start_2:
0x12e: {  	(tag) =	ssettag $0x2  }
0x12f: {  	s0 =	rddreg [dreg:$0x0];
	s2 =	stileid.u32  }
0x130: {  	s1 =	rddreg [dreg:$0x1];
	p0 =	sne.s32 s2, $0x0  }
0x131: {  	s3 =	rddreg [dreg:$0x2];
	[bflag:$0x3] =	sbarrier.arrive $0xFFFF;
	s2 =	simm.s32 @!p0 $0x1C01  }
0x132: {  	[timem:s3], [sflag:s2] =	dma.local @!p0 [hbm:s0], s1  }
0x133: {  	s0 =	simm.s32 @!p0 $0x1  }
0x134: {  	_ =	swait.ge @!p0 [sflag:s0], s1  }
0x135: {  	s1 =	ssub.s32 @!p0 $0x0, s1;
	[sflag:s0] =	ssyncset.done @!p0 $0x0  }
0x136: {  	[sflag:s0] =	ssyncadd.s32 @!p0 s1  }
0x137: {  	[bflag:$0x3] =	sbarrier.arrive $0xFFFF  }
0x138: {  	_ =	shalt  }

</sc_bundles>
